<compile_context>
chip_gen: v7x
topology: tpu7x:2x2x1
jax: 0.10.2.dev20260603
libtpu: 0.0.44.dev20260713+nightly
codegen_flags: <defaults>
</compile_context>

<pallas_src>
import functools

import jax
import jax.numpy as jnp
from jax import lax
from jax.experimental import pallas as pl
from jax.experimental.pallas import tpu as pltpu
from jax.experimental.pallas import tpu_sc as plsc

NC = 2
NS = 16
L = 16
FPT = 4
SW = 8000


def _sc_mesh():
    return plsc.VectorSubcoreMesh(core_axis_name="c", subcore_axis_name="s")


def _make_prep(N, E):
    EP = E // NS
    NCHK = EP // L
    HN = ((N + 255) // 256) * 256
    SPT = HN // NS
    assert E % (NS * L) == 0 and SPT % L == 0

    @functools.partial(
        pl.kernel,
        out_type=(
            jax.ShapeDtypeStruct((HN,), jnp.float32),
            jax.ShapeDtypeStruct((HN,), jnp.float32),
        ),
        mesh=_sc_mesh(),
        compiler_params=pltpu.CompilerParams(needs_layout_passes=False),
        scratch_types=[
            pltpu.VMEM((EP,), jnp.int32),
            pltpu.VMEM((HN,), jnp.float32),
            pltpu.VMEM((NS, SPT), jnp.float32),
            pltpu.VMEM((SPT,), jnp.float32),
            pltpu.VMEM_SHARED((NS, HN), jnp.float32),
        ],
    )
    def prep(eflat_hbm, z_hbm, ind_hbm, outd_hbm,
             ebuf, hv, rbuf, obuf, hsh):
        c = lax.axis_index("c")
        s = lax.axis_index("s")

        @pl.when(c == 0)
        def _():
            pltpu.sync_copy(eflat_hbm.at[pl.ds(E + s * EP, EP)], ebuf)

        @pl.when(c != 0)
        def _():
            pltpu.sync_copy(eflat_hbm.at[pl.ds(s * EP, EP)], ebuf)

        pltpu.sync_copy(z_hbm, hv)

        ones = jnp.ones((L,), jnp.float32)

        def body(i, _):
            v16 = ebuf[pl.ds(i * L, L)]
            plsc.addupdate_scatter(hv, [v16], ones)
            return 0

        lax.fori_loop(0, NCHK, body, 0)

        pltpu.sync_copy(hv, hsh.at[s])
        plsc.subcore_barrier()
        for t in range(NS):
            pltpu.sync_copy(hsh.at[t, pl.ds(SPT * s, SPT)], rbuf.at[t])

        def red(k, _):
            tot = jnp.zeros((L,), jnp.float32)
            for t in range(NS):
                tot = tot + rbuf[t, pl.ds(k * L, L)]
            obuf[pl.ds(k * L, L)] = tot
            return 0

        lax.fori_loop(0, SPT // L, red, 0)

        @pl.when(c == 0)
        def _():
            pltpu.sync_copy(obuf, ind_hbm.at[pl.ds(SPT * s, SPT)])

        @pl.when(c != 0)
        def _():
            pltpu.sync_copy(obuf, outd_hbm.at[pl.ds(SPT * s, SPT)])

    return prep


def _make_edge_pass(N, E, D):
    NP = ((N + 255) // 256) * 256
    NPASS = D // (NC * NS * FPT)
    NSTR = E // SW
    assert E % SW == 0 and SW % L == 0

    @functools.partial(
        pl.kernel,
        out_type=jax.ShapeDtypeStruct((D * NP,), jnp.float32),
        mesh=_sc_mesh(),
        compiler_params=pltpu.CompilerParams(needs_layout_passes=False),
        scratch_types=[
            pltpu.VMEM((SW,), jnp.int32),
            pltpu.VMEM((SW,), jnp.int32),
            pltpu.VMEM((SW,), jnp.int32),
            pltpu.VMEM((SW,), jnp.int32),
            pltpu.VMEM((FPT * NP,), jnp.float32),
            pltpu.VMEM((FPT * NP,), jnp.float32),
            pltpu.SemaphoreType.DMA,
            pltpu.SemaphoreType.DMA,
        ],
    )
    def edge_pass(gt_hbm, eflat_hbm, z_hbm, acc_hbm,
                  sbuf0, sbuf1, dbuf0, dbuf1, gslab, acc, sem0, sem1):
        c = lax.axis_index("c")
        s = lax.axis_index("s")
        w = c * NS + s
        sems = (sem0, sem1)
        sbufs = (sbuf0, sbuf1)
        dbufs = (dbuf0, dbuf1)

        for p in range(NPASS):
            fbase = p * (D // NPASS) + w * FPT
            pltpu.sync_copy(gt_hbm.at[pl.ds(fbase * NP, FPT * NP)], gslab)
            pltpu.sync_copy(z_hbm, acc)

            pltpu.async_copy(eflat_hbm.at[pl.ds(0, SW)], sbuf0, sem0)
            pltpu.async_copy(eflat_hbm.at[pl.ds(E, SW)], dbuf0, sem0)

            def spair(hg, _):
                for b in range(2):
                    gi = 2 * hg + b

                    @pl.when(gi < NSTR)
                    def _():
                        pltpu.make_async_copy(
                            eflat_hbm.at[pl.ds(0, SW)], sbufs[b],
                            sems[b]).wait()
                        pltpu.make_async_copy(
                            eflat_hbm.at[pl.ds(0, SW)], dbufs[b],
                            sems[b]).wait()

                        @pl.when(gi + 1 < NSTR)
                        def _():
                            nb = 1 - b
                            off = (gi + 1) * SW
                            pltpu.async_copy(eflat_hbm.at[pl.ds(off, SW)],
                                             sbufs[nb], sems[nb])
                            pltpu.async_copy(eflat_hbm.at[pl.ds(E + off, SW)],
                                             dbufs[nb], sems[nb])

                        @plsc.parallel_loop(0, SW // L, unroll=10)
                        def chunk(i):
                            s16 = sbufs[b][pl.ds(i * L, L)]
                            d16 = dbufs[b][pl.ds(i * L, L)]
                            for f in range(FPT):
                                v = plsc.load_gather(gslab, [s16 + f * NP])
                                plsc.addupdate_scatter(
                                    acc, [d16 + f * NP], v)
                return 0

            lax.fori_loop(0, (NSTR + 1) // 2, spair, 0)

            for f in range(FPT):
                pltpu.sync_copy(acc.at[pl.ds(f * NP, NP)],
                                acc_hbm.at[pl.ds((fbase + f) * NP, NP)])

    return edge_pass


def _tc_first(indeg, x, W, NP, D, BR):
    def body(ind_ref, x_ref, w_ref, o_ref):
        dis = lax.rsqrt(ind_ref[...] + 1.0)
        ht = lax.dot_general(w_ref[...], x_ref[...],
                             (((0,), (1,)), ((), ())),
                             preferred_element_type=jnp.float32)
        o_ref[...] = ht * dis

    return pl.pallas_call(
        body,
        grid=(NP // BR,),
        in_specs=[
            pl.BlockSpec((1, BR), lambda i: (0, i)),
            pl.BlockSpec((BR, D), lambda i: (i, 0)),
            pl.BlockSpec((D, D), lambda i: (0, 0)),
        ],
        out_specs=pl.BlockSpec((D, BR), lambda i: (0, i)),
        out_shape=jax.ShapeDtypeStruct((D, NP), jnp.float32),
    )(indeg, x, W)


def _tc_mid(indeg, accT, gT, b, W, NP, D, BR):
    def body(ind_ref, acc_ref, g_ref, b_ref, w_ref, o_ref):
        dis = lax.rsqrt(ind_ref[...] + 1.0)
        h = jnp.maximum(dis * (acc_ref[...] + g_ref[...]) + b_ref[...], 0.0)
        o_ref[...] = lax.dot_general(w_ref[...], h,
                                     (((0,), (0,)), ((), ())),
                                     preferred_element_type=jnp.float32) * dis

    return pl.pallas_call(
        body,
        grid=(NP // BR,),
        in_specs=[
            pl.BlockSpec((1, BR), lambda i: (0, i)),
            pl.BlockSpec((D, BR), lambda i: (0, i)),
            pl.BlockSpec((D, BR), lambda i: (0, i)),
            pl.BlockSpec((D, 1), lambda i: (0, 0)),
            pl.BlockSpec((D, D), lambda i: (0, 0)),
        ],
        out_specs=pl.BlockSpec((D, BR), lambda i: (0, i)),
        out_shape=jax.ShapeDtypeStruct((D, NP), jnp.float32),
    )(indeg, accT, gT, b, W)


def _tc_final(indeg, outdeg, accT, gT, b, NP, D, E, BR):
    inv_e = 1.0 / float(E)

    def body(ind_ref, od_ref, acc_ref, g_ref, b_ref, o_ref):
        i = pl.program_id(0)
        dis = lax.rsqrt(ind_ref[...] + 1.0)
        h = jnp.maximum(dis * (acc_ref[...] + g_ref[...]) + b_ref[...], 0.0)
        wv = od_ref[...] * inv_e
        part = lax.dot_general(wv, h, (((1,), (1,)), ((), ())),
                               preferred_element_type=jnp.float32)

        @pl.when(i == 0)
        def _():
            o_ref[...] = jnp.zeros_like(o_ref)

        o_ref[...] += part

    return pl.pallas_call(
        body,
        grid=(NP // BR,),
        in_specs=[
            pl.BlockSpec((1, BR), lambda i: (0, i)),
            pl.BlockSpec((1, BR), lambda i: (0, i)),
            pl.BlockSpec((D, BR), lambda i: (0, i)),
            pl.BlockSpec((D, BR), lambda i: (0, i)),
            pl.BlockSpec((D, 1), lambda i: (0, 0)),
        ],
        out_specs=pl.BlockSpec((1, D), lambda i: (0, 0)),
        out_shape=jax.ShapeDtypeStruct((1, D), jnp.float32),
    )(indeg, outdeg, accT, gT, b)


def kernel(x, edge_index, W1, b1, W2, b2):
    N, D = x.shape
    E = edge_index.shape[1]
    NP = ((N + 255) // 256) * 256
    BR = 1024
    assert NP % BR == 0

    prep = _make_prep(N, E)
    epass = _make_edge_pass(N, E, D)

    z_h = jnp.zeros((NP,), jnp.float32)
    z_a = jnp.zeros((FPT * NP,), jnp.float32)

    eflat = edge_index.reshape(2 * E)
    indeg_h, outdeg_h = prep(eflat, z_h)
    indeg = indeg_h.reshape(1, NP)
    outdeg = outdeg_h.reshape(1, NP)
    xp = jnp.pad(x, ((0, NP - N), (0, 0)))

    g1T = _tc_first(indeg, xp, W1, NP, D, BR)
    acc1T = epass(g1T.reshape(D * NP), eflat, z_a).reshape(D, NP)
    g2T = _tc_mid(indeg, acc1T, g1T, b1.reshape(D, 1), W2, NP, D, BR)
    acc2T = epass(g2T.reshape(D * NP), eflat, z_a).reshape(D, NP)
    out = _tc_final(indeg, outdeg, acc2T, g2T, b2.reshape(D, 1),
                    NP, D, E, BR)
    return out[0]

# --- scband reference (transcript-rebuilt; emitter-appended) ---
"""Pipeline reference for scband-gcn-7679401525372 (READ-ONLY COPY).

The authoritative reference and input builder live on the scoring server;
editing this copy changes nothing except your own understanding.
"""

import jax, jax.numpy as jnp
import numpy as np

N = 10000
E = 160000
D = 256


def setup_inputs(seed: int = 0) -> dict:
    key = jax.random.key(seed)
    ks = jax.random.split(key, 7)
    x = jax.random.normal(ks[0], (N, D), dtype=jnp.float32)
    edge_index = jax.random.randint(ks[1], (2, E), 0, N, dtype=jnp.int32)
    scale = 1.0 / np.sqrt(D)
    W1 = jax.random.normal(ks[2], (D, D), dtype=jnp.float32) * scale
    b1 = jnp.zeros((D,), dtype=jnp.float32)
    W2 = jax.random.normal(ks[3], (D, D), dtype=jnp.float32) * scale
    b2 = jnp.zeros((D,), dtype=jnp.float32)
    return {"x": x, "edge_index": edge_index, "W1": W1, "b1": b1, "W2": W2, "b2": b2}


def _gcn_conv(x, edge_index, W, b):
    # PyG GCNConv: add self-loops, symmetric normalization D^-1/2 (A+I) D^-1/2, then linear
    src = edge_index[0]
    dst = edge_index[1]
    loop = jnp.arange(N, dtype=edge_index.dtype)
    s = jnp.concatenate([src, loop])
    d = jnp.concatenate([dst, loop])
    deg = jnp.zeros((N,), dtype=jnp.float32).at[d].add(1.0)
    dis = jnp.where(deg > 0, 1.0 / jnp.sqrt(jnp.where(deg > 0, deg, 1.0)), 0.0)
    norm = dis[s] * dis[d]
    h = x @ W
    out = jnp.zeros((N, W.shape[1]), dtype=jnp.float32).at[d].add(h[s] * norm[:, None])
    return out + b


def reference(x, edge_index, W1, b1, W2, b2):
    h = jax.nn.relu(_gcn_conv(x, edge_index, W1, b1))
    h = jax.nn.relu(_gcn_conv(h, edge_index, W2, b2))
    degrees = jnp.bincount(edge_index[0], length=N).astype(jnp.float32)
    w = degrees / degrees.sum()
    return (h * w[:, None]).sum(0)

if __name__ == "__main__":
    import jax
    _d = setup_inputs()
    print(jax.jit(kernel)(*tuple(_d.values())))

</pallas_src>

<mosaic_0001>
#map = affine_map<(d0, d1) -> (0)>
module attributes {stable_mosaic.version = 14 : i64} {
  func.func @edge_pass(%arg0: i32, %arg1: i32, %arg2: memref<2621440xf32, #tpu.memory_space<hbm>>, %arg3: memref<320000xi32, #tpu.memory_space<hbm>>, %arg4: memref<40960xf32, #tpu.memory_space<hbm>>, %arg5: memref<2621440xf32, #tpu.memory_space<hbm>>, %arg6: memref<8000xi32, #tpu.memory_space<vmem>>, %arg7: memref<8000xi32, #tpu.memory_space<vmem>>, %arg8: memref<8000xi32, #tpu.memory_space<vmem>>, %arg9: memref<8000xi32, #tpu.memory_space<vmem>>, %arg10: memref<40960xf32, #tpu.memory_space<vmem>>, %arg11: memref<40960xf32, #tpu.memory_space<vmem>>, %arg12: memref<!tpu.dma_semaphore, #tpu.memory_space<semaphore_mem>>, %arg13: memref<!tpu.dma_semaphore, #tpu.memory_space<semaphore_mem>>) attributes {dimension_semantics = [#tpu.dimension_semantics<core_parallel>, #tpu.dimension_semantics<subcore_parallel>], iteration_bounds = array<i64: 2, 16>, scalar_prefetch = 0 : i64, scratch_operands = 8 : i64, tpu.core_type = #tpu.core_type<sc_vector_subcore>, window_params = [{transform_indices = #map}, {transform_indices = #map}, {transform_indices = #map}, {transform_indices = #map}]} {
    %mul3A = arith.constant 16 : i32
    %mul3A_0 = arith.muli %arg0, %mul3A : i32
    %add3A = arith.addi %mul3A_0, %arg1 : i32
    %mul3A_1 = arith.constant 4 : i32
    %mul3A_2 = arith.muli %add3A, %mul3A_1 : i32
    %add3A_3 = arith.constant 0 : i32
    %add3A_4 = arith.addi %add3A_3, %mul3A_2 : i32
    %mul3A_5 = arith.constant 10240 : i32
    %mul3A_6 = arith.muli %add3A_4, %mul3A_5 : i32
    "tpu.region"() ({
      %run_scoped3A = tpu.sem_alloc : memref<!tpu.dma_semaphore, #tpu.memory_space<semaphore_mem>>
      %dma_start3A_73 = tpu.memref_slice %arg2[%mul3A_6] : memref<2621440xf32, #tpu.memory_space<hbm>> -> memref<40960xf32, #tpu.memory_space<hbm>>
      %dma_start3A_74 = tpu.memref_slice %arg2[%mul3A_6] : memref<2621440xf32, #tpu.memory_space<hbm>> -> memref<40960xf32, #tpu.memory_space<hbm>>
      tpu.enqueue_dma source(%dma_start3A_74 : memref<40960xf32, #tpu.memory_space<hbm>>) target(%arg10 : memref<40960xf32, #tpu.memory_space<vmem>>) target_semaphore(%run_scoped3A : memref<!tpu.dma_semaphore, #tpu.memory_space<semaphore_mem>>)
      %dma_wait3A = tpu.memref_slice %arg2[%mul3A_6] : memref<2621440xf32, #tpu.memory_space<hbm>> -> memref<40960xf32, #tpu.memory_space<hbm>>
      %dma_wait3A_75 = tpu.memref_slice %arg2[%mul3A_6] : memref<2621440xf32, #tpu.memory_space<hbm>> -> memref<40960xf32, #tpu.memory_space<hbm>>
      tpu.wait_dma2 semaphore(%run_scoped3A : memref<!tpu.dma_semaphore, #tpu.memory_space<semaphore_mem>>) src(%dma_wait3A_75 : memref<40960xf32, #tpu.memory_space<hbm>>) dst(%arg10 : memref<40960xf32, #tpu.memory_space<vmem>>)
      tpu.yield
    }) : () -> ()
    "tpu.region"() ({
      %run_scoped3A = tpu.sem_alloc : memref<!tpu.dma_semaphore, #tpu.memory_space<semaphore_mem>>
      tpu.enqueue_dma source(%arg4 : memref<40960xf32, #tpu.memory_space<hbm>>) target(%arg11 : memref<40960xf32, #tpu.memory_space<vmem>>) target_semaphore(%run_scoped3A : memref<!tpu.dma_semaphore, #tpu.memory_space<semaphore_mem>>)
      tpu.wait_dma2 semaphore(%run_scoped3A : memref<!tpu.dma_semaphore, #tpu.memory_space<semaphore_mem>>) src(%arg4 : memref<40960xf32, #tpu.memory_space<hbm>>) dst(%arg11 : memref<40960xf32, #tpu.memory_space<vmem>>)
      tpu.yield
    }) : () -> ()
    %dma_start3A = arith.constant 0 : i32
    %dma_start3A_7 = tpu.memref_slice %arg3[%dma_start3A] : memref<320000xi32, #tpu.memory_space<hbm>> -> memref<8000xi32, #tpu.memory_space<hbm>>
    %dma_start3A_8 = arith.constant 0 : i32
    %dma_start3A_9 = tpu.memref_slice %arg3[%dma_start3A_8] : memref<320000xi32, #tpu.memory_space<hbm>> -> memref<8000xi32, #tpu.memory_space<hbm>>
    tpu.enqueue_dma source(%dma_start3A_9 : memref<8000xi32, #tpu.memory_space<hbm>>) target(%arg6 : memref<8000xi32, #tpu.memory_space<vmem>>) target_semaphore(%arg12 : memref<!tpu.dma_semaphore, #tpu.memory_space<semaphore_mem>>)
    %dma_start3A_10 = arith.constant 160000 : i32
    %dma_start3A_11 = tpu.memref_slice %arg3[%dma_start3A_10] : memref<320000xi32, #tpu.memory_space<hbm>> -> memref<8000xi32, #tpu.memory_space<hbm>>
    %dma_start3A_12 = arith.constant 160000 : i32
    %dma_start3A_13 = tpu.memref_slice %arg3[%dma_start3A_12] : memref<320000xi32, #tpu.memory_space<hbm>> -> memref<8000xi32, #tpu.memory_space<hbm>>
    tpu.enqueue_dma source(%dma_start3A_13 : memref<8000xi32, #tpu.memory_space<hbm>>) target(%arg8 : memref<8000xi32, #tpu.memory_space<vmem>>) target_semaphore(%arg12 : memref<!tpu.dma_semaphore, #tpu.memory_space<semaphore_mem>>)
    %scan3A = arith.constant 0 : i32
    %scan3A_14 = arith.constant 0 : i32
    %scan3A_15 = arith.constant 10 : i32
    %scan3A_16 = arith.addi %scan3A_14, %scan3A_15 : i32
    %scan3A_17 = arith.constant 1 : i32
    %scan3A_18 = scf.for %scan3A_73 = %scan3A_14 to %scan3A_16 step %scan3A_17 iter_args(%scan3A_74 = %scan3A) -> (i32)  : i32 {
      %mul3A_75 = arith.constant 2 : i32
      %mul3A_76 = arith.muli %mul3A_75, %scan3A_73 : i32
      %add3A_77 = arith.constant 0 : i32
      %add3A_78 = arith.addi %mul3A_76, %add3A_77 : i32
      %lt3A = arith.constant 20 : i32
      %lt3A_79 = arith.cmpi slt, %add3A_78, %lt3A : i32
      %convert_element_type3A = arith.extui %lt3A_79 : i1 to i32
      %cond3A = arith.constant 0 : i32
      %cond3A_80 = arith.cmpi ne, %convert_element_type3A, %cond3A : i32
      scf.if %cond3A_80 {
        %dma_wait3A = arith.constant 0 : i32
        %dma_wait3A_91 = tpu.memref_slice %arg3[%dma_wait3A] : memref<320000xi32, #tpu.memory_space<hbm>> -> memref<8000xi32, #tpu.memory_space<hbm>>
        %dma_wait3A_92 = arith.constant 0 : i32
        %dma_wait3A_93 = tpu.memref_slice %arg3[%dma_wait3A_92] : memref<320000xi32, #tpu.memory_space<hbm>> -> memref<8000xi32, #tpu.memory_space<hbm>>
        tpu.wait_dma2 semaphore(%arg12 : memref<!tpu.dma_semaphore, #tpu.memory_space<semaphore_mem>>) src(%dma_wait3A_93 : memref<8000xi32, #tpu.memory_space<hbm>>) dst(%arg6 : memref<8000xi32, #tpu.memory_space<vmem>>)
        %dma_wait3A_94 = arith.constant 0 : i32
        %dma_wait3A_95 = tpu.memref_slice %arg3[%dma_wait3A_94] : memref<320000xi32, #tpu.memory_space<hbm>> -> memref<8000xi32, #tpu.memory_space<hbm>>
        %dma_wait3A_96 = arith.constant 0 : i32
        %dma_wait3A_97 = tpu.memref_slice %arg3[%dma_wait3A_96] : memref<320000xi32, #tpu.memory_space<hbm>> -> memref<8000xi32, #tpu.memory_space<hbm>>
        tpu.wait_dma2 semaphore(%arg12 : memref<!tpu.dma_semaphore, #tpu.memory_space<semaphore_mem>>) src(%dma_wait3A_97 : memref<8000xi32, #tpu.memory_space<hbm>>) dst(%arg8 : memref<8000xi32, #tpu.memory_space<vmem>>)
        %add3A_98 = arith.constant 1 : i32
        %add3A_99 = arith.addi %add3A_78, %add3A_98 : i32
        %lt3A_100 = arith.constant 20 : i32
        %lt3A_101 = arith.cmpi slt, %add3A_99, %lt3A_100 : i32
        %convert_element_type3A_102 = arith.extui %lt3A_101 : i1 to i32
        %cond3A_103 = arith.constant 0 : i32
        %cond3A_104 = arith.cmpi ne, %convert_element_type3A_102, %cond3A_103 : i32
        scf.if %cond3A_104 {
          %add3A_107 = arith.constant 1 : i32
          %add3A_108 = arith.addi %add3A_78, %add3A_107 : i32
          %mul3A_109 = arith.constant 8000 : i32
          %mul3A_110 = arith.muli %add3A_108, %mul3A_109 : i32
          %dma_start3A_111 = tpu.memref_slice %arg3[%mul3A_110] : memref<320000xi32, #tpu.memory_space<hbm>> -> memref<8000xi32, #tpu.memory_space<hbm>>
          %dma_start3A_112 = tpu.memref_slice %arg3[%mul3A_110] : memref<320000xi32, #tpu.memory_space<hbm>> -> memref<8000xi32, #tpu.memory_space<hbm>>
          tpu.enqueue_dma source(%dma_start3A_112 : memref<8000xi32, #tpu.memory_space<hbm>>) target(%arg7 : memref<8000xi32, #tpu.memory_space<vmem>>) target_semaphore(%arg13 : memref<!tpu.dma_semaphore, #tpu.memory_space<semaphore_mem>>)
          %add3A_113 = arith.constant 160000 : i32
          %add3A_114 = arith.addi %add3A_113, %mul3A_110 : i32
          %dma_start3A_115 = tpu.memref_slice %arg3[%add3A_114] : memref<320000xi32, #tpu.memory_space<hbm>> -> memref<8000xi32, #tpu.memory_space<hbm>>
          %dma_start3A_116 = tpu.memref_slice %arg3[%add3A_114] : memref<320000xi32, #tpu.memory_space<hbm>> -> memref<8000xi32, #tpu.memory_space<hbm>>
          tpu.enqueue_dma source(%dma_start3A_116 : memref<8000xi32, #tpu.memory_space<hbm>>) target(%arg9 : memref<8000xi32, #tpu.memory_space<vmem>>) target_semaphore(%arg13 : memref<!tpu.dma_semaphore, #tpu.memory_space<semaphore_mem>>)
        } else {
        }
        %parallel_loop3A = arith.constant 0 : i32
        %parallel_loop3A_105 = arith.constant 500 : i32
        %parallel_loop3A_106 = arith.constant 1 : i32
        scf.for %parallel_loop3A_107 = %parallel_loop3A to %parallel_loop3A_105 step %parallel_loop3A_106  : i32 {
          %parallel_loop3A_108 = arith.constant 16 : i32
          %parallel_loop3A_109 = arith.muli %parallel_loop3A_107, %parallel_loop3A_108 : i32
          %parallel_loop3A_110 = arith.index_cast %parallel_loop3A_109 : i32 to index
          %parallel_loop3A_111 = tpu.vector_load %arg6[%parallel_loop3A_110] {strides = array<i32>} : memref<8000xi32, #tpu.memory_space<vmem>>, vector<16xi32>,
          %parallel_loop3A_112 = arith.constant 16 : i32
          %parallel_loop3A_113 = arith.muli %parallel_loop3A_107, %parallel_loop3A_112 : i32
          %parallel_loop3A_114 = arith.index_cast %parallel_loop3A_113 : i32 to index
          %parallel_loop3A_115 = tpu.vector_load %arg8[%parallel_loop3A_114] {strides = array<i32>} : memref<8000xi32, #tpu.memory_space<vmem>>, vector<16xi32>,
          %parallel_loop3A_116 = arith.constant 0 : i32
          %parallel_loop3A_117 = vector.broadcast %parallel_loop3A_116 : i32 to vector<16xi32>
          %parallel_loop3A_118 = arith.addi %parallel_loop3A_111, %parallel_loop3A_117 : vector<16xi32>
          %parallel_loop3A_119 = tpu.vector_load_idx %arg10[%parallel_loop3A_118] : memref<40960xf32, #tpu.memory_space<vmem>>[vector<16xi32>], vector<16xf32>,
          %parallel_loop3A_120 = arith.constant 0 : i32
          %parallel_loop3A_121 = vector.broadcast %parallel_loop3A_120 : i32 to vector<16xi32>
          %parallel_loop3A_122 = arith.addi %parallel_loop3A_115, %parallel_loop3A_121 : vector<16xi32>
          tpu.vector_store_idx %arg11[%parallel_loop3A_122], %parallel_loop3A_119 {add = true} : memref<40960xf32, #tpu.memory_space<vmem>>[vector<16xi32>], vector<16xf32>,
          %parallel_loop3A_123 = arith.constant 10240 : i32
          %parallel_loop3A_124 = vector.broadcast %parallel_loop3A_123 : i32 to vector<16xi32>
          %parallel_loop3A_125 = arith.addi %parallel_loop3A_111, %parallel_loop3A_124 : vector<16xi32>
          %parallel_loop3A_126 = tpu.vector_load_idx %arg10[%parallel_loop3A_125] : memref<40960xf32, #tpu.memory_space<vmem>>[vector<16xi32>], vector<16xf32>,
          %parallel_loop3A_127 = arith.constant 10240 : i32
          %parallel_loop3A_128 = vector.broadcast %parallel_loop3A_127 : i32 to vector<16xi32>
          %parallel_loop3A_129 = arith.addi %parallel_loop3A_115, %parallel_loop3A_128 : vector<16xi32>
          tpu.vector_store_idx %arg11[%parallel_loop3A_129], %parallel_loop3A_126 {add = true} : memref<40960xf32, #tpu.memory_space<vmem>>[vector<16xi32>], vector<16xf32>,
          %parallel_loop3A_130 = arith.constant 20480 : i32
          %parallel_loop3A_131 = vector.broadcast %parallel_loop3A_130 : i32 to vector<16xi32>
          %parallel_loop3A_132 = arith.addi %parallel_loop3A_111, %parallel_loop3A_131 : vector<16xi32>
          %parallel_loop3A_133 = tpu.vector_load_idx %arg10[%parallel_loop3A_132] : memref<40960xf32, #tpu.memory_space<vmem>>[vector<16xi32>], vector<16xf32>,
          %parallel_loop3A_134 = arith.constant 20480 : i32
          %parallel_loop3A_135 = vector.broadcast %parallel_loop3A_134 : i32 to vector<16xi32>
          %parallel_loop3A_136 = arith.addi %parallel_loop3A_115, %parallel_loop3A_135 : vector<16xi32>
          tpu.vector_store_idx %arg11[%parallel_loop3A_136], %parallel_loop3A_133 {add = true} : memref<40960xf32, #tpu.memory_space<vmem>>[vector<16xi32>], vector<16xf32>,
          %parallel_loop3A_137 = arith.constant 30720 : i32
          %parallel_loop3A_138 = vector.broadcast %parallel_loop3A_137 : i32 to vector<16xi32>
          %parallel_loop3A_139 = arith.addi %parallel_loop3A_111, %parallel_loop3A_138 : vector<16xi32>
          %parallel_loop3A_140 = tpu.vector_load_idx %arg10[%parallel_loop3A_139] : memref<40960xf32, #tpu.memory_space<vmem>>[vector<16xi32>], vector<16xf32>,
          %parallel_loop3A_141 = arith.constant 30720 : i32
          %parallel_loop3A_142 = vector.broadcast %parallel_loop3A_141 : i32 to vector<16xi32>
          %parallel_loop3A_143 = arith.addi %parallel_loop3A_115, %parallel_loop3A_142 : vector<16xi32>
          tpu.vector_store_idx %arg11[%parallel_loop3A_143], %parallel_loop3A_140 {add = true} : memref<40960xf32, #tpu.memory_space<vmem>>[vector<16xi32>], vector<16xf32>,
        } {sc.loop_unroll_factor = 10 : i64, sc.parallel_access}
      } else {
      }
      %mul3A_81 = arith.constant 2 : i32
      %mul3A_82 = arith.muli %mul3A_81, %scan3A_73 : i32
      %add3A_83 = arith.constant 1 : i32
      %add3A_84 = arith.addi %mul3A_82, %add3A_83 : i32
      %lt3A_85 = arith.constant 20 : i32
      %lt3A_86 = arith.cmpi slt, %add3A_84, %lt3A_85 : i32
      %convert_element_type3A_87 = arith.extui %lt3A_86 : i1 to i32
      %cond3A_88 = arith.constant 0 : i32
      %cond3A_89 = arith.cmpi ne, %convert_element_type3A_87, %cond3A_88 : i32
      scf.if %cond3A_89 {
        %dma_wait3A = arith.constant 0 : i32
        %dma_wait3A_91 = tpu.memref_slice %arg3[%dma_wait3A] : memref<320000xi32, #tpu.memory_space<hbm>> -> memref<8000xi32, #tpu.memory_space<hbm>>
        %dma_wait3A_92 = arith.constant 0 : i32
        %dma_wait3A_93 = tpu.memref_slice %arg3[%dma_wait3A_92] : memref<320000xi32, #tpu.memory_space<hbm>> -> memref<8000xi32, #tpu.memory_space<hbm>>
        tpu.wait_dma2 semaphore(%arg13 : memref<!tpu.dma_semaphore, #tpu.memory_space<semaphore_mem>>) src(%dma_wait3A_93 : memref<8000xi32, #tpu.memory_space<hbm>>) dst(%arg7 : memref<8000xi32, #tpu.memory_space<vmem>>)
        %dma_wait3A_94 = arith.constant 0 : i32
        %dma_wait3A_95 = tpu.memref_slice %arg3[%dma_wait3A_94] : memref<320000xi32, #tpu.memory_space<hbm>> -> memref<8000xi32, #tpu.memory_space<hbm>>
        %dma_wait3A_96 = arith.constant 0 : i32
        %dma_wait3A_97 = tpu.memref_slice %arg3[%dma_wait3A_96] : memref<320000xi32, #tpu.memory_space<hbm>> -> memref<8000xi32, #tpu.memory_space<hbm>>
        tpu.wait_dma2 semaphore(%arg13 : memref<!tpu.dma_semaphore, #tpu.memory_space<semaphore_mem>>) src(%dma_wait3A_97 : memref<8000xi32, #tpu.memory_space<hbm>>) dst(%arg9 : memref<8000xi32, #tpu.memory_space<vmem>>)
        %add3A_98 = arith.constant 1 : i32
        %add3A_99 = arith.addi %add3A_84, %add3A_98 : i32
        %lt3A_100 = arith.constant 20 : i32
        %lt3A_101 = arith.cmpi slt, %add3A_99, %lt3A_100 : i32
        %convert_element_type3A_102 = arith.extui %lt3A_101 : i1 to i32
        %cond3A_103 = arith.constant 0 : i32
        %cond3A_104 = arith.cmpi ne, %convert_element_type3A_102, %cond3A_103 : i32
        scf.if %cond3A_104 {
          %add3A_107 = arith.constant 1 : i32
          %add3A_108 = arith.addi %add3A_84, %add3A_107 : i32
          %mul3A_109 = arith.constant 8000 : i32
          %mul3A_110 = arith.muli %add3A_108, %mul3A_109 : i32
          %dma_start3A_111 = tpu.memref_slice %arg3[%mul3A_110] : memref<320000xi32, #tpu.memory_space<hbm>> -> memref<8000xi32, #tpu.memory_space<hbm>>
          %dma_start3A_112 = tpu.memref_slice %arg3[%mul3A_110] : memref<320000xi32, #tpu.memory_space<hbm>> -> memref<8000xi32, #tpu.memory_space<hbm>>
          tpu.enqueue_dma source(%dma_start3A_112 : memref<8000xi32, #tpu.memory_space<hbm>>) target(%arg6 : memref<8000xi32, #tpu.memory_space<vmem>>) target_semaphore(%arg12 : memref<!tpu.dma_semaphore, #tpu.memory_space<semaphore_mem>>)
          %add3A_113 = arith.constant 160000 : i32
          %add3A_114 = arith.addi %add3A_113, %mul3A_110 : i32
          %dma_start3A_115 = tpu.memref_slice %arg3[%add3A_114] : memref<320000xi32, #tpu.memory_space<hbm>> -> memref<8000xi32, #tpu.memory_space<hbm>>
          %dma_start3A_116 = tpu.memref_slice %arg3[%add3A_114] : memref<320000xi32, #tpu.memory_space<hbm>> -> memref<8000xi32, #tpu.memory_space<hbm>>
          tpu.enqueue_dma source(%dma_start3A_116 : memref<8000xi32, #tpu.memory_space<hbm>>) target(%arg8 : memref<8000xi32, #tpu.memory_space<vmem>>) target_semaphore(%arg12 : memref<!tpu.dma_semaphore, #tpu.memory_space<semaphore_mem>>)
        } else {
        }
        %parallel_loop3A = arith.constant 0 : i32
        %parallel_loop3A_105 = arith.constant 500 : i32
        %parallel_loop3A_106 = arith.constant 1 : i32
        scf.for %parallel_loop3A_107 = %parallel_loop3A to %parallel_loop3A_105 step %parallel_loop3A_106  : i32 {
          %parallel_loop3A_108 = arith.constant 16 : i32
          %parallel_loop3A_109 = arith.muli %parallel_loop3A_107, %parallel_loop3A_108 : i32
          %parallel_loop3A_110 = arith.index_cast %parallel_loop3A_109 : i32 to index
          %parallel_loop3A_111 = tpu.vector_load %arg7[%parallel_loop3A_110] {strides = array<i32>} : memref<8000xi32, #tpu.memory_space<vmem>>, vector<16xi32>,
          %parallel_loop3A_112 = arith.constant 16 : i32
          %parallel_loop3A_113 = arith.muli %parallel_loop3A_107, %parallel_loop3A_112 : i32
          %parallel_loop3A_114 = arith.index_cast %parallel_loop3A_113 : i32 to index
          %parallel_loop3A_115 = tpu.vector_load %arg9[%parallel_loop3A_114] {strides = array<i32>} : memref<8000xi32, #tpu.memory_space<vmem>>, vector<16xi32>,
          %parallel_loop3A_116 = arith.constant 0 : i32
          %parallel_loop3A_117 = vector.broadcast %parallel_loop3A_116 : i32 to vector<16xi32>
          %parallel_loop3A_118 = arith.addi %parallel_loop3A_111, %parallel_loop3A_117 : vector<16xi32>
          %parallel_loop3A_119 = tpu.vector_load_idx %arg10[%parallel_loop3A_118] : memref<40960xf32, #tpu.memory_space<vmem>>[vector<16xi32>], vector<16xf32>,
          %parallel_loop3A_120 = arith.constant 0 : i32
          %parallel_loop3A_121 = vector.broadcast %parallel_loop3A_120 : i32 to vector<16xi32>
          %parallel_loop3A_122 = arith.addi %parallel_loop3A_115, %parallel_loop3A_121 : vector<16xi32>
          tpu.vector_store_idx %arg11[%parallel_loop3A_122], %parallel_loop3A_119 {add = true} : memref<40960xf32, #tpu.memory_space<vmem>>[vector<16xi32>], vector<16xf32>,
          %parallel_loop3A_123 = arith.constant 10240 : i32
          %parallel_loop3A_124 = vector.broadcast %parallel_loop3A_123 : i32 to vector<16xi32>
          %parallel_loop3A_125 = arith.addi %parallel_loop3A_111, %parallel_loop3A_124 : vector<16xi32>
          %parallel_loop3A_126 = tpu.vector_load_idx %arg10[%parallel_loop3A_125] : memref<40960xf32, #tpu.memory_space<vmem>>[vector<16xi32>], vector<16xf32>,
          %parallel_loop3A_127 = arith.constant 10240 : i32
          %parallel_loop3A_128 = vector.broadcast %parallel_loop3A_127 : i32 to vector<16xi32>
          %parallel_loop3A_129 = arith.addi %parallel_loop3A_115, %parallel_loop3A_128 : vector<16xi32>
          tpu.vector_store_idx %arg11[%parallel_loop3A_129], %parallel_loop3A_126 {add = true} : memref<40960xf32, #tpu.memory_space<vmem>>[vector<16xi32>], vector<16xf32>,
          %parallel_loop3A_130 = arith.constant 20480 : i32
          %parallel_loop3A_131 = vector.broadcast %parallel_loop3A_130 : i32 to vector<16xi32>
          %parallel_loop3A_132 = arith.addi %parallel_loop3A_111, %parallel_loop3A_131 : vector<16xi32>
          %parallel_loop3A_133 = tpu.vector_load_idx %arg10[%parallel_loop3A_132] : memref<40960xf32, #tpu.memory_space<vmem>>[vector<16xi32>], vector<16xf32>,
          %parallel_loop3A_134 = arith.constant 20480 : i32
          %parallel_loop3A_135 = vector.broadcast %parallel_loop3A_134 : i32 to vector<16xi32>
          %parallel_loop3A_136 = arith.addi %parallel_loop3A_115, %parallel_loop3A_135 : vector<16xi32>
          tpu.vector_store_idx %arg11[%parallel_loop3A_136], %parallel_loop3A_133 {add = true} : memref<40960xf32, #tpu.memory_space<vmem>>[vector<16xi32>], vector<16xf32>,
          %parallel_loop3A_137 = arith.constant 30720 : i32
          %parallel_loop3A_138 = vector.broadcast %parallel_loop3A_137 : i32 to vector<16xi32>
          %parallel_loop3A_139 = arith.addi %parallel_loop3A_111, %parallel_loop3A_138 : vector<16xi32>
          %parallel_loop3A_140 = tpu.vector_load_idx %arg10[%parallel_loop3A_139] : memref<40960xf32, #tpu.memory_space<vmem>>[vector<16xi32>], vector<16xf32>,
          %parallel_loop3A_141 = arith.constant 30720 : i32
          %parallel_loop3A_142 = vector.broadcast %parallel_loop3A_141 : i32 to vector<16xi32>
          %parallel_loop3A_143 = arith.addi %parallel_loop3A_115, %parallel_loop3A_142 : vector<16xi32>
          tpu.vector_store_idx %arg11[%parallel_loop3A_143], %parallel_loop3A_140 {add = true} : memref<40960xf32, #tpu.memory_space<vmem>>[vector<16xi32>], vector<16xf32>,
        } {sc.loop_unroll_factor = 10 : i64, sc.parallel_access}
      } else {
      }
      %scan3A_90 = arith.constant 0 : i32
      scf.yield %scan3A_90 : i32
    }
    %scan3A_19 = arith.constant 10 : i32
    %add3A_20 = arith.constant 0 : i32
    %add3A_21 = arith.addi %add3A_4, %add3A_20 : i32
    %mul3A_22 = arith.constant 10240 : i32
    %mul3A_23 = arith.muli %add3A_21, %mul3A_22 : i32
    "tpu.region"() ({
      %run_scoped3A = tpu.sem_alloc : memref<!tpu.dma_semaphore, #tpu.memory_space<semaphore_mem>>
      %dma_start3A_73 = arith.constant 0 : i32
      %dma_start3A_74 = tpu.memref_slice %arg11[%dma_start3A_73] : memref<40960xf32, #tpu.memory_space<vmem>> -> memref<10240xf32, #tpu.memory_space<vmem>>
      %dma_start3A_75 = tpu.memref_slice %arg5[%mul3A_23] : memref<2621440xf32, #tpu.memory_space<hbm>> -> memref<10240xf32, #tpu.memory_space<hbm>>
      %dma_start3A_76 = tpu.memref_slice %arg5[%mul3A_23] : memref<2621440xf32, #tpu.memory_space<hbm>> -> memref<10240xf32, #tpu.memory_space<hbm>>
      %dma_start3A_77 = arith.constant 0 : i32
      %dma_start3A_78 = tpu.memref_slice %arg11[%dma_start3A_77] : memref<40960xf32, #tpu.memory_space<vmem>> -> memref<10240xf32, #tpu.memory_space<vmem>>
      tpu.enqueue_dma source(%dma_start3A_78 : memref<10240xf32, #tpu.memory_space<vmem>>) target(%dma_start3A_76 : memref<10240xf32, #tpu.memory_space<hbm>>) target_semaphore(%run_scoped3A : memref<!tpu.dma_semaphore, #tpu.memory_space<semaphore_mem>>)
      %dma_wait3A = arith.constant 0 : i32
      %dma_wait3A_79 = tpu.memref_slice %arg11[%dma_wait3A] : memref<40960xf32, #tpu.memory_space<vmem>> -> memref<10240xf32, #tpu.memory_space<vmem>>
      %dma_wait3A_80 = tpu.memref_slice %arg5[%mul3A_23] : memref<2621440xf32, #tpu.memory_space<hbm>> -> memref<10240xf32, #tpu.memory_space<hbm>>
      %dma_wait3A_81 = tpu.memref_slice %arg5[%mul3A_23] : memref<2621440xf32, #tpu.memory_space<hbm>> -> memref<10240xf32, #tpu.memory_space<hbm>>
      %dma_wait3A_82 = arith.constant 0 : i32
      %dma_wait3A_83 = tpu.memref_slice %arg11[%dma_wait3A_82] : memref<40960xf32, #tpu.memory_space<vmem>> -> memref<10240xf32, #tpu.memory_space<vmem>>
      tpu.wait_dma2 semaphore(%run_scoped3A : memref<!tpu.dma_semaphore, #tpu.memory_space<semaphore_mem>>) src(%dma_wait3A_83 : memref<10240xf32, #tpu.memory_space<vmem>>) dst(%dma_wait3A_81 : memref<10240xf32, #tpu.memory_space<hbm>>)
      tpu.yield
    }) : () -> ()
    %add3A_24 = arith.constant 1 : i32
    %add3A_25 = arith.addi %add3A_4, %add3A_24 : i32
    %mul3A_26 = arith.constant 10240 : i32
    %mul3A_27 = arith.muli %add3A_25, %mul3A_26 : i32
    "tpu.region"() ({
      %run_scoped3A = tpu.sem_alloc : memref<!tpu.dma_semaphore, #tpu.memory_space<semaphore_mem>>
      %dma_start3A_73 = arith.constant 10240 : i32
      %dma_start3A_74 = tpu.memref_slice %arg11[%dma_start3A_73] : memref<40960xf32, #tpu.memory_space<vmem>> -> memref<10240xf32, #tpu.memory_space<vmem>>
      %dma_start3A_75 = tpu.memref_slice %arg5[%mul3A_27] : memref<2621440xf32, #tpu.memory_space<hbm>> -> memref<10240xf32, #tpu.memory_space<hbm>>
      %dma_start3A_76 = tpu.memref_slice %arg5[%mul3A_27] : memref<2621440xf32, #tpu.memory_space<hbm>> -> memref<10240xf32, #tpu.memory_space<hbm>>
      %dma_start3A_77 = arith.constant 10240 : i32
      %dma_start3A_78 = tpu.memref_slice %arg11[%dma_start3A_77] : memref<40960xf32, #tpu.memory_space<vmem>> -> memref<10240xf32, #tpu.memory_space<vmem>>
      tpu.enqueue_dma source(%dma_start3A_78 : memref<10240xf32, #tpu.memory_space<vmem>>) target(%dma_start3A_76 : memref<10240xf32, #tpu.memory_space<hbm>>) target_semaphore(%run_scoped3A : memref<!tpu.dma_semaphore, #tpu.memory_space<semaphore_mem>>)
      %dma_wait3A = arith.constant 10240 : i32
      %dma_wait3A_79 = tpu.memref_slice %arg11[%dma_wait3A] : memref<40960xf32, #tpu.memory_space<vmem>> -> memref<10240xf32, #tpu.memory_space<vmem>>
      %dma_wait3A_80 = tpu.memref_slice %arg5[%mul3A_27] : memref<2621440xf32, #tpu.memory_space<hbm>> -> memref<10240xf32, #tpu.memory_space<hbm>>
      %dma_wait3A_81 = tpu.memref_slice %arg5[%mul3A_27] : memref<2621440xf32, #tpu.memory_space<hbm>> -> memref<10240xf32, #tpu.memory_space<hbm>>
      %dma_wait3A_82 = arith.constant 10240 : i32
      %dma_wait3A_83 = tpu.memref_slice %arg11[%dma_wait3A_82] : memref<40960xf32, #tpu.memory_space<vmem>> -> memref<10240xf32, #tpu.memory_space<vmem>>
      tpu.wait_dma2 semaphore(%run_scoped3A : memref<!tpu.dma_semaphore, #tpu.memory_space<semaphore_mem>>) src(%dma_wait3A_83 : memref<10240xf32, #tpu.memory_space<vmem>>) dst(%dma_wait3A_81 : memref<10240xf32, #tpu.memory_space<hbm>>)
      tpu.yield
    }) : () -> ()
    %add3A_28 = arith.constant 2 : i32
    %add3A_29 = arith.addi %add3A_4, %add3A_28 : i32
    %mul3A_30 = arith.constant 10240 : i32
    %mul3A_31 = arith.muli %add3A_29, %mul3A_30 : i32
    "tpu.region"() ({
      %run_scoped3A = tpu.sem_alloc : memref<!tpu.dma_semaphore, #tpu.memory_space<semaphore_mem>>
      %dma_start3A_73 = arith.constant 20480 : i32
      %dma_start3A_74 = tpu.memref_slice %arg11[%dma_start3A_73] : memref<40960xf32, #tpu.memory_space<vmem>> -> memref<10240xf32, #tpu.memory_space<vmem>>
      %dma_start3A_75 = tpu.memref_slice %arg5[%mul3A_31] : memref<2621440xf32, #tpu.memory_space<hbm>> -> memref<10240xf32, #tpu.memory_space<hbm>>
      %dma_start3A_76 = tpu.memref_slice %arg5[%mul3A_31] : memref<2621440xf32, #tpu.memory_space<hbm>> -> memref<10240xf32, #tpu.memory_space<hbm>>
      %dma_start3A_77 = arith.constant 20480 : i32
      %dma_start3A_78 = tpu.memref_slice %arg11[%dma_start3A_77] : memref<40960xf32, #tpu.memory_space<vmem>> -> memref<10240xf32, #tpu.memory_space<vmem>>
      tpu.enqueue_dma source(%dma_start3A_78 : memref<10240xf32, #tpu.memory_space<vmem>>) target(%dma_start3A_76 : memref<10240xf32, #tpu.memory_space<hbm>>) target_semaphore(%run_scoped3A : memref<!tpu.dma_semaphore, #tpu.memory_space<semaphore_mem>>)
      %dma_wait3A = arith.constant 20480 : i32
      %dma_wait3A_79 = tpu.memref_slice %arg11[%dma_wait3A] : memref<40960xf32, #tpu.memory_space<vmem>> -> memref<10240xf32, #tpu.memory_space<vmem>>
      %dma_wait3A_80 = tpu.memref_slice %arg5[%mul3A_31] : memref<2621440xf32, #tpu.memory_space<hbm>> -> memref<10240xf32, #tpu.memory_space<hbm>>
      %dma_wait3A_81 = tpu.memref_slice %arg5[%mul3A_31] : memref<2621440xf32, #tpu.memory_space<hbm>> -> memref<10240xf32, #tpu.memory_space<hbm>>
      %dma_wait3A_82 = arith.constant 20480 : i32
      %dma_wait3A_83 = tpu.memref_slice %arg11[%dma_wait3A_82] : memref<40960xf32, #tpu.memory_space<vmem>> -> memref<10240xf32, #tpu.memory_space<vmem>>
      tpu.wait_dma2 semaphore(%run_scoped3A : memref<!tpu.dma_semaphore, #tpu.memory_space<semaphore_mem>>) src(%dma_wait3A_83 : memref<10240xf32, #tpu.memory_space<vmem>>) dst(%dma_wait3A_81 : memref<10240xf32, #tpu.memory_space<hbm>>)
      tpu.yield
    }) : () -> ()
    %add3A_32 = arith.constant 3 : i32
    %add3A_33 = arith.addi %add3A_4, %add3A_32 : i32
    %mul3A_34 = arith.constant 10240 : i32
    %mul3A_35 = arith.muli %add3A_33, %mul3A_34 : i32
    "tpu.region"() ({
      %run_scoped3A = tpu.sem_alloc : memref<!tpu.dma_semaphore, #tpu.memory_space<semaphore_mem>>
      %dma_start3A_73 = arith.constant 30720 : i32
      %dma_start3A_74 = tpu.memref_slice %arg11[%dma_start3A_73] : memref<40960xf32, #tpu.memory_space<vmem>> -> memref<10240xf32, #tpu.memory_space<vmem>>
      %dma_start3A_75 = tpu.memref_slice %arg5[%mul3A_35] : memref<2621440xf32, #tpu.memory_space<hbm>> -> memref<10240xf32, #tpu.memory_space<hbm>>
      %dma_start3A_76 = tpu.memref_slice %arg5[%mul3A_35] : memref<2621440xf32, #tpu.memory_space<hbm>> -> memref<10240xf32, #tpu.memory_space<hbm>>
      %dma_start3A_77 = arith.constant 30720 : i32
      %dma_start3A_78 = tpu.memref_slice %arg11[%dma_start3A_77] : memref<40960xf32, #tpu.memory_space<vmem>> -> memref<10240xf32, #tpu.memory_space<vmem>>
      tpu.enqueue_dma source(%dma_start3A_78 : memref<10240xf32, #tpu.memory_space<vmem>>) target(%dma_start3A_76 : memref<10240xf32, #tpu.memory_space<hbm>>) target_semaphore(%run_scoped3A : memref<!tpu.dma_semaphore, #tpu.memory_space<semaphore_mem>>)
      %dma_wait3A = arith.constant 30720 : i32
      %dma_wait3A_79 = tpu.memref_slice %arg11[%dma_wait3A] : memref<40960xf32, #tpu.memory_space<vmem>> -> memref<10240xf32, #tpu.memory_space<vmem>>
      %dma_wait3A_80 = tpu.memref_slice %arg5[%mul3A_35] : memref<2621440xf32, #tpu.memory_space<hbm>> -> memref<10240xf32, #tpu.memory_space<hbm>>
      %dma_wait3A_81 = tpu.memref_slice %arg5[%mul3A_35] : memref<2621440xf32, #tpu.memory_space<hbm>> -> memref<10240xf32, #tpu.memory_space<hbm>>
      %dma_wait3A_82 = arith.constant 30720 : i32
      %dma_wait3A_83 = tpu.memref_slice %arg11[%dma_wait3A_82] : memref<40960xf32, #tpu.memory_space<vmem>> -> memref<10240xf32, #tpu.memory_space<vmem>>
      tpu.wait_dma2 semaphore(%run_scoped3A : memref<!tpu.dma_semaphore, #tpu.memory_space<semaphore_mem>>) src(%dma_wait3A_83 : memref<10240xf32, #tpu.memory_space<vmem>>) dst(%dma_wait3A_81 : memref<10240xf32, #tpu.memory_space<hbm>>)
      tpu.yield
    }) : () -> ()
    %mul3A_36 = arith.constant 4 : i32
    %mul3A_37 = arith.muli %add3A, %mul3A_36 : i32
    %add3A_38 = arith.constant 128 : i32
    %add3A_39 = arith.addi %add3A_38, %mul3A_37 : i32
    %mul3A_40 = arith.constant 10240 : i32
    %mul3A_41 = arith.muli %add3A_39, %mul3A_40 : i32
    "tpu.region"() ({
      %run_scoped3A = tpu.sem_alloc : memref<!tpu.dma_semaphore, #tpu.memory_space<semaphore_mem>>
      %dma_start3A_73 = tpu.memref_slice %arg2[%mul3A_41] : memref<2621440xf32, #tpu.memory_space<hbm>> -> memref<40960xf32, #tpu.memory_space<hbm>>
      %dma_start3A_74 = tpu.memref_slice %arg2[%mul3A_41] : memref<2621440xf32, #tpu.memory_space<hbm>> -> memref<40960xf32, #tpu.memory_space<hbm>>
      tpu.enqueue_dma source(%dma_start3A_74 : memref<40960xf32, #tpu.memory_space<hbm>>) target(%arg10 : memref<40960xf32, #tpu.memory_space<vmem>>) target_semaphore(%run_scoped3A : memref<!tpu.dma_semaphore, #tpu.memory_space<semaphore_mem>>)
      %dma_wait3A = tpu.memref_slice %arg2[%mul3A_41] : memref<2621440xf32, #tpu.memory_space<hbm>> -> memref<40960xf32, #tpu.memory_space<hbm>>
      %dma_wait3A_75 = tpu.memref_slice %arg2[%mul3A_41] : memref<2621440xf32, #tpu.memory_space<hbm>> -> memref<40960xf32, #tpu.memory_space<hbm>>
      tpu.wait_dma2 semaphore(%run_scoped3A : memref<!tpu.dma_semaphore, #tpu.memory_space<semaphore_mem>>) src(%dma_wait3A_75 : memref<40960xf32, #tpu.memory_space<hbm>>) dst(%arg10 : memref<40960xf32, #tpu.memory_space<vmem>>)
      tpu.yield
    }) : () -> ()
    "tpu.region"() ({
      %run_scoped3A = tpu.sem_alloc : memref<!tpu.dma_semaphore, #tpu.memory_space<semaphore_mem>>
      tpu.enqueue_dma source(%arg4 : memref<40960xf32, #tpu.memory_space<hbm>>) target(%arg11 : memref<40960xf32, #tpu.memory_space<vmem>>) target_semaphore(%run_scoped3A : memref<!tpu.dma_semaphore, #tpu.memory_space<semaphore_mem>>)
      tpu.wait_dma2 semaphore(%run_scoped3A : memref<!tpu.dma_semaphore, #tpu.memory_space<semaphore_mem>>) src(%arg4 : memref<40960xf32, #tpu.memory_space<hbm>>) dst(%arg11 : memref<40960xf32, #tpu.memory_space<vmem>>)
      tpu.yield
    }) : () -> ()
    %dma_start3A_42 = arith.constant 0 : i32
    %dma_start3A_43 = tpu.memref_slice %arg3[%dma_start3A_42] : memref<320000xi32, #tpu.memory_space<hbm>> -> memref<8000xi32, #tpu.memory_space<hbm>>
    %dma_start3A_44 = arith.constant 0 : i32
    %dma_start3A_45 = tpu.memref_slice %arg3[%dma_start3A_44] : memref<320000xi32, #tpu.memory_space<hbm>> -> memref<8000xi32, #tpu.memory_space<hbm>>
    tpu.enqueue_dma source(%dma_start3A_45 : memref<8000xi32, #tpu.memory_space<hbm>>) target(%arg6 : memref<8000xi32, #tpu.memory_space<vmem>>) target_semaphore(%arg12 : memref<!tpu.dma_semaphore, #tpu.memory_space<semaphore_mem>>)
    %dma_start3A_46 = arith.constant 160000 : i32
    %dma_start3A_47 = tpu.memref_slice %arg3[%dma_start3A_46] : memref<320000xi32, #tpu.memory_space<hbm>> -> memref<8000xi32, #tpu.memory_space<hbm>>
    %dma_start3A_48 = arith.constant 160000 : i32
    %dma_start3A_49 = tpu.memref_slice %arg3[%dma_start3A_48] : memref<320000xi32, #tpu.memory_space<hbm>> -> memref<8000xi32, #tpu.memory_space<hbm>>
    tpu.enqueue_dma source(%dma_start3A_49 : memref<8000xi32, #tpu.memory_space<hbm>>) target(%arg8 : memref<8000xi32, #tpu.memory_space<vmem>>) target_semaphore(%arg12 : memref<!tpu.dma_semaphore, #tpu.memory_space<semaphore_mem>>)
    %scan3A_50 = arith.constant 0 : i32
    %scan3A_51 = arith.constant 0 : i32
    %scan3A_52 = arith.constant 10 : i32
    %scan3A_53 = arith.addi %scan3A_51, %scan3A_52 : i32
    %scan3A_54 = arith.constant 1 : i32
    %scan3A_55 = scf.for %scan3A_73 = %scan3A_51 to %scan3A_53 step %scan3A_54 iter_args(%scan3A_74 = %scan3A_50) -> (i32)  : i32 {
      %mul3A_75 = arith.constant 2 : i32
      %mul3A_76 = arith.muli %mul3A_75, %scan3A_73 : i32
      %add3A_77 = arith.constant 0 : i32
      %add3A_78 = arith.addi %mul3A_76, %add3A_77 : i32
      %lt3A = arith.constant 20 : i32
      %lt3A_79 = arith.cmpi slt, %add3A_78, %lt3A : i32
      %convert_element_type3A = arith.extui %lt3A_79 : i1 to i32
      %cond3A = arith.constant 0 : i32
      %cond3A_80 = arith.cmpi ne, %convert_element_type3A, %cond3A : i32
      scf.if %cond3A_80 {
        %dma_wait3A = arith.constant 0 : i32
        %dma_wait3A_91 = tpu.memref_slice %arg3[%dma_wait3A] : memref<320000xi32, #tpu.memory_space<hbm>> -> memref<8000xi32, #tpu.memory_space<hbm>>
        %dma_wait3A_92 = arith.constant 0 : i32
        %dma_wait3A_93 = tpu.memref_slice %arg3[%dma_wait3A_92] : memref<320000xi32, #tpu.memory_space<hbm>> -> memref<8000xi32, #tpu.memory_space<hbm>>
        tpu.wait_dma2 semaphore(%arg12 : memref<!tpu.dma_semaphore, #tpu.memory_space<semaphore_mem>>) src(%dma_wait3A_93 : memref<8000xi32, #tpu.memory_space<hbm>>) dst(%arg6 : memref<8000xi32, #tpu.memory_space<vmem>>)
        %dma_wait3A_94 = arith.constant 0 : i32
        %dma_wait3A_95 = tpu.memref_slice %arg3[%dma_wait3A_94] : memref<320000xi32, #tpu.memory_space<hbm>> -> memref<8000xi32, #tpu.memory_space<hbm>>
        %dma_wait3A_96 = arith.constant 0 : i32
        %dma_wait3A_97 = tpu.memref_slice %arg3[%dma_wait3A_96] : memref<320000xi32, #tpu.memory_space<hbm>> -> memref<8000xi32, #tpu.memory_space<hbm>>
        tpu.wait_dma2 semaphore(%arg12 : memref<!tpu.dma_semaphore, #tpu.memory_space<semaphore_mem>>) src(%dma_wait3A_97 : memref<8000xi32, #tpu.memory_space<hbm>>) dst(%arg8 : memref<8000xi32, #tpu.memory_space<vmem>>)
        %add3A_98 = arith.constant 1 : i32
        %add3A_99 = arith.addi %add3A_78, %add3A_98 : i32
        %lt3A_100 = arith.constant 20 : i32
        %lt3A_101 = arith.cmpi slt, %add3A_99, %lt3A_100 : i32
        %convert_element_type3A_102 = arith.extui %lt3A_101 : i1 to i32
        %cond3A_103 = arith.constant 0 : i32
        %cond3A_104 = arith.cmpi ne, %convert_element_type3A_102, %cond3A_103 : i32
        scf.if %cond3A_104 {
          %add3A_107 = arith.constant 1 : i32
          %add3A_108 = arith.addi %add3A_78, %add3A_107 : i32
          %mul3A_109 = arith.constant 8000 : i32
          %mul3A_110 = arith.muli %add3A_108, %mul3A_109 : i32
          %dma_start3A_111 = tpu.memref_slice %arg3[%mul3A_110] : memref<320000xi32, #tpu.memory_space<hbm>> -> memref<8000xi32, #tpu.memory_space<hbm>>
          %dma_start3A_112 = tpu.memref_slice %arg3[%mul3A_110] : memref<320000xi32, #tpu.memory_space<hbm>> -> memref<8000xi32, #tpu.memory_space<hbm>>
          tpu.enqueue_dma source(%dma_start3A_112 : memref<8000xi32, #tpu.memory_space<hbm>>) target(%arg7 : memref<8000xi32, #tpu.memory_space<vmem>>) target_semaphore(%arg13 : memref<!tpu.dma_semaphore, #tpu.memory_space<semaphore_mem>>)
          %add3A_113 = arith.constant 160000 : i32
          %add3A_114 = arith.addi %add3A_113, %mul3A_110 : i32
          %dma_start3A_115 = tpu.memref_slice %arg3[%add3A_114] : memref<320000xi32, #tpu.memory_space<hbm>> -> memref<8000xi32, #tpu.memory_space<hbm>>
          %dma_start3A_116 = tpu.memref_slice %arg3[%add3A_114] : memref<320000xi32, #tpu.memory_space<hbm>> -> memref<8000xi32, #tpu.memory_space<hbm>>
          tpu.enqueue_dma source(%dma_start3A_116 : memref<8000xi32, #tpu.memory_space<hbm>>) target(%arg9 : memref<8000xi32, #tpu.memory_space<vmem>>) target_semaphore(%arg13 : memref<!tpu.dma_semaphore, #tpu.memory_space<semaphore_mem>>)
        } else {
        }
        %parallel_loop3A = arith.constant 0 : i32
        %parallel_loop3A_105 = arith.constant 500 : i32
        %parallel_loop3A_106 = arith.constant 1 : i32
        scf.for %parallel_loop3A_107 = %parallel_loop3A to %parallel_loop3A_105 step %parallel_loop3A_106  : i32 {
          %parallel_loop3A_108 = arith.constant 16 : i32
          %parallel_loop3A_109 = arith.muli %parallel_loop3A_107, %parallel_loop3A_108 : i32
          %parallel_loop3A_110 = arith.index_cast %parallel_loop3A_109 : i32 to index
          %parallel_loop3A_111 = tpu.vector_load %arg6[%parallel_loop3A_110] {strides = array<i32>} : memref<8000xi32, #tpu.memory_space<vmem>>, vector<16xi32>,
          %parallel_loop3A_112 = arith.constant 16 : i32
          %parallel_loop3A_113 = arith.muli %parallel_loop3A_107, %parallel_loop3A_112 : i32
          %parallel_loop3A_114 = arith.index_cast %parallel_loop3A_113 : i32 to index
          %parallel_loop3A_115 = tpu.vector_load %arg8[%parallel_loop3A_114] {strides = array<i32>} : memref<8000xi32, #tpu.memory_space<vmem>>, vector<16xi32>,
          %parallel_loop3A_116 = arith.constant 0 : i32
          %parallel_loop3A_117 = vector.broadcast %parallel_loop3A_116 : i32 to vector<16xi32>
          %parallel_loop3A_118 = arith.addi %parallel_loop3A_111, %parallel_loop3A_117 : vector<16xi32>
          %parallel_loop3A_119 = tpu.vector_load_idx %arg10[%parallel_loop3A_118] : memref<40960xf32, #tpu.memory_space<vmem>>[vector<16xi32>], vector<16xf32>,
          %parallel_loop3A_120 = arith.constant 0 : i32
          %parallel_loop3A_121 = vector.broadcast %parallel_loop3A_120 : i32 to vector<16xi32>
          %parallel_loop3A_122 = arith.addi %parallel_loop3A_115, %parallel_loop3A_121 : vector<16xi32>
          tpu.vector_store_idx %arg11[%parallel_loop3A_122], %parallel_loop3A_119 {add = true} : memref<40960xf32, #tpu.memory_space<vmem>>[vector<16xi32>], vector<16xf32>,
          %parallel_loop3A_123 = arith.constant 10240 : i32
          %parallel_loop3A_124 = vector.broadcast %parallel_loop3A_123 : i32 to vector<16xi32>
          %parallel_loop3A_125 = arith.addi %parallel_loop3A_111, %parallel_loop3A_124 : vector<16xi32>
          %parallel_loop3A_126 = tpu.vector_load_idx %arg10[%parallel_loop3A_125] : memref<40960xf32, #tpu.memory_space<vmem>>[vector<16xi32>], vector<16xf32>,
          %parallel_loop3A_127 = arith.constant 10240 : i32
          %parallel_loop3A_128 = vector.broadcast %parallel_loop3A_127 : i32 to vector<16xi32>
          %parallel_loop3A_129 = arith.addi %parallel_loop3A_115, %parallel_loop3A_128 : vector<16xi32>
          tpu.vector_store_idx %arg11[%parallel_loop3A_129], %parallel_loop3A_126 {add = true} : memref<40960xf32, #tpu.memory_space<vmem>>[vector<16xi32>], vector<16xf32>,
          %parallel_loop3A_130 = arith.constant 20480 : i32
          %parallel_loop3A_131 = vector.broadcast %parallel_loop3A_130 : i32 to vector<16xi32>
          %parallel_loop3A_132 = arith.addi %parallel_loop3A_111, %parallel_loop3A_131 : vector<16xi32>
          %parallel_loop3A_133 = tpu.vector_load_idx %arg10[%parallel_loop3A_132] : memref<40960xf32, #tpu.memory_space<vmem>>[vector<16xi32>], vector<16xf32>,
          %parallel_loop3A_134 = arith.constant 20480 : i32
          %parallel_loop3A_135 = vector.broadcast %parallel_loop3A_134 : i32 to vector<16xi32>
          %parallel_loop3A_136 = arith.addi %parallel_loop3A_115, %parallel_loop3A_135 : vector<16xi32>
          tpu.vector_store_idx %arg11[%parallel_loop3A_136], %parallel_loop3A_133 {add = true} : memref<40960xf32, #tpu.memory_space<vmem>>[vector<16xi32>], vector<16xf32>,
          %parallel_loop3A_137 = arith.constant 30720 : i32
          %parallel_loop3A_138 = vector.broadcast %parallel_loop3A_137 : i32 to vector<16xi32>
          %parallel_loop3A_139 = arith.addi %parallel_loop3A_111, %parallel_loop3A_138 : vector<16xi32>
          %parallel_loop3A_140 = tpu.vector_load_idx %arg10[%parallel_loop3A_139] : memref<40960xf32, #tpu.memory_space<vmem>>[vector<16xi32>], vector<16xf32>,
          %parallel_loop3A_141 = arith.constant 30720 : i32
          %parallel_loop3A_142 = vector.broadcast %parallel_loop3A_141 : i32 to vector<16xi32>
          %parallel_loop3A_143 = arith.addi %parallel_loop3A_115, %parallel_loop3A_142 : vector<16xi32>
          tpu.vector_store_idx %arg11[%parallel_loop3A_143], %parallel_loop3A_140 {add = true} : memref<40960xf32, #tpu.memory_space<vmem>>[vector<16xi32>], vector<16xf32>,
        } {sc.loop_unroll_factor = 10 : i64, sc.parallel_access}
      } else {
      }
      %mul3A_81 = arith.constant 2 : i32
      %mul3A_82 = arith.muli %mul3A_81, %scan3A_73 : i32
      %add3A_83 = arith.constant 1 : i32
      %add3A_84 = arith.addi %mul3A_82, %add3A_83 : i32
      %lt3A_85 = arith.constant 20 : i32
      %lt3A_86 = arith.cmpi slt, %add3A_84, %lt3A_85 : i32
      %convert_element_type3A_87 = arith.extui %lt3A_86 : i1 to i32
      %cond3A_88 = arith.constant 0 : i32
      %cond3A_89 = arith.cmpi ne, %convert_element_type3A_87, %cond3A_88 : i32
      scf.if %cond3A_89 {
        %dma_wait3A = arith.constant 0 : i32
        %dma_wait3A_91 = tpu.memref_slice %arg3[%dma_wait3A] : memref<320000xi32, #tpu.memory_space<hbm>> -> memref<8000xi32, #tpu.memory_space<hbm>>
        %dma_wait3A_92 = arith.constant 0 : i32
        %dma_wait3A_93 = tpu.memref_slice %arg3[%dma_wait3A_92] : memref<320000xi32, #tpu.memory_space<hbm>> -> memref<8000xi32, #tpu.memory_space<hbm>>
        tpu.wait_dma2 semaphore(%arg13 : memref<!tpu.dma_semaphore, #tpu.memory_space<semaphore_mem>>) src(%dma_wait3A_93 : memref<8000xi32, #tpu.memory_space<hbm>>) dst(%arg7 : memref<8000xi32, #tpu.memory_space<vmem>>)
        %dma_wait3A_94 = arith.constant 0 : i32
        %dma_wait3A_95 = tpu.memref_slice %arg3[%dma_wait3A_94] : memref<320000xi32, #tpu.memory_space<hbm>> -> memref<8000xi32, #tpu.memory_space<hbm>>
        %dma_wait3A_96 = arith.constant 0 : i32
        %dma_wait3A_97 = tpu.memref_slice %arg3[%dma_wait3A_96] : memref<320000xi32, #tpu.memory_space<hbm>> -> memref<8000xi32, #tpu.memory_space<hbm>>
        tpu.wait_dma2 semaphore(%arg13 : memref<!tpu.dma_semaphore, #tpu.memory_space<semaphore_mem>>) src(%dma_wait3A_97 : memref<8000xi32, #tpu.memory_space<hbm>>) dst(%arg9 : memref<8000xi32, #tpu.memory_space<vmem>>)
        %add3A_98 = arith.constant 1 : i32
        %add3A_99 = arith.addi %add3A_84, %add3A_98 : i32
        %lt3A_100 = arith.constant 20 : i32
        %lt3A_101 = arith.cmpi slt, %add3A_99, %lt3A_100 : i32
        %convert_element_type3A_102 = arith.extui %lt3A_101 : i1 to i32
        %cond3A_103 = arith.constant 0 : i32
        %cond3A_104 = arith.cmpi ne, %convert_element_type3A_102, %cond3A_103 : i32
        scf.if %cond3A_104 {
          %add3A_107 = arith.constant 1 : i32
          %add3A_108 = arith.addi %add3A_84, %add3A_107 : i32
          %mul3A_109 = arith.constant 8000 : i32
          %mul3A_110 = arith.muli %add3A_108, %mul3A_109 : i32
          %dma_start3A_111 = tpu.memref_slice %arg3[%mul3A_110] : memref<320000xi32, #tpu.memory_space<hbm>> -> memref<8000xi32, #tpu.memory_space<hbm>>
          %dma_start3A_112 = tpu.memref_slice %arg3[%mul3A_110] : memref<320000xi32, #tpu.memory_space<hbm>> -> memref<8000xi32, #tpu.memory_space<hbm>>
          tpu.enqueue_dma source(%dma_start3A_112 : memref<8000xi32, #tpu.memory_space<hbm>>) target(%arg6 : memref<8000xi32, #tpu.memory_space<vmem>>) target_semaphore(%arg12 : memref<!tpu.dma_semaphore, #tpu.memory_space<semaphore_mem>>)
          %add3A_113 = arith.constant 160000 : i32
          %add3A_114 = arith.addi %add3A_113, %mul3A_110 : i32
          %dma_start3A_115 = tpu.memref_slice %arg3[%add3A_114] : memref<320000xi32, #tpu.memory_space<hbm>> -> memref<8000xi32, #tpu.memory_space<hbm>>
          %dma_start3A_116 = tpu.memref_slice %arg3[%add3A_114] : memref<320000xi32, #tpu.memory_space<hbm>> -> memref<8000xi32, #tpu.memory_space<hbm>>
          tpu.enqueue_dma source(%dma_start3A_116 : memref<8000xi32, #tpu.memory_space<hbm>>) target(%arg8 : memref<8000xi32, #tpu.memory_space<vmem>>) target_semaphore(%arg12 : memref<!tpu.dma_semaphore, #tpu.memory_space<semaphore_mem>>)
        } else {
        }
        %parallel_loop3A = arith.constant 0 : i32
        %parallel_loop3A_105 = arith.constant 500 : i32
        %parallel_loop3A_106 = arith.constant 1 : i32
        scf.for %parallel_loop3A_107 = %parallel_loop3A to %parallel_loop3A_105 step %parallel_loop3A_106  : i32 {
          %parallel_loop3A_108 = arith.constant 16 : i32
          %parallel_loop3A_109 = arith.muli %parallel_loop3A_107, %parallel_loop3A_108 : i32
          %parallel_loop3A_110 = arith.index_cast %parallel_loop3A_109 : i32 to index
          %parallel_loop3A_111 = tpu.vector_load %arg7[%parallel_loop3A_110] {strides = array<i32>} : memref<8000xi32, #tpu.memory_space<vmem>>, vector<16xi32>,
          %parallel_loop3A_112 = arith.constant 16 : i32
          %parallel_loop3A_113 = arith.muli %parallel_loop3A_107, %parallel_loop3A_112 : i32
          %parallel_loop3A_114 = arith.index_cast %parallel_loop3A_113 : i32 to index
          %parallel_loop3A_115 = tpu.vector_load %arg9[%parallel_loop3A_114] {strides = array<i32>} : memref<8000xi32, #tpu.memory_space<vmem>>, vector<16xi32>,
          %parallel_loop3A_116 = arith.constant 0 : i32
          %parallel_loop3A_117 = vector.broadcast %parallel_loop3A_116 : i32 to vector<16xi32>
          %parallel_loop3A_118 = arith.addi %parallel_loop3A_111, %parallel_loop3A_117 : vector<16xi32>
          %parallel_loop3A_119 = tpu.vector_load_idx %arg10[%parallel_loop3A_118] : memref<40960xf32, #tpu.memory_space<vmem>>[vector<16xi32>], vector<16xf32>,
          %parallel_loop3A_120 = arith.constant 0 : i32
          %parallel_loop3A_121 = vector.broadcast %parallel_loop3A_120 : i32 to vector<16xi32>
          %parallel_loop3A_122 = arith.addi %parallel_loop3A_115, %parallel_loop3A_121 : vector<16xi32>
          tpu.vector_store_idx %arg11[%parallel_loop3A_122], %parallel_loop3A_119 {add = true} : memref<40960xf32, #tpu.memory_space<vmem>>[vector<16xi32>], vector<16xf32>,
          %parallel_loop3A_123 = arith.constant 10240 : i32
          %parallel_loop3A_124 = vector.broadcast %parallel_loop3A_123 : i32 to vector<16xi32>
          %parallel_loop3A_125 = arith.addi %parallel_loop3A_111, %parallel_loop3A_124 : vector<16xi32>
          %parallel_loop3A_126 = tpu.vector_load_idx %arg10[%parallel_loop3A_125] : memref<40960xf32, #tpu.memory_space<vmem>>[vector<16xi32>], vector<16xf32>,
          %parallel_loop3A_127 = arith.constant 10240 : i32
          %parallel_loop3A_128 = vector.broadcast %parallel_loop3A_127 : i32 to vector<16xi32>
          %parallel_loop3A_129 = arith.addi %parallel_loop3A_115, %parallel_loop3A_128 : vector<16xi32>
          tpu.vector_store_idx %arg11[%parallel_loop3A_129], %parallel_loop3A_126 {add = true} : memref<40960xf32, #tpu.memory_space<vmem>>[vector<16xi32>], vector<16xf32>,
          %parallel_loop3A_130 = arith.constant 20480 : i32
          %parallel_loop3A_131 = vector.broadcast %parallel_loop3A_130 : i32 to vector<16xi32>
          %parallel_loop3A_132 = arith.addi %parallel_loop3A_111, %parallel_loop3A_131 : vector<16xi32>
          %parallel_loop3A_133 = tpu.vector_load_idx %arg10[%parallel_loop3A_132] : memref<40960xf32, #tpu.memory_space<vmem>>[vector<16xi32>], vector<16xf32>,
          %parallel_loop3A_134 = arith.constant 20480 : i32
          %parallel_loop3A_135 = vector.broadcast %parallel_loop3A_134 : i32 to vector<16xi32>
          %parallel_loop3A_136 = arith.addi %parallel_loop3A_115, %parallel_loop3A_135 : vector<16xi32>
          tpu.vector_store_idx %arg11[%parallel_loop3A_136], %parallel_loop3A_133 {add = true} : memref<40960xf32, #tpu.memory_space<vmem>>[vector<16xi32>], vector<16xf32>,
          %parallel_loop3A_137 = arith.constant 30720 : i32
          %parallel_loop3A_138 = vector.broadcast %parallel_loop3A_137 : i32 to vector<16xi32>
          %parallel_loop3A_139 = arith.addi %parallel_loop3A_111, %parallel_loop3A_138 : vector<16xi32>
          %parallel_loop3A_140 = tpu.vector_load_idx %arg10[%parallel_loop3A_139] : memref<40960xf32, #tpu.memory_space<vmem>>[vector<16xi32>], vector<16xf32>,
          %parallel_loop3A_141 = arith.constant 30720 : i32
          %parallel_loop3A_142 = vector.broadcast %parallel_loop3A_141 : i32 to vector<16xi32>
          %parallel_loop3A_143 = arith.addi %parallel_loop3A_115, %parallel_loop3A_142 : vector<16xi32>
          tpu.vector_store_idx %arg11[%parallel_loop3A_143], %parallel_loop3A_140 {add = true} : memref<40960xf32, #tpu.memory_space<vmem>>[vector<16xi32>], vector<16xf32>,
        } {sc.loop_unroll_factor = 10 : i64, sc.parallel_access}
      } else {
      }
      %scan3A_90 = arith.constant 0 : i32
      scf.yield %scan3A_90 : i32
    }
    %scan3A_56 = arith.constant 10 : i32
    %add3A_57 = arith.constant 0 : i32
    %add3A_58 = arith.addi %add3A_39, %add3A_57 : i32
    %mul3A_59 = arith.constant 10240 : i32
    %mul3A_60 = arith.muli %add3A_58, %mul3A_59 : i32
    "tpu.region"() ({
      %run_scoped3A = tpu.sem_alloc : memref<!tpu.dma_semaphore, #tpu.memory_space<semaphore_mem>>
      %dma_start3A_73 = arith.constant 0 : i32
      %dma_start3A_74 = tpu.memref_slice %arg11[%dma_start3A_73] : memref<40960xf32, #tpu.memory_space<vmem>> -> memref<10240xf32, #tpu.memory_space<vmem>>
      %dma_start3A_75 = tpu.memref_slice %arg5[%mul3A_60] : memref<2621440xf32, #tpu.memory_space<hbm>> -> memref<10240xf32, #tpu.memory_space<hbm>>
      %dma_start3A_76 = tpu.memref_slice %arg5[%mul3A_60] : memref<2621440xf32, #tpu.memory_space<hbm>> -> memref<10240xf32, #tpu.memory_space<hbm>>
      %dma_start3A_77 = arith.constant 0 : i32
      %dma_start3A_78 = tpu.memref_slice %arg11[%dma_start3A_77] : memref<40960xf32, #tpu.memory_space<vmem>> -> memref<10240xf32, #tpu.memory_space<vmem>>
      tpu.enqueue_dma source(%dma_start3A_78 : memref<10240xf32, #tpu.memory_space<vmem>>) target(%dma_start3A_76 : memref<10240xf32, #tpu.memory_space<hbm>>) target_semaphore(%run_scoped3A : memref<!tpu.dma_semaphore, #tpu.memory_space<semaphore_mem>>)
      %dma_wait3A = arith.constant 0 : i32
      %dma_wait3A_79 = tpu.memref_slice %arg11[%dma_wait3A] : memref<40960xf32, #tpu.memory_space<vmem>> -> memref<10240xf32, #tpu.memory_space<vmem>>
      %dma_wait3A_80 = tpu.memref_slice %arg5[%mul3A_60] : memref<2621440xf32, #tpu.memory_space<hbm>> -> memref<10240xf32, #tpu.memory_space<hbm>>
      %dma_wait3A_81 = tpu.memref_slice %arg5[%mul3A_60] : memref<2621440xf32, #tpu.memory_space<hbm>> -> memref<10240xf32, #tpu.memory_space<hbm>>
      %dma_wait3A_82 = arith.constant 0 : i32
      %dma_wait3A_83 = tpu.memref_slice %arg11[%dma_wait3A_82] : memref<40960xf32, #tpu.memory_space<vmem>> -> memref<10240xf32, #tpu.memory_space<vmem>>
      tpu.wait_dma2 semaphore(%run_scoped3A : memref<!tpu.dma_semaphore, #tpu.memory_space<semaphore_mem>>) src(%dma_wait3A_83 : memref<10240xf32, #tpu.memory_space<vmem>>) dst(%dma_wait3A_81 : memref<10240xf32, #tpu.memory_space<hbm>>)
      tpu.yield
    }) : () -> ()
    %add3A_61 = arith.constant 1 : i32
    %add3A_62 = arith.addi %add3A_39, %add3A_61 : i32
    %mul3A_63 = arith.constant 10240 : i32
    %mul3A_64 = arith.muli %add3A_62, %mul3A_63 : i32
    "tpu.region"() ({
      %run_scoped3A = tpu.sem_alloc : memref<!tpu.dma_semaphore, #tpu.memory_space<semaphore_mem>>
      %dma_start3A_73 = arith.constant 10240 : i32
      %dma_start3A_74 = tpu.memref_slice %arg11[%dma_start3A_73] : memref<40960xf32, #tpu.memory_space<vmem>> -> memref<10240xf32, #tpu.memory_space<vmem>>
      %dma_start3A_75 = tpu.memref_slice %arg5[%mul3A_64] : memref<2621440xf32, #tpu.memory_space<hbm>> -> memref<10240xf32, #tpu.memory_space<hbm>>
      %dma_start3A_76 = tpu.memref_slice %arg5[%mul3A_64] : memref<2621440xf32, #tpu.memory_space<hbm>> -> memref<10240xf32, #tpu.memory_space<hbm>>
      %dma_start3A_77 = arith.constant 10240 : i32
      %dma_start3A_78 = tpu.memref_slice %arg11[%dma_start3A_77] : memref<40960xf32, #tpu.memory_space<vmem>> -> memref<10240xf32, #tpu.memory_space<vmem>>
      tpu.enqueue_dma source(%dma_start3A_78 : memref<10240xf32, #tpu.memory_space<vmem>>) target(%dma_start3A_76 : memref<10240xf32, #tpu.memory_space<hbm>>) target_semaphore(%run_scoped3A : memref<!tpu.dma_semaphore, #tpu.memory_space<semaphore_mem>>)
      %dma_wait3A = arith.constant 10240 : i32
      %dma_wait3A_79 = tpu.memref_slice %arg11[%dma_wait3A] : memref<40960xf32, #tpu.memory_space<vmem>> -> memref<10240xf32, #tpu.memory_space<vmem>>
      %dma_wait3A_80 = tpu.memref_slice %arg5[%mul3A_64] : memref<2621440xf32, #tpu.memory_space<hbm>> -> memref<10240xf32, #tpu.memory_space<hbm>>
      %dma_wait3A_81 = tpu.memref_slice %arg5[%mul3A_64] : memref<2621440xf32, #tpu.memory_space<hbm>> -> memref<10240xf32, #tpu.memory_space<hbm>>
      %dma_wait3A_82 = arith.constant 10240 : i32
      %dma_wait3A_83 = tpu.memref_slice %arg11[%dma_wait3A_82] : memref<40960xf32, #tpu.memory_space<vmem>> -> memref<10240xf32, #tpu.memory_space<vmem>>
      tpu.wait_dma2 semaphore(%run_scoped3A : memref<!tpu.dma_semaphore, #tpu.memory_space<semaphore_mem>>) src(%dma_wait3A_83 : memref<10240xf32, #tpu.memory_space<vmem>>) dst(%dma_wait3A_81 : memref<10240xf32, #tpu.memory_space<hbm>>)
      tpu.yield
    }) : () -> ()
    %add3A_65 = arith.constant 2 : i32
    %add3A_66 = arith.addi %add3A_39, %add3A_65 : i32
    %mul3A_67 = arith.constant 10240 : i32
    %mul3A_68 = arith.muli %add3A_66, %mul3A_67 : i32
    "tpu.region"() ({
      %run_scoped3A = tpu.sem_alloc : memref<!tpu.dma_semaphore, #tpu.memory_space<semaphore_mem>>
      %dma_start3A_73 = arith.constant 20480 : i32
      %dma_start3A_74 = tpu.memref_slice %arg11[%dma_start3A_73] : memref<40960xf32, #tpu.memory_space<vmem>> -> memref<10240xf32, #tpu.memory_space<vmem>>
      %dma_start3A_75 = tpu.memref_slice %arg5[%mul3A_68] : memref<2621440xf32, #tpu.memory_space<hbm>> -> memref<10240xf32, #tpu.memory_space<hbm>>
      %dma_start3A_76 = tpu.memref_slice %arg5[%mul3A_68] : memref<2621440xf32, #tpu.memory_space<hbm>> -> memref<10240xf32, #tpu.memory_space<hbm>>
      %dma_start3A_77 = arith.constant 20480 : i32
      %dma_start3A_78 = tpu.memref_slice %arg11[%dma_start3A_77] : memref<40960xf32, #tpu.memory_space<vmem>> -> memref<10240xf32, #tpu.memory_space<vmem>>
      tpu.enqueue_dma source(%dma_start3A_78 : memref<10240xf32, #tpu.memory_space<vmem>>) target(%dma_start3A_76 : memref<10240xf32, #tpu.memory_space<hbm>>) target_semaphore(%run_scoped3A : memref<!tpu.dma_semaphore, #tpu.memory_space<semaphore_mem>>)
      %dma_wait3A = arith.constant 20480 : i32
      %dma_wait3A_79 = tpu.memref_slice %arg11[%dma_wait3A] : memref<40960xf32, #tpu.memory_space<vmem>> -> memref<10240xf32, #tpu.memory_space<vmem>>
      %dma_wait3A_80 = tpu.memref_slice %arg5[%mul3A_68] : memref<2621440xf32, #tpu.memory_space<hbm>> -> memref<10240xf32, #tpu.memory_space<hbm>>
      %dma_wait3A_81 = tpu.memref_slice %arg5[%mul3A_68] : memref<2621440xf32, #tpu.memory_space<hbm>> -> memref<10240xf32, #tpu.memory_space<hbm>>
      %dma_wait3A_82 = arith.constant 20480 : i32
      %dma_wait3A_83 = tpu.memref_slice %arg11[%dma_wait3A_82] : memref<40960xf32, #tpu.memory_space<vmem>> -> memref<10240xf32, #tpu.memory_space<vmem>>
      tpu.wait_dma2 semaphore(%run_scoped3A : memref<!tpu.dma_semaphore, #tpu.memory_space<semaphore_mem>>) src(%dma_wait3A_83 : memref<10240xf32, #tpu.memory_space<vmem>>) dst(%dma_wait3A_81 : memref<10240xf32, #tpu.memory_space<hbm>>)
      tpu.yield
    }) : () -> ()
    %add3A_69 = arith.constant 3 : i32
    %add3A_70 = arith.addi %add3A_39, %add3A_69 : i32
    %mul3A_71 = arith.constant 10240 : i32
    %mul3A_72 = arith.muli %add3A_70, %mul3A_71 : i32
    "tpu.region"() ({
      %run_scoped3A = tpu.sem_alloc : memref<!tpu.dma_semaphore, #tpu.memory_space<semaphore_mem>>
      %dma_start3A_73 = arith.constant 30720 : i32
      %dma_start3A_74 = tpu.memref_slice %arg11[%dma_start3A_73] : memref<40960xf32, #tpu.memory_space<vmem>> -> memref<10240xf32, #tpu.memory_space<vmem>>
      %dma_start3A_75 = tpu.memref_slice %arg5[%mul3A_72] : memref<2621440xf32, #tpu.memory_space<hbm>> -> memref<10240xf32, #tpu.memory_space<hbm>>
      %dma_start3A_76 = tpu.memref_slice %arg5[%mul3A_72] : memref<2621440xf32, #tpu.memory_space<hbm>> -> memref<10240xf32, #tpu.memory_space<hbm>>
      %dma_start3A_77 = arith.constant 30720 : i32
      %dma_start3A_78 = tpu.memref_slice %arg11[%dma_start3A_77] : memref<40960xf32, #tpu.memory_space<vmem>> -> memref<10240xf32, #tpu.memory_space<vmem>>
      tpu.enqueue_dma source(%dma_start3A_78 : memref<10240xf32, #tpu.memory_space<vmem>>) target(%dma_start3A_76 : memref<10240xf32, #tpu.memory_space<hbm>>) target_semaphore(%run_scoped3A : memref<!tpu.dma_semaphore, #tpu.memory_space<semaphore_mem>>)
      %dma_wait3A = arith.constant 30720 : i32
      %dma_wait3A_79 = tpu.memref_slice %arg11[%dma_wait3A] : memref<40960xf32, #tpu.memory_space<vmem>> -> memref<10240xf32, #tpu.memory_space<vmem>>
      %dma_wait3A_80 = tpu.memref_slice %arg5[%mul3A_72] : memref<2621440xf32, #tpu.memory_space<hbm>> -> memref<10240xf32, #tpu.memory_space<hbm>>
      %dma_wait3A_81 = tpu.memref_slice %arg5[%mul3A_72] : memref<2621440xf32, #tpu.memory_space<hbm>> -> memref<10240xf32, #tpu.memory_space<hbm>>
      %dma_wait3A_82 = arith.constant 30720 : i32
      %dma_wait3A_83 = tpu.memref_slice %arg11[%dma_wait3A_82] : memref<40960xf32, #tpu.memory_space<vmem>> -> memref<10240xf32, #tpu.memory_space<vmem>>
      tpu.wait_dma2 semaphore(%run_scoped3A : memref<!tpu.dma_semaphore, #tpu.memory_space<semaphore_mem>>) src(%dma_wait3A_83 : memref<10240xf32, #tpu.memory_space<vmem>>) dst(%dma_wait3A_81 : memref<10240xf32, #tpu.memory_space<hbm>>)
      tpu.yield
    }) : () -> ()
    return
  }
}

#map = affine_map<(d0, d1) -> (0)>
module attributes {stable_mosaic.version = 14 : i64} {
  func.func @prep(%arg0: i32, %arg1: i32, %arg2: memref<320000xi32, #tpu.memory_space<hbm>>, %arg3: memref<10240xf32, #tpu.memory_space<hbm>>, %arg4: memref<10240xf32, #tpu.memory_space<hbm>>, %arg5: memref<10240xf32, #tpu.memory_space<hbm>>, %arg6: memref<10000xi32, #tpu.memory_space<vmem>>, %arg7: memref<10240xf32, #tpu.memory_space<vmem>>, %arg8: memref<16x640xf32, #tpu.memory_space<vmem>>, %arg9: memref<640xf32, #tpu.memory_space<vmem>>, %arg10: memref<16x10240xf32, #tpu.memory_space<vmem_shared>>) attributes {dimension_semantics = [#tpu.dimension_semantics<core_parallel>, #tpu.dimension_semantics<subcore_parallel>], iteration_bounds = array<i64: 2, 16>, scalar_prefetch = 0 : i64, scratch_operands = 5 : i64, tpu.core_type = #tpu.core_type<sc_vector_subcore>, window_params = [{transform_indices = #map}, {transform_indices = #map}, {transform_indices = #map}, {transform_indices = #map}]} {
    %eq3A = arith.constant 0 : i32
    %eq3A_0 = arith.cmpi eq, %arg0, %eq3A : i32
    %convert_element_type3A = arith.extui %eq3A_0 : i1 to i32
    %cond3A = arith.constant 0 : i32
    %cond3A_1 = arith.cmpi ne, %convert_element_type3A, %cond3A : i32
    scf.if %cond3A_1 {
      %mul3A_92 = arith.constant 10000 : i32
      %mul3A_93 = arith.muli %arg1, %mul3A_92 : i32
      %add3A = arith.constant 160000 : i32
      %add3A_94 = arith.addi %add3A, %mul3A_93 : i32
      "tpu.region"() ({
        %run_scoped3A_95 = tpu.sem_alloc : memref<!tpu.dma_semaphore, #tpu.memory_space<semaphore_mem>>
        %dma_start3A = tpu.memref_slice %arg2[%add3A_94] : memref<320000xi32, #tpu.memory_space<hbm>> -> memref<10000xi32, #tpu.memory_space<hbm>>
        %dma_start3A_96 = tpu.memref_slice %arg2[%add3A_94] : memref<320000xi32, #tpu.memory_space<hbm>> -> memref<10000xi32, #tpu.memory_space<hbm>>
        tpu.enqueue_dma source(%dma_start3A_96 : memref<10000xi32, #tpu.memory_space<hbm>>) target(%arg6 : memref<10000xi32, #tpu.memory_space<vmem>>) target_semaphore(%run_scoped3A_95 : memref<!tpu.dma_semaphore, #tpu.memory_space<semaphore_mem>>)
        %dma_wait3A = tpu.memref_slice %arg2[%add3A_94] : memref<320000xi32, #tpu.memory_space<hbm>> -> memref<10000xi32, #tpu.memory_space<hbm>>
        %dma_wait3A_97 = tpu.memref_slice %arg2[%add3A_94] : memref<320000xi32, #tpu.memory_space<hbm>> -> memref<10000xi32, #tpu.memory_space<hbm>>
        tpu.wait_dma2 semaphore(%run_scoped3A_95 : memref<!tpu.dma_semaphore, #tpu.memory_space<semaphore_mem>>) src(%dma_wait3A_97 : memref<10000xi32, #tpu.memory_space<hbm>>) dst(%arg6 : memref<10000xi32, #tpu.memory_space<vmem>>)
        tpu.yield
      }) : () -> ()
    } else {
    }
    %ne3A = arith.constant 0 : i32
    %ne3A_2 = arith.cmpi ne, %arg0, %ne3A : i32
    %convert_element_type3A_3 = arith.extui %ne3A_2 : i1 to i32
    %cond3A_4 = arith.constant 0 : i32
    %cond3A_5 = arith.cmpi ne, %convert_element_type3A_3, %cond3A_4 : i32
    scf.if %cond3A_5 {
      %mul3A_92 = arith.constant 10000 : i32
      %mul3A_93 = arith.muli %arg1, %mul3A_92 : i32
      "tpu.region"() ({
        %run_scoped3A_94 = tpu.sem_alloc : memref<!tpu.dma_semaphore, #tpu.memory_space<semaphore_mem>>
        %dma_start3A = tpu.memref_slice %arg2[%mul3A_93] : memref<320000xi32, #tpu.memory_space<hbm>> -> memref<10000xi32, #tpu.memory_space<hbm>>
        %dma_start3A_95 = tpu.memref_slice %arg2[%mul3A_93] : memref<320000xi32, #tpu.memory_space<hbm>> -> memref<10000xi32, #tpu.memory_space<hbm>>
        tpu.enqueue_dma source(%dma_start3A_95 : memref<10000xi32, #tpu.memory_space<hbm>>) target(%arg6 : memref<10000xi32, #tpu.memory_space<vmem>>) target_semaphore(%run_scoped3A_94 : memref<!tpu.dma_semaphore, #tpu.memory_space<semaphore_mem>>)
        %dma_wait3A = tpu.memref_slice %arg2[%mul3A_93] : memref<320000xi32, #tpu.memory_space<hbm>> -> memref<10000xi32, #tpu.memory_space<hbm>>
        %dma_wait3A_96 = tpu.memref_slice %arg2[%mul3A_93] : memref<320000xi32, #tpu.memory_space<hbm>> -> memref<10000xi32, #tpu.memory_space<hbm>>
        tpu.wait_dma2 semaphore(%run_scoped3A_94 : memref<!tpu.dma_semaphore, #tpu.memory_space<semaphore_mem>>) src(%dma_wait3A_96 : memref<10000xi32, #tpu.memory_space<hbm>>) dst(%arg6 : memref<10000xi32, #tpu.memory_space<vmem>>)
        tpu.yield
      }) : () -> ()
    } else {
    }
    "tpu.region"() ({
      %run_scoped3A_92 = tpu.sem_alloc : memref<!tpu.dma_semaphore, #tpu.memory_space<semaphore_mem>>
      tpu.enqueue_dma source(%arg3 : memref<10240xf32, #tpu.memory_space<hbm>>) target(%arg7 : memref<10240xf32, #tpu.memory_space<vmem>>) target_semaphore(%run_scoped3A_92 : memref<!tpu.dma_semaphore, #tpu.memory_space<semaphore_mem>>)
      tpu.wait_dma2 semaphore(%run_scoped3A_92 : memref<!tpu.dma_semaphore, #tpu.memory_space<semaphore_mem>>) src(%arg3 : memref<10240xf32, #tpu.memory_space<hbm>>) dst(%arg7 : memref<10240xf32, #tpu.memory_space<vmem>>)
      tpu.yield
    }) : () -> ()
    %broadcast_in_dim3A = arith.constant 1.000000e+00 : f32
    %broadcast_in_dim3A_6 = vector.broadcast %broadcast_in_dim3A : f32 to vector<16xf32>
    %scan3A = arith.constant 0 : i32
    %scan3A_7 = arith.constant 0 : i32
    %scan3A_8 = arith.constant 625 : i32
    %scan3A_9 = arith.addi %scan3A_7, %scan3A_8 : i32
    %scan3A_10 = arith.constant 1 : i32
    %scan3A_11 = scf.for %scan3A_92 = %scan3A_7 to %scan3A_9 step %scan3A_10 iter_args(%scan3A_93 = %scan3A) -> (i32)  : i32 {
      %mul3A_94 = arith.constant 16 : i32
      %mul3A_95 = arith.muli %scan3A_92, %mul3A_94 : i32
      %get3A = arith.index_cast %mul3A_95 : i32 to index
      %get3A_96 = tpu.vector_load %arg6[%get3A] {strides = array<i32>} : memref<10000xi32, #tpu.memory_space<vmem>>, vector<16xi32>,
      tpu.vector_store_idx %arg7[%get3A_96], %broadcast_in_dim3A_6 {add = true} : memref<10240xf32, #tpu.memory_space<vmem>>[vector<16xi32>], vector<16xf32>,
      %scan3A_97 = arith.constant 0 : i32
      scf.yield %scan3A_97 : i32
    }
    %scan3A_12 = arith.constant 625 : i32
    "tpu.region"() ({
      %run_scoped3A_92 = tpu.sem_alloc : memref<!tpu.dma_semaphore, #tpu.memory_space<semaphore_mem>>
      %dma_start3A = arith.constant 0 : i32
      %dma_start3A_93 = tpu.memref_slice %arg10[%arg1, %dma_start3A] : memref<16x10240xf32, #tpu.memory_space<vmem_shared>> -> memref<1x10240xf32, #tpu.memory_space<vmem_shared>>
      %dma_start3A_94 = tpu.memref_squeeze %dma_start3A_93 : memref<1x10240xf32, #tpu.memory_space<vmem_shared>> -> memref<10240xf32, #tpu.memory_space<vmem_shared>>
      %dma_start3A_95 = arith.constant 0 : i32
      %dma_start3A_96 = tpu.memref_slice %arg10[%arg1, %dma_start3A_95] : memref<16x10240xf32, #tpu.memory_space<vmem_shared>> -> memref<1x10240xf32, #tpu.memory_space<vmem_shared>>
      %dma_start3A_97 = tpu.memref_squeeze %dma_start3A_96 : memref<1x10240xf32, #tpu.memory_space<vmem_shared>> -> memref<10240xf32, #tpu.memory_space<vmem_shared>>
      tpu.enqueue_dma source(%arg7 : memref<10240xf32, #tpu.memory_space<vmem>>) target(%dma_start3A_97 : memref<10240xf32, #tpu.memory_space<vmem_shared>>) target_semaphore(%run_scoped3A_92 : memref<!tpu.dma_semaphore, #tpu.memory_space<semaphore_mem>>)
      %dma_wait3A = arith.constant 0 : i32
      %dma_wait3A_98 = tpu.memref_slice %arg10[%arg1, %dma_wait3A] : memref<16x10240xf32, #tpu.memory_space<vmem_shared>> -> memref<1x10240xf32, #tpu.memory_space<vmem_shared>>
      %dma_wait3A_99 = tpu.memref_squeeze %dma_wait3A_98 : memref<1x10240xf32, #tpu.memory_space<vmem_shared>> -> memref<10240xf32, #tpu.memory_space<vmem_shared>>
      %dma_wait3A_100 = arith.constant 0 : i32
      %dma_wait3A_101 = tpu.memref_slice %arg10[%arg1, %dma_wait3A_100] : memref<16x10240xf32, #tpu.memory_space<vmem_shared>> -> memref<1x10240xf32, #tpu.memory_space<vmem_shared>>
      %dma_wait3A_102 = tpu.memref_squeeze %dma_wait3A_101 : memref<1x10240xf32, #tpu.memory_space<vmem_shared>> -> memref<10240xf32, #tpu.memory_space<vmem_shared>>
      tpu.wait_dma2 semaphore(%run_scoped3A_92 : memref<!tpu.dma_semaphore, #tpu.memory_space<semaphore_mem>>) src(%arg7 : memref<10240xf32, #tpu.memory_space<vmem>>) dst(%dma_wait3A_102 : memref<10240xf32, #tpu.memory_space<vmem_shared>>)
      tpu.yield
    }) : () -> ()
    %barrier3A = arith.constant 0 : index
    tpu.barrier barrier_id(%barrier3A)
    %mul3A = arith.constant 640 : i32
    %mul3A_13 = arith.muli %mul3A, %arg1 : i32
    %run_scoped3A = arith.constant 0 : i32
    %run_scoped3A_14 = arith.constant 0 : i32
    "tpu.region"() ({
      %run_scoped3A_92 = tpu.sem_alloc : memref<!tpu.dma_semaphore, #tpu.memory_space<semaphore_mem>>
      %dma_start3A = arith.constant 0 : i32
      %dma_start3A_93 = tpu.memref_slice %arg8[%run_scoped3A_14, %dma_start3A] : memref<16x640xf32, #tpu.memory_space<vmem>> -> memref<1x640xf32, #tpu.memory_space<vmem>>
      %dma_start3A_94 = tpu.memref_squeeze %dma_start3A_93 : memref<1x640xf32, #tpu.memory_space<vmem>> -> memref<640xf32, #tpu.memory_space<vmem>>
      %dma_start3A_95 = tpu.memref_slice %arg10[%run_scoped3A, %mul3A_13] : memref<16x10240xf32, #tpu.memory_space<vmem_shared>> -> memref<1x640xf32, #tpu.memory_space<vmem_shared>>
      %dma_start3A_96 = tpu.memref_squeeze %dma_start3A_95 : memref<1x640xf32, #tpu.memory_space<vmem_shared>> -> memref<640xf32, #tpu.memory_space<vmem_shared>>
      %dma_start3A_97 = arith.constant 0 : i32
      %dma_start3A_98 = tpu.memref_slice %arg8[%run_scoped3A_14, %dma_start3A_97] : memref<16x640xf32, #tpu.memory_space<vmem>> -> memref<1x640xf32, #tpu.memory_space<vmem>>
      %dma_start3A_99 = tpu.memref_squeeze %dma_start3A_98 : memref<1x640xf32, #tpu.memory_space<vmem>> -> memref<640xf32, #tpu.memory_space<vmem>>
      %dma_start3A_100 = tpu.memref_slice %arg10[%run_scoped3A, %mul3A_13] : memref<16x10240xf32, #tpu.memory_space<vmem_shared>> -> memref<1x640xf32, #tpu.memory_space<vmem_shared>>
      %dma_start3A_101 = tpu.memref_squeeze %dma_start3A_100 : memref<1x640xf32, #tpu.memory_space<vmem_shared>> -> memref<640xf32, #tpu.memory_space<vmem_shared>>
      tpu.enqueue_dma source(%dma_start3A_101 : memref<640xf32, #tpu.memory_space<vmem_shared>>) target(%dma_start3A_99 : memref<640xf32, #tpu.memory_space<vmem>>) target_semaphore(%run_scoped3A_92 : memref<!tpu.dma_semaphore, #tpu.memory_space<semaphore_mem>>)
      %dma_wait3A = arith.constant 0 : i32
      %dma_wait3A_102 = tpu.memref_slice %arg8[%run_scoped3A_14, %dma_wait3A] : memref<16x640xf32, #tpu.memory_space<vmem>> -> memref<1x640xf32, #tpu.memory_space<vmem>>
      %dma_wait3A_103 = tpu.memref_squeeze %dma_wait3A_102 : memref<1x640xf32, #tpu.memory_space<vmem>> -> memref<640xf32, #tpu.memory_space<vmem>>
      %dma_wait3A_104 = tpu.memref_slice %arg10[%run_scoped3A, %mul3A_13] : memref<16x10240xf32, #tpu.memory_space<vmem_shared>> -> memref<1x640xf32, #tpu.memory_space<vmem_shared>>
      %dma_wait3A_105 = tpu.memref_squeeze %dma_wait3A_104 : memref<1x640xf32, #tpu.memory_space<vmem_shared>> -> memref<640xf32, #tpu.memory_space<vmem_shared>>
      %dma_wait3A_106 = arith.constant 0 : i32
      %dma_wait3A_107 = tpu.memref_slice %arg8[%run_scoped3A_14, %dma_wait3A_106] : memref<16x640xf32, #tpu.memory_space<vmem>> -> memref<1x640xf32, #tpu.memory_space<vmem>>
      %dma_wait3A_108 = tpu.memref_squeeze %dma_wait3A_107 : memref<1x640xf32, #tpu.memory_space<vmem>> -> memref<640xf32, #tpu.memory_space<vmem>>
      %dma_wait3A_109 = tpu.memref_slice %arg10[%run_scoped3A, %mul3A_13] : memref<16x10240xf32, #tpu.memory_space<vmem_shared>> -> memref<1x640xf32, #tpu.memory_space<vmem_shared>>
      %dma_wait3A_110 = tpu.memref_squeeze %dma_wait3A_109 : memref<1x640xf32, #tpu.memory_space<vmem_shared>> -> memref<640xf32, #tpu.memory_space<vmem_shared>>
      tpu.wait_dma2 semaphore(%run_scoped3A_92 : memref<!tpu.dma_semaphore, #tpu.memory_space<semaphore_mem>>) src(%dma_wait3A_110 : memref<640xf32, #tpu.memory_space<vmem_shared>>) dst(%dma_wait3A_108 : memref<640xf32, #tpu.memory_space<vmem>>)
      tpu.yield
    }) : () -> ()
    %mul3A_15 = arith.constant 640 : i32
    %mul3A_16 = arith.muli %mul3A_15, %arg1 : i32
    %run_scoped3A_17 = arith.constant 1 : i32
    %run_scoped3A_18 = arith.constant 1 : i32
    "tpu.region"() ({
      %run_scoped3A_92 = tpu.sem_alloc : memref<!tpu.dma_semaphore, #tpu.memory_space<semaphore_mem>>
      %dma_start3A = arith.constant 0 : i32
      %dma_start3A_93 = tpu.memref_slice %arg8[%run_scoped3A_18, %dma_start3A] : memref<16x640xf32, #tpu.memory_space<vmem>> -> memref<1x640xf32, #tpu.memory_space<vmem>>
      %dma_start3A_94 = tpu.memref_squeeze %dma_start3A_93 : memref<1x640xf32, #tpu.memory_space<vmem>> -> memref<640xf32, #tpu.memory_space<vmem>>
      %dma_start3A_95 = tpu.memref_slice %arg10[%run_scoped3A_17, %mul3A_16] : memref<16x10240xf32, #tpu.memory_space<vmem_shared>> -> memref<1x640xf32, #tpu.memory_space<vmem_shared>>
      %dma_start3A_96 = tpu.memref_squeeze %dma_start3A_95 : memref<1x640xf32, #tpu.memory_space<vmem_shared>> -> memref<640xf32, #tpu.memory_space<vmem_shared>>
      %dma_start3A_97 = arith.constant 0 : i32
      %dma_start3A_98 = tpu.memref_slice %arg8[%run_scoped3A_18, %dma_start3A_97] : memref<16x640xf32, #tpu.memory_space<vmem>> -> memref<1x640xf32, #tpu.memory_space<vmem>>
      %dma_start3A_99 = tpu.memref_squeeze %dma_start3A_98 : memref<1x640xf32, #tpu.memory_space<vmem>> -> memref<640xf32, #tpu.memory_space<vmem>>
      %dma_start3A_100 = tpu.memref_slice %arg10[%run_scoped3A_17, %mul3A_16] : memref<16x10240xf32, #tpu.memory_space<vmem_shared>> -> memref<1x640xf32, #tpu.memory_space<vmem_shared>>
      %dma_start3A_101 = tpu.memref_squeeze %dma_start3A_100 : memref<1x640xf32, #tpu.memory_space<vmem_shared>> -> memref<640xf32, #tpu.memory_space<vmem_shared>>
      tpu.enqueue_dma source(%dma_start3A_101 : memref<640xf32, #tpu.memory_space<vmem_shared>>) target(%dma_start3A_99 : memref<640xf32, #tpu.memory_space<vmem>>) target_semaphore(%run_scoped3A_92 : memref<!tpu.dma_semaphore, #tpu.memory_space<semaphore_mem>>)
      %dma_wait3A = arith.constant 0 : i32
      %dma_wait3A_102 = tpu.memref_slice %arg8[%run_scoped3A_18, %dma_wait3A] : memref<16x640xf32, #tpu.memory_space<vmem>> -> memref<1x640xf32, #tpu.memory_space<vmem>>
      %dma_wait3A_103 = tpu.memref_squeeze %dma_wait3A_102 : memref<1x640xf32, #tpu.memory_space<vmem>> -> memref<640xf32, #tpu.memory_space<vmem>>
      %dma_wait3A_104 = tpu.memref_slice %arg10[%run_scoped3A_17, %mul3A_16] : memref<16x10240xf32, #tpu.memory_space<vmem_shared>> -> memref<1x640xf32, #tpu.memory_space<vmem_shared>>
      %dma_wait3A_105 = tpu.memref_squeeze %dma_wait3A_104 : memref<1x640xf32, #tpu.memory_space<vmem_shared>> -> memref<640xf32, #tpu.memory_space<vmem_shared>>
      %dma_wait3A_106 = arith.constant 0 : i32
      %dma_wait3A_107 = tpu.memref_slice %arg8[%run_scoped3A_18, %dma_wait3A_106] : memref<16x640xf32, #tpu.memory_space<vmem>> -> memref<1x640xf32, #tpu.memory_space<vmem>>
      %dma_wait3A_108 = tpu.memref_squeeze %dma_wait3A_107 : memref<1x640xf32, #tpu.memory_space<vmem>> -> memref<640xf32, #tpu.memory_space<vmem>>
      %dma_wait3A_109 = tpu.memref_slice %arg10[%run_scoped3A_17, %mul3A_16] : memref<16x10240xf32, #tpu.memory_space<vmem_shared>> -> memref<1x640xf32, #tpu.memory_space<vmem_shared>>
      %dma_wait3A_110 = tpu.memref_squeeze %dma_wait3A_109 : memref<1x640xf32, #tpu.memory_space<vmem_shared>> -> memref<640xf32, #tpu.memory_space<vmem_shared>>
      tpu.wait_dma2 semaphore(%run_scoped3A_92 : memref<!tpu.dma_semaphore, #tpu.memory_space<semaphore_mem>>) src(%dma_wait3A_110 : memref<640xf32, #tpu.memory_space<vmem_shared>>) dst(%dma_wait3A_108 : memref<640xf32, #tpu.memory_space<vmem>>)
      tpu.yield
    }) : () -> ()
    %mul3A_19 = arith.constant 640 : i32
    %mul3A_20 = arith.muli %mul3A_19, %arg1 : i32
    %run_scoped3A_21 = arith.constant 2 : i32
    %run_scoped3A_22 = arith.constant 2 : i32
    "tpu.region"() ({
      %run_scoped3A_92 = tpu.sem_alloc : memref<!tpu.dma_semaphore, #tpu.memory_space<semaphore_mem>>
      %dma_start3A = arith.constant 0 : i32
      %dma_start3A_93 = tpu.memref_slice %arg8[%run_scoped3A_22, %dma_start3A] : memref<16x640xf32, #tpu.memory_space<vmem>> -> memref<1x640xf32, #tpu.memory_space<vmem>>
      %dma_start3A_94 = tpu.memref_squeeze %dma_start3A_93 : memref<1x640xf32, #tpu.memory_space<vmem>> -> memref<640xf32, #tpu.memory_space<vmem>>
      %dma_start3A_95 = tpu.memref_slice %arg10[%run_scoped3A_21, %mul3A_20] : memref<16x10240xf32, #tpu.memory_space<vmem_shared>> -> memref<1x640xf32, #tpu.memory_space<vmem_shared>>
      %dma_start3A_96 = tpu.memref_squeeze %dma_start3A_95 : memref<1x640xf32, #tpu.memory_space<vmem_shared>> -> memref<640xf32, #tpu.memory_space<vmem_shared>>
      %dma_start3A_97 = arith.constant 0 : i32
      %dma_start3A_98 = tpu.memref_slice %arg8[%run_scoped3A_22, %dma_start3A_97] : memref<16x640xf32, #tpu.memory_space<vmem>> -> memref<1x640xf32, #tpu.memory_space<vmem>>
      %dma_start3A_99 = tpu.memref_squeeze %dma_start3A_98 : memref<1x640xf32, #tpu.memory_space<vmem>> -> memref<640xf32, #tpu.memory_space<vmem>>
      %dma_start3A_100 = tpu.memref_slice %arg10[%run_scoped3A_21, %mul3A_20] : memref<16x10240xf32, #tpu.memory_space<vmem_shared>> -> memref<1x640xf32, #tpu.memory_space<vmem_shared>>
      %dma_start3A_101 = tpu.memref_squeeze %dma_start3A_100 : memref<1x640xf32, #tpu.memory_space<vmem_shared>> -> memref<640xf32, #tpu.memory_space<vmem_shared>>
      tpu.enqueue_dma source(%dma_start3A_101 : memref<640xf32, #tpu.memory_space<vmem_shared>>) target(%dma_start3A_99 : memref<640xf32, #tpu.memory_space<vmem>>) target_semaphore(%run_scoped3A_92 : memref<!tpu.dma_semaphore, #tpu.memory_space<semaphore_mem>>)
      %dma_wait3A = arith.constant 0 : i32
      %dma_wait3A_102 = tpu.memref_slice %arg8[%run_scoped3A_22, %dma_wait3A] : memref<16x640xf32, #tpu.memory_space<vmem>> -> memref<1x640xf32, #tpu.memory_space<vmem>>
      %dma_wait3A_103 = tpu.memref_squeeze %dma_wait3A_102 : memref<1x640xf32, #tpu.memory_space<vmem>> -> memref<640xf32, #tpu.memory_space<vmem>>
      %dma_wait3A_104 = tpu.memref_slice %arg10[%run_scoped3A_21, %mul3A_20] : memref<16x10240xf32, #tpu.memory_space<vmem_shared>> -> memref<1x640xf32, #tpu.memory_space<vmem_shared>>
      %dma_wait3A_105 = tpu.memref_squeeze %dma_wait3A_104 : memref<1x640xf32, #tpu.memory_space<vmem_shared>> -> memref<640xf32, #tpu.memory_space<vmem_shared>>
      %dma_wait3A_106 = arith.constant 0 : i32
      %dma_wait3A_107 = tpu.memref_slice %arg8[%run_scoped3A_22, %dma_wait3A_106] : memref<16x640xf32, #tpu.memory_space<vmem>> -> memref<1x640xf32, #tpu.memory_space<vmem>>
      %dma_wait3A_108 = tpu.memref_squeeze %dma_wait3A_107 : memref<1x640xf32, #tpu.memory_space<vmem>> -> memref<640xf32, #tpu.memory_space<vmem>>
      %dma_wait3A_109 = tpu.memref_slice %arg10[%run_scoped3A_21, %mul3A_20] : memref<16x10240xf32, #tpu.memory_space<vmem_shared>> -> memref<1x640xf32, #tpu.memory_space<vmem_shared>>
      %dma_wait3A_110 = tpu.memref_squeeze %dma_wait3A_109 : memref<1x640xf32, #tpu.memory_space<vmem_shared>> -> memref<640xf32, #tpu.memory_space<vmem_shared>>
      tpu.wait_dma2 semaphore(%run_scoped3A_92 : memref<!tpu.dma_semaphore, #tpu.memory_space<semaphore_mem>>) src(%dma_wait3A_110 : memref<640xf32, #tpu.memory_space<vmem_shared>>) dst(%dma_wait3A_108 : memref<640xf32, #tpu.memory_space<vmem>>)
      tpu.yield
    }) : () -> ()
    %mul3A_23 = arith.constant 640 : i32
    %mul3A_24 = arith.muli %mul3A_23, %arg1 : i32
    %run_scoped3A_25 = arith.constant 3 : i32
    %run_scoped3A_26 = arith.constant 3 : i32
    "tpu.region"() ({
      %run_scoped3A_92 = tpu.sem_alloc : memref<!tpu.dma_semaphore, #tpu.memory_space<semaphore_mem>>
      %dma_start3A = arith.constant 0 : i32
      %dma_start3A_93 = tpu.memref_slice %arg8[%run_scoped3A_26, %dma_start3A] : memref<16x640xf32, #tpu.memory_space<vmem>> -> memref<1x640xf32, #tpu.memory_space<vmem>>
      %dma_start3A_94 = tpu.memref_squeeze %dma_start3A_93 : memref<1x640xf32, #tpu.memory_space<vmem>> -> memref<640xf32, #tpu.memory_space<vmem>>
      %dma_start3A_95 = tpu.memref_slice %arg10[%run_scoped3A_25, %mul3A_24] : memref<16x10240xf32, #tpu.memory_space<vmem_shared>> -> memref<1x640xf32, #tpu.memory_space<vmem_shared>>
      %dma_start3A_96 = tpu.memref_squeeze %dma_start3A_95 : memref<1x640xf32, #tpu.memory_space<vmem_shared>> -> memref<640xf32, #tpu.memory_space<vmem_shared>>
      %dma_start3A_97 = arith.constant 0 : i32
      %dma_start3A_98 = tpu.memref_slice %arg8[%run_scoped3A_26, %dma_start3A_97] : memref<16x640xf32, #tpu.memory_space<vmem>> -> memref<1x640xf32, #tpu.memory_space<vmem>>
      %dma_start3A_99 = tpu.memref_squeeze %dma_start3A_98 : memref<1x640xf32, #tpu.memory_space<vmem>> -> memref<640xf32, #tpu.memory_space<vmem>>
      %dma_start3A_100 = tpu.memref_slice %arg10[%run_scoped3A_25, %mul3A_24] : memref<16x10240xf32, #tpu.memory_space<vmem_shared>> -> memref<1x640xf32, #tpu.memory_space<vmem_shared>>
      %dma_start3A_101 = tpu.memref_squeeze %dma_start3A_100 : memref<1x640xf32, #tpu.memory_space<vmem_shared>> -> memref<640xf32, #tpu.memory_space<vmem_shared>>
      tpu.enqueue_dma source(%dma_start3A_101 : memref<640xf32, #tpu.memory_space<vmem_shared>>) target(%dma_start3A_99 : memref<640xf32, #tpu.memory_space<vmem>>) target_semaphore(%run_scoped3A_92 : memref<!tpu.dma_semaphore, #tpu.memory_space<semaphore_mem>>)
      %dma_wait3A = arith.constant 0 : i32
      %dma_wait3A_102 = tpu.memref_slice %arg8[%run_scoped3A_26, %dma_wait3A] : memref<16x640xf32, #tpu.memory_space<vmem>> -> memref<1x640xf32, #tpu.memory_space<vmem>>
      %dma_wait3A_103 = tpu.memref_squeeze %dma_wait3A_102 : memref<1x640xf32, #tpu.memory_space<vmem>> -> memref<640xf32, #tpu.memory_space<vmem>>
      %dma_wait3A_104 = tpu.memref_slice %arg10[%run_scoped3A_25, %mul3A_24] : memref<16x10240xf32, #tpu.memory_space<vmem_shared>> -> memref<1x640xf32, #tpu.memory_space<vmem_shared>>
      %dma_wait3A_105 = tpu.memref_squeeze %dma_wait3A_104 : memref<1x640xf32, #tpu.memory_space<vmem_shared>> -> memref<640xf32, #tpu.memory_space<vmem_shared>>
      %dma_wait3A_106 = arith.constant 0 : i32
      %dma_wait3A_107 = tpu.memref_slice %arg8[%run_scoped3A_26, %dma_wait3A_106] : memref<16x640xf32, #tpu.memory_space<vmem>> -> memref<1x640xf32, #tpu.memory_space<vmem>>
      %dma_wait3A_108 = tpu.memref_squeeze %dma_wait3A_107 : memref<1x640xf32, #tpu.memory_space<vmem>> -> memref<640xf32, #tpu.memory_space<vmem>>
      %dma_wait3A_109 = tpu.memref_slice %arg10[%run_scoped3A_25, %mul3A_24] : memref<16x10240xf32, #tpu.memory_space<vmem_shared>> -> memref<1x640xf32, #tpu.memory_space<vmem_shared>>
      %dma_wait3A_110 = tpu.memref_squeeze %dma_wait3A_109 : memref<1x640xf32, #tpu.memory_space<vmem_shared>> -> memref<640xf32, #tpu.memory_space<vmem_shared>>
      tpu.wait_dma2 semaphore(%run_scoped3A_92 : memref<!tpu.dma_semaphore, #tpu.memory_space<semaphore_mem>>) src(%dma_wait3A_110 : memref<640xf32, #tpu.memory_space<vmem_shared>>) dst(%dma_wait3A_108 : memref<640xf32, #tpu.memory_space<vmem>>)
      tpu.yield
    }) : () -> ()
    %mul3A_27 = arith.constant 640 : i32
    %mul3A_28 = arith.muli %mul3A_27, %arg1 : i32
    %run_scoped3A_29 = arith.constant 4 : i32
    %run_scoped3A_30 = arith.constant 4 : i32
    "tpu.region"() ({
      %run_scoped3A_92 = tpu.sem_alloc : memref<!tpu.dma_semaphore, #tpu.memory_space<semaphore_mem>>
      %dma_start3A = arith.constant 0 : i32
      %dma_start3A_93 = tpu.memref_slice %arg8[%run_scoped3A_30, %dma_start3A] : memref<16x640xf32, #tpu.memory_space<vmem>> -> memref<1x640xf32, #tpu.memory_space<vmem>>
      %dma_start3A_94 = tpu.memref_squeeze %dma_start3A_93 : memref<1x640xf32, #tpu.memory_space<vmem>> -> memref<640xf32, #tpu.memory_space<vmem>>
      %dma_start3A_95 = tpu.memref_slice %arg10[%run_scoped3A_29, %mul3A_28] : memref<16x10240xf32, #tpu.memory_space<vmem_shared>> -> memref<1x640xf32, #tpu.memory_space<vmem_shared>>
      %dma_start3A_96 = tpu.memref_squeeze %dma_start3A_95 : memref<1x640xf32, #tpu.memory_space<vmem_shared>> -> memref<640xf32, #tpu.memory_space<vmem_shared>>
      %dma_start3A_97 = arith.constant 0 : i32
      %dma_start3A_98 = tpu.memref_slice %arg8[%run_scoped3A_30, %dma_start3A_97] : memref<16x640xf32, #tpu.memory_space<vmem>> -> memref<1x640xf32, #tpu.memory_space<vmem>>
      %dma_start3A_99 = tpu.memref_squeeze %dma_start3A_98 : memref<1x640xf32, #tpu.memory_space<vmem>> -> memref<640xf32, #tpu.memory_space<vmem>>
      %dma_start3A_100 = tpu.memref_slice %arg10[%run_scoped3A_29, %mul3A_28] : memref<16x10240xf32, #tpu.memory_space<vmem_shared>> -> memref<1x640xf32, #tpu.memory_space<vmem_shared>>
      %dma_start3A_101 = tpu.memref_squeeze %dma_start3A_100 : memref<1x640xf32, #tpu.memory_space<vmem_shared>> -> memref<640xf32, #tpu.memory_space<vmem_shared>>
      tpu.enqueue_dma source(%dma_start3A_101 : memref<640xf32, #tpu.memory_space<vmem_shared>>) target(%dma_start3A_99 : memref<640xf32, #tpu.memory_space<vmem>>) target_semaphore(%run_scoped3A_92 : memref<!tpu.dma_semaphore, #tpu.memory_space<semaphore_mem>>)
      %dma_wait3A = arith.constant 0 : i32
      %dma_wait3A_102 = tpu.memref_slice %arg8[%run_scoped3A_30, %dma_wait3A] : memref<16x640xf32, #tpu.memory_space<vmem>> -> memref<1x640xf32, #tpu.memory_space<vmem>>
      %dma_wait3A_103 = tpu.memref_squeeze %dma_wait3A_102 : memref<1x640xf32, #tpu.memory_space<vmem>> -> memref<640xf32, #tpu.memory_space<vmem>>
      %dma_wait3A_104 = tpu.memref_slice %arg10[%run_scoped3A_29, %mul3A_28] : memref<16x10240xf32, #tpu.memory_space<vmem_shared>> -> memref<1x640xf32, #tpu.memory_space<vmem_shared>>
      %dma_wait3A_105 = tpu.memref_squeeze %dma_wait3A_104 : memref<1x640xf32, #tpu.memory_space<vmem_shared>> -> memref<640xf32, #tpu.memory_space<vmem_shared>>
      %dma_wait3A_106 = arith.constant 0 : i32
      %dma_wait3A_107 = tpu.memref_slice %arg8[%run_scoped3A_30, %dma_wait3A_106] : memref<16x640xf32, #tpu.memory_space<vmem>> -> memref<1x640xf32, #tpu.memory_space<vmem>>
      %dma_wait3A_108 = tpu.memref_squeeze %dma_wait3A_107 : memref<1x640xf32, #tpu.memory_space<vmem>> -> memref<640xf32, #tpu.memory_space<vmem>>
      %dma_wait3A_109 = tpu.memref_slice %arg10[%run_scoped3A_29, %mul3A_28] : memref<16x10240xf32, #tpu.memory_space<vmem_shared>> -> memref<1x640xf32, #tpu.memory_space<vmem_shared>>
      %dma_wait3A_110 = tpu.memref_squeeze %dma_wait3A_109 : memref<1x640xf32, #tpu.memory_space<vmem_shared>> -> memref<640xf32, #tpu.memory_space<vmem_shared>>
      tpu.wait_dma2 semaphore(%run_scoped3A_92 : memref<!tpu.dma_semaphore, #tpu.memory_space<semaphore_mem>>) src(%dma_wait3A_110 : memref<640xf32, #tpu.memory_space<vmem_shared>>) dst(%dma_wait3A_108 : memref<640xf32, #tpu.memory_space<vmem>>)
      tpu.yield
    }) : () -> ()
    %mul3A_31 = arith.constant 640 : i32
    %mul3A_32 = arith.muli %mul3A_31, %arg1 : i32
    %run_scoped3A_33 = arith.constant 5 : i32
    %run_scoped3A_34 = arith.constant 5 : i32
    "tpu.region"() ({
      %run_scoped3A_92 = tpu.sem_alloc : memref<!tpu.dma_semaphore, #tpu.memory_space<semaphore_mem>>
      %dma_start3A = arith.constant 0 : i32
      %dma_start3A_93 = tpu.memref_slice %arg8[%run_scoped3A_34, %dma_start3A] : memref<16x640xf32, #tpu.memory_space<vmem>> -> memref<1x640xf32, #tpu.memory_space<vmem>>
      %dma_start3A_94 = tpu.memref_squeeze %dma_start3A_93 : memref<1x640xf32, #tpu.memory_space<vmem>> -> memref<640xf32, #tpu.memory_space<vmem>>
      %dma_start3A_95 = tpu.memref_slice %arg10[%run_scoped3A_33, %mul3A_32] : memref<16x10240xf32, #tpu.memory_space<vmem_shared>> -> memref<1x640xf32, #tpu.memory_space<vmem_shared>>
      %dma_start3A_96 = tpu.memref_squeeze %dma_start3A_95 : memref<1x640xf32, #tpu.memory_space<vmem_shared>> -> memref<640xf32, #tpu.memory_space<vmem_shared>>
      %dma_start3A_97 = arith.constant 0 : i32
      %dma_start3A_98 = tpu.memref_slice %arg8[%run_scoped3A_34, %dma_start3A_97] : memref<16x640xf32, #tpu.memory_space<vmem>> -> memref<1x640xf32, #tpu.memory_space<vmem>>
      %dma_start3A_99 = tpu.memref_squeeze %dma_start3A_98 : memref<1x640xf32, #tpu.memory_space<vmem>> -> memref<640xf32, #tpu.memory_space<vmem>>
      %dma_start3A_100 = tpu.memref_slice %arg10[%run_scoped3A_33, %mul3A_32] : memref<16x10240xf32, #tpu.memory_space<vmem_shared>> -> memref<1x640xf32, #tpu.memory_space<vmem_shared>>
      %dma_start3A_101 = tpu.memref_squeeze %dma_start3A_100 : memref<1x640xf32, #tpu.memory_space<vmem_shared>> -> memref<640xf32, #tpu.memory_space<vmem_shared>>
      tpu.enqueue_dma source(%dma_start3A_101 : memref<640xf32, #tpu.memory_space<vmem_shared>>) target(%dma_start3A_99 : memref<640xf32, #tpu.memory_space<vmem>>) target_semaphore(%run_scoped3A_92 : memref<!tpu.dma_semaphore, #tpu.memory_space<semaphore_mem>>)
      %dma_wait3A = arith.constant 0 : i32
      %dma_wait3A_102 = tpu.memref_slice %arg8[%run_scoped3A_34, %dma_wait3A] : memref<16x640xf32, #tpu.memory_space<vmem>> -> memref<1x640xf32, #tpu.memory_space<vmem>>
      %dma_wait3A_103 = tpu.memref_squeeze %dma_wait3A_102 : memref<1x640xf32, #tpu.memory_space<vmem>> -> memref<640xf32, #tpu.memory_space<vmem>>
      %dma_wait3A_104 = tpu.memref_slice %arg10[%run_scoped3A_33, %mul3A_32] : memref<16x10240xf32, #tpu.memory_space<vmem_shared>> -> memref<1x640xf32, #tpu.memory_space<vmem_shared>>
      %dma_wait3A_105 = tpu.memref_squeeze %dma_wait3A_104 : memref<1x640xf32, #tpu.memory_space<vmem_shared>> -> memref<640xf32, #tpu.memory_space<vmem_shared>>
      %dma_wait3A_106 = arith.constant 0 : i32
      %dma_wait3A_107 = tpu.memref_slice %arg8[%run_scoped3A_34, %dma_wait3A_106] : memref<16x640xf32, #tpu.memory_space<vmem>> -> memref<1x640xf32, #tpu.memory_space<vmem>>
      %dma_wait3A_108 = tpu.memref_squeeze %dma_wait3A_107 : memref<1x640xf32, #tpu.memory_space<vmem>> -> memref<640xf32, #tpu.memory_space<vmem>>
      %dma_wait3A_109 = tpu.memref_slice %arg10[%run_scoped3A_33, %mul3A_32] : memref<16x10240xf32, #tpu.memory_space<vmem_shared>> -> memref<1x640xf32, #tpu.memory_space<vmem_shared>>
      %dma_wait3A_110 = tpu.memref_squeeze %dma_wait3A_109 : memref<1x640xf32, #tpu.memory_space<vmem_shared>> -> memref<640xf32, #tpu.memory_space<vmem_shared>>
      tpu.wait_dma2 semaphore(%run_scoped3A_92 : memref<!tpu.dma_semaphore, #tpu.memory_space<semaphore_mem>>) src(%dma_wait3A_110 : memref<640xf32, #tpu.memory_space<vmem_shared>>) dst(%dma_wait3A_108 : memref<640xf32, #tpu.memory_space<vmem>>)
      tpu.yield
    }) : () -> ()
    %mul3A_35 = arith.constant 640 : i32
    %mul3A_36 = arith.muli %mul3A_35, %arg1 : i32
    %run_scoped3A_37 = arith.constant 6 : i32
    %run_scoped3A_38 = arith.constant 6 : i32
    "tpu.region"() ({
      %run_scoped3A_92 = tpu.sem_alloc : memref<!tpu.dma_semaphore, #tpu.memory_space<semaphore_mem>>
      %dma_start3A = arith.constant 0 : i32
      %dma_start3A_93 = tpu.memref_slice %arg8[%run_scoped3A_38, %dma_start3A] : memref<16x640xf32, #tpu.memory_space<vmem>> -> memref<1x640xf32, #tpu.memory_space<vmem>>
      %dma_start3A_94 = tpu.memref_squeeze %dma_start3A_93 : memref<1x640xf32, #tpu.memory_space<vmem>> -> memref<640xf32, #tpu.memory_space<vmem>>
      %dma_start3A_95 = tpu.memref_slice %arg10[%run_scoped3A_37, %mul3A_36] : memref<16x10240xf32, #tpu.memory_space<vmem_shared>> -> memref<1x640xf32, #tpu.memory_space<vmem_shared>>
      %dma_start3A_96 = tpu.memref_squeeze %dma_start3A_95 : memref<1x640xf32, #tpu.memory_space<vmem_shared>> -> memref<640xf32, #tpu.memory_space<vmem_shared>>
      %dma_start3A_97 = arith.constant 0 : i32
      %dma_start3A_98 = tpu.memref_slice %arg8[%run_scoped3A_38, %dma_start3A_97] : memref<16x640xf32, #tpu.memory_space<vmem>> -> memref<1x640xf32, #tpu.memory_space<vmem>>
      %dma_start3A_99 = tpu.memref_squeeze %dma_start3A_98 : memref<1x640xf32, #tpu.memory_space<vmem>> -> memref<640xf32, #tpu.memory_space<vmem>>
      %dma_start3A_100 = tpu.memref_slice %arg10[%run_scoped3A_37, %mul3A_36] : memref<16x10240xf32, #tpu.memory_space<vmem_shared>> -> memref<1x640xf32, #tpu.memory_space<vmem_shared>>
      %dma_start3A_101 = tpu.memref_squeeze %dma_start3A_100 : memref<1x640xf32, #tpu.memory_space<vmem_shared>> -> memref<640xf32, #tpu.memory_space<vmem_shared>>
      tpu.enqueue_dma source(%dma_start3A_101 : memref<640xf32, #tpu.memory_space<vmem_shared>>) target(%dma_start3A_99 : memref<640xf32, #tpu.memory_space<vmem>>) target_semaphore(%run_scoped3A_92 : memref<!tpu.dma_semaphore, #tpu.memory_space<semaphore_mem>>)
      %dma_wait3A = arith.constant 0 : i32
      %dma_wait3A_102 = tpu.memref_slice %arg8[%run_scoped3A_38, %dma_wait3A] : memref<16x640xf32, #tpu.memory_space<vmem>> -> memref<1x640xf32, #tpu.memory_space<vmem>>
      %dma_wait3A_103 = tpu.memref_squeeze %dma_wait3A_102 : memref<1x640xf32, #tpu.memory_space<vmem>> -> memref<640xf32, #tpu.memory_space<vmem>>
      %dma_wait3A_104 = tpu.memref_slice %arg10[%run_scoped3A_37, %mul3A_36] : memref<16x10240xf32, #tpu.memory_space<vmem_shared>> -> memref<1x640xf32, #tpu.memory_space<vmem_shared>>
      %dma_wait3A_105 = tpu.memref_squeeze %dma_wait3A_104 : memref<1x640xf32, #tpu.memory_space<vmem_shared>> -> memref<640xf32, #tpu.memory_space<vmem_shared>>
      %dma_wait3A_106 = arith.constant 0 : i32
      %dma_wait3A_107 = tpu.memref_slice %arg8[%run_scoped3A_38, %dma_wait3A_106] : memref<16x640xf32, #tpu.memory_space<vmem>> -> memref<1x640xf32, #tpu.memory_space<vmem>>
      %dma_wait3A_108 = tpu.memref_squeeze %dma_wait3A_107 : memref<1x640xf32, #tpu.memory_space<vmem>> -> memref<640xf32, #tpu.memory_space<vmem>>
      %dma_wait3A_109 = tpu.memref_slice %arg10[%run_scoped3A_37, %mul3A_36] : memref<16x10240xf32, #tpu.memory_space<vmem_shared>> -> memref<1x640xf32, #tpu.memory_space<vmem_shared>>
      %dma_wait3A_110 = tpu.memref_squeeze %dma_wait3A_109 : memref<1x640xf32, #tpu.memory_space<vmem_shared>> -> memref<640xf32, #tpu.memory_space<vmem_shared>>
      tpu.wait_dma2 semaphore(%run_scoped3A_92 : memref<!tpu.dma_semaphore, #tpu.memory_space<semaphore_mem>>) src(%dma_wait3A_110 : memref<640xf32, #tpu.memory_space<vmem_shared>>) dst(%dma_wait3A_108 : memref<640xf32, #tpu.memory_space<vmem>>)
      tpu.yield
    }) : () -> ()
    %mul3A_39 = arith.constant 640 : i32
    %mul3A_40 = arith.muli %mul3A_39, %arg1 : i32
    %run_scoped3A_41 = arith.constant 7 : i32
    %run_scoped3A_42 = arith.constant 7 : i32
    "tpu.region"() ({
      %run_scoped3A_92 = tpu.sem_alloc : memref<!tpu.dma_semaphore, #tpu.memory_space<semaphore_mem>>
      %dma_start3A = arith.constant 0 : i32
      %dma_start3A_93 = tpu.memref_slice %arg8[%run_scoped3A_42, %dma_start3A] : memref<16x640xf32, #tpu.memory_space<vmem>> -> memref<1x640xf32, #tpu.memory_space<vmem>>
      %dma_start3A_94 = tpu.memref_squeeze %dma_start3A_93 : memref<1x640xf32, #tpu.memory_space<vmem>> -> memref<640xf32, #tpu.memory_space<vmem>>
      %dma_start3A_95 = tpu.memref_slice %arg10[%run_scoped3A_41, %mul3A_40] : memref<16x10240xf32, #tpu.memory_space<vmem_shared>> -> memref<1x640xf32, #tpu.memory_space<vmem_shared>>
      %dma_start3A_96 = tpu.memref_squeeze %dma_start3A_95 : memref<1x640xf32, #tpu.memory_space<vmem_shared>> -> memref<640xf32, #tpu.memory_space<vmem_shared>>
      %dma_start3A_97 = arith.constant 0 : i32
      %dma_start3A_98 = tpu.memref_slice %arg8[%run_scoped3A_42, %dma_start3A_97] : memref<16x640xf32, #tpu.memory_space<vmem>> -> memref<1x640xf32, #tpu.memory_space<vmem>>
      %dma_start3A_99 = tpu.memref_squeeze %dma_start3A_98 : memref<1x640xf32, #tpu.memory_space<vmem>> -> memref<640xf32, #tpu.memory_space<vmem>>
      %dma_start3A_100 = tpu.memref_slice %arg10[%run_scoped3A_41, %mul3A_40] : memref<16x10240xf32, #tpu.memory_space<vmem_shared>> -> memref<1x640xf32, #tpu.memory_space<vmem_shared>>
      %dma_start3A_101 = tpu.memref_squeeze %dma_start3A_100 : memref<1x640xf32, #tpu.memory_space<vmem_shared>> -> memref<640xf32, #tpu.memory_space<vmem_shared>>
      tpu.enqueue_dma source(%dma_start3A_101 : memref<640xf32, #tpu.memory_space<vmem_shared>>) target(%dma_start3A_99 : memref<640xf32, #tpu.memory_space<vmem>>) target_semaphore(%run_scoped3A_92 : memref<!tpu.dma_semaphore, #tpu.memory_space<semaphore_mem>>)
      %dma_wait3A = arith.constant 0 : i32
      %dma_wait3A_102 = tpu.memref_slice %arg8[%run_scoped3A_42, %dma_wait3A] : memref<16x640xf32, #tpu.memory_space<vmem>> -> memref<1x640xf32, #tpu.memory_space<vmem>>
      %dma_wait3A_103 = tpu.memref_squeeze %dma_wait3A_102 : memref<1x640xf32, #tpu.memory_space<vmem>> -> memref<640xf32, #tpu.memory_space<vmem>>
      %dma_wait3A_104 = tpu.memref_slice %arg10[%run_scoped3A_41, %mul3A_40] : memref<16x10240xf32, #tpu.memory_space<vmem_shared>> -> memref<1x640xf32, #tpu.memory_space<vmem_shared>>
      %dma_wait3A_105 = tpu.memref_squeeze %dma_wait3A_104 : memref<1x640xf32, #tpu.memory_space<vmem_shared>> -> memref<640xf32, #tpu.memory_space<vmem_shared>>
      %dma_wait3A_106 = arith.constant 0 : i32
      %dma_wait3A_107 = tpu.memref_slice %arg8[%run_scoped3A_42, %dma_wait3A_106] : memref<16x640xf32, #tpu.memory_space<vmem>> -> memref<1x640xf32, #tpu.memory_space<vmem>>
      %dma_wait3A_108 = tpu.memref_squeeze %dma_wait3A_107 : memref<1x640xf32, #tpu.memory_space<vmem>> -> memref<640xf32, #tpu.memory_space<vmem>>
      %dma_wait3A_109 = tpu.memref_slice %arg10[%run_scoped3A_41, %mul3A_40] : memref<16x10240xf32, #tpu.memory_space<vmem_shared>> -> memref<1x640xf32, #tpu.memory_space<vmem_shared>>
      %dma_wait3A_110 = tpu.memref_squeeze %dma_wait3A_109 : memref<1x640xf32, #tpu.memory_space<vmem_shared>> -> memref<640xf32, #tpu.memory_space<vmem_shared>>
      tpu.wait_dma2 semaphore(%run_scoped3A_92 : memref<!tpu.dma_semaphore, #tpu.memory_space<semaphore_mem>>) src(%dma_wait3A_110 : memref<640xf32, #tpu.memory_space<vmem_shared>>) dst(%dma_wait3A_108 : memref<640xf32, #tpu.memory_space<vmem>>)
      tpu.yield
    }) : () -> ()
    %mul3A_43 = arith.constant 640 : i32
    %mul3A_44 = arith.muli %mul3A_43, %arg1 : i32
    %run_scoped3A_45 = arith.constant 8 : i32
    %run_scoped3A_46 = arith.constant 8 : i32
    "tpu.region"() ({
      %run_scoped3A_92 = tpu.sem_alloc : memref<!tpu.dma_semaphore, #tpu.memory_space<semaphore_mem>>
      %dma_start3A = arith.constant 0 : i32
      %dma_start3A_93 = tpu.memref_slice %arg8[%run_scoped3A_46, %dma_start3A] : memref<16x640xf32, #tpu.memory_space<vmem>> -> memref<1x640xf32, #tpu.memory_space<vmem>>
      %dma_start3A_94 = tpu.memref_squeeze %dma_start3A_93 : memref<1x640xf32, #tpu.memory_space<vmem>> -> memref<640xf32, #tpu.memory_space<vmem>>
      %dma_start3A_95 = tpu.memref_slice %arg10[%run_scoped3A_45, %mul3A_44] : memref<16x10240xf32, #tpu.memory_space<vmem_shared>> -> memref<1x640xf32, #tpu.memory_space<vmem_shared>>
      %dma_start3A_96 = tpu.memref_squeeze %dma_start3A_95 : memref<1x640xf32, #tpu.memory_space<vmem_shared>> -> memref<640xf32, #tpu.memory_space<vmem_shared>>
      %dma_start3A_97 = arith.constant 0 : i32
      %dma_start3A_98 = tpu.memref_slice %arg8[%run_scoped3A_46, %dma_start3A_97] : memref<16x640xf32, #tpu.memory_space<vmem>> -> memref<1x640xf32, #tpu.memory_space<vmem>>
      %dma_start3A_99 = tpu.memref_squeeze %dma_start3A_98 : memref<1x640xf32, #tpu.memory_space<vmem>> -> memref<640xf32, #tpu.memory_space<vmem>>
      %dma_start3A_100 = tpu.memref_slice %arg10[%run_scoped3A_45, %mul3A_44] : memref<16x10240xf32, #tpu.memory_space<vmem_shared>> -> memref<1x640xf32, #tpu.memory_space<vmem_shared>>
      %dma_start3A_101 = tpu.memref_squeeze %dma_start3A_100 : memref<1x640xf32, #tpu.memory_space<vmem_shared>> -> memref<640xf32, #tpu.memory_space<vmem_shared>>
      tpu.enqueue_dma source(%dma_start3A_101 : memref<640xf32, #tpu.memory_space<vmem_shared>>) target(%dma_start3A_99 : memref<640xf32, #tpu.memory_space<vmem>>) target_semaphore(%run_scoped3A_92 : memref<!tpu.dma_semaphore, #tpu.memory_space<semaphore_mem>>)
      %dma_wait3A = arith.constant 0 : i32
      %dma_wait3A_102 = tpu.memref_slice %arg8[%run_scoped3A_46, %dma_wait3A] : memref<16x640xf32, #tpu.memory_space<vmem>> -> memref<1x640xf32, #tpu.memory_space<vmem>>
      %dma_wait3A_103 = tpu.memref_squeeze %dma_wait3A_102 : memref<1x640xf32, #tpu.memory_space<vmem>> -> memref<640xf32, #tpu.memory_space<vmem>>
      %dma_wait3A_104 = tpu.memref_slice %arg10[%run_scoped3A_45, %mul3A_44] : memref<16x10240xf32, #tpu.memory_space<vmem_shared>> -> memref<1x640xf32, #tpu.memory_space<vmem_shared>>
      %dma_wait3A_105 = tpu.memref_squeeze %dma_wait3A_104 : memref<1x640xf32, #tpu.memory_space<vmem_shared>> -> memref<640xf32, #tpu.memory_space<vmem_shared>>
      %dma_wait3A_106 = arith.constant 0 : i32
      %dma_wait3A_107 = tpu.memref_slice %arg8[%run_scoped3A_46, %dma_wait3A_106] : memref<16x640xf32, #tpu.memory_space<vmem>> -> memref<1x640xf32, #tpu.memory_space<vmem>>
      %dma_wait3A_108 = tpu.memref_squeeze %dma_wait3A_107 : memref<1x640xf32, #tpu.memory_space<vmem>> -> memref<640xf32, #tpu.memory_space<vmem>>
      %dma_wait3A_109 = tpu.memref_slice %arg10[%run_scoped3A_45, %mul3A_44] : memref<16x10240xf32, #tpu.memory_space<vmem_shared>> -> memref<1x640xf32, #tpu.memory_space<vmem_shared>>
      %dma_wait3A_110 = tpu.memref_squeeze %dma_wait3A_109 : memref<1x640xf32, #tpu.memory_space<vmem_shared>> -> memref<640xf32, #tpu.memory_space<vmem_shared>>
      tpu.wait_dma2 semaphore(%run_scoped3A_92 : memref<!tpu.dma_semaphore, #tpu.memory_space<semaphore_mem>>) src(%dma_wait3A_110 : memref<640xf32, #tpu.memory_space<vmem_shared>>) dst(%dma_wait3A_108 : memref<640xf32, #tpu.memory_space<vmem>>)
      tpu.yield
    }) : () -> ()
    %mul3A_47 = arith.constant 640 : i32
    %mul3A_48 = arith.muli %mul3A_47, %arg1 : i32
    %run_scoped3A_49 = arith.constant 9 : i32
    %run_scoped3A_50 = arith.constant 9 : i32
    "tpu.region"() ({
      %run_scoped3A_92 = tpu.sem_alloc : memref<!tpu.dma_semaphore, #tpu.memory_space<semaphore_mem>>
      %dma_start3A = arith.constant 0 : i32
      %dma_start3A_93 = tpu.memref_slice %arg8[%run_scoped3A_50, %dma_start3A] : memref<16x640xf32, #tpu.memory_space<vmem>> -> memref<1x640xf32, #tpu.memory_space<vmem>>
      %dma_start3A_94 = tpu.memref_squeeze %dma_start3A_93 : memref<1x640xf32, #tpu.memory_space<vmem>> -> memref<640xf32, #tpu.memory_space<vmem>>
      %dma_start3A_95 = tpu.memref_slice %arg10[%run_scoped3A_49, %mul3A_48] : memref<16x10240xf32, #tpu.memory_space<vmem_shared>> -> memref<1x640xf32, #tpu.memory_space<vmem_shared>>
      %dma_start3A_96 = tpu.memref_squeeze %dma_start3A_95 : memref<1x640xf32, #tpu.memory_space<vmem_shared>> -> memref<640xf32, #tpu.memory_space<vmem_shared>>
      %dma_start3A_97 = arith.constant 0 : i32
      %dma_start3A_98 = tpu.memref_slice %arg8[%run_scoped3A_50, %dma_start3A_97] : memref<16x640xf32, #tpu.memory_space<vmem>> -> memref<1x640xf32, #tpu.memory_space<vmem>>
      %dma_start3A_99 = tpu.memref_squeeze %dma_start3A_98 : memref<1x640xf32, #tpu.memory_space<vmem>> -> memref<640xf32, #tpu.memory_space<vmem>>
      %dma_start3A_100 = tpu.memref_slice %arg10[%run_scoped3A_49, %mul3A_48] : memref<16x10240xf32, #tpu.memory_space<vmem_shared>> -> memref<1x640xf32, #tpu.memory_space<vmem_shared>>
      %dma_start3A_101 = tpu.memref_squeeze %dma_start3A_100 : memref<1x640xf32, #tpu.memory_space<vmem_shared>> -> memref<640xf32, #tpu.memory_space<vmem_shared>>
      tpu.enqueue_dma source(%dma_start3A_101 : memref<640xf32, #tpu.memory_space<vmem_shared>>) target(%dma_start3A_99 : memref<640xf32, #tpu.memory_space<vmem>>) target_semaphore(%run_scoped3A_92 : memref<!tpu.dma_semaphore, #tpu.memory_space<semaphore_mem>>)
      %dma_wait3A = arith.constant 0 : i32
      %dma_wait3A_102 = tpu.memref_slice %arg8[%run_scoped3A_50, %dma_wait3A] : memref<16x640xf32, #tpu.memory_space<vmem>> -> memref<1x640xf32, #tpu.memory_space<vmem>>
      %dma_wait3A_103 = tpu.memref_squeeze %dma_wait3A_102 : memref<1x640xf32, #tpu.memory_space<vmem>> -> memref<640xf32, #tpu.memory_space<vmem>>
      %dma_wait3A_104 = tpu.memref_slice %arg10[%run_scoped3A_49, %mul3A_48] : memref<16x10240xf32, #tpu.memory_space<vmem_shared>> -> memref<1x640xf32, #tpu.memory_space<vmem_shared>>
      %dma_wait3A_105 = tpu.memref_squeeze %dma_wait3A_104 : memref<1x640xf32, #tpu.memory_space<vmem_shared>> -> memref<640xf32, #tpu.memory_space<vmem_shared>>
      %dma_wait3A_106 = arith.constant 0 : i32
      %dma_wait3A_107 = tpu.memref_slice %arg8[%run_scoped3A_50, %dma_wait3A_106] : memref<16x640xf32, #tpu.memory_space<vmem>> -> memref<1x640xf32, #tpu.memory_space<vmem>>
      %dma_wait3A_108 = tpu.memref_squeeze %dma_wait3A_107 : memref<1x640xf32, #tpu.memory_space<vmem>> -> memref<640xf32, #tpu.memory_space<vmem>>
      %dma_wait3A_109 = tpu.memref_slice %arg10[%run_scoped3A_49, %mul3A_48] : memref<16x10240xf32, #tpu.memory_space<vmem_shared>> -> memref<1x640xf32, #tpu.memory_space<vmem_shared>>
      %dma_wait3A_110 = tpu.memref_squeeze %dma_wait3A_109 : memref<1x640xf32, #tpu.memory_space<vmem_shared>> -> memref<640xf32, #tpu.memory_space<vmem_shared>>
      tpu.wait_dma2 semaphore(%run_scoped3A_92 : memref<!tpu.dma_semaphore, #tpu.memory_space<semaphore_mem>>) src(%dma_wait3A_110 : memref<640xf32, #tpu.memory_space<vmem_shared>>) dst(%dma_wait3A_108 : memref<640xf32, #tpu.memory_space<vmem>>)
      tpu.yield
    }) : () -> ()
    %mul3A_51 = arith.constant 640 : i32
    %mul3A_52 = arith.muli %mul3A_51, %arg1 : i32
    %run_scoped3A_53 = arith.constant 10 : i32
    %run_scoped3A_54 = arith.constant 10 : i32
    "tpu.region"() ({
      %run_scoped3A_92 = tpu.sem_alloc : memref<!tpu.dma_semaphore, #tpu.memory_space<semaphore_mem>>
      %dma_start3A = arith.constant 0 : i32
      %dma_start3A_93 = tpu.memref_slice %arg8[%run_scoped3A_54, %dma_start3A] : memref<16x640xf32, #tpu.memory_space<vmem>> -> memref<1x640xf32, #tpu.memory_space<vmem>>
      %dma_start3A_94 = tpu.memref_squeeze %dma_start3A_93 : memref<1x640xf32, #tpu.memory_space<vmem>> -> memref<640xf32, #tpu.memory_space<vmem>>
      %dma_start3A_95 = tpu.memref_slice %arg10[%run_scoped3A_53, %mul3A_52] : memref<16x10240xf32, #tpu.memory_space<vmem_shared>> -> memref<1x640xf32, #tpu.memory_space<vmem_shared>>
      %dma_start3A_96 = tpu.memref_squeeze %dma_start3A_95 : memref<1x640xf32, #tpu.memory_space<vmem_shared>> -> memref<640xf32, #tpu.memory_space<vmem_shared>>
      %dma_start3A_97 = arith.constant 0 : i32
      %dma_start3A_98 = tpu.memref_slice %arg8[%run_scoped3A_54, %dma_start3A_97] : memref<16x640xf32, #tpu.memory_space<vmem>> -> memref<1x640xf32, #tpu.memory_space<vmem>>
      %dma_start3A_99 = tpu.memref_squeeze %dma_start3A_98 : memref<1x640xf32, #tpu.memory_space<vmem>> -> memref<640xf32, #tpu.memory_space<vmem>>
      %dma_start3A_100 = tpu.memref_slice %arg10[%run_scoped3A_53, %mul3A_52] : memref<16x10240xf32, #tpu.memory_space<vmem_shared>> -> memref<1x640xf32, #tpu.memory_space<vmem_shared>>
      %dma_start3A_101 = tpu.memref_squeeze %dma_start3A_100 : memref<1x640xf32, #tpu.memory_space<vmem_shared>> -> memref<640xf32, #tpu.memory_space<vmem_shared>>
      tpu.enqueue_dma source(%dma_start3A_101 : memref<640xf32, #tpu.memory_space<vmem_shared>>) target(%dma_start3A_99 : memref<640xf32, #tpu.memory_space<vmem>>) target_semaphore(%run_scoped3A_92 : memref<!tpu.dma_semaphore, #tpu.memory_space<semaphore_mem>>)
      %dma_wait3A = arith.constant 0 : i32
      %dma_wait3A_102 = tpu.memref_slice %arg8[%run_scoped3A_54, %dma_wait3A] : memref<16x640xf32, #tpu.memory_space<vmem>> -> memref<1x640xf32, #tpu.memory_space<vmem>>
      %dma_wait3A_103 = tpu.memref_squeeze %dma_wait3A_102 : memref<1x640xf32, #tpu.memory_space<vmem>> -> memref<640xf32, #tpu.memory_space<vmem>>
      %dma_wait3A_104 = tpu.memref_slice %arg10[%run_scoped3A_53, %mul3A_52] : memref<16x10240xf32, #tpu.memory_space<vmem_shared>> -> memref<1x640xf32, #tpu.memory_space<vmem_shared>>
      %dma_wait3A_105 = tpu.memref_squeeze %dma_wait3A_104 : memref<1x640xf32, #tpu.memory_space<vmem_shared>> -> memref<640xf32, #tpu.memory_space<vmem_shared>>
      %dma_wait3A_106 = arith.constant 0 : i32
      %dma_wait3A_107 = tpu.memref_slice %arg8[%run_scoped3A_54, %dma_wait3A_106] : memref<16x640xf32, #tpu.memory_space<vmem>> -> memref<1x640xf32, #tpu.memory_space<vmem>>
      %dma_wait3A_108 = tpu.memref_squeeze %dma_wait3A_107 : memref<1x640xf32, #tpu.memory_space<vmem>> -> memref<640xf32, #tpu.memory_space<vmem>>
      %dma_wait3A_109 = tpu.memref_slice %arg10[%run_scoped3A_53, %mul3A_52] : memref<16x10240xf32, #tpu.memory_space<vmem_shared>> -> memref<1x640xf32, #tpu.memory_space<vmem_shared>>
      %dma_wait3A_110 = tpu.memref_squeeze %dma_wait3A_109 : memref<1x640xf32, #tpu.memory_space<vmem_shared>> -> memref<640xf32, #tpu.memory_space<vmem_shared>>
      tpu.wait_dma2 semaphore(%run_scoped3A_92 : memref<!tpu.dma_semaphore, #tpu.memory_space<semaphore_mem>>) src(%dma_wait3A_110 : memref<640xf32, #tpu.memory_space<vmem_shared>>) dst(%dma_wait3A_108 : memref<640xf32, #tpu.memory_space<vmem>>)
      tpu.yield
    }) : () -> ()
    %mul3A_55 = arith.constant 640 : i32
    %mul3A_56 = arith.muli %mul3A_55, %arg1 : i32
    %run_scoped3A_57 = arith.constant 11 : i32
    %run_scoped3A_58 = arith.constant 11 : i32
    "tpu.region"() ({
      %run_scoped3A_92 = tpu.sem_alloc : memref<!tpu.dma_semaphore, #tpu.memory_space<semaphore_mem>>
      %dma_start3A = arith.constant 0 : i32
      %dma_start3A_93 = tpu.memref_slice %arg8[%run_scoped3A_58, %dma_start3A] : memref<16x640xf32, #tpu.memory_space<vmem>> -> memref<1x640xf32, #tpu.memory_space<vmem>>
      %dma_start3A_94 = tpu.memref_squeeze %dma_start3A_93 : memref<1x640xf32, #tpu.memory_space<vmem>> -> memref<640xf32, #tpu.memory_space<vmem>>
      %dma_start3A_95 = tpu.memref_slice %arg10[%run_scoped3A_57, %mul3A_56] : memref<16x10240xf32, #tpu.memory_space<vmem_shared>> -> memref<1x640xf32, #tpu.memory_space<vmem_shared>>
      %dma_start3A_96 = tpu.memref_squeeze %dma_start3A_95 : memref<1x640xf32, #tpu.memory_space<vmem_shared>> -> memref<640xf32, #tpu.memory_space<vmem_shared>>
      %dma_start3A_97 = arith.constant 0 : i32
      %dma_start3A_98 = tpu.memref_slice %arg8[%run_scoped3A_58, %dma_start3A_97] : memref<16x640xf32, #tpu.memory_space<vmem>> -> memref<1x640xf32, #tpu.memory_space<vmem>>
      %dma_start3A_99 = tpu.memref_squeeze %dma_start3A_98 : memref<1x640xf32, #tpu.memory_space<vmem>> -> memref<640xf32, #tpu.memory_space<vmem>>
      %dma_start3A_100 = tpu.memref_slice %arg10[%run_scoped3A_57, %mul3A_56] : memref<16x10240xf32, #tpu.memory_space<vmem_shared>> -> memref<1x640xf32, #tpu.memory_space<vmem_shared>>
      %dma_start3A_101 = tpu.memref_squeeze %dma_start3A_100 : memref<1x640xf32, #tpu.memory_space<vmem_shared>> -> memref<640xf32, #tpu.memory_space<vmem_shared>>
      tpu.enqueue_dma source(%dma_start3A_101 : memref<640xf32, #tpu.memory_space<vmem_shared>>) target(%dma_start3A_99 : memref<640xf32, #tpu.memory_space<vmem>>) target_semaphore(%run_scoped3A_92 : memref<!tpu.dma_semaphore, #tpu.memory_space<semaphore_mem>>)
      %dma_wait3A = arith.constant 0 : i32
      %dma_wait3A_102 = tpu.memref_slice %arg8[%run_scoped3A_58, %dma_wait3A] : memref<16x640xf32, #tpu.memory_space<vmem>> -> memref<1x640xf32, #tpu.memory_space<vmem>>
      %dma_wait3A_103 = tpu.memref_squeeze %dma_wait3A_102 : memref<1x640xf32, #tpu.memory_space<vmem>> -> memref<640xf32, #tpu.memory_space<vmem>>
      %dma_wait3A_104 = tpu.memref_slice %arg10[%run_scoped3A_57, %mul3A_56] : memref<16x10240xf32, #tpu.memory_space<vmem_shared>> -> memref<1x640xf32, #tpu.memory_space<vmem_shared>>
      %dma_wait3A_105 = tpu.memref_squeeze %dma_wait3A_104 : memref<1x640xf32, #tpu.memory_space<vmem_shared>> -> memref<640xf32, #tpu.memory_space<vmem_shared>>
      %dma_wait3A_106 = arith.constant 0 : i32
      %dma_wait3A_107 = tpu.memref_slice %arg8[%run_scoped3A_58, %dma_wait3A_106] : memref<16x640xf32, #tpu.memory_space<vmem>> -> memref<1x640xf32, #tpu.memory_space<vmem>>
      %dma_wait3A_108 = tpu.memref_squeeze %dma_wait3A_107 : memref<1x640xf32, #tpu.memory_space<vmem>> -> memref<640xf32, #tpu.memory_space<vmem>>
      %dma_wait3A_109 = tpu.memref_slice %arg10[%run_scoped3A_57, %mul3A_56] : memref<16x10240xf32, #tpu.memory_space<vmem_shared>> -> memref<1x640xf32, #tpu.memory_space<vmem_shared>>
      %dma_wait3A_110 = tpu.memref_squeeze %dma_wait3A_109 : memref<1x640xf32, #tpu.memory_space<vmem_shared>> -> memref<640xf32, #tpu.memory_space<vmem_shared>>
      tpu.wait_dma2 semaphore(%run_scoped3A_92 : memref<!tpu.dma_semaphore, #tpu.memory_space<semaphore_mem>>) src(%dma_wait3A_110 : memref<640xf32, #tpu.memory_space<vmem_shared>>) dst(%dma_wait3A_108 : memref<640xf32, #tpu.memory_space<vmem>>)
      tpu.yield
    }) : () -> ()
    %mul3A_59 = arith.constant 640 : i32
    %mul3A_60 = arith.muli %mul3A_59, %arg1 : i32
    %run_scoped3A_61 = arith.constant 12 : i32
    %run_scoped3A_62 = arith.constant 12 : i32
    "tpu.region"() ({
      %run_scoped3A_92 = tpu.sem_alloc : memref<!tpu.dma_semaphore, #tpu.memory_space<semaphore_mem>>
      %dma_start3A = arith.constant 0 : i32
      %dma_start3A_93 = tpu.memref_slice %arg8[%run_scoped3A_62, %dma_start3A] : memref<16x640xf32, #tpu.memory_space<vmem>> -> memref<1x640xf32, #tpu.memory_space<vmem>>
      %dma_start3A_94 = tpu.memref_squeeze %dma_start3A_93 : memref<1x640xf32, #tpu.memory_space<vmem>> -> memref<640xf32, #tpu.memory_space<vmem>>
      %dma_start3A_95 = tpu.memref_slice %arg10[%run_scoped3A_61, %mul3A_60] : memref<16x10240xf32, #tpu.memory_space<vmem_shared>> -> memref<1x640xf32, #tpu.memory_space<vmem_shared>>
      %dma_start3A_96 = tpu.memref_squeeze %dma_start3A_95 : memref<1x640xf32, #tpu.memory_space<vmem_shared>> -> memref<640xf32, #tpu.memory_space<vmem_shared>>
      %dma_start3A_97 = arith.constant 0 : i32
      %dma_start3A_98 = tpu.memref_slice %arg8[%run_scoped3A_62, %dma_start3A_97] : memref<16x640xf32, #tpu.memory_space<vmem>> -> memref<1x640xf32, #tpu.memory_space<vmem>>
      %dma_start3A_99 = tpu.memref_squeeze %dma_start3A_98 : memref<1x640xf32, #tpu.memory_space<vmem>> -> memref<640xf32, #tpu.memory_space<vmem>>
      %dma_start3A_100 = tpu.memref_slice %arg10[%run_scoped3A_61, %mul3A_60] : memref<16x10240xf32, #tpu.memory_space<vmem_shared>> -> memref<1x640xf32, #tpu.memory_space<vmem_shared>>
      %dma_start3A_101 = tpu.memref_squeeze %dma_start3A_100 : memref<1x640xf32, #tpu.memory_space<vmem_shared>> -> memref<640xf32, #tpu.memory_space<vmem_shared>>
      tpu.enqueue_dma source(%dma_start3A_101 : memref<640xf32, #tpu.memory_space<vmem_shared>>) target(%dma_start3A_99 : memref<640xf32, #tpu.memory_space<vmem>>) target_semaphore(%run_scoped3A_92 : memref<!tpu.dma_semaphore, #tpu.memory_space<semaphore_mem>>)
      %dma_wait3A = arith.constant 0 : i32
      %dma_wait3A_102 = tpu.memref_slice %arg8[%run_scoped3A_62, %dma_wait3A] : memref<16x640xf32, #tpu.memory_space<vmem>> -> memref<1x640xf32, #tpu.memory_space<vmem>>
      %dma_wait3A_103 = tpu.memref_squeeze %dma_wait3A_102 : memref<1x640xf32, #tpu.memory_space<vmem>> -> memref<640xf32, #tpu.memory_space<vmem>>
      %dma_wait3A_104 = tpu.memref_slice %arg10[%run_scoped3A_61, %mul3A_60] : memref<16x10240xf32, #tpu.memory_space<vmem_shared>> -> memref<1x640xf32, #tpu.memory_space<vmem_shared>>
      %dma_wait3A_105 = tpu.memref_squeeze %dma_wait3A_104 : memref<1x640xf32, #tpu.memory_space<vmem_shared>> -> memref<640xf32, #tpu.memory_space<vmem_shared>>
      %dma_wait3A_106 = arith.constant 0 : i32
      %dma_wait3A_107 = tpu.memref_slice %arg8[%run_scoped3A_62, %dma_wait3A_106] : memref<16x640xf32, #tpu.memory_space<vmem>> -> memref<1x640xf32, #tpu.memory_space<vmem>>
      %dma_wait3A_108 = tpu.memref_squeeze %dma_wait3A_107 : memref<1x640xf32, #tpu.memory_space<vmem>> -> memref<640xf32, #tpu.memory_space<vmem>>
      %dma_wait3A_109 = tpu.memref_slice %arg10[%run_scoped3A_61, %mul3A_60] : memref<16x10240xf32, #tpu.memory_space<vmem_shared>> -> memref<1x640xf32, #tpu.memory_space<vmem_shared>>
      %dma_wait3A_110 = tpu.memref_squeeze %dma_wait3A_109 : memref<1x640xf32, #tpu.memory_space<vmem_shared>> -> memref<640xf32, #tpu.memory_space<vmem_shared>>
      tpu.wait_dma2 semaphore(%run_scoped3A_92 : memref<!tpu.dma_semaphore, #tpu.memory_space<semaphore_mem>>) src(%dma_wait3A_110 : memref<640xf32, #tpu.memory_space<vmem_shared>>) dst(%dma_wait3A_108 : memref<640xf32, #tpu.memory_space<vmem>>)
      tpu.yield
    }) : () -> ()
    %mul3A_63 = arith.constant 640 : i32
    %mul3A_64 = arith.muli %mul3A_63, %arg1 : i32
    %run_scoped3A_65 = arith.constant 13 : i32
    %run_scoped3A_66 = arith.constant 13 : i32
    "tpu.region"() ({
      %run_scoped3A_92 = tpu.sem_alloc : memref<!tpu.dma_semaphore, #tpu.memory_space<semaphore_mem>>
      %dma_start3A = arith.constant 0 : i32
      %dma_start3A_93 = tpu.memref_slice %arg8[%run_scoped3A_66, %dma_start3A] : memref<16x640xf32, #tpu.memory_space<vmem>> -> memref<1x640xf32, #tpu.memory_space<vmem>>
      %dma_start3A_94 = tpu.memref_squeeze %dma_start3A_93 : memref<1x640xf32, #tpu.memory_space<vmem>> -> memref<640xf32, #tpu.memory_space<vmem>>
      %dma_start3A_95 = tpu.memref_slice %arg10[%run_scoped3A_65, %mul3A_64] : memref<16x10240xf32, #tpu.memory_space<vmem_shared>> -> memref<1x640xf32, #tpu.memory_space<vmem_shared>>
      %dma_start3A_96 = tpu.memref_squeeze %dma_start3A_95 : memref<1x640xf32, #tpu.memory_space<vmem_shared>> -> memref<640xf32, #tpu.memory_space<vmem_shared>>
      %dma_start3A_97 = arith.constant 0 : i32
      %dma_start3A_98 = tpu.memref_slice %arg8[%run_scoped3A_66, %dma_start3A_97] : memref<16x640xf32, #tpu.memory_space<vmem>> -> memref<1x640xf32, #tpu.memory_space<vmem>>
      %dma_start3A_99 = tpu.memref_squeeze %dma_start3A_98 : memref<1x640xf32, #tpu.memory_space<vmem>> -> memref<640xf32, #tpu.memory_space<vmem>>
      %dma_start3A_100 = tpu.memref_slice %arg10[%run_scoped3A_65, %mul3A_64] : memref<16x10240xf32, #tpu.memory_space<vmem_shared>> -> memref<1x640xf32, #tpu.memory_space<vmem_shared>>
      %dma_start3A_101 = tpu.memref_squeeze %dma_start3A_100 : memref<1x640xf32, #tpu.memory_space<vmem_shared>> -> memref<640xf32, #tpu.memory_space<vmem_shared>>
      tpu.enqueue_dma source(%dma_start3A_101 : memref<640xf32, #tpu.memory_space<vmem_shared>>) target(%dma_start3A_99 : memref<640xf32, #tpu.memory_space<vmem>>) target_semaphore(%run_scoped3A_92 : memref<!tpu.dma_semaphore, #tpu.memory_space<semaphore_mem>>)
      %dma_wait3A = arith.constant 0 : i32
      %dma_wait3A_102 = tpu.memref_slice %arg8[%run_scoped3A_66, %dma_wait3A] : memref<16x640xf32, #tpu.memory_space<vmem>> -> memref<1x640xf32, #tpu.memory_space<vmem>>
      %dma_wait3A_103 = tpu.memref_squeeze %dma_wait3A_102 : memref<1x640xf32, #tpu.memory_space<vmem>> -> memref<640xf32, #tpu.memory_space<vmem>>
      %dma_wait3A_104 = tpu.memref_slice %arg10[%run_scoped3A_65, %mul3A_64] : memref<16x10240xf32, #tpu.memory_space<vmem_shared>> -> memref<1x640xf32, #tpu.memory_space<vmem_shared>>
      %dma_wait3A_105 = tpu.memref_squeeze %dma_wait3A_104 : memref<1x640xf32, #tpu.memory_space<vmem_shared>> -> memref<640xf32, #tpu.memory_space<vmem_shared>>
      %dma_wait3A_106 = arith.constant 0 : i32
      %dma_wait3A_107 = tpu.memref_slice %arg8[%run_scoped3A_66, %dma_wait3A_106] : memref<16x640xf32, #tpu.memory_space<vmem>> -> memref<1x640xf32, #tpu.memory_space<vmem>>
      %dma_wait3A_108 = tpu.memref_squeeze %dma_wait3A_107 : memref<1x640xf32, #tpu.memory_space<vmem>> -> memref<640xf32, #tpu.memory_space<vmem>>
      %dma_wait3A_109 = tpu.memref_slice %arg10[%run_scoped3A_65, %mul3A_64] : memref<16x10240xf32, #tpu.memory_space<vmem_shared>> -> memref<1x640xf32, #tpu.memory_space<vmem_shared>>
      %dma_wait3A_110 = tpu.memref_squeeze %dma_wait3A_109 : memref<1x640xf32, #tpu.memory_space<vmem_shared>> -> memref<640xf32, #tpu.memory_space<vmem_shared>>
      tpu.wait_dma2 semaphore(%run_scoped3A_92 : memref<!tpu.dma_semaphore, #tpu.memory_space<semaphore_mem>>) src(%dma_wait3A_110 : memref<640xf32, #tpu.memory_space<vmem_shared>>) dst(%dma_wait3A_108 : memref<640xf32, #tpu.memory_space<vmem>>)
      tpu.yield
    }) : () -> ()
    %mul3A_67 = arith.constant 640 : i32
    %mul3A_68 = arith.muli %mul3A_67, %arg1 : i32
    %run_scoped3A_69 = arith.constant 14 : i32
    %run_scoped3A_70 = arith.constant 14 : i32
    "tpu.region"() ({
      %run_scoped3A_92 = tpu.sem_alloc : memref<!tpu.dma_semaphore, #tpu.memory_space<semaphore_mem>>
      %dma_start3A = arith.constant 0 : i32
      %dma_start3A_93 = tpu.memref_slice %arg8[%run_scoped3A_70, %dma_start3A] : memref<16x640xf32, #tpu.memory_space<vmem>> -> memref<1x640xf32, #tpu.memory_space<vmem>>
      %dma_start3A_94 = tpu.memref_squeeze %dma_start3A_93 : memref<1x640xf32, #tpu.memory_space<vmem>> -> memref<640xf32, #tpu.memory_space<vmem>>
      %dma_start3A_95 = tpu.memref_slice %arg10[%run_scoped3A_69, %mul3A_68] : memref<16x10240xf32, #tpu.memory_space<vmem_shared>> -> memref<1x640xf32, #tpu.memory_space<vmem_shared>>
      %dma_start3A_96 = tpu.memref_squeeze %dma_start3A_95 : memref<1x640xf32, #tpu.memory_space<vmem_shared>> -> memref<640xf32, #tpu.memory_space<vmem_shared>>
      %dma_start3A_97 = arith.constant 0 : i32
      %dma_start3A_98 = tpu.memref_slice %arg8[%run_scoped3A_70, %dma_start3A_97] : memref<16x640xf32, #tpu.memory_space<vmem>> -> memref<1x640xf32, #tpu.memory_space<vmem>>
      %dma_start3A_99 = tpu.memref_squeeze %dma_start3A_98 : memref<1x640xf32, #tpu.memory_space<vmem>> -> memref<640xf32, #tpu.memory_space<vmem>>
      %dma_start3A_100 = tpu.memref_slice %arg10[%run_scoped3A_69, %mul3A_68] : memref<16x10240xf32, #tpu.memory_space<vmem_shared>> -> memref<1x640xf32, #tpu.memory_space<vmem_shared>>
      %dma_start3A_101 = tpu.memref_squeeze %dma_start3A_100 : memref<1x640xf32, #tpu.memory_space<vmem_shared>> -> memref<640xf32, #tpu.memory_space<vmem_shared>>
      tpu.enqueue_dma source(%dma_start3A_101 : memref<640xf32, #tpu.memory_space<vmem_shared>>) target(%dma_start3A_99 : memref<640xf32, #tpu.memory_space<vmem>>) target_semaphore(%run_scoped3A_92 : memref<!tpu.dma_semaphore, #tpu.memory_space<semaphore_mem>>)
      %dma_wait3A = arith.constant 0 : i32
      %dma_wait3A_102 = tpu.memref_slice %arg8[%run_scoped3A_70, %dma_wait3A] : memref<16x640xf32, #tpu.memory_space<vmem>> -> memref<1x640xf32, #tpu.memory_space<vmem>>
      %dma_wait3A_103 = tpu.memref_squeeze %dma_wait3A_102 : memref<1x640xf32, #tpu.memory_space<vmem>> -> memref<640xf32, #tpu.memory_space<vmem>>
      %dma_wait3A_104 = tpu.memref_slice %arg10[%run_scoped3A_69, %mul3A_68] : memref<16x10240xf32, #tpu.memory_space<vmem_shared>> -> memref<1x640xf32, #tpu.memory_space<vmem_shared>>
      %dma_wait3A_105 = tpu.memref_squeeze %dma_wait3A_104 : memref<1x640xf32, #tpu.memory_space<vmem_shared>> -> memref<640xf32, #tpu.memory_space<vmem_shared>>
      %dma_wait3A_106 = arith.constant 0 : i32
      %dma_wait3A_107 = tpu.memref_slice %arg8[%run_scoped3A_70, %dma_wait3A_106] : memref<16x640xf32, #tpu.memory_space<vmem>> -> memref<1x640xf32, #tpu.memory_space<vmem>>
      %dma_wait3A_108 = tpu.memref_squeeze %dma_wait3A_107 : memref<1x640xf32, #tpu.memory_space<vmem>> -> memref<640xf32, #tpu.memory_space<vmem>>
      %dma_wait3A_109 = tpu.memref_slice %arg10[%run_scoped3A_69, %mul3A_68] : memref<16x10240xf32, #tpu.memory_space<vmem_shared>> -> memref<1x640xf32, #tpu.memory_space<vmem_shared>>
      %dma_wait3A_110 = tpu.memref_squeeze %dma_wait3A_109 : memref<1x640xf32, #tpu.memory_space<vmem_shared>> -> memref<640xf32, #tpu.memory_space<vmem_shared>>
      tpu.wait_dma2 semaphore(%run_scoped3A_92 : memref<!tpu.dma_semaphore, #tpu.memory_space<semaphore_mem>>) src(%dma_wait3A_110 : memref<640xf32, #tpu.memory_space<vmem_shared>>) dst(%dma_wait3A_108 : memref<640xf32, #tpu.memory_space<vmem>>)
      tpu.yield
    }) : () -> ()
    %mul3A_71 = arith.constant 640 : i32
    %mul3A_72 = arith.muli %mul3A_71, %arg1 : i32
    %run_scoped3A_73 = arith.constant 15 : i32
    %run_scoped3A_74 = arith.constant 15 : i32
    "tpu.region"() ({
      %run_scoped3A_92 = tpu.sem_alloc : memref<!tpu.dma_semaphore, #tpu.memory_space<semaphore_mem>>
      %dma_start3A = arith.constant 0 : i32
      %dma_start3A_93 = tpu.memref_slice %arg8[%run_scoped3A_74, %dma_start3A] : memref<16x640xf32, #tpu.memory_space<vmem>> -> memref<1x640xf32, #tpu.memory_space<vmem>>
      %dma_start3A_94 = tpu.memref_squeeze %dma_start3A_93 : memref<1x640xf32, #tpu.memory_space<vmem>> -> memref<640xf32, #tpu.memory_space<vmem>>
      %dma_start3A_95 = tpu.memref_slice %arg10[%run_scoped3A_73, %mul3A_72] : memref<16x10240xf32, #tpu.memory_space<vmem_shared>> -> memref<1x640xf32, #tpu.memory_space<vmem_shared>>
      %dma_start3A_96 = tpu.memref_squeeze %dma_start3A_95 : memref<1x640xf32, #tpu.memory_space<vmem_shared>> -> memref<640xf32, #tpu.memory_space<vmem_shared>>
      %dma_start3A_97 = arith.constant 0 : i32
      %dma_start3A_98 = tpu.memref_slice %arg8[%run_scoped3A_74, %dma_start3A_97] : memref<16x640xf32, #tpu.memory_space<vmem>> -> memref<1x640xf32, #tpu.memory_space<vmem>>
      %dma_start3A_99 = tpu.memref_squeeze %dma_start3A_98 : memref<1x640xf32, #tpu.memory_space<vmem>> -> memref<640xf32, #tpu.memory_space<vmem>>
      %dma_start3A_100 = tpu.memref_slice %arg10[%run_scoped3A_73, %mul3A_72] : memref<16x10240xf32, #tpu.memory_space<vmem_shared>> -> memref<1x640xf32, #tpu.memory_space<vmem_shared>>
      %dma_start3A_101 = tpu.memref_squeeze %dma_start3A_100 : memref<1x640xf32, #tpu.memory_space<vmem_shared>> -> memref<640xf32, #tpu.memory_space<vmem_shared>>
      tpu.enqueue_dma source(%dma_start3A_101 : memref<640xf32, #tpu.memory_space<vmem_shared>>) target(%dma_start3A_99 : memref<640xf32, #tpu.memory_space<vmem>>) target_semaphore(%run_scoped3A_92 : memref<!tpu.dma_semaphore, #tpu.memory_space<semaphore_mem>>)
      %dma_wait3A = arith.constant 0 : i32
      %dma_wait3A_102 = tpu.memref_slice %arg8[%run_scoped3A_74, %dma_wait3A] : memref<16x640xf32, #tpu.memory_space<vmem>> -> memref<1x640xf32, #tpu.memory_space<vmem>>
      %dma_wait3A_103 = tpu.memref_squeeze %dma_wait3A_102 : memref<1x640xf32, #tpu.memory_space<vmem>> -> memref<640xf32, #tpu.memory_space<vmem>>
      %dma_wait3A_104 = tpu.memref_slice %arg10[%run_scoped3A_73, %mul3A_72] : memref<16x10240xf32, #tpu.memory_space<vmem_shared>> -> memref<1x640xf32, #tpu.memory_space<vmem_shared>>
      %dma_wait3A_105 = tpu.memref_squeeze %dma_wait3A_104 : memref<1x640xf32, #tpu.memory_space<vmem_shared>> -> memref<640xf32, #tpu.memory_space<vmem_shared>>
      %dma_wait3A_106 = arith.constant 0 : i32
      %dma_wait3A_107 = tpu.memref_slice %arg8[%run_scoped3A_74, %dma_wait3A_106] : memref<16x640xf32, #tpu.memory_space<vmem>> -> memref<1x640xf32, #tpu.memory_space<vmem>>
      %dma_wait3A_108 = tpu.memref_squeeze %dma_wait3A_107 : memref<1x640xf32, #tpu.memory_space<vmem>> -> memref<640xf32, #tpu.memory_space<vmem>>
      %dma_wait3A_109 = tpu.memref_slice %arg10[%run_scoped3A_73, %mul3A_72] : memref<16x10240xf32, #tpu.memory_space<vmem_shared>> -> memref<1x640xf32, #tpu.memory_space<vmem_shared>>
      %dma_wait3A_110 = tpu.memref_squeeze %dma_wait3A_109 : memref<1x640xf32, #tpu.memory_space<vmem_shared>> -> memref<640xf32, #tpu.memory_space<vmem_shared>>
      tpu.wait_dma2 semaphore(%run_scoped3A_92 : memref<!tpu.dma_semaphore, #tpu.memory_space<semaphore_mem>>) src(%dma_wait3A_110 : memref<640xf32, #tpu.memory_space<vmem_shared>>) dst(%dma_wait3A_108 : memref<640xf32, #tpu.memory_space<vmem>>)
      tpu.yield
    }) : () -> ()
    %scan3A_75 = arith.constant 0 : i32
    %scan3A_76 = arith.constant 0 : i32
    %scan3A_77 = arith.constant 40 : i32
    %scan3A_78 = arith.addi %scan3A_76, %scan3A_77 : i32
    %scan3A_79 = arith.constant 1 : i32
    %scan3A_80 = scf.for %scan3A_92 = %scan3A_76 to %scan3A_78 step %scan3A_79 iter_args(%scan3A_93 = %scan3A_75) -> (i32)  : i32 {
      %broadcast_in_dim3A_94 = arith.constant 0.000000e+00 : f32
      %broadcast_in_dim3A_95 = vector.broadcast %broadcast_in_dim3A_94 : f32 to vector<16xf32>
      %mul3A_96 = arith.constant 16 : i32
      %mul3A_97 = arith.muli %scan3A_92, %mul3A_96 : i32
      %get3A = arith.constant 0 : i32
      %get3A_98 = arith.index_cast %get3A : i32 to index
      %get3A_99 = arith.index_cast %mul3A_97 : i32 to index
      %get3A_100 = tpu.vector_load %arg8[%get3A_98, %get3A_99] {strides = array<i32>} : memref<16x640xf32, #tpu.memory_space<vmem>>, vector<16xf32>,
      %add3A = arith.addf %broadcast_in_dim3A_95, %get3A_100 : vector<16xf32>
      %mul3A_101 = arith.constant 16 : i32
      %mul3A_102 = arith.muli %scan3A_92, %mul3A_101 : i32
      %get3A_103 = arith.constant 1 : i32
      %get3A_104 = arith.index_cast %get3A_103 : i32 to index
      %get3A_105 = arith.index_cast %mul3A_102 : i32 to index
      %get3A_106 = tpu.vector_load %arg8[%get3A_104, %get3A_105] {strides = array<i32>} : memref<16x640xf32, #tpu.memory_space<vmem>>, vector<16xf32>,
      %add3A_107 = arith.addf %add3A, %get3A_106 : vector<16xf32>
      %mul3A_108 = arith.constant 16 : i32
      %mul3A_109 = arith.muli %scan3A_92, %mul3A_108 : i32
      %get3A_110 = arith.constant 2 : i32
      %get3A_111 = arith.index_cast %get3A_110 : i32 to index
      %get3A_112 = arith.index_cast %mul3A_109 : i32 to index
      %get3A_113 = tpu.vector_load %arg8[%get3A_111, %get3A_112] {strides = array<i32>} : memref<16x640xf32, #tpu.memory_space<vmem>>, vector<16xf32>,
      %add3A_114 = arith.addf %add3A_107, %get3A_113 : vector<16xf32>
      %mul3A_115 = arith.constant 16 : i32
      %mul3A_116 = arith.muli %scan3A_92, %mul3A_115 : i32
      %get3A_117 = arith.constant 3 : i32
      %get3A_118 = arith.index_cast %get3A_117 : i32 to index
      %get3A_119 = arith.index_cast %mul3A_116 : i32 to index
      %get3A_120 = tpu.vector_load %arg8[%get3A_118, %get3A_119] {strides = array<i32>} : memref<16x640xf32, #tpu.memory_space<vmem>>, vector<16xf32>,
      %add3A_121 = arith.addf %add3A_114, %get3A_120 : vector<16xf32>
      %mul3A_122 = arith.constant 16 : i32
      %mul3A_123 = arith.muli %scan3A_92, %mul3A_122 : i32
      %get3A_124 = arith.constant 4 : i32
      %get3A_125 = arith.index_cast %get3A_124 : i32 to index
      %get3A_126 = arith.index_cast %mul3A_123 : i32 to index
      %get3A_127 = tpu.vector_load %arg8[%get3A_125, %get3A_126] {strides = array<i32>} : memref<16x640xf32, #tpu.memory_space<vmem>>, vector<16xf32>,
      %add3A_128 = arith.addf %add3A_121, %get3A_127 : vector<16xf32>
      %mul3A_129 = arith.constant 16 : i32
      %mul3A_130 = arith.muli %scan3A_92, %mul3A_129 : i32
      %get3A_131 = arith.constant 5 : i32
      %get3A_132 = arith.index_cast %get3A_131 : i32 to index
      %get3A_133 = arith.index_cast %mul3A_130 : i32 to index
      %get3A_134 = tpu.vector_load %arg8[%get3A_132, %get3A_133] {strides = array<i32>} : memref<16x640xf32, #tpu.memory_space<vmem>>, vector<16xf32>,
      %add3A_135 = arith.addf %add3A_128, %get3A_134 : vector<16xf32>
      %mul3A_136 = arith.constant 16 : i32
      %mul3A_137 = arith.muli %scan3A_92, %mul3A_136 : i32
      %get3A_138 = arith.constant 6 : i32
      %get3A_139 = arith.index_cast %get3A_138 : i32 to index
      %get3A_140 = arith.index_cast %mul3A_137 : i32 to index
      %get3A_141 = tpu.vector_load %arg8[%get3A_139, %get3A_140] {strides = array<i32>} : memref<16x640xf32, #tpu.memory_space<vmem>>, vector<16xf32>,
      %add3A_142 = arith.addf %add3A_135, %get3A_141 : vector<16xf32>
      %mul3A_143 = arith.constant 16 : i32
      %mul3A_144 = arith.muli %scan3A_92, %mul3A_143 : i32
      %get3A_145 = arith.constant 7 : i32
      %get3A_146 = arith.index_cast %get3A_145 : i32 to index
      %get3A_147 = arith.index_cast %mul3A_144 : i32 to index
      %get3A_148 = tpu.vector_load %arg8[%get3A_146, %get3A_147] {strides = array<i32>} : memref<16x640xf32, #tpu.memory_space<vmem>>, vector<16xf32>,
      %add3A_149 = arith.addf %add3A_142, %get3A_148 : vector<16xf32>
      %mul3A_150 = arith.constant 16 : i32
      %mul3A_151 = arith.muli %scan3A_92, %mul3A_150 : i32
      %get3A_152 = arith.constant 8 : i32
      %get3A_153 = arith.index_cast %get3A_152 : i32 to index
      %get3A_154 = arith.index_cast %mul3A_151 : i32 to index
      %get3A_155 = tpu.vector_load %arg8[%get3A_153, %get3A_154] {strides = array<i32>} : memref<16x640xf32, #tpu.memory_space<vmem>>, vector<16xf32>,
      %add3A_156 = arith.addf %add3A_149, %get3A_155 : vector<16xf32>
      %mul3A_157 = arith.constant 16 : i32
      %mul3A_158 = arith.muli %scan3A_92, %mul3A_157 : i32
      %get3A_159 = arith.constant 9 : i32
      %get3A_160 = arith.index_cast %get3A_159 : i32 to index
      %get3A_161 = arith.index_cast %mul3A_158 : i32 to index
      %get3A_162 = tpu.vector_load %arg8[%get3A_160, %get3A_161] {strides = array<i32>} : memref<16x640xf32, #tpu.memory_space<vmem>>, vector<16xf32>,
      %add3A_163 = arith.addf %add3A_156, %get3A_162 : vector<16xf32>
      %mul3A_164 = arith.constant 16 : i32
      %mul3A_165 = arith.muli %scan3A_92, %mul3A_164 : i32
      %get3A_166 = arith.constant 10 : i32
      %get3A_167 = arith.index_cast %get3A_166 : i32 to index
      %get3A_168 = arith.index_cast %mul3A_165 : i32 to index
      %get3A_169 = tpu.vector_load %arg8[%get3A_167, %get3A_168] {strides = array<i32>} : memref<16x640xf32, #tpu.memory_space<vmem>>, vector<16xf32>,
      %add3A_170 = arith.addf %add3A_163, %get3A_169 : vector<16xf32>
      %mul3A_171 = arith.constant 16 : i32
      %mul3A_172 = arith.muli %scan3A_92, %mul3A_171 : i32
      %get3A_173 = arith.constant 11 : i32
      %get3A_174 = arith.index_cast %get3A_173 : i32 to index
      %get3A_175 = arith.index_cast %mul3A_172 : i32 to index
      %get3A_176 = tpu.vector_load %arg8[%get3A_174, %get3A_175] {strides = array<i32>} : memref<16x640xf32, #tpu.memory_space<vmem>>, vector<16xf32>,
      %add3A_177 = arith.addf %add3A_170, %get3A_176 : vector<16xf32>
      %mul3A_178 = arith.constant 16 : i32
      %mul3A_179 = arith.muli %scan3A_92, %mul3A_178 : i32
      %get3A_180 = arith.constant 12 : i32
      %get3A_181 = arith.index_cast %get3A_180 : i32 to index
      %get3A_182 = arith.index_cast %mul3A_179 : i32 to index
      %get3A_183 = tpu.vector_load %arg8[%get3A_181, %get3A_182] {strides = array<i32>} : memref<16x640xf32, #tpu.memory_space<vmem>>, vector<16xf32>,
      %add3A_184 = arith.addf %add3A_177, %get3A_183 : vector<16xf32>
      %mul3A_185 = arith.constant 16 : i32
      %mul3A_186 = arith.muli %scan3A_92, %mul3A_185 : i32
      %get3A_187 = arith.constant 13 : i32
      %get3A_188 = arith.index_cast %get3A_187 : i32 to index
      %get3A_189 = arith.index_cast %mul3A_186 : i32 to index
      %get3A_190 = tpu.vector_load %arg8[%get3A_188, %get3A_189] {strides = array<i32>} : memref<16x640xf32, #tpu.memory_space<vmem>>, vector<16xf32>,
      %add3A_191 = arith.addf %add3A_184, %get3A_190 : vector<16xf32>
      %mul3A_192 = arith.constant 16 : i32
      %mul3A_193 = arith.muli %scan3A_92, %mul3A_192 : i32
      %get3A_194 = arith.constant 14 : i32
      %get3A_195 = arith.index_cast %get3A_194 : i32 to index
      %get3A_196 = arith.index_cast %mul3A_193 : i32 to index
      %get3A_197 = tpu.vector_load %arg8[%get3A_195, %get3A_196] {strides = array<i32>} : memref<16x640xf32, #tpu.memory_space<vmem>>, vector<16xf32>,
      %add3A_198 = arith.addf %add3A_191, %get3A_197 : vector<16xf32>
      %mul3A_199 = arith.constant 16 : i32
      %mul3A_200 = arith.muli %scan3A_92, %mul3A_199 : i32
      %get3A_201 = arith.constant 15 : i32
      %get3A_202 = arith.index_cast %get3A_201 : i32 to index
      %get3A_203 = arith.index_cast %mul3A_200 : i32 to index
      %get3A_204 = tpu.vector_load %arg8[%get3A_202, %get3A_203] {strides = array<i32>} : memref<16x640xf32, #tpu.memory_space<vmem>>, vector<16xf32>,
      %add3A_205 = arith.addf %add3A_198, %get3A_204 : vector<16xf32>
      %mul3A_206 = arith.constant 16 : i32
      %mul3A_207 = arith.muli %scan3A_92, %mul3A_206 : i32
      %swap3A = arith.index_cast %mul3A_207 : i32 to index
      %swap3A_208 = tpu.vector_load %arg9[%swap3A] {strides = array<i32>} : memref<640xf32, #tpu.memory_space<vmem>>, vector<16xf32>,
      tpu.vector_store %arg9[%swap3A], %add3A_205 {strides = array<i32>} : memref<640xf32, #tpu.memory_space<vmem>>, vector<16xf32>,
      %scan3A_209 = arith.constant 0 : i32
      scf.yield %scan3A_209 : i32
    }
    %scan3A_81 = arith.constant 40 : i32
    %eq3A_82 = arith.constant 0 : i32
    %eq3A_83 = arith.cmpi eq, %arg0, %eq3A_82 : i32
    %convert_element_type3A_84 = arith.extui %eq3A_83 : i1 to i32
    %cond3A_85 = arith.constant 0 : i32
    %cond3A_86 = arith.cmpi ne, %convert_element_type3A_84, %cond3A_85 : i32
    scf.if %cond3A_86 {
      %mul3A_92 = arith.constant 640 : i32
      %mul3A_93 = arith.muli %mul3A_92, %arg1 : i32
      "tpu.region"() ({
        %run_scoped3A_94 = tpu.sem_alloc : memref<!tpu.dma_semaphore, #tpu.memory_space<semaphore_mem>>
        %dma_start3A = tpu.memref_slice %arg4[%mul3A_93] : memref<10240xf32, #tpu.memory_space<hbm>> -> memref<640xf32, #tpu.memory_space<hbm>>
        %dma_start3A_95 = tpu.memref_slice %arg4[%mul3A_93] : memref<10240xf32, #tpu.memory_space<hbm>> -> memref<640xf32, #tpu.memory_space<hbm>>
        tpu.enqueue_dma source(%arg9 : memref<640xf32, #tpu.memory_space<vmem>>) target(%dma_start3A_95 : memref<640xf32, #tpu.memory_space<hbm>>) target_semaphore(%run_scoped3A_94 : memref<!tpu.dma_semaphore, #tpu.memory_space<semaphore_mem>>)
        %dma_wait3A = tpu.memref_slice %arg4[%mul3A_93] : memref<10240xf32, #tpu.memory_space<hbm>> -> memref<640xf32, #tpu.memory_space<hbm>>
        %dma_wait3A_96 = tpu.memref_slice %arg4[%mul3A_93] : memref<10240xf32, #tpu.memory_space<hbm>> -> memref<640xf32, #tpu.memory_space<hbm>>
        tpu.wait_dma2 semaphore(%run_scoped3A_94 : memref<!tpu.dma_semaphore, #tpu.memory_space<semaphore_mem>>) src(%arg9 : memref<640xf32, #tpu.memory_space<vmem>>) dst(%dma_wait3A_96 : memref<640xf32, #tpu.memory_space<hbm>>)
        tpu.yield
      }) : () -> ()
    } else {
    }
    %ne3A_87 = arith.constant 0 : i32
    %ne3A_88 = arith.cmpi ne, %arg0, %ne3A_87 : i32
    %convert_element_type3A_89 = arith.extui %ne3A_88 : i1 to i32
    %cond3A_90 = arith.constant 0 : i32
    %cond3A_91 = arith.cmpi ne, %convert_element_type3A_89, %cond3A_90 : i32
    scf.if %cond3A_91 {
      %mul3A_92 = arith.constant 640 : i32
      %mul3A_93 = arith.muli %mul3A_92, %arg1 : i32
      "tpu.region"() ({
        %run_scoped3A_94 = tpu.sem_alloc : memref<!tpu.dma_semaphore, #tpu.memory_space<semaphore_mem>>
        %dma_start3A = tpu.memref_slice %arg5[%mul3A_93] : memref<10240xf32, #tpu.memory_space<hbm>> -> memref<640xf32, #tpu.memory_space<hbm>>
        %dma_start3A_95 = tpu.memref_slice %arg5[%mul3A_93] : memref<10240xf32, #tpu.memory_space<hbm>> -> memref<640xf32, #tpu.memory_space<hbm>>
        tpu.enqueue_dma source(%arg9 : memref<640xf32, #tpu.memory_space<vmem>>) target(%dma_start3A_95 : memref<640xf32, #tpu.memory_space<hbm>>) target_semaphore(%run_scoped3A_94 : memref<!tpu.dma_semaphore, #tpu.memory_space<semaphore_mem>>)
        %dma_wait3A = tpu.memref_slice %arg5[%mul3A_93] : memref<10240xf32, #tpu.memory_space<hbm>> -> memref<640xf32, #tpu.memory_space<hbm>>
        %dma_wait3A_96 = tpu.memref_slice %arg5[%mul3A_93] : memref<10240xf32, #tpu.memory_space<hbm>> -> memref<640xf32, #tpu.memory_space<hbm>>
        tpu.wait_dma2 semaphore(%run_scoped3A_94 : memref<!tpu.dma_semaphore, #tpu.memory_space<semaphore_mem>>) src(%arg9 : memref<640xf32, #tpu.memory_space<vmem>>) dst(%dma_wait3A_96 : memref<640xf32, #tpu.memory_space<hbm>>)
        tpu.yield
      }) : () -> ()
    } else {
    }
    return
  }
}

#map = affine_map<(d0, d1) -> (0)>
module attributes {stable_mosaic.version = 14 : i64} {
  func.func @edge_pass(%arg0: i32, %arg1: i32, %arg2: memref<2621440xf32, #tpu.memory_space<hbm>>, %arg3: memref<320000xi32, #tpu.memory_space<hbm>>, %arg4: memref<40960xf32, #tpu.memory_space<hbm>>, %arg5: memref<2621440xf32, #tpu.memory_space<hbm>>, %arg6: memref<8000xi32, #tpu.memory_space<vmem>>, %arg7: memref<8000xi32, #tpu.memory_space<vmem>>, %arg8: memref<8000xi32, #tpu.memory_space<vmem>>, %arg9: memref<8000xi32, #tpu.memory_space<vmem>>, %arg10: memref<40960xf32, #tpu.memory_space<vmem>>, %arg11: memref<40960xf32, #tpu.memory_space<vmem>>, %arg12: memref<!tpu.dma_semaphore, #tpu.memory_space<semaphore_mem>>, %arg13: memref<!tpu.dma_semaphore, #tpu.memory_space<semaphore_mem>>) attributes {dimension_semantics = [#tpu.dimension_semantics<core_parallel>, #tpu.dimension_semantics<subcore_parallel>], iteration_bounds = array<i64: 2, 16>, scalar_prefetch = 0 : i64, scratch_operands = 8 : i64, tpu.core_type = #tpu.core_type<sc_vector_subcore>, window_params = [{transform_indices = #map}, {transform_indices = #map}, {transform_indices = #map}, {transform_indices = #map}]} {
    %mul3A = arith.constant 16 : i32
    %mul3A_0 = arith.muli %arg0, %mul3A : i32
    %add3A = arith.addi %mul3A_0, %arg1 : i32
    %mul3A_1 = arith.constant 4 : i32
    %mul3A_2 = arith.muli %add3A, %mul3A_1 : i32
    %add3A_3 = arith.constant 0 : i32
    %add3A_4 = arith.addi %add3A_3, %mul3A_2 : i32
    %mul3A_5 = arith.constant 10240 : i32
    %mul3A_6 = arith.muli %add3A_4, %mul3A_5 : i32
    "tpu.region"() ({
      %run_scoped3A = tpu.sem_alloc : memref<!tpu.dma_semaphore, #tpu.memory_space<semaphore_mem>>
      %dma_start3A_73 = tpu.memref_slice %arg2[%mul3A_6] : memref<2621440xf32, #tpu.memory_space<hbm>> -> memref<40960xf32, #tpu.memory_space<hbm>>
      %dma_start3A_74 = tpu.memref_slice %arg2[%mul3A_6] : memref<2621440xf32, #tpu.memory_space<hbm>> -> memref<40960xf32, #tpu.memory_space<hbm>>
      tpu.enqueue_dma source(%dma_start3A_74 : memref<40960xf32, #tpu.memory_space<hbm>>) target(%arg10 : memref<40960xf32, #tpu.memory_space<vmem>>) target_semaphore(%run_scoped3A : memref<!tpu.dma_semaphore, #tpu.memory_space<semaphore_mem>>)
      %dma_wait3A = tpu.memref_slice %arg2[%mul3A_6] : memref<2621440xf32, #tpu.memory_space<hbm>> -> memref<40960xf32, #tpu.memory_space<hbm>>
      %dma_wait3A_75 = tpu.memref_slice %arg2[%mul3A_6] : memref<2621440xf32, #tpu.memory_space<hbm>> -> memref<40960xf32, #tpu.memory_space<hbm>>
      tpu.wait_dma2 semaphore(%run_scoped3A : memref<!tpu.dma_semaphore, #tpu.memory_space<semaphore_mem>>) src(%dma_wait3A_75 : memref<40960xf32, #tpu.memory_space<hbm>>) dst(%arg10 : memref<40960xf32, #tpu.memory_space<vmem>>)
      tpu.yield
    }) : () -> ()
    "tpu.region"() ({
      %run_scoped3A = tpu.sem_alloc : memref<!tpu.dma_semaphore, #tpu.memory_space<semaphore_mem>>
      tpu.enqueue_dma source(%arg4 : memref<40960xf32, #tpu.memory_space<hbm>>) target(%arg11 : memref<40960xf32, #tpu.memory_space<vmem>>) target_semaphore(%run_scoped3A : memref<!tpu.dma_semaphore, #tpu.memory_space<semaphore_mem>>)
      tpu.wait_dma2 semaphore(%run_scoped3A : memref<!tpu.dma_semaphore, #tpu.memory_space<semaphore_mem>>) src(%arg4 : memref<40960xf32, #tpu.memory_space<hbm>>) dst(%arg11 : memref<40960xf32, #tpu.memory_space<vmem>>)
      tpu.yield
    }) : () -> ()
    %dma_start3A = arith.constant 0 : i32
    %dma_start3A_7 = tpu.memref_slice %arg3[%dma_start3A] : memref<320000xi32, #tpu.memory_space<hbm>> -> memref<8000xi32, #tpu.memory_space<hbm>>
    %dma_start3A_8 = arith.constant 0 : i32
    %dma_start3A_9 = tpu.memref_slice %arg3[%dma_start3A_8] : memref<320000xi32, #tpu.memory_space<hbm>> -> memref<8000xi32, #tpu.memory_space<hbm>>
    tpu.enqueue_dma source(%dma_start3A_9 : memref<8000xi32, #tpu.memory_space<hbm>>) target(%arg6 : memref<8000xi32, #tpu.memory_space<vmem>>) target_semaphore(%arg12 : memref<!tpu.dma_semaphore, #tpu.memory_space<semaphore_mem>>)
    %dma_start3A_10 = arith.constant 160000 : i32
    %dma_start3A_11 = tpu.memref_slice %arg3[%dma_start3A_10] : memref<320000xi32, #tpu.memory_space<hbm>> -> memref<8000xi32, #tpu.memory_space<hbm>>
    %dma_start3A_12 = arith.constant 160000 : i32
    %dma_start3A_13 = tpu.memref_slice %arg3[%dma_start3A_12] : memref<320000xi32, #tpu.memory_space<hbm>> -> memref<8000xi32, #tpu.memory_space<hbm>>
    tpu.enqueue_dma source(%dma_start3A_13 : memref<8000xi32, #tpu.memory_space<hbm>>) target(%arg8 : memref<8000xi32, #tpu.memory_space<vmem>>) target_semaphore(%arg12 : memref<!tpu.dma_semaphore, #tpu.memory_space<semaphore_mem>>)
    %scan3A = arith.constant 0 : i32
    %scan3A_14 = arith.constant 0 : i32
    %scan3A_15 = arith.constant 10 : i32
    %scan3A_16 = arith.addi %scan3A_14, %scan3A_15 : i32
    %scan3A_17 = arith.constant 1 : i32
    %scan3A_18 = scf.for %scan3A_73 = %scan3A_14 to %scan3A_16 step %scan3A_17 iter_args(%scan3A_74 = %scan3A) -> (i32)  : i32 {
      %mul3A_75 = arith.constant 2 : i32
      %mul3A_76 = arith.muli %mul3A_75, %scan3A_73 : i32
      %add3A_77 = arith.constant 0 : i32
      %add3A_78 = arith.addi %mul3A_76, %add3A_77 : i32
      %lt3A = arith.constant 20 : i32
      %lt3A_79 = arith.cmpi slt, %add3A_78, %lt3A : i32
      %convert_element_type3A = arith.extui %lt3A_79 : i1 to i32
      %cond3A = arith.constant 0 : i32
      %cond3A_80 = arith.cmpi ne, %convert_element_type3A, %cond3A : i32
      scf.if %cond3A_80 {
        %dma_wait3A = arith.constant 0 : i32
        %dma_wait3A_91 = tpu.memref_slice %arg3[%dma_wait3A] : memref<320000xi32, #tpu.memory_space<hbm>> -> memref<8000xi32, #tpu.memory_space<hbm>>
        %dma_wait3A_92 = arith.constant 0 : i32
        %dma_wait3A_93 = tpu.memref_slice %arg3[%dma_wait3A_92] : memref<320000xi32, #tpu.memory_space<hbm>> -> memref<8000xi32, #tpu.memory_space<hbm>>
        tpu.wait_dma2 semaphore(%arg12 : memref<!tpu.dma_semaphore, #tpu.memory_space<semaphore_mem>>) src(%dma_wait3A_93 : memref<8000xi32, #tpu.memory_space<hbm>>) dst(%arg6 : memref<8000xi32, #tpu.memory_space<vmem>>)
        %dma_wait3A_94 = arith.constant 0 : i32
        %dma_wait3A_95 = tpu.memref_slice %arg3[%dma_wait3A_94] : memref<320000xi32, #tpu.memory_space<hbm>> -> memref<8000xi32, #tpu.memory_space<hbm>>
        %dma_wait3A_96 = arith.constant 0 : i32
        %dma_wait3A_97 = tpu.memref_slice %arg3[%dma_wait3A_96] : memref<320000xi32, #tpu.memory_space<hbm>> -> memref<8000xi32, #tpu.memory_space<hbm>>
        tpu.wait_dma2 semaphore(%arg12 : memref<!tpu.dma_semaphore, #tpu.memory_space<semaphore_mem>>) src(%dma_wait3A_97 : memref<8000xi32, #tpu.memory_space<hbm>>) dst(%arg8 : memref<8000xi32, #tpu.memory_space<vmem>>)
        %add3A_98 = arith.constant 1 : i32
        %add3A_99 = arith.addi %add3A_78, %add3A_98 : i32
        %lt3A_100 = arith.constant 20 : i32
        %lt3A_101 = arith.cmpi slt, %add3A_99, %lt3A_100 : i32
        %convert_element_type3A_102 = arith.extui %lt3A_101 : i1 to i32
        %cond3A_103 = arith.constant 0 : i32
        %cond3A_104 = arith.cmpi ne, %convert_element_type3A_102, %cond3A_103 : i32
        scf.if %cond3A_104 {
          %add3A_107 = arith.constant 1 : i32
          %add3A_108 = arith.addi %add3A_78, %add3A_107 : i32
          %mul3A_109 = arith.constant 8000 : i32
          %mul3A_110 = arith.muli %add3A_108, %mul3A_109 : i32
          %dma_start3A_111 = tpu.memref_slice %arg3[%mul3A_110] : memref<320000xi32, #tpu.memory_space<hbm>> -> memref<8000xi32, #tpu.memory_space<hbm>>
          %dma_start3A_112 = tpu.memref_slice %arg3[%mul3A_110] : memref<320000xi32, #tpu.memory_space<hbm>> -> memref<8000xi32, #tpu.memory_space<hbm>>
          tpu.enqueue_dma source(%dma_start3A_112 : memref<8000xi32, #tpu.memory_space<hbm>>) target(%arg7 : memref<8000xi32, #tpu.memory_space<vmem>>) target_semaphore(%arg13 : memref<!tpu.dma_semaphore, #tpu.memory_space<semaphore_mem>>)
          %add3A_113 = arith.constant 160000 : i32
          %add3A_114 = arith.addi %add3A_113, %mul3A_110 : i32
          %dma_start3A_115 = tpu.memref_slice %arg3[%add3A_114] : memref<320000xi32, #tpu.memory_space<hbm>> -> memref<8000xi32, #tpu.memory_space<hbm>>
          %dma_start3A_116 = tpu.memref_slice %arg3[%add3A_114] : memref<320000xi32, #tpu.memory_space<hbm>> -> memref<8000xi32, #tpu.memory_space<hbm>>
          tpu.enqueue_dma source(%dma_start3A_116 : memref<8000xi32, #tpu.memory_space<hbm>>) target(%arg9 : memref<8000xi32, #tpu.memory_space<vmem>>) target_semaphore(%arg13 : memref<!tpu.dma_semaphore, #tpu.memory_space<semaphore_mem>>)
        } else {
        }
        %parallel_loop3A = arith.constant 0 : i32
        %parallel_loop3A_105 = arith.constant 500 : i32
        %parallel_loop3A_106 = arith.constant 1 : i32
        scf.for %parallel_loop3A_107 = %parallel_loop3A to %parallel_loop3A_105 step %parallel_loop3A_106  : i32 {
          %parallel_loop3A_108 = arith.constant 16 : i32
          %parallel_loop3A_109 = arith.muli %parallel_loop3A_107, %parallel_loop3A_108 : i32
          %parallel_loop3A_110 = arith.index_cast %parallel_loop3A_109 : i32 to index
          %parallel_loop3A_111 = tpu.vector_load %arg6[%parallel_loop3A_110] {strides = array<i32>} : memref<8000xi32, #tpu.memory_space<vmem>>, vector<16xi32>,
          %parallel_loop3A_112 = arith.constant 16 : i32
          %parallel_loop3A_113 = arith.muli %parallel_loop3A_107, %parallel_loop3A_112 : i32
          %parallel_loop3A_114 = arith.index_cast %parallel_loop3A_113 : i32 to index
          %parallel_loop3A_115 = tpu.vector_load %arg8[%parallel_loop3A_114] {strides = array<i32>} : memref<8000xi32, #tpu.memory_space<vmem>>, vector<16xi32>,
          %parallel_loop3A_116 = arith.constant 0 : i32
          %parallel_loop3A_117 = vector.broadcast %parallel_loop3A_116 : i32 to vector<16xi32>
          %parallel_loop3A_118 = arith.addi %parallel_loop3A_111, %parallel_loop3A_117 : vector<16xi32>
          %parallel_loop3A_119 = tpu.vector_load_idx %arg10[%parallel_loop3A_118] : memref<40960xf32, #tpu.memory_space<vmem>>[vector<16xi32>], vector<16xf32>,
          %parallel_loop3A_120 = arith.constant 0 : i32
          %parallel_loop3A_121 = vector.broadcast %parallel_loop3A_120 : i32 to vector<16xi32>
          %parallel_loop3A_122 = arith.addi %parallel_loop3A_115, %parallel_loop3A_121 : vector<16xi32>
          tpu.vector_store_idx %arg11[%parallel_loop3A_122], %parallel_loop3A_119 {add = true} : memref<40960xf32, #tpu.memory_space<vmem>>[vector<16xi32>], vector<16xf32>,
          %parallel_loop3A_123 = arith.constant 10240 : i32
          %parallel_loop3A_124 = vector.broadcast %parallel_loop3A_123 : i32 to vector<16xi32>
          %parallel_loop3A_125 = arith.addi %parallel_loop3A_111, %parallel_loop3A_124 : vector<16xi32>
          %parallel_loop3A_126 = tpu.vector_load_idx %arg10[%parallel_loop3A_125] : memref<40960xf32, #tpu.memory_space<vmem>>[vector<16xi32>], vector<16xf32>,
          %parallel_loop3A_127 = arith.constant 10240 : i32
          %parallel_loop3A_128 = vector.broadcast %parallel_loop3A_127 : i32 to vector<16xi32>
          %parallel_loop3A_129 = arith.addi %parallel_loop3A_115, %parallel_loop3A_128 : vector<16xi32>
          tpu.vector_store_idx %arg11[%parallel_loop3A_129], %parallel_loop3A_126 {add = true} : memref<40960xf32, #tpu.memory_space<vmem>>[vector<16xi32>], vector<16xf32>,
          %parallel_loop3A_130 = arith.constant 20480 : i32
          %parallel_loop3A_131 = vector.broadcast %parallel_loop3A_130 : i32 to vector<16xi32>
          %parallel_loop3A_132 = arith.addi %parallel_loop3A_111, %parallel_loop3A_131 : vector<16xi32>
          %parallel_loop3A_133 = tpu.vector_load_idx %arg10[%parallel_loop3A_132] : memref<40960xf32, #tpu.memory_space<vmem>>[vector<16xi32>], vector<16xf32>,
          %parallel_loop3A_134 = arith.constant 20480 : i32
          %parallel_loop3A_135 = vector.broadcast %parallel_loop3A_134 : i32 to vector<16xi32>
          %parallel_loop3A_136 = arith.addi %parallel_loop3A_115, %parallel_loop3A_135 : vector<16xi32>
          tpu.vector_store_idx %arg11[%parallel_loop3A_136], %parallel_loop3A_133 {add = true} : memref<40960xf32, #tpu.memory_space<vmem>>[vector<16xi32>], vector<16xf32>,
          %parallel_loop3A_137 = arith.constant 30720 : i32
          %parallel_loop3A_138 = vector.broadcast %parallel_loop3A_137 : i32 to vector<16xi32>
          %parallel_loop3A_139 = arith.addi %parallel_loop3A_111, %parallel_loop3A_138 : vector<16xi32>
          %parallel_loop3A_140 = tpu.vector_load_idx %arg10[%parallel_loop3A_139] : memref<40960xf32, #tpu.memory_space<vmem>>[vector<16xi32>], vector<16xf32>,
          %parallel_loop3A_141 = arith.constant 30720 : i32
          %parallel_loop3A_142 = vector.broadcast %parallel_loop3A_141 : i32 to vector<16xi32>
          %parallel_loop3A_143 = arith.addi %parallel_loop3A_115, %parallel_loop3A_142 : vector<16xi32>
          tpu.vector_store_idx %arg11[%parallel_loop3A_143], %parallel_loop3A_140 {add = true} : memref<40960xf32, #tpu.memory_space<vmem>>[vector<16xi32>], vector<16xf32>,
        } {sc.loop_unroll_factor = 10 : i64, sc.parallel_access}
      } else {
      }
      %mul3A_81 = arith.constant 2 : i32
      %mul3A_82 = arith.muli %mul3A_81, %scan3A_73 : i32
      %add3A_83 = arith.constant 1 : i32
      %add3A_84 = arith.addi %mul3A_82, %add3A_83 : i32
      %lt3A_85 = arith.constant 20 : i32
      %lt3A_86 = arith.cmpi slt, %add3A_84, %lt3A_85 : i32
      %convert_element_type3A_87 = arith.extui %lt3A_86 : i1 to i32
      %cond3A_88 = arith.constant 0 : i32
      %cond3A_89 = arith.cmpi ne, %convert_element_type3A_87, %cond3A_88 : i32
      scf.if %cond3A_89 {
        %dma_wait3A = arith.constant 0 : i32
        %dma_wait3A_91 = tpu.memref_slice %arg3[%dma_wait3A] : memref<320000xi32, #tpu.memory_space<hbm>> -> memref<8000xi32, #tpu.memory_space<hbm>>
        %dma_wait3A_92 = arith.constant 0 : i32
        %dma_wait3A_93 = tpu.memref_slice %arg3[%dma_wait3A_92] : memref<320000xi32, #tpu.memory_space<hbm>> -> memref<8000xi32, #tpu.memory_space<hbm>>
        tpu.wait_dma2 semaphore(%arg13 : memref<!tpu.dma_semaphore, #tpu.memory_space<semaphore_mem>>) src(%dma_wait3A_93 : memref<8000xi32, #tpu.memory_space<hbm>>) dst(%arg7 : memref<8000xi32, #tpu.memory_space<vmem>>)
        %dma_wait3A_94 = arith.constant 0 : i32
        %dma_wait3A_95 = tpu.memref_slice %arg3[%dma_wait3A_94] : memref<320000xi32, #tpu.memory_space<hbm>> -> memref<8000xi32, #tpu.memory_space<hbm>>
        %dma_wait3A_96 = arith.constant 0 : i32
        %dma_wait3A_97 = tpu.memref_slice %arg3[%dma_wait3A_96] : memref<320000xi32, #tpu.memory_space<hbm>> -> memref<8000xi32, #tpu.memory_space<hbm>>
        tpu.wait_dma2 semaphore(%arg13 : memref<!tpu.dma_semaphore, #tpu.memory_space<semaphore_mem>>) src(%dma_wait3A_97 : memref<8000xi32, #tpu.memory_space<hbm>>) dst(%arg9 : memref<8000xi32, #tpu.memory_space<vmem>>)
        %add3A_98 = arith.constant 1 : i32
        %add3A_99 = arith.addi %add3A_84, %add3A_98 : i32
        %lt3A_100 = arith.constant 20 : i32
        %lt3A_101 = arith.cmpi slt, %add3A_99, %lt3A_100 : i32
        %convert_element_type3A_102 = arith.extui %lt3A_101 : i1 to i32
        %cond3A_103 = arith.constant 0 : i32
        %cond3A_104 = arith.cmpi ne, %convert_element_type3A_102, %cond3A_103 : i32
        scf.if %cond3A_104 {
          %add3A_107 = arith.constant 1 : i32
          %add3A_108 = arith.addi %add3A_84, %add3A_107 : i32
          %mul3A_109 = arith.constant 8000 : i32
          %mul3A_110 = arith.muli %add3A_108, %mul3A_109 : i32
          %dma_start3A_111 = tpu.memref_slice %arg3[%mul3A_110] : memref<320000xi32, #tpu.memory_space<hbm>> -> memref<8000xi32, #tpu.memory_space<hbm>>
          %dma_start3A_112 = tpu.memref_slice %arg3[%mul3A_110] : memref<320000xi32, #tpu.memory_space<hbm>> -> memref<8000xi32, #tpu.memory_space<hbm>>
          tpu.enqueue_dma source(%dma_start3A_112 : memref<8000xi32, #tpu.memory_space<hbm>>) target(%arg6 : memref<8000xi32, #tpu.memory_space<vmem>>) target_semaphore(%arg12 : memref<!tpu.dma_semaphore, #tpu.memory_space<semaphore_mem>>)
          %add3A_113 = arith.constant 160000 : i32
          %add3A_114 = arith.addi %add3A_113, %mul3A_110 : i32
          %dma_start3A_115 = tpu.memref_slice %arg3[%add3A_114] : memref<320000xi32, #tpu.memory_space<hbm>> -> memref<8000xi32, #tpu.memory_space<hbm>>
          %dma_start3A_116 = tpu.memref_slice %arg3[%add3A_114] : memref<320000xi32, #tpu.memory_space<hbm>> -> memref<8000xi32, #tpu.memory_space<hbm>>
          tpu.enqueue_dma source(%dma_start3A_116 : memref<8000xi32, #tpu.memory_space<hbm>>) target(%arg8 : memref<8000xi32, #tpu.memory_space<vmem>>) target_semaphore(%arg12 : memref<!tpu.dma_semaphore, #tpu.memory_space<semaphore_mem>>)
        } else {
        }
        %parallel_loop3A = arith.constant 0 : i32
        %parallel_loop3A_105 = arith.constant 500 : i32
        %parallel_loop3A_106 = arith.constant 1 : i32
        scf.for %parallel_loop3A_107 = %parallel_loop3A to %parallel_loop3A_105 step %parallel_loop3A_106  : i32 {
          %parallel_loop3A_108 = arith.constant 16 : i32
          %parallel_loop3A_109 = arith.muli %parallel_loop3A_107, %parallel_loop3A_108 : i32
          %parallel_loop3A_110 = arith.index_cast %parallel_loop3A_109 : i32 to index
          %parallel_loop3A_111 = tpu.vector_load %arg7[%parallel_loop3A_110] {strides = array<i32>} : memref<8000xi32, #tpu.memory_space<vmem>>, vector<16xi32>,
          %parallel_loop3A_112 = arith.constant 16 : i32
          %parallel_loop3A_113 = arith.muli %parallel_loop3A_107, %parallel_loop3A_112 : i32
          %parallel_loop3A_114 = arith.index_cast %parallel_loop3A_113 : i32 to index
          %parallel_loop3A_115 = tpu.vector_load %arg9[%parallel_loop3A_114] {strides = array<i32>} : memref<8000xi32, #tpu.memory_space<vmem>>, vector<16xi32>,
          %parallel_loop3A_116 = arith.constant 0 : i32
          %parallel_loop3A_117 = vector.broadcast %parallel_loop3A_116 : i32 to vector<16xi32>
          %parallel_loop3A_118 = arith.addi %parallel_loop3A_111, %parallel_loop3A_117 : vector<16xi32>
          %parallel_loop3A_119 = tpu.vector_load_idx %arg10[%parallel_loop3A_118] : memref<40960xf32, #tpu.memory_space<vmem>>[vector<16xi32>], vector<16xf32>,
          %parallel_loop3A_120 = arith.constant 0 : i32
          %parallel_loop3A_121 = vector.broadcast %parallel_loop3A_120 : i32 to vector<16xi32>
          %parallel_loop3A_122 = arith.addi %parallel_loop3A_115, %parallel_loop3A_121 : vector<16xi32>
          tpu.vector_store_idx %arg11[%parallel_loop3A_122], %parallel_loop3A_119 {add = true} : memref<40960xf32, #tpu.memory_space<vmem>>[vector<16xi32>], vector<16xf32>,
          %parallel_loop3A_123 = arith.constant 10240 : i32
          %parallel_loop3A_124 = vector.broadcast %parallel_loop3A_123 : i32 to vector<16xi32>
          %parallel_loop3A_125 = arith.addi %parallel_loop3A_111, %parallel_loop3A_124 : vector<16xi32>
          %parallel_loop3A_126 = tpu.vector_load_idx %arg10[%parallel_loop3A_125] : memref<40960xf32, #tpu.memory_space<vmem>>[vector<16xi32>], vector<16xf32>,
          %parallel_loop3A_127 = arith.constant 10240 : i32
          %parallel_loop3A_128 = vector.broadcast %parallel_loop3A_127 : i32 to vector<16xi32>
          %parallel_loop3A_129 = arith.addi %parallel_loop3A_115, %parallel_loop3A_128 : vector<16xi32>
          tpu.vector_store_idx %arg11[%parallel_loop3A_129], %parallel_loop3A_126 {add = true} : memref<40960xf32, #tpu.memory_space<vmem>>[vector<16xi32>], vector<16xf32>,
          %parallel_loop3A_130 = arith.constant 20480 : i32
          %parallel_loop3A_131 = vector.broadcast %parallel_loop3A_130 : i32 to vector<16xi32>
          %parallel_loop3A_132 = arith.addi %parallel_loop3A_111, %parallel_loop3A_131 : vector<16xi32>
          %parallel_loop3A_133 = tpu.vector_load_idx %arg10[%parallel_loop3A_132] : memref<40960xf32, #tpu.memory_space<vmem>>[vector<16xi32>], vector<16xf32>,
          %parallel_loop3A_134 = arith.constant 20480 : i32
          %parallel_loop3A_135 = vector.broadcast %parallel_loop3A_134 : i32 to vector<16xi32>
          %parallel_loop3A_136 = arith.addi %parallel_loop3A_115, %parallel_loop3A_135 : vector<16xi32>
          tpu.vector_store_idx %arg11[%parallel_loop3A_136], %parallel_loop3A_133 {add = true} : memref<40960xf32, #tpu.memory_space<vmem>>[vector<16xi32>], vector<16xf32>,
          %parallel_loop3A_137 = arith.constant 30720 : i32
          %parallel_loop3A_138 = vector.broadcast %parallel_loop3A_137 : i32 to vector<16xi32>
          %parallel_loop3A_139 = arith.addi %parallel_loop3A_111, %parallel_loop3A_138 : vector<16xi32>
          %parallel_loop3A_140 = tpu.vector_load_idx %arg10[%parallel_loop3A_139] : memref<40960xf32, #tpu.memory_space<vmem>>[vector<16xi32>], vector<16xf32>,
          %parallel_loop3A_141 = arith.constant 30720 : i32
          %parallel_loop3A_142 = vector.broadcast %parallel_loop3A_141 : i32 to vector<16xi32>
          %parallel_loop3A_143 = arith.addi %parallel_loop3A_115, %parallel_loop3A_142 : vector<16xi32>
          tpu.vector_store_idx %arg11[%parallel_loop3A_143], %parallel_loop3A_140 {add = true} : memref<40960xf32, #tpu.memory_space<vmem>>[vector<16xi32>], vector<16xf32>,
        } {sc.loop_unroll_factor = 10 : i64, sc.parallel_access}
      } else {
      }
      %scan3A_90 = arith.constant 0 : i32
      scf.yield %scan3A_90 : i32
    }
    %scan3A_19 = arith.constant 10 : i32
    %add3A_20 = arith.constant 0 : i32
    %add3A_21 = arith.addi %add3A_4, %add3A_20 : i32
    %mul3A_22 = arith.constant 10240 : i32
    %mul3A_23 = arith.muli %add3A_21, %mul3A_22 : i32
    "tpu.region"() ({
      %run_scoped3A = tpu.sem_alloc : memref<!tpu.dma_semaphore, #tpu.memory_space<semaphore_mem>>
      %dma_start3A_73 = arith.constant 0 : i32
      %dma_start3A_74 = tpu.memref_slice %arg11[%dma_start3A_73] : memref<40960xf32, #tpu.memory_space<vmem>> -> memref<10240xf32, #tpu.memory_space<vmem>>
      %dma_start3A_75 = tpu.memref_slice %arg5[%mul3A_23] : memref<2621440xf32, #tpu.memory_space<hbm>> -> memref<10240xf32, #tpu.memory_space<hbm>>
      %dma_start3A_76 = tpu.memref_slice %arg5[%mul3A_23] : memref<2621440xf32, #tpu.memory_space<hbm>> -> memref<10240xf32, #tpu.memory_space<hbm>>
      %dma_start3A_77 = arith.constant 0 : i32
      %dma_start3A_78 = tpu.memref_slice %arg11[%dma_start3A_77] : memref<40960xf32, #tpu.memory_space<vmem>> -> memref<10240xf32, #tpu.memory_space<vmem>>
      tpu.enqueue_dma source(%dma_start3A_78 : memref<10240xf32, #tpu.memory_space<vmem>>) target(%dma_start3A_76 : memref<10240xf32, #tpu.memory_space<hbm>>) target_semaphore(%run_scoped3A : memref<!tpu.dma_semaphore, #tpu.memory_space<semaphore_mem>>)
      %dma_wait3A = arith.constant 0 : i32
      %dma_wait3A_79 = tpu.memref_slice %arg11[%dma_wait3A] : memref<40960xf32, #tpu.memory_space<vmem>> -> memref<10240xf32, #tpu.memory_space<vmem>>
      %dma_wait3A_80 = tpu.memref_slice %arg5[%mul3A_23] : memref<2621440xf32, #tpu.memory_space<hbm>> -> memref<10240xf32, #tpu.memory_space<hbm>>
      %dma_wait3A_81 = tpu.memref_slice %arg5[%mul3A_23] : memref<2621440xf32, #tpu.memory_space<hbm>> -> memref<10240xf32, #tpu.memory_space<hbm>>
      %dma_wait3A_82 = arith.constant 0 : i32
      %dma_wait3A_83 = tpu.memref_slice %arg11[%dma_wait3A_82] : memref<40960xf32, #tpu.memory_space<vmem>> -> memref<10240xf32, #tpu.memory_space<vmem>>
      tpu.wait_dma2 semaphore(%run_scoped3A : memref<!tpu.dma_semaphore, #tpu.memory_space<semaphore_mem>>) src(%dma_wait3A_83 : memref<10240xf32, #tpu.memory_space<vmem>>) dst(%dma_wait3A_81 : memref<10240xf32, #tpu.memory_space<hbm>>)
      tpu.yield
    }) : () -> ()
    %add3A_24 = arith.constant 1 : i32
    %add3A_25 = arith.addi %add3A_4, %add3A_24 : i32
    %mul3A_26 = arith.constant 10240 : i32
    %mul3A_27 = arith.muli %add3A_25, %mul3A_26 : i32
    "tpu.region"() ({
      %run_scoped3A = tpu.sem_alloc : memref<!tpu.dma_semaphore, #tpu.memory_space<semaphore_mem>>
      %dma_start3A_73 = arith.constant 10240 : i32
      %dma_start3A_74 = tpu.memref_slice %arg11[%dma_start3A_73] : memref<40960xf32, #tpu.memory_space<vmem>> -> memref<10240xf32, #tpu.memory_space<vmem>>
      %dma_start3A_75 = tpu.memref_slice %arg5[%mul3A_27] : memref<2621440xf32, #tpu.memory_space<hbm>> -> memref<10240xf32, #tpu.memory_space<hbm>>
      %dma_start3A_76 = tpu.memref_slice %arg5[%mul3A_27] : memref<2621440xf32, #tpu.memory_space<hbm>> -> memref<10240xf32, #tpu.memory_space<hbm>>
      %dma_start3A_77 = arith.constant 10240 : i32
      %dma_start3A_78 = tpu.memref_slice %arg11[%dma_start3A_77] : memref<40960xf32, #tpu.memory_space<vmem>> -> memref<10240xf32, #tpu.memory_space<vmem>>
      tpu.enqueue_dma source(%dma_start3A_78 : memref<10240xf32, #tpu.memory_space<vmem>>) target(%dma_start3A_76 : memref<10240xf32, #tpu.memory_space<hbm>>) target_semaphore(%run_scoped3A : memref<!tpu.dma_semaphore, #tpu.memory_space<semaphore_mem>>)
      %dma_wait3A = arith.constant 10240 : i32
      %dma_wait3A_79 = tpu.memref_slice %arg11[%dma_wait3A] : memref<40960xf32, #tpu.memory_space<vmem>> -> memref<10240xf32, #tpu.memory_space<vmem>>
      %dma_wait3A_80 = tpu.memref_slice %arg5[%mul3A_27] : memref<2621440xf32, #tpu.memory_space<hbm>> -> memref<10240xf32, #tpu.memory_space<hbm>>
      %dma_wait3A_81 = tpu.memref_slice %arg5[%mul3A_27] : memref<2621440xf32, #tpu.memory_space<hbm>> -> memref<10240xf32, #tpu.memory_space<hbm>>
      %dma_wait3A_82 = arith.constant 10240 : i32
      %dma_wait3A_83 = tpu.memref_slice %arg11[%dma_wait3A_82] : memref<40960xf32, #tpu.memory_space<vmem>> -> memref<10240xf32, #tpu.memory_space<vmem>>
      tpu.wait_dma2 semaphore(%run_scoped3A : memref<!tpu.dma_semaphore, #tpu.memory_space<semaphore_mem>>) src(%dma_wait3A_83 : memref<10240xf32, #tpu.memory_space<vmem>>) dst(%dma_wait3A_81 : memref<10240xf32, #tpu.memory_space<hbm>>)
      tpu.yield
    }) : () -> ()
    %add3A_28 = arith.constant 2 : i32
    %add3A_29 = arith.addi %add3A_4, %add3A_28 : i32
    %mul3A_30 = arith.constant 10240 : i32
    %mul3A_31 = arith.muli %add3A_29, %mul3A_30 : i32
    "tpu.region"() ({
      %run_scoped3A = tpu.sem_alloc : memref<!tpu.dma_semaphore, #tpu.memory_space<semaphore_mem>>
      %dma_start3A_73 = arith.constant 20480 : i32
      %dma_start3A_74 = tpu.memref_slice %arg11[%dma_start3A_73] : memref<40960xf32, #tpu.memory_space<vmem>> -> memref<10240xf32, #tpu.memory_space<vmem>>
      %dma_start3A_75 = tpu.memref_slice %arg5[%mul3A_31] : memref<2621440xf32, #tpu.memory_space<hbm>> -> memref<10240xf32, #tpu.memory_space<hbm>>
      %dma_start3A_76 = tpu.memref_slice %arg5[%mul3A_31] : memref<2621440xf32, #tpu.memory_space<hbm>> -> memref<10240xf32, #tpu.memory_space<hbm>>
      %dma_start3A_77 = arith.constant 20480 : i32
      %dma_start3A_78 = tpu.memref_slice %arg11[%dma_start3A_77] : memref<40960xf32, #tpu.memory_space<vmem>> -> memref<10240xf32, #tpu.memory_space<vmem>>
      tpu.enqueue_dma source(%dma_start3A_78 : memref<10240xf32, #tpu.memory_space<vmem>>) target(%dma_start3A_76 : memref<10240xf32, #tpu.memory_space<hbm>>) target_semaphore(%run_scoped3A : memref<!tpu.dma_semaphore, #tpu.memory_space<semaphore_mem>>)
      %dma_wait3A = arith.constant 20480 : i32
      %dma_wait3A_79 = tpu.memref_slice %arg11[%dma_wait3A] : memref<40960xf32, #tpu.memory_space<vmem>> -> memref<10240xf32, #tpu.memory_space<vmem>>
      %dma_wait3A_80 = tpu.memref_slice %arg5[%mul3A_31] : memref<2621440xf32, #tpu.memory_space<hbm>> -> memref<10240xf32, #tpu.memory_space<hbm>>
      %dma_wait3A_81 = tpu.memref_slice %arg5[%mul3A_31] : memref<2621440xf32, #tpu.memory_space<hbm>> -> memref<10240xf32, #tpu.memory_space<hbm>>
      %dma_wait3A_82 = arith.constant 20480 : i32
      %dma_wait3A_83 = tpu.memref_slice %arg11[%dma_wait3A_82] : memref<40960xf32, #tpu.memory_space<vmem>> -> memref<10240xf32, #tpu.memory_space<vmem>>
      tpu.wait_dma2 semaphore(%run_scoped3A : memref<!tpu.dma_semaphore, #tpu.memory_space<semaphore_mem>>) src(%dma_wait3A_83 : memref<10240xf32, #tpu.memory_space<vmem>>) dst(%dma_wait3A_81 : memref<10240xf32, #tpu.memory_space<hbm>>)
      tpu.yield
    }) : () -> ()
    %add3A_32 = arith.constant 3 : i32
    %add3A_33 = arith.addi %add3A_4, %add3A_32 : i32
    %mul3A_34 = arith.constant 10240 : i32
    %mul3A_35 = arith.muli %add3A_33, %mul3A_34 : i32
    "tpu.region"() ({
      %run_scoped3A = tpu.sem_alloc : memref<!tpu.dma_semaphore, #tpu.memory_space<semaphore_mem>>
      %dma_start3A_73 = arith.constant 30720 : i32
      %dma_start3A_74 = tpu.memref_slice %arg11[%dma_start3A_73] : memref<40960xf32, #tpu.memory_space<vmem>> -> memref<10240xf32, #tpu.memory_space<vmem>>
      %dma_start3A_75 = tpu.memref_slice %arg5[%mul3A_35] : memref<2621440xf32, #tpu.memory_space<hbm>> -> memref<10240xf32, #tpu.memory_space<hbm>>
      %dma_start3A_76 = tpu.memref_slice %arg5[%mul3A_35] : memref<2621440xf32, #tpu.memory_space<hbm>> -> memref<10240xf32, #tpu.memory_space<hbm>>
      %dma_start3A_77 = arith.constant 30720 : i32
      %dma_start3A_78 = tpu.memref_slice %arg11[%dma_start3A_77] : memref<40960xf32, #tpu.memory_space<vmem>> -> memref<10240xf32, #tpu.memory_space<vmem>>
      tpu.enqueue_dma source(%dma_start3A_78 : memref<10240xf32, #tpu.memory_space<vmem>>) target(%dma_start3A_76 : memref<10240xf32, #tpu.memory_space<hbm>>) target_semaphore(%run_scoped3A : memref<!tpu.dma_semaphore, #tpu.memory_space<semaphore_mem>>)
      %dma_wait3A = arith.constant 30720 : i32
      %dma_wait3A_79 = tpu.memref_slice %arg11[%dma_wait3A] : memref<40960xf32, #tpu.memory_space<vmem>> -> memref<10240xf32, #tpu.memory_space<vmem>>
      %dma_wait3A_80 = tpu.memref_slice %arg5[%mul3A_35] : memref<2621440xf32, #tpu.memory_space<hbm>> -> memref<10240xf32, #tpu.memory_space<hbm>>
      %dma_wait3A_81 = tpu.memref_slice %arg5[%mul3A_35] : memref<2621440xf32, #tpu.memory_space<hbm>> -> memref<10240xf32, #tpu.memory_space<hbm>>
      %dma_wait3A_82 = arith.constant 30720 : i32
      %dma_wait3A_83 = tpu.memref_slice %arg11[%dma_wait3A_82] : memref<40960xf32, #tpu.memory_space<vmem>> -> memref<10240xf32, #tpu.memory_space<vmem>>
      tpu.wait_dma2 semaphore(%run_scoped3A : memref<!tpu.dma_semaphore, #tpu.memory_space<semaphore_mem>>) src(%dma_wait3A_83 : memref<10240xf32, #tpu.memory_space<vmem>>) dst(%dma_wait3A_81 : memref<10240xf32, #tpu.memory_space<hbm>>)
      tpu.yield
    }) : () -> ()
    %mul3A_36 = arith.constant 4 : i32
    %mul3A_37 = arith.muli %add3A, %mul3A_36 : i32
    %add3A_38 = arith.constant 128 : i32
    %add3A_39 = arith.addi %add3A_38, %mul3A_37 : i32
    %mul3A_40 = arith.constant 10240 : i32
    %mul3A_41 = arith.muli %add3A_39, %mul3A_40 : i32
    "tpu.region"() ({
      %run_scoped3A = tpu.sem_alloc : memref<!tpu.dma_semaphore, #tpu.memory_space<semaphore_mem>>
      %dma_start3A_73 = tpu.memref_slice %arg2[%mul3A_41] : memref<2621440xf32, #tpu.memory_space<hbm>> -> memref<40960xf32, #tpu.memory_space<hbm>>
      %dma_start3A_74 = tpu.memref_slice %arg2[%mul3A_41] : memref<2621440xf32, #tpu.memory_space<hbm>> -> memref<40960xf32, #tpu.memory_space<hbm>>
      tpu.enqueue_dma source(%dma_start3A_74 : memref<40960xf32, #tpu.memory_space<hbm>>) target(%arg10 : memref<40960xf32, #tpu.memory_space<vmem>>) target_semaphore(%run_scoped3A : memref<!tpu.dma_semaphore, #tpu.memory_space<semaphore_mem>>)
      %dma_wait3A = tpu.memref_slice %arg2[%mul3A_41] : memref<2621440xf32, #tpu.memory_space<hbm>> -> memref<40960xf32, #tpu.memory_space<hbm>>
      %dma_wait3A_75 = tpu.memref_slice %arg2[%mul3A_41] : memref<2621440xf32, #tpu.memory_space<hbm>> -> memref<40960xf32, #tpu.memory_space<hbm>>
      tpu.wait_dma2 semaphore(%run_scoped3A : memref<!tpu.dma_semaphore, #tpu.memory_space<semaphore_mem>>) src(%dma_wait3A_75 : memref<40960xf32, #tpu.memory_space<hbm>>) dst(%arg10 : memref<40960xf32, #tpu.memory_space<vmem>>)
      tpu.yield
    }) : () -> ()
    "tpu.region"() ({
      %run_scoped3A = tpu.sem_alloc : memref<!tpu.dma_semaphore, #tpu.memory_space<semaphore_mem>>
      tpu.enqueue_dma source(%arg4 : memref<40960xf32, #tpu.memory_space<hbm>>) target(%arg11 : memref<40960xf32, #tpu.memory_space<vmem>>) target_semaphore(%run_scoped3A : memref<!tpu.dma_semaphore, #tpu.memory_space<semaphore_mem>>)
      tpu.wait_dma2 semaphore(%run_scoped3A : memref<!tpu.dma_semaphore, #tpu.memory_space<semaphore_mem>>) src(%arg4 : memref<40960xf32, #tpu.memory_space<hbm>>) dst(%arg11 : memref<40960xf32, #tpu.memory_space<vmem>>)
      tpu.yield
    }) : () -> ()
    %dma_start3A_42 = arith.constant 0 : i32
    %dma_start3A_43 = tpu.memref_slice %arg3[%dma_start3A_42] : memref<320000xi32, #tpu.memory_space<hbm>> -> memref<8000xi32, #tpu.memory_space<hbm>>
    %dma_start3A_44 = arith.constant 0 : i32
    %dma_start3A_45 = tpu.memref_slice %arg3[%dma_start3A_44] : memref<320000xi32, #tpu.memory_space<hbm>> -> memref<8000xi32, #tpu.memory_space<hbm>>
    tpu.enqueue_dma source(%dma_start3A_45 : memref<8000xi32, #tpu.memory_space<hbm>>) target(%arg6 : memref<8000xi32, #tpu.memory_space<vmem>>) target_semaphore(%arg12 : memref<!tpu.dma_semaphore, #tpu.memory_space<semaphore_mem>>)
    %dma_start3A_46 = arith.constant 160000 : i32
    %dma_start3A_47 = tpu.memref_slice %arg3[%dma_start3A_46] : memref<320000xi32, #tpu.memory_space<hbm>> -> memref<8000xi32, #tpu.memory_space<hbm>>
    %dma_start3A_48 = arith.constant 160000 : i32
    %dma_start3A_49 = tpu.memref_slice %arg3[%dma_start3A_48] : memref<320000xi32, #tpu.memory_space<hbm>> -> memref<8000xi32, #tpu.memory_space<hbm>>
    tpu.enqueue_dma source(%dma_start3A_49 : memref<8000xi32, #tpu.memory_space<hbm>>) target(%arg8 : memref<8000xi32, #tpu.memory_space<vmem>>) target_semaphore(%arg12 : memref<!tpu.dma_semaphore, #tpu.memory_space<semaphore_mem>>)
    %scan3A_50 = arith.constant 0 : i32
    %scan3A_51 = arith.constant 0 : i32
    %scan3A_52 = arith.constant 10 : i32
    %scan3A_53 = arith.addi %scan3A_51, %scan3A_52 : i32
    %scan3A_54 = arith.constant 1 : i32
    %scan3A_55 = scf.for %scan3A_73 = %scan3A_51 to %scan3A_53 step %scan3A_54 iter_args(%scan3A_74 = %scan3A_50) -> (i32)  : i32 {
      %mul3A_75 = arith.constant 2 : i32
      %mul3A_76 = arith.muli %mul3A_75, %scan3A_73 : i32
      %add3A_77 = arith.constant 0 : i32
      %add3A_78 = arith.addi %mul3A_76, %add3A_77 : i32
      %lt3A = arith.constant 20 : i32
      %lt3A_79 = arith.cmpi slt, %add3A_78, %lt3A : i32
      %convert_element_type3A = arith.extui %lt3A_79 : i1 to i32
      %cond3A = arith.constant 0 : i32
      %cond3A_80 = arith.cmpi ne, %convert_element_type3A, %cond3A : i32
      scf.if %cond3A_80 {
        %dma_wait3A = arith.constant 0 : i32
        %dma_wait3A_91 = tpu.memref_slice %arg3[%dma_wait3A] : memref<320000xi32, #tpu.memory_space<hbm>> -> memref<8000xi32, #tpu.memory_space<hbm>>
        %dma_wait3A_92 = arith.constant 0 : i32
        %dma_wait3A_93 = tpu.memref_slice %arg3[%dma_wait3A_92] : memref<320000xi32, #tpu.memory_space<hbm>> -> memref<8000xi32, #tpu.memory_space<hbm>>
        tpu.wait_dma2 semaphore(%arg12 : memref<!tpu.dma_semaphore, #tpu.memory_space<semaphore_mem>>) src(%dma_wait3A_93 : memref<8000xi32, #tpu.memory_space<hbm>>) dst(%arg6 : memref<8000xi32, #tpu.memory_space<vmem>>)
        %dma_wait3A_94 = arith.constant 0 : i32
        %dma_wait3A_95 = tpu.memref_slice %arg3[%dma_wait3A_94] : memref<320000xi32, #tpu.memory_space<hbm>> -> memref<8000xi32, #tpu.memory_space<hbm>>
        %dma_wait3A_96 = arith.constant 0 : i32
        %dma_wait3A_97 = tpu.memref_slice %arg3[%dma_wait3A_96] : memref<320000xi32, #tpu.memory_space<hbm>> -> memref<8000xi32, #tpu.memory_space<hbm>>
        tpu.wait_dma2 semaphore(%arg12 : memref<!tpu.dma_semaphore, #tpu.memory_space<semaphore_mem>>) src(%dma_wait3A_97 : memref<8000xi32, #tpu.memory_space<hbm>>) dst(%arg8 : memref<8000xi32, #tpu.memory_space<vmem>>)
        %add3A_98 = arith.constant 1 : i32
        %add3A_99 = arith.addi %add3A_78, %add3A_98 : i32
        %lt3A_100 = arith.constant 20 : i32
        %lt3A_101 = arith.cmpi slt, %add3A_99, %lt3A_100 : i32
        %convert_element_type3A_102 = arith.extui %lt3A_101 : i1 to i32
        %cond3A_103 = arith.constant 0 : i32
        %cond3A_104 = arith.cmpi ne, %convert_element_type3A_102, %cond3A_103 : i32
        scf.if %cond3A_104 {
          %add3A_107 = arith.constant 1 : i32
          %add3A_108 = arith.addi %add3A_78, %add3A_107 : i32
          %mul3A_109 = arith.constant 8000 : i32
          %mul3A_110 = arith.muli %add3A_108, %mul3A_109 : i32
          %dma_start3A_111 = tpu.memref_slice %arg3[%mul3A_110] : memref<320000xi32, #tpu.memory_space<hbm>> -> memref<8000xi32, #tpu.memory_space<hbm>>
          %dma_start3A_112 = tpu.memref_slice %arg3[%mul3A_110] : memref<320000xi32, #tpu.memory_space<hbm>> -> memref<8000xi32, #tpu.memory_space<hbm>>
          tpu.enqueue_dma source(%dma_start3A_112 : memref<8000xi32, #tpu.memory_space<hbm>>) target(%arg7 : memref<8000xi32, #tpu.memory_space<vmem>>) target_semaphore(%arg13 : memref<!tpu.dma_semaphore, #tpu.memory_space<semaphore_mem>>)
          %add3A_113 = arith.constant 160000 : i32
          %add3A_114 = arith.addi %add3A_113, %mul3A_110 : i32
          %dma_start3A_115 = tpu.memref_slice %arg3[%add3A_114] : memref<320000xi32, #tpu.memory_space<hbm>> -> memref<8000xi32, #tpu.memory_space<hbm>>
          %dma_start3A_116 = tpu.memref_slice %arg3[%add3A_114] : memref<320000xi32, #tpu.memory_space<hbm>> -> memref<8000xi32, #tpu.memory_space<hbm>>
          tpu.enqueue_dma source(%dma_start3A_116 : memref<8000xi32, #tpu.memory_space<hbm>>) target(%arg9 : memref<8000xi32, #tpu.memory_space<vmem>>) target_semaphore(%arg13 : memref<!tpu.dma_semaphore, #tpu.memory_space<semaphore_mem>>)
        } else {
        }
        %parallel_loop3A = arith.constant 0 : i32
        %parallel_loop3A_105 = arith.constant 500 : i32
        %parallel_loop3A_106 = arith.constant 1 : i32
        scf.for %parallel_loop3A_107 = %parallel_loop3A to %parallel_loop3A_105 step %parallel_loop3A_106  : i32 {
          %parallel_loop3A_108 = arith.constant 16 : i32
          %parallel_loop3A_109 = arith.muli %parallel_loop3A_107, %parallel_loop3A_108 : i32
          %parallel_loop3A_110 = arith.index_cast %parallel_loop3A_109 : i32 to index
          %parallel_loop3A_111 = tpu.vector_load %arg6[%parallel_loop3A_110] {strides = array<i32>} : memref<8000xi32, #tpu.memory_space<vmem>>, vector<16xi32>,
          %parallel_loop3A_112 = arith.constant 16 : i32
          %parallel_loop3A_113 = arith.muli %parallel_loop3A_107, %parallel_loop3A_112 : i32
          %parallel_loop3A_114 = arith.index_cast %parallel_loop3A_113 : i32 to index
          %parallel_loop3A_115 = tpu.vector_load %arg8[%parallel_loop3A_114] {strides = array<i32>} : memref<8000xi32, #tpu.memory_space<vmem>>, vector<16xi32>,
          %parallel_loop3A_116 = arith.constant 0 : i32
          %parallel_loop3A_117 = vector.broadcast %parallel_loop3A_116 : i32 to vector<16xi32>
          %parallel_loop3A_118 = arith.addi %parallel_loop3A_111, %parallel_loop3A_117 : vector<16xi32>
          %parallel_loop3A_119 = tpu.vector_load_idx %arg10[%parallel_loop3A_118] : memref<40960xf32, #tpu.memory_space<vmem>>[vector<16xi32>], vector<16xf32>,
          %parallel_loop3A_120 = arith.constant 0 : i32
          %parallel_loop3A_121 = vector.broadcast %parallel_loop3A_120 : i32 to vector<16xi32>
          %parallel_loop3A_122 = arith.addi %parallel_loop3A_115, %parallel_loop3A_121 : vector<16xi32>
          tpu.vector_store_idx %arg11[%parallel_loop3A_122], %parallel_loop3A_119 {add = true} : memref<40960xf32, #tpu.memory_space<vmem>>[vector<16xi32>], vector<16xf32>,
          %parallel_loop3A_123 = arith.constant 10240 : i32
          %parallel_loop3A_124 = vector.broadcast %parallel_loop3A_123 : i32 to vector<16xi32>
          %parallel_loop3A_125 = arith.addi %parallel_loop3A_111, %parallel_loop3A_124 : vector<16xi32>
          %parallel_loop3A_126 = tpu.vector_load_idx %arg10[%parallel_loop3A_125] : memref<40960xf32, #tpu.memory_space<vmem>>[vector<16xi32>], vector<16xf32>,
          %parallel_loop3A_127 = arith.constant 10240 : i32
          %parallel_loop3A_128 = vector.broadcast %parallel_loop3A_127 : i32 to vector<16xi32>
          %parallel_loop3A_129 = arith.addi %parallel_loop3A_115, %parallel_loop3A_128 : vector<16xi32>
          tpu.vector_store_idx %arg11[%parallel_loop3A_129], %parallel_loop3A_126 {add = true} : memref<40960xf32, #tpu.memory_space<vmem>>[vector<16xi32>], vector<16xf32>,
          %parallel_loop3A_130 = arith.constant 20480 : i32
          %parallel_loop3A_131 = vector.broadcast %parallel_loop3A_130 : i32 to vector<16xi32>
          %parallel_loop3A_132 = arith.addi %parallel_loop3A_111, %parallel_loop3A_131 : vector<16xi32>
          %parallel_loop3A_133 = tpu.vector_load_idx %arg10[%parallel_loop3A_132] : memref<40960xf32, #tpu.memory_space<vmem>>[vector<16xi32>], vector<16xf32>,
          %parallel_loop3A_134 = arith.constant 20480 : i32
          %parallel_loop3A_135 = vector.broadcast %parallel_loop3A_134 : i32 to vector<16xi32>
          %parallel_loop3A_136 = arith.addi %parallel_loop3A_115, %parallel_loop3A_135 : vector<16xi32>
          tpu.vector_store_idx %arg11[%parallel_loop3A_136], %parallel_loop3A_133 {add = true} : memref<40960xf32, #tpu.memory_space<vmem>>[vector<16xi32>], vector<16xf32>,
          %parallel_loop3A_137 = arith.constant 30720 : i32
          %parallel_loop3A_138 = vector.broadcast %parallel_loop3A_137 : i32 to vector<16xi32>
          %parallel_loop3A_139 = arith.addi %parallel_loop3A_111, %parallel_loop3A_138 : vector<16xi32>
          %parallel_loop3A_140 = tpu.vector_load_idx %arg10[%parallel_loop3A_139] : memref<40960xf32, #tpu.memory_space<vmem>>[vector<16xi32>], vector<16xf32>,
          %parallel_loop3A_141 = arith.constant 30720 : i32
          %parallel_loop3A_142 = vector.broadcast %parallel_loop3A_141 : i32 to vector<16xi32>
          %parallel_loop3A_143 = arith.addi %parallel_loop3A_115, %parallel_loop3A_142 : vector<16xi32>
          tpu.vector_store_idx %arg11[%parallel_loop3A_143], %parallel_loop3A_140 {add = true} : memref<40960xf32, #tpu.memory_space<vmem>>[vector<16xi32>], vector<16xf32>,
        } {sc.loop_unroll_factor = 10 : i64, sc.parallel_access}
      } else {
      }
      %mul3A_81 = arith.constant 2 : i32
      %mul3A_82 = arith.muli %mul3A_81, %scan3A_73 : i32
      %add3A_83 = arith.constant 1 : i32
      %add3A_84 = arith.addi %mul3A_82, %add3A_83 : i32
      %lt3A_85 = arith.constant 20 : i32
      %lt3A_86 = arith.cmpi slt, %add3A_84, %lt3A_85 : i32
      %convert_element_type3A_87 = arith.extui %lt3A_86 : i1 to i32
      %cond3A_88 = arith.constant 0 : i32
      %cond3A_89 = arith.cmpi ne, %convert_element_type3A_87, %cond3A_88 : i32
      scf.if %cond3A_89 {
        %dma_wait3A = arith.constant 0 : i32
        %dma_wait3A_91 = tpu.memref_slice %arg3[%dma_wait3A] : memref<320000xi32, #tpu.memory_space<hbm>> -> memref<8000xi32, #tpu.memory_space<hbm>>
        %dma_wait3A_92 = arith.constant 0 : i32
        %dma_wait3A_93 = tpu.memref_slice %arg3[%dma_wait3A_92] : memref<320000xi32, #tpu.memory_space<hbm>> -> memref<8000xi32, #tpu.memory_space<hbm>>
        tpu.wait_dma2 semaphore(%arg13 : memref<!tpu.dma_semaphore, #tpu.memory_space<semaphore_mem>>) src(%dma_wait3A_93 : memref<8000xi32, #tpu.memory_space<hbm>>) dst(%arg7 : memref<8000xi32, #tpu.memory_space<vmem>>)
        %dma_wait3A_94 = arith.constant 0 : i32
        %dma_wait3A_95 = tpu.memref_slice %arg3[%dma_wait3A_94] : memref<320000xi32, #tpu.memory_space<hbm>> -> memref<8000xi32, #tpu.memory_space<hbm>>
        %dma_wait3A_96 = arith.constant 0 : i32
        %dma_wait3A_97 = tpu.memref_slice %arg3[%dma_wait3A_96] : memref<320000xi32, #tpu.memory_space<hbm>> -> memref<8000xi32, #tpu.memory_space<hbm>>
        tpu.wait_dma2 semaphore(%arg13 : memref<!tpu.dma_semaphore, #tpu.memory_space<semaphore_mem>>) src(%dma_wait3A_97 : memref<8000xi32, #tpu.memory_space<hbm>>) dst(%arg9 : memref<8000xi32, #tpu.memory_space<vmem>>)
        %add3A_98 = arith.constant 1 : i32
        %add3A_99 = arith.addi %add3A_84, %add3A_98 : i32
        %lt3A_100 = arith.constant 20 : i32
        %lt3A_101 = arith.cmpi slt, %add3A_99, %lt3A_100 : i32
        %convert_element_type3A_102 = arith.extui %lt3A_101 : i1 to i32
        %cond3A_103 = arith.constant 0 : i32
        %cond3A_104 = arith.cmpi ne, %convert_element_type3A_102, %cond3A_103 : i32
        scf.if %cond3A_104 {
          %add3A_107 = arith.constant 1 : i32
          %add3A_108 = arith.addi %add3A_84, %add3A_107 : i32
          %mul3A_109 = arith.constant 8000 : i32
          %mul3A_110 = arith.muli %add3A_108, %mul3A_109 : i32
          %dma_start3A_111 = tpu.memref_slice %arg3[%mul3A_110] : memref<320000xi32, #tpu.memory_space<hbm>> -> memref<8000xi32, #tpu.memory_space<hbm>>
          %dma_start3A_112 = tpu.memref_slice %arg3[%mul3A_110] : memref<320000xi32, #tpu.memory_space<hbm>> -> memref<8000xi32, #tpu.memory_space<hbm>>
          tpu.enqueue_dma source(%dma_start3A_112 : memref<8000xi32, #tpu.memory_space<hbm>>) target(%arg6 : memref<8000xi32, #tpu.memory_space<vmem>>) target_semaphore(%arg12 : memref<!tpu.dma_semaphore, #tpu.memory_space<semaphore_mem>>)
          %add3A_113 = arith.constant 160000 : i32
          %add3A_114 = arith.addi %add3A_113, %mul3A_110 : i32
          %dma_start3A_115 = tpu.memref_slice %arg3[%add3A_114] : memref<320000xi32, #tpu.memory_space<hbm>> -> memref<8000xi32, #tpu.memory_space<hbm>>
          %dma_start3A_116 = tpu.memref_slice %arg3[%add3A_114] : memref<320000xi32, #tpu.memory_space<hbm>> -> memref<8000xi32, #tpu.memory_space<hbm>>
          tpu.enqueue_dma source(%dma_start3A_116 : memref<8000xi32, #tpu.memory_space<hbm>>) target(%arg8 : memref<8000xi32, #tpu.memory_space<vmem>>) target_semaphore(%arg12 : memref<!tpu.dma_semaphore, #tpu.memory_space<semaphore_mem>>)
        } else {
        }
        %parallel_loop3A = arith.constant 0 : i32
        %parallel_loop3A_105 = arith.constant 500 : i32
        %parallel_loop3A_106 = arith.constant 1 : i32
        scf.for %parallel_loop3A_107 = %parallel_loop3A to %parallel_loop3A_105 step %parallel_loop3A_106  : i32 {
          %parallel_loop3A_108 = arith.constant 16 : i32
          %parallel_loop3A_109 = arith.muli %parallel_loop3A_107, %parallel_loop3A_108 : i32
          %parallel_loop3A_110 = arith.index_cast %parallel_loop3A_109 : i32 to index
          %parallel_loop3A_111 = tpu.vector_load %arg7[%parallel_loop3A_110] {strides = array<i32>} : memref<8000xi32, #tpu.memory_space<vmem>>, vector<16xi32>,
          %parallel_loop3A_112 = arith.constant 16 : i32
          %parallel_loop3A_113 = arith.muli %parallel_loop3A_107, %parallel_loop3A_112 : i32
          %parallel_loop3A_114 = arith.index_cast %parallel_loop3A_113 : i32 to index
          %parallel_loop3A_115 = tpu.vector_load %arg9[%parallel_loop3A_114] {strides = array<i32>} : memref<8000xi32, #tpu.memory_space<vmem>>, vector<16xi32>,
          %parallel_loop3A_116 = arith.constant 0 : i32
          %parallel_loop3A_117 = vector.broadcast %parallel_loop3A_116 : i32 to vector<16xi32>
          %parallel_loop3A_118 = arith.addi %parallel_loop3A_111, %parallel_loop3A_117 : vector<16xi32>
          %parallel_loop3A_119 = tpu.vector_load_idx %arg10[%parallel_loop3A_118] : memref<40960xf32, #tpu.memory_space<vmem>>[vector<16xi32>], vector<16xf32>,
          %parallel_loop3A_120 = arith.constant 0 : i32
          %parallel_loop3A_121 = vector.broadcast %parallel_loop3A_120 : i32 to vector<16xi32>
          %parallel_loop3A_122 = arith.addi %parallel_loop3A_115, %parallel_loop3A_121 : vector<16xi32>
          tpu.vector_store_idx %arg11[%parallel_loop3A_122], %parallel_loop3A_119 {add = true} : memref<40960xf32, #tpu.memory_space<vmem>>[vector<16xi32>], vector<16xf32>,
          %parallel_loop3A_123 = arith.constant 10240 : i32
          %parallel_loop3A_124 = vector.broadcast %parallel_loop3A_123 : i32 to vector<16xi32>
          %parallel_loop3A_125 = arith.addi %parallel_loop3A_111, %parallel_loop3A_124 : vector<16xi32>
          %parallel_loop3A_126 = tpu.vector_load_idx %arg10[%parallel_loop3A_125] : memref<40960xf32, #tpu.memory_space<vmem>>[vector<16xi32>], vector<16xf32>,
          %parallel_loop3A_127 = arith.constant 10240 : i32
          %parallel_loop3A_128 = vector.broadcast %parallel_loop3A_127 : i32 to vector<16xi32>
          %parallel_loop3A_129 = arith.addi %parallel_loop3A_115, %parallel_loop3A_128 : vector<16xi32>
          tpu.vector_store_idx %arg11[%parallel_loop3A_129], %parallel_loop3A_126 {add = true} : memref<40960xf32, #tpu.memory_space<vmem>>[vector<16xi32>], vector<16xf32>,
          %parallel_loop3A_130 = arith.constant 20480 : i32
          %parallel_loop3A_131 = vector.broadcast %parallel_loop3A_130 : i32 to vector<16xi32>
          %parallel_loop3A_132 = arith.addi %parallel_loop3A_111, %parallel_loop3A_131 : vector<16xi32>
          %parallel_loop3A_133 = tpu.vector_load_idx %arg10[%parallel_loop3A_132] : memref<40960xf32, #tpu.memory_space<vmem>>[vector<16xi32>], vector<16xf32>,
          %parallel_loop3A_134 = arith.constant 20480 : i32
          %parallel_loop3A_135 = vector.broadcast %parallel_loop3A_134 : i32 to vector<16xi32>
          %parallel_loop3A_136 = arith.addi %parallel_loop3A_115, %parallel_loop3A_135 : vector<16xi32>
          tpu.vector_store_idx %arg11[%parallel_loop3A_136], %parallel_loop3A_133 {add = true} : memref<40960xf32, #tpu.memory_space<vmem>>[vector<16xi32>], vector<16xf32>,
          %parallel_loop3A_137 = arith.constant 30720 : i32
          %parallel_loop3A_138 = vector.broadcast %parallel_loop3A_137 : i32 to vector<16xi32>
          %parallel_loop3A_139 = arith.addi %parallel_loop3A_111, %parallel_loop3A_138 : vector<16xi32>
          %parallel_loop3A_140 = tpu.vector_load_idx %arg10[%parallel_loop3A_139] : memref<40960xf32, #tpu.memory_space<vmem>>[vector<16xi32>], vector<16xf32>,
          %parallel_loop3A_141 = arith.constant 30720 : i32
          %parallel_loop3A_142 = vector.broadcast %parallel_loop3A_141 : i32 to vector<16xi32>
          %parallel_loop3A_143 = arith.addi %parallel_loop3A_115, %parallel_loop3A_142 : vector<16xi32>
          tpu.vector_store_idx %arg11[%parallel_loop3A_143], %parallel_loop3A_140 {add = true} : memref<40960xf32, #tpu.memory_space<vmem>>[vector<16xi32>], vector<16xf32>,
        } {sc.loop_unroll_factor = 10 : i64, sc.parallel_access}
      } else {
      }
      %scan3A_90 = arith.constant 0 : i32
      scf.yield %scan3A_90 : i32
    }
    %scan3A_56 = arith.constant 10 : i32
    %add3A_57 = arith.constant 0 : i32
    %add3A_58 = arith.addi %add3A_39, %add3A_57 : i32
    %mul3A_59 = arith.constant 10240 : i32
    %mul3A_60 = arith.muli %add3A_58, %mul3A_59 : i32
    "tpu.region"() ({
      %run_scoped3A = tpu.sem_alloc : memref<!tpu.dma_semaphore, #tpu.memory_space<semaphore_mem>>
      %dma_start3A_73 = arith.constant 0 : i32
      %dma_start3A_74 = tpu.memref_slice %arg11[%dma_start3A_73] : memref<40960xf32, #tpu.memory_space<vmem>> -> memref<10240xf32, #tpu.memory_space<vmem>>
      %dma_start3A_75 = tpu.memref_slice %arg5[%mul3A_60] : memref<2621440xf32, #tpu.memory_space<hbm>> -> memref<10240xf32, #tpu.memory_space<hbm>>
      %dma_start3A_76 = tpu.memref_slice %arg5[%mul3A_60] : memref<2621440xf32, #tpu.memory_space<hbm>> -> memref<10240xf32, #tpu.memory_space<hbm>>
      %dma_start3A_77 = arith.constant 0 : i32
      %dma_start3A_78 = tpu.memref_slice %arg11[%dma_start3A_77] : memref<40960xf32, #tpu.memory_space<vmem>> -> memref<10240xf32, #tpu.memory_space<vmem>>
      tpu.enqueue_dma source(%dma_start3A_78 : memref<10240xf32, #tpu.memory_space<vmem>>) target(%dma_start3A_76 : memref<10240xf32, #tpu.memory_space<hbm>>) target_semaphore(%run_scoped3A : memref<!tpu.dma_semaphore, #tpu.memory_space<semaphore_mem>>)
      %dma_wait3A = arith.constant 0 : i32
      %dma_wait3A_79 = tpu.memref_slice %arg11[%dma_wait3A] : memref<40960xf32, #tpu.memory_space<vmem>> -> memref<10240xf32, #tpu.memory_space<vmem>>
      %dma_wait3A_80 = tpu.memref_slice %arg5[%mul3A_60] : memref<2621440xf32, #tpu.memory_space<hbm>> -> memref<10240xf32, #tpu.memory_space<hbm>>
      %dma_wait3A_81 = tpu.memref_slice %arg5[%mul3A_60] : memref<2621440xf32, #tpu.memory_space<hbm>> -> memref<10240xf32, #tpu.memory_space<hbm>>
      %dma_wait3A_82 = arith.constant 0 : i32
      %dma_wait3A_83 = tpu.memref_slice %arg11[%dma_wait3A_82] : memref<40960xf32, #tpu.memory_space<vmem>> -> memref<10240xf32, #tpu.memory_space<vmem>>
      tpu.wait_dma2 semaphore(%run_scoped3A : memref<!tpu.dma_semaphore, #tpu.memory_space<semaphore_mem>>) src(%dma_wait3A_83 : memref<10240xf32, #tpu.memory_space<vmem>>) dst(%dma_wait3A_81 : memref<10240xf32, #tpu.memory_space<hbm>>)
      tpu.yield
    }) : () -> ()
    %add3A_61 = arith.constant 1 : i32
    %add3A_62 = arith.addi %add3A_39, %add3A_61 : i32
    %mul3A_63 = arith.constant 10240 : i32
    %mul3A_64 = arith.muli %add3A_62, %mul3A_63 : i32
    "tpu.region"() ({
      %run_scoped3A = tpu.sem_alloc : memref<!tpu.dma_semaphore, #tpu.memory_space<semaphore_mem>>
      %dma_start3A_73 = arith.constant 10240 : i32
      %dma_start3A_74 = tpu.memref_slice %arg11[%dma_start3A_73] : memref<40960xf32, #tpu.memory_space<vmem>> -> memref<10240xf32, #tpu.memory_space<vmem>>
      %dma_start3A_75 = tpu.memref_slice %arg5[%mul3A_64] : memref<2621440xf32, #tpu.memory_space<hbm>> -> memref<10240xf32, #tpu.memory_space<hbm>>
      %dma_start3A_76 = tpu.memref_slice %arg5[%mul3A_64] : memref<2621440xf32, #tpu.memory_space<hbm>> -> memref<10240xf32, #tpu.memory_space<hbm>>
      %dma_start3A_77 = arith.constant 10240 : i32
      %dma_start3A_78 = tpu.memref_slice %arg11[%dma_start3A_77] : memref<40960xf32, #tpu.memory_space<vmem>> -> memref<10240xf32, #tpu.memory_space<vmem>>
      tpu.enqueue_dma source(%dma_start3A_78 : memref<10240xf32, #tpu.memory_space<vmem>>) target(%dma_start3A_76 : memref<10240xf32, #tpu.memory_space<hbm>>) target_semaphore(%run_scoped3A : memref<!tpu.dma_semaphore, #tpu.memory_space<semaphore_mem>>)
      %dma_wait3A = arith.constant 10240 : i32
      %dma_wait3A_79 = tpu.memref_slice %arg11[%dma_wait3A] : memref<40960xf32, #tpu.memory_space<vmem>> -> memref<10240xf32, #tpu.memory_space<vmem>>
      %dma_wait3A_80 = tpu.memref_slice %arg5[%mul3A_64] : memref<2621440xf32, #tpu.memory_space<hbm>> -> memref<10240xf32, #tpu.memory_space<hbm>>
      %dma_wait3A_81 = tpu.memref_slice %arg5[%mul3A_64] : memref<2621440xf32, #tpu.memory_space<hbm>> -> memref<10240xf32, #tpu.memory_space<hbm>>
      %dma_wait3A_82 = arith.constant 10240 : i32
      %dma_wait3A_83 = tpu.memref_slice %arg11[%dma_wait3A_82] : memref<40960xf32, #tpu.memory_space<vmem>> -> memref<10240xf32, #tpu.memory_space<vmem>>
      tpu.wait_dma2 semaphore(%run_scoped3A : memref<!tpu.dma_semaphore, #tpu.memory_space<semaphore_mem>>) src(%dma_wait3A_83 : memref<10240xf32, #tpu.memory_space<vmem>>) dst(%dma_wait3A_81 : memref<10240xf32, #tpu.memory_space<hbm>>)
      tpu.yield
    }) : () -> ()
    %add3A_65 = arith.constant 2 : i32
    %add3A_66 = arith.addi %add3A_39, %add3A_65 : i32
    %mul3A_67 = arith.constant 10240 : i32
    %mul3A_68 = arith.muli %add3A_66, %mul3A_67 : i32
    "tpu.region"() ({
      %run_scoped3A = tpu.sem_alloc : memref<!tpu.dma_semaphore, #tpu.memory_space<semaphore_mem>>
      %dma_start3A_73 = arith.constant 20480 : i32
      %dma_start3A_74 = tpu.memref_slice %arg11[%dma_start3A_73] : memref<40960xf32, #tpu.memory_space<vmem>> -> memref<10240xf32, #tpu.memory_space<vmem>>
      %dma_start3A_75 = tpu.memref_slice %arg5[%mul3A_68] : memref<2621440xf32, #tpu.memory_space<hbm>> -> memref<10240xf32, #tpu.memory_space<hbm>>
      %dma_start3A_76 = tpu.memref_slice %arg5[%mul3A_68] : memref<2621440xf32, #tpu.memory_space<hbm>> -> memref<10240xf32, #tpu.memory_space<hbm>>
      %dma_start3A_77 = arith.constant 20480 : i32
      %dma_start3A_78 = tpu.memref_slice %arg11[%dma_start3A_77] : memref<40960xf32, #tpu.memory_space<vmem>> -> memref<10240xf32, #tpu.memory_space<vmem>>
      tpu.enqueue_dma source(%dma_start3A_78 : memref<10240xf32, #tpu.memory_space<vmem>>) target(%dma_start3A_76 : memref<10240xf32, #tpu.memory_space<hbm>>) target_semaphore(%run_scoped3A : memref<!tpu.dma_semaphore, #tpu.memory_space<semaphore_mem>>)
      %dma_wait3A = arith.constant 20480 : i32
      %dma_wait3A_79 = tpu.memref_slice %arg11[%dma_wait3A] : memref<40960xf32, #tpu.memory_space<vmem>> -> memref<10240xf32, #tpu.memory_space<vmem>>
      %dma_wait3A_80 = tpu.memref_slice %arg5[%mul3A_68] : memref<2621440xf32, #tpu.memory_space<hbm>> -> memref<10240xf32, #tpu.memory_space<hbm>>
      %dma_wait3A_81 = tpu.memref_slice %arg5[%mul3A_68] : memref<2621440xf32, #tpu.memory_space<hbm>> -> memref<10240xf32, #tpu.memory_space<hbm>>
      %dma_wait3A_82 = arith.constant 20480 : i32
      %dma_wait3A_83 = tpu.memref_slice %arg11[%dma_wait3A_82] : memref<40960xf32, #tpu.memory_space<vmem>> -> memref<10240xf32, #tpu.memory_space<vmem>>
      tpu.wait_dma2 semaphore(%run_scoped3A : memref<!tpu.dma_semaphore, #tpu.memory_space<semaphore_mem>>) src(%dma_wait3A_83 : memref<10240xf32, #tpu.memory_space<vmem>>) dst(%dma_wait3A_81 : memref<10240xf32, #tpu.memory_space<hbm>>)
      tpu.yield
    }) : () -> ()
    %add3A_69 = arith.constant 3 : i32
    %add3A_70 = arith.addi %add3A_39, %add3A_69 : i32
    %mul3A_71 = arith.constant 10240 : i32
    %mul3A_72 = arith.muli %add3A_70, %mul3A_71 : i32
    "tpu.region"() ({
      %run_scoped3A = tpu.sem_alloc : memref<!tpu.dma_semaphore, #tpu.memory_space<semaphore_mem>>
      %dma_start3A_73 = arith.constant 30720 : i32
      %dma_start3A_74 = tpu.memref_slice %arg11[%dma_start3A_73] : memref<40960xf32, #tpu.memory_space<vmem>> -> memref<10240xf32, #tpu.memory_space<vmem>>
      %dma_start3A_75 = tpu.memref_slice %arg5[%mul3A_72] : memref<2621440xf32, #tpu.memory_space<hbm>> -> memref<10240xf32, #tpu.memory_space<hbm>>
      %dma_start3A_76 = tpu.memref_slice %arg5[%mul3A_72] : memref<2621440xf32, #tpu.memory_space<hbm>> -> memref<10240xf32, #tpu.memory_space<hbm>>
      %dma_start3A_77 = arith.constant 30720 : i32
      %dma_start3A_78 = tpu.memref_slice %arg11[%dma_start3A_77] : memref<40960xf32, #tpu.memory_space<vmem>> -> memref<10240xf32, #tpu.memory_space<vmem>>
      tpu.enqueue_dma source(%dma_start3A_78 : memref<10240xf32, #tpu.memory_space<vmem>>) target(%dma_start3A_76 : memref<10240xf32, #tpu.memory_space<hbm>>) target_semaphore(%run_scoped3A : memref<!tpu.dma_semaphore, #tpu.memory_space<semaphore_mem>>)
      %dma_wait3A = arith.constant 30720 : i32
      %dma_wait3A_79 = tpu.memref_slice %arg11[%dma_wait3A] : memref<40960xf32, #tpu.memory_space<vmem>> -> memref<10240xf32, #tpu.memory_space<vmem>>
      %dma_wait3A_80 = tpu.memref_slice %arg5[%mul3A_72] : memref<2621440xf32, #tpu.memory_space<hbm>> -> memref<10240xf32, #tpu.memory_space<hbm>>
      %dma_wait3A_81 = tpu.memref_slice %arg5[%mul3A_72] : memref<2621440xf32, #tpu.memory_space<hbm>> -> memref<10240xf32, #tpu.memory_space<hbm>>
      %dma_wait3A_82 = arith.constant 30720 : i32
      %dma_wait3A_83 = tpu.memref_slice %arg11[%dma_wait3A_82] : memref<40960xf32, #tpu.memory_space<vmem>> -> memref<10240xf32, #tpu.memory_space<vmem>>
      tpu.wait_dma2 semaphore(%run_scoped3A : memref<!tpu.dma_semaphore, #tpu.memory_space<semaphore_mem>>) src(%dma_wait3A_83 : memref<10240xf32, #tpu.memory_space<vmem>>) dst(%dma_wait3A_81 : memref<10240xf32, #tpu.memory_space<hbm>>)
      tpu.yield
    }) : () -> ()
    return
  }
}

module attributes {stable_mosaic.version = 14 : i64} {
  func.func @body(%arg0: i32, %arg1: memref<1x1024xf32, #tpu.memory_space<vmem>>, %arg2: memref<1024x256xf32, #tpu.memory_space<vmem>>, %arg3: memref<256x256xf32, #tpu.memory_space<vmem>>, %arg4: memref<256x1024xf32, #tpu.memory_space<vmem>>) attributes {dimension_semantics = [#tpu.dimension_semantics<arbitrary>], iteration_bounds = array<i64: 10>, scalar_prefetch = 0 : i64, scratch_operands = 0 : i64, tpu.core_type = #tpu.core_type<tc>, window_params = [{transform_indices = @transform_0, window_bounds = array<i64: 1, 1024>}, {transform_indices = @transform_1, window_bounds = array<i64: 1024, 256>}, {pipeline_mode = #tpu.pipeline_mode<synchronous>, transform_indices = @transform_2, window_bounds = array<i64: 256, 256>}, {transform_indices = @transform_3, window_bounds = array<i64: 256, 1024>}]} {
    %get3A = arith.constant 0 : index
    %get3A_0 = arith.constant 0 : index
    %get3A_1 = vector.load %arg1[%get3A, %get3A_0] : memref<1x1024xf32, #tpu.memory_space<vmem>>, vector<1x1024xf32>
    %add3A = arith.constant 1.000000e+00 : f32
    %add3A_2 = vector.broadcast %add3A : f32 to vector<1x1024xf32>
    %add3A_3 = arith.addf %get3A_1, %add3A_2 : vector<1x1024xf32>
    %rsqrt3A = math.rsqrt %add3A_3 : vector<1x1024xf32>
    %get3A_4 = arith.constant 0 : index
    %get3A_5 = arith.constant 0 : index
    %get3A_6 = vector.load %arg3[%get3A_4, %get3A_5] : memref<256x256xf32, #tpu.memory_space<vmem>>, vector<256x256xf32>
    %get3A_7 = arith.constant 0 : index
    %get3A_8 = arith.constant 0 : index
    %get3A_9 = vector.load %arg2[%get3A_7, %get3A_8] : memref<1024x256xf32, #tpu.memory_space<vmem>>, vector<1024x256xf32>
    %dot_general3A = arith.constant dense<0.000000e+00> : vector<256x1024xf32>
    %dot_general3A_10 = tpu.matmul %get3A_6, %get3A_9, %dot_general3A {dimension_numbers = #tpu.dot_dimension_numbers<[0], [1], [1], [0], [0, 1, 1, 0], [], []>, transpose_lhs_hint = false} : vector<256x256xf32>, vector<1024x256xf32>, vector<256x1024xf32> -> vector<256x1024xf32>
    %mul3A = vector.broadcast %rsqrt3A : vector<1x1024xf32> to vector<256x1024xf32>
    %mul3A_11 = arith.mulf %dot_general3A_10, %mul3A : vector<256x1024xf32>
    %swap3A = arith.constant 0 : index
    %swap3A_12 = arith.constant 0 : index
    %swap3A_13 = vector.load %arg4[%swap3A, %swap3A_12] : memref<256x1024xf32, #tpu.memory_space<vmem>>, vector<256x1024xf32>
    tpu.vector_store %arg4[%swap3A, %swap3A_12], %mul3A_11 {strides = array<i32>} : memref<256x1024xf32, #tpu.memory_space<vmem>>, vector<256x1024xf32>,
    return
  }
  func.func @transform_0(%arg0: i32) -> (i32, i32) {
    %c0_i32 = arith.constant 0 : i32
    %c0_i32_0 = arith.constant 0 : i32
    return %c0_i32, %arg0 : i32, i32
  }
  func.func @transform_1(%arg0: i32) -> (i32, i32) {
    %c0_i32 = arith.constant 0 : i32
    %c0_i32_0 = arith.constant 0 : i32
    return %arg0, %c0_i32 : i32, i32
  }
  func.func @transform_2(%arg0: i32) -> (i32, i32) {
    %c0_i32 = arith.constant 0 : i32
    %c0_i32_0 = arith.constant 0 : i32
    %c0_i32_1 = arith.constant 0 : i32
    return %c0_i32, %c0_i32_0 : i32, i32
  }
  func.func @transform_3(%arg0: i32) -> (i32, i32) {
    %c0_i32 = arith.constant 0 : i32
    %c0_i32_0 = arith.constant 0 : i32
    return %c0_i32, %arg0 : i32, i32
  }
}

module attributes {stable_mosaic.version = 14 : i64} {
  func.func @body(%arg0: i32, %arg1: memref<1x1024xf32, #tpu.memory_space<vmem>>, %arg2: memref<256x1024xf32, #tpu.memory_space<vmem>>, %arg3: memref<256x1024xf32, #tpu.memory_space<vmem>>, %arg4: memref<256x1xf32, #tpu.memory_space<vmem>>, %arg5: memref<256x256xf32, #tpu.memory_space<vmem>>, %arg6: memref<256x1024xf32, #tpu.memory_space<vmem>>) attributes {dimension_semantics = [#tpu.dimension_semantics<arbitrary>], iteration_bounds = array<i64: 10>, scalar_prefetch = 0 : i64, scratch_operands = 0 : i64, tpu.core_type = #tpu.core_type<tc>, window_params = [{transform_indices = @transform_0, window_bounds = array<i64: 1, 1024>}, {transform_indices = @transform_1, window_bounds = array<i64: 256, 1024>}, {transform_indices = @transform_2, window_bounds = array<i64: 256, 1024>}, {pipeline_mode = #tpu.pipeline_mode<synchronous>, transform_indices = @transform_3, window_bounds = array<i64: 256, 1>}, {pipeline_mode = #tpu.pipeline_mode<synchronous>, transform_indices = @transform_4, window_bounds = array<i64: 256, 256>}, {transform_indices = @transform_5, window_bounds = array<i64: 256, 1024>}]} {
    %get3A = arith.constant 0 : index
    %get3A_0 = arith.constant 0 : index
    %get3A_1 = vector.load %arg1[%get3A, %get3A_0] : memref<1x1024xf32, #tpu.memory_space<vmem>>, vector<1x1024xf32>
    %add3A = arith.constant 1.000000e+00 : f32
    %add3A_2 = vector.broadcast %add3A : f32 to vector<1x1024xf32>
    %add3A_3 = arith.addf %get3A_1, %add3A_2 : vector<1x1024xf32>
    %rsqrt3A = math.rsqrt %add3A_3 : vector<1x1024xf32>
    %get3A_4 = arith.constant 0 : index
    %get3A_5 = arith.constant 0 : index
    %get3A_6 = vector.load %arg2[%get3A_4, %get3A_5] : memref<256x1024xf32, #tpu.memory_space<vmem>>, vector<256x1024xf32>
    %get3A_7 = arith.constant 0 : index
    %get3A_8 = arith.constant 0 : index
    %get3A_9 = vector.load %arg3[%get3A_7, %get3A_8] : memref<256x1024xf32, #tpu.memory_space<vmem>>, vector<256x1024xf32>
    %add3A_10 = arith.addf %get3A_6, %get3A_9 : vector<256x1024xf32>
    %mul3A = vector.broadcast %rsqrt3A : vector<1x1024xf32> to vector<256x1024xf32>
    %mul3A_11 = arith.mulf %mul3A, %add3A_10 : vector<256x1024xf32>
    %get3A_12 = arith.constant 0 : index
    %get3A_13 = arith.constant 0 : index
    %get3A_14 = vector.load %arg4[%get3A_12, %get3A_13] : memref<256x1xf32, #tpu.memory_space<vmem>>, vector<256x1xf32>
    %add3A_15 = vector.broadcast %get3A_14 : vector<256x1xf32> to vector<256x1024xf32>
    %add3A_16 = arith.addf %mul3A_11, %add3A_15 : vector<256x1024xf32>
    %max3A = arith.constant 0.000000e+00 : f32
    %max3A_17 = vector.broadcast %max3A : f32 to vector<256x1024xf32>
    %max3A_18 = arith.maximumf %add3A_16, %max3A_17 : vector<256x1024xf32>
    %get3A_19 = arith.constant 0 : index
    %get3A_20 = arith.constant 0 : index
    %get3A_21 = vector.load %arg5[%get3A_19, %get3A_20] : memref<256x256xf32, #tpu.memory_space<vmem>>, vector<256x256xf32>
    %dot_general3A = arith.constant dense<0.000000e+00> : vector<256x1024xf32>
    %dot_general3A_22 = tpu.matmul %get3A_21, %max3A_18, %dot_general3A {dimension_numbers = #tpu.dot_dimension_numbers<[0], [0], [1], [1], [0, 1, 1, 1], [], []>, transpose_lhs_hint = false} : vector<256x256xf32>, vector<256x1024xf32>, vector<256x1024xf32> -> vector<256x1024xf32>
    %mul3A_23 = vector.broadcast %rsqrt3A : vector<1x1024xf32> to vector<256x1024xf32>
    %mul3A_24 = arith.mulf %dot_general3A_22, %mul3A_23 : vector<256x1024xf32>
    %swap3A = arith.constant 0 : index
    %swap3A_25 = arith.constant 0 : index
    %swap3A_26 = vector.load %arg6[%swap3A, %swap3A_25] : memref<256x1024xf32, #tpu.memory_space<vmem>>, vector<256x1024xf32>
    tpu.vector_store %arg6[%swap3A, %swap3A_25], %mul3A_24 {strides = array<i32>} : memref<256x1024xf32, #tpu.memory_space<vmem>>, vector<256x1024xf32>,
    return
  }
  func.func @transform_0(%arg0: i32) -> (i32, i32) {
    %c0_i32 = arith.constant 0 : i32
    %c0_i32_0 = arith.constant 0 : i32
    return %c0_i32, %arg0 : i32, i32
  }
  func.func @transform_1(%arg0: i32) -> (i32, i32) {
    %c0_i32 = arith.constant 0 : i32
    %c0_i32_0 = arith.constant 0 : i32
    return %c0_i32, %arg0 : i32, i32
  }
  func.func @transform_2(%arg0: i32) -> (i32, i32) {
    %c0_i32 = arith.constant 0 : i32
    %c0_i32_0 = arith.constant 0 : i32
    return %c0_i32, %arg0 : i32, i32
  }
  func.func @transform_3(%arg0: i32) -> (i32, i32) {
    %c0_i32 = arith.constant 0 : i32
    %c0_i32_0 = arith.constant 0 : i32
    %c0_i32_1 = arith.constant 0 : i32
    return %c0_i32, %c0_i32_0 : i32, i32
  }
  func.func @transform_4(%arg0: i32) -> (i32, i32) {
    %c0_i32 = arith.constant 0 : i32
    %c0_i32_0 = arith.constant 0 : i32
    %c0_i32_1 = arith.constant 0 : i32
    return %c0_i32, %c0_i32_0 : i32, i32
  }
  func.func @transform_5(%arg0: i32) -> (i32, i32) {
    %c0_i32 = arith.constant 0 : i32
    %c0_i32_0 = arith.constant 0 : i32
    return %c0_i32, %arg0 : i32, i32
  }
}

module attributes {stable_mosaic.version = 14 : i64} {
  func.func @body(%arg0: i32, %arg1: memref<1x1024xf32, #tpu.memory_space<vmem>>, %arg2: memref<1x1024xf32, #tpu.memory_space<vmem>>, %arg3: memref<256x1024xf32, #tpu.memory_space<vmem>>, %arg4: memref<256x1024xf32, #tpu.memory_space<vmem>>, %arg5: memref<256x1xf32, #tpu.memory_space<vmem>>, %arg6: memref<1x256xf32, #tpu.memory_space<vmem>>) attributes {dimension_semantics = [#tpu.dimension_semantics<arbitrary>], iteration_bounds = array<i64: 10>, scalar_prefetch = 0 : i64, scratch_operands = 0 : i64, tpu.core_type = #tpu.core_type<tc>, window_params = [{transform_indices = @transform_0, window_bounds = array<i64: 1, 1024>}, {transform_indices = @transform_1, window_bounds = array<i64: 1, 1024>}, {transform_indices = @transform_2, window_bounds = array<i64: 256, 1024>}, {transform_indices = @transform_3, window_bounds = array<i64: 256, 1024>}, {pipeline_mode = #tpu.pipeline_mode<synchronous>, transform_indices = @transform_4, window_bounds = array<i64: 256, 1>}, {pipeline_mode = #tpu.pipeline_mode<synchronous>, transform_indices = @transform_5, window_bounds = array<i64: 1, 256>}]} {
    %get3A = arith.constant 0 : index
    %get3A_0 = arith.constant 0 : index
    %get3A_1 = vector.load %arg1[%get3A, %get3A_0] : memref<1x1024xf32, #tpu.memory_space<vmem>>, vector<1x1024xf32>
    %add3A = arith.constant 1.000000e+00 : f32
    %add3A_2 = vector.broadcast %add3A : f32 to vector<1x1024xf32>
    %add3A_3 = arith.addf %get3A_1, %add3A_2 : vector<1x1024xf32>
    %rsqrt3A = math.rsqrt %add3A_3 : vector<1x1024xf32>
    %get3A_4 = arith.constant 0 : index
    %get3A_5 = arith.constant 0 : index
    %get3A_6 = vector.load %arg3[%get3A_4, %get3A_5] : memref<256x1024xf32, #tpu.memory_space<vmem>>, vector<256x1024xf32>
    %get3A_7 = arith.constant 0 : index
    %get3A_8 = arith.constant 0 : index
    %get3A_9 = vector.load %arg4[%get3A_7, %get3A_8] : memref<256x1024xf32, #tpu.memory_space<vmem>>, vector<256x1024xf32>
    %add3A_10 = arith.addf %get3A_6, %get3A_9 : vector<256x1024xf32>
    %mul3A = vector.broadcast %rsqrt3A : vector<1x1024xf32> to vector<256x1024xf32>
    %mul3A_11 = arith.mulf %mul3A, %add3A_10 : vector<256x1024xf32>
    %get3A_12 = arith.constant 0 : index
    %get3A_13 = arith.constant 0 : index
    %get3A_14 = vector.load %arg5[%get3A_12, %get3A_13] : memref<256x1xf32, #tpu.memory_space<vmem>>, vector<256x1xf32>
    %add3A_15 = vector.broadcast %get3A_14 : vector<256x1xf32> to vector<256x1024xf32>
    %add3A_16 = arith.addf %mul3A_11, %add3A_15 : vector<256x1024xf32>
    %max3A = arith.constant 0.000000e+00 : f32
    %max3A_17 = vector.broadcast %max3A : f32 to vector<256x1024xf32>
    %max3A_18 = arith.maximumf %add3A_16, %max3A_17 : vector<256x1024xf32>
    %get3A_19 = arith.constant 0 : index
    %get3A_20 = arith.constant 0 : index
    %get3A_21 = vector.load %arg2[%get3A_19, %get3A_20] : memref<1x1024xf32, #tpu.memory_space<vmem>>, vector<1x1024xf32>
    %mul3A_22 = arith.constant 6.250000e-06 : f32
    %mul3A_23 = vector.broadcast %mul3A_22 : f32 to vector<1x1024xf32>
    %mul3A_24 = arith.mulf %get3A_21, %mul3A_23 : vector<1x1024xf32>
    %dot_general3A = arith.constant dense<0.000000e+00> : vector<1x256xf32>
    %dot_general3A_25 = tpu.matmul %mul3A_24, %max3A_18, %dot_general3A {dimension_numbers = #tpu.dot_dimension_numbers<[1], [1], [0], [0], [0, 0, 1, 0], [], []>, transpose_lhs_hint = false} : vector<1x1024xf32>, vector<256x1024xf32>, vector<1x256xf32> -> vector<1x256xf32>
    %eq3A = arith.constant 0 : i32
    %eq3A_26 = arith.cmpi eq, %arg0, %eq3A : i32
    %convert_element_type3A = arith.extui %eq3A_26 : i1 to i32
    %cond3A = arith.constant 0 : i32
    %cond3A_27 = arith.cmpi ne, %convert_element_type3A, %cond3A : i32
    scf.if %cond3A_27 {
      %broadcast_in_dim3A = arith.constant 0.000000e+00 : f32
      %broadcast_in_dim3A_34 = vector.broadcast %broadcast_in_dim3A : f32 to vector<1x256xf32>
      %swap3A_35 = arith.constant 0 : index
      %swap3A_36 = arith.constant 0 : index
      %swap3A_37 = vector.load %arg6[%swap3A_35, %swap3A_36] : memref<1x256xf32, #tpu.memory_space<vmem>>, vector<1x256xf32>
      tpu.vector_store %arg6[%swap3A_35, %swap3A_36], %broadcast_in_dim3A_34 {strides = array<i32>} : memref<1x256xf32, #tpu.memory_space<vmem>>, vector<1x256xf32>,
    } else {
    }
    %get3A_28 = arith.constant 0 : index
    %get3A_29 = arith.constant 0 : index
    %get3A_30 = vector.load %arg6[%get3A_28, %get3A_29] : memref<1x256xf32, #tpu.memory_space<vmem>>, vector<1x256xf32>
    %add3A_31 = arith.addf %get3A_30, %dot_general3A_25 : vector<1x256xf32>
    %swap3A = arith.constant 0 : index
    %swap3A_32 = arith.constant 0 : index
    %swap3A_33 = vector.load %arg6[%swap3A, %swap3A_32] : memref<1x256xf32, #tpu.memory_space<vmem>>, vector<1x256xf32>
    tpu.vector_store %arg6[%swap3A, %swap3A_32], %add3A_31 {strides = array<i32>} : memref<1x256xf32, #tpu.memory_space<vmem>>, vector<1x256xf32>,
    return
  }
  func.func @transform_0(%arg0: i32) -> (i32, i32) {
    %c0_i32 = arith.constant 0 : i32
    %c0_i32_0 = arith.constant 0 : i32
    return %c0_i32, %arg0 : i32, i32
  }
  func.func @transform_1(%arg0: i32) -> (i32, i32) {
    %c0_i32 = arith.constant 0 : i32
    %c0_i32_0 = arith.constant 0 : i32
    return %c0_i32, %arg0 : i32, i32
  }
  func.func @transform_2(%arg0: i32) -> (i32, i32) {
    %c0_i32 = arith.constant 0 : i32
    %c0_i32_0 = arith.constant 0 : i32
    return %c0_i32, %arg0 : i32, i32
  }
  func.func @transform_3(%arg0: i32) -> (i32, i32) {
    %c0_i32 = arith.constant 0 : i32
    %c0_i32_0 = arith.constant 0 : i32
    return %c0_i32, %arg0 : i32, i32
  }
  func.func @transform_4(%arg0: i32) -> (i32, i32) {
    %c0_i32 = arith.constant 0 : i32
    %c0_i32_0 = arith.constant 0 : i32
    %c0_i32_1 = arith.constant 0 : i32
    return %c0_i32, %c0_i32_0 : i32, i32
  }
  func.func @transform_5(%arg0: i32) -> (i32, i32) {
    %c0_i32 = arith.constant 0 : i32
    %c0_i32_0 = arith.constant 0 : i32
    %c0_i32_1 = arith.constant 0 : i32
    return %c0_i32, %c0_i32_0 : i32, i32
  }
}

</mosaic_0001>

<sc_bundles>
// kernel: kernel.11.cloned.1.call-start
scs
__scs_entry_jumppad:
0x0: {  	(pc) =	sbr.rel $0x88, $3  }
0x1: {  	(tag) =	ssettag $0x0;
	lr =	simm.s32 $0x1  }
0x2: {  	[smem:$0x3F9B] =	sst lr;
	_ =	strace $0xD0000000  }
0x3: {  	_ = 	snop  }
0x4: {  	_ = 	snop  }
0x5: {  	_ = 	snop  }
0x6: {  	_ = 	snop  }
0x7: {  	_ = 	snop  }
__scs_overlays_trampoline_lowered:
0x8: {  	[smem:$0x3FAA] =	sst s0  }
0x9: {  	[smem:$0x3FAB] =	sst s1  }
0xa: {  	[smem:$0x3FAC] =	sst s2  }
0xb: {  	[smem:$0x3FAD] =	sst s3  }
0xc: {  	[smem:$0x3FAE] =	sst s4  }
0xd: {  	[smem:$0x3FAF] =	sst s5  }
0xe: {  	[smem:$0x3FB0] =	sst s6  }
0xf: {  	[smem:$0x3FB1] =	sst s7  }
0x10: {  	[smem:$0x3FB2] =	sst s8  }
0x11: {  	[smem:$0x3FB3] =	sst s9;
	s0 =	simm.s32 @!p0 $0x0  }
0x12: {  	s1 =	sld [smem:$0x3F99];
	s0 =	simm.s32 @p0 $0x1  }
0x13: {  	[smem:$0x3FB4] =	sst s0;
	s0 =	simm.s32 @!p1 $0x0  }
0x14: {  	s2 =	sld [smem:$0x3F98];
	s0 =	simm.s32 @p1 $0x1  }
0x15: {  	[smem:$0x3FB5] =	sst s0;
	s0 =	simm.s32 @!p2 $0x0  }
0x16: {  	s3 =	sld [smem:$0x3FDB];
	s0 =	simm.s32 @p2 $0x1  }
0x17: {  	s4 =	simm.s32 $0x1BF5;
	[smem:$0x3FB7] =	sst s0  }
0x18: {  	s0 =	sld [smem:$0x3F9A];
	_ =	swait.ge [sflag:s4], $0x0  }
0x19: {  	s7 =	sld [smem:$0x3F9B]  }
0x1a: {  	s8 =	sadd.s32 $0xFFFFE003, lr  }
0x1b: {  	s9 =	sadd.s32 $0xFFFFFEF7, lr;
	s5 =	simm.s32 $0xFFFFFFFF;
	p2 =	slt.u32 s8, $0xFFFFF086  }
0x1c: {  	p1 =	slt.u32 s9, $0xF7A;
	s5 =	simm.s32 @!p2 $0x0  }
0x1d: {  	s5 =	simm.s32 @p1 $0x1;
	p0 =	seq.s32 s7, s2  }
0x1e: {  	s7 =	smul.u32 @!p0 $0xF7A, s2;
	p2 =	seq.s32 @!p0 s5, $0x0  }
0x1f: {  	s9 =	smul.u32 $0xF7A, s1;
	s8 =	simm.s32 @!p0 $0x1BF5;
	p2 =	por !p2, p0  }
0x20: {  	[sflag:s8] =	ssyncset.s32 @!p0 $0xFFFFF086;
	s6 =	sadd.s32 @!p0 s3, s7;
	s7 =	simm.s32 @!p0 $0x108  }
0x21: {  	s3 =	sadd.s32 s3, s9;
	s6 =	sadd.s32 @!p0 $0x88, s6;
	s7 =	simm.s32 @p2 $0x1082  }
0x22: {  	[simem:s7], [sflag:s8] =	dma.local @!p0 [hbm:s6], $0xF7A  }
0x23: {  	s9 =	sor.u32 $0xD0000000, s2;
	s6 =	simm.s32 $0x108;
	_ =	swait.ge @!p0 [sflag:s8], $0x0  }
0x24: {  	s3 =	sadd.s32 $0x88, s3;
	s6 =	simm.s32 @!p1 $0x1082;
	[sflag:s4] =	ssyncset.s32 $0xFFFFF086  }
0x25: {  	[simem:s6], [sflag:s4] =	dma.local [hbm:s3], $0xF7A  }
0x26: {  	[smem:$0x3F9B] =	sst s1;
	(tag) =	ssettag s2;
	_ =	strace s9  }
0x27: {  	s1 =	sld [smem:$0x3FAB]  }
0x28: {  	s2 =	sld [smem:$0x3FAC]  }
0x29: {  	s4 =	sld [smem:$0x3FAE]  }
0x2a: {  	p0 =	seq.s32 s5, $0x0;
	s5 =	sld [smem:$0x3FAF]  }
0x2b: {  	s6 =	sld [smem:$0x3FB0]  }
0x2c: {  	s7 =	sld [smem:$0x3FB1]  }
0x2d: {  	s3 =	simm.s32 $0x108;
	s8 =	sld [smem:$0x3FB2]  }
0x2e: {  	s3 =	simm.s32 @!p0 $0x1082;
	s9 =	sld [smem:$0x3FB3]  }
0x2f: {  	lr =	sadd.s32 s0, s3;
	s0 =	sld [smem:$0x3FAA]  }
0x30: {  	s3 =	sld [smem:$0x3FAD]  }
0x31: {  	[smem:$0x3FB6] =	sst s10  }
0x32: {  	s10 =	sld [smem:$0x3FB4];
	_ =	sdelay $0x3  }
0x33: {  	p0 =	seq.s32 s10, $0x1;
	s10 =	sld [smem:$0x3FB6];
	_ =	sdelay $0x3  }
0x34: {  	[smem:$0x3FB6] =	sst s10  }
0x35: {  	s10 =	sld [smem:$0x3FB5];
	_ =	sdelay $0x3  }
0x36: {  	p1 =	seq.s32 s10, $0x1;
	s10 =	sld [smem:$0x3FB6];
	_ =	sdelay $0x3  }
0x37: {  	[smem:$0x3FB6] =	sst s10  }
0x38: {  	s10 =	sld [smem:$0x3FB7]  }
0x39: {  	_ = 	snop;
	(pc) =	sbr.ind lr, $3  }
0x3a: {  	_ = 	snop  }
0x3b: {  	_ = 	snop  }
0x3c: {  	p2 =	seq.s32 s10, $0x1;
	s10 =	sld [smem:$0x3FB6]  }
0x3d: {  	_ =	shalt  }
0x3e: {  	_ =	shalt  }
0x3f: {  	_ =	shalt  }
0x40: {  	_ =	shalt  }
0x41: {  	_ =	shalt  }
0x42: {  	_ =	shalt  }
0x43: {  	_ =	shalt  }
0x44: {  	_ =	shalt  }
0x45: {  	_ =	shalt  }
0x46: {  	_ =	shalt  }
0x47: {  	_ =	shalt  }
0x48: {  	_ =	shalt  }
0x49: {  	_ =	shalt  }
0x4a: {  	_ =	shalt  }
0x4b: {  	_ =	shalt  }
0x4c: {  	_ =	shalt  }
0x4d: {  	_ =	shalt  }
0x4e: {  	_ =	shalt  }
0x4f: {  	_ =	shalt  }
0x50: {  	_ =	shalt  }
0x51: {  	_ =	shalt  }
0x52: {  	_ =	shalt  }
0x53: {  	_ =	shalt  }
0x54: {  	_ =	shalt  }
0x55: {  	_ =	shalt  }
0x56: {  	_ =	shalt  }
0x57: {  	_ =	shalt  }
0x58: {  	_ =	shalt  }
0x59: {  	_ =	shalt  }
0x5a: {  	_ =	shalt  }
0x5b: {  	_ =	shalt  }
0x5c: {  	_ =	shalt  }
0x5d: {  	_ =	shalt  }
0x5e: {  	_ =	shalt  }
0x5f: {  	_ =	shalt  }
0x60: {  	_ =	shalt  }
0x61: {  	_ =	shalt  }
0x62: {  	_ =	shalt  }
0x63: {  	_ =	shalt  }
0x64: {  	_ =	shalt  }
0x65: {  	_ =	shalt  }
0x66: {  	_ =	shalt  }
0x67: {  	_ =	shalt  }
0x68: {  	_ =	shalt  }
0x69: {  	_ =	shalt  }
0x6a: {  	_ =	shalt  }
0x6b: {  	_ =	shalt  }
0x6c: {  	_ =	shalt  }
0x6d: {  	_ =	shalt  }
0x6e: {  	_ =	shalt  }
0x6f: {  	_ =	shalt  }
0x70: {  	_ =	shalt  }
0x71: {  	_ =	shalt  }
0x72: {  	_ =	shalt  }
0x73: {  	_ =	shalt  }
0x74: {  	_ =	shalt  }
0x75: {  	_ =	shalt  }
0x76: {  	_ =	shalt  }
0x77: {  	_ =	shalt  }
0x78: {  	_ =	shalt  }
0x79: {  	_ =	shalt  }
0x7a: {  	_ =	shalt  }
0x7b: {  	_ =	shalt  }
0x7c: {  	_ =	shalt  }
0x7d: {  	_ =	shalt  }
0x7e: {  	_ =	shalt  }
0x7f: {  	_ =	shalt  }
0x80: {  	_ =	shalt  }
0x81: {  	_ =	shalt  }
0x82: {  	_ =	shalt  }
0x83: {  	_ =	shalt  }
0x84: {  	_ =	shalt  }
0x85: {  	_ =	shalt  }
0x86: {  	_ =	shalt  }
0x87: {  	_ =	shalt  }
.Lfunc_end0:
.L_simem_size_0:
called_computation.1_lowered:
.L_overlay_start_0:
0x88: {  	s2 =	sld [smem:$0x3FD9]  }
0x89: {  	s3 =	sld [smem:$0x3FFE];
	_ =	sdelay $0x1  }
0x8a: {  	s1 =	srdreg.scid  }
0x8b: {  	s0 =	sand.u32 $0x1, s1  }
0x8c: {  	s16 =	sshll.u32 s0, $0xA;
	s2 =	sadd.s32 s3, s2  }
0x8d: {  	s2 =	sadd.s32 s2, s16  }
0x8e: {  	[smem:$0x3FC2] =	sst s2  }
0x8f: {  	_ = 	snop  }
0x90: {  	(tm) =	ssettm $0x1  }
0x91: {  	s17 =	sld [smem:$0x3FFB];
	_ =	sdelay $0x3  }
0x92: {  	_ =	strace s17  }
0x93: {  	s2 =	sld [smem:$0x3FFC];
	_ =	sdelay $0x3  }
0x94: {  	_ =	strace s2  }
0x95: {  	s2 =	sld [smem:$0x3FFD];
	_ =	sdelay $0x3  }
0x96: {  	_ =	strace s2  }
0x97: {  	_ =	strace $0x8FFFFFFF  }
0x98: {  	s18 =	sld [smem:$0x3FDB];
	_ =	sdelay $0x1  }
0x99: {  	s19 =	simm.s32 $_scs_section_size  }
0x9a: {  	s4 =	simm.s32 $_size__tile_overlayer_lowered;
	s5 =	simm.s32 $_tile_overlayer_lowered  }
0x9b: {  	s22 =	simm.s32 $0x1BFF;
	s21 =	sshll.u32 s5, $0x1;
	s2 =	sadd.s32 s19, s18  }
0x9c: {  	s6 =	simm.s32 $0x0;
	s20 =	sshll.u32 s4, $0x1;
	s4 =	sadd.s32 s21, s2  }
0x9d: {  	[timem:s6], [sflag:s22] =	dma.local [hbm:s4], s20  }
0x9e: {  	_ =	swait.ge [sflag:s22], s20  }
0x9f: {  	s3 =	ssub.s32 $0x0, s20;
	[sflag:s22] =	ssyncset.done $0x0  }
0xa0: {  	[sflag:s22] =	ssyncadd.s32 s3;
	_ =	sdelay $0x1  }
0xa1: {  	s23 =	simm.s32 $0x1B8B  }
0xa2: {  	_ =	swait.ge [sflag:s23], $0x1  }
0xa3: {  	[sflag:s23] =	ssyncset.done $0x0  }
0xa4: {  	s25 =	simm.s32 $0x1B8E;
	s24 =	sld [smem:$0x3FFE];
	[sflag:s23] =	ssyncadd.s32 $0xFFFFFFFF  }
0xa5: {  	s26 =	simm.s32 $execute0_lowered;
	[smem:$0x3FD2] =	sst s25  }
0xa6: {  	s4 =	sshll.u32 s26, $0x1;
	_ =	strace $0x80000049;
	[dreg:$0x1] =	wrdreg $0xFFFFFFFF  }
0xa7: {  	s28 =	simm.s32 $_size_execute0_lowered;
	s2 =	sadd.s32 s2, s4;
	[dreg:$0x0] =	wrdreg $0x0  }
0xa8: {  	s4 =	sshll.u32 s28, $0x1;
	[dreg:$0x2] =	wrdreg s2  }
0xa9: {  	[dreg:$0x3] =	wrdreg s4  }
0xaa: {  	[dreg:$0x4] =	wrdreg $0xC0  }
0xab: {  	_ =	task [dreg:s6], $0x5FFFF  }
0xac: {  	[dreg:$0x1] =	wrdreg $0xFFFFFFFF  }
0xad: {  	[dreg:$0x0] =	wrdreg $0x60  }
0xae: {  	[dreg:$0x2] =	wrdreg s24  }
0xaf: {  	[dreg:$0x3] =	wrdreg $0x9  }
0xb0: {  	_ =	task.clear_ibuf [dreg:s6], $0x4FFFF;
	_ =	strace $0x90000049  }
0xb1: {  	s29 =	simm.s32 $0x9;
	_ =	strace $0x8000004B  }
0xb2: {  	_ =	swait.ge [sflag:s29], $0x1  }
0xb3: {  	[sflag:s29] =	ssyncadd.s32 $0xFFFFFFFF  }
0xb4: {  	_ =	strace $0x9000004B  }
0xb5: {  	_ =	sfence  }
0xb6: {  	s30 =	sld [smem:$0x0];
	_ =	sdelay $0x2  }
0xb7: {  	s31 =	sshll.u32 s1, $0xD;
	s1 =	sshrl.u32 s1, $0x2  }
0xb8: {  	s3 =	sand.u32 $0x4000, s31;
	s1 =	sadd.s32 s1, s30  }
0xb9: {  	s0 =	sor.u32 s3, s0;
	s1 =	sshll.u32 s1, $0x11  }
0xba: {  	s0 =	sor.u32 s1, s0  }
0xbb: {  	s0 =	sadd.s32 $0x8F2B, s0  }
0xbc: {  	[sflag:s0] =	ssyncadd.remote.s32 $0x1  }
0xbd: {  	_ =	sfence.sel $0xFFFF  }
0xbe: {  	[dreg:$0x0] =	wrdreg $0xFFFFFFFF;
	(pc) =	sbr.abs _section_cstart, $3  }
0xbf: {  	[dreg:$0x1] =	wrdreg $0xFFFFFFFF  }
0xc0: {  	_ =	task.clear_ibuf [dreg:s6], $0x2FFFF;
	_ =	strace $0x9FFFFFFF  }
0xc1: {  	(tm) =	ssettm $0x7FFFFFFF  }
tec
execute0_lowered:
.L_overlay_start_1:
0x0: {  	(tag) =	ssettag $0x1  }
0x1: {  	s0 =	rddreg [dreg:$0x0];
	s1 =	srdreg.scid;
	s2 =	simm.s32 $0x0  }
0x2: {  	s4 =	stileid.u32;
	s17 =	simm.s32 $0x7E00;
	s18 =	simm.s32 $0x3  }
0x3: {  	s19 =	simm.s32 $0x11E00;
	s28 =	simm.s32 $0x3F00;
	s21 =	simm.s32 $0x1  }
0x4: {  	s22 =	simm.s32 $0x1F80;
	s23 =	simm.s32 $0x5E80;
	s1 =	sand.u32 $0x1, s1  }
0x5: {  	s24 =	simm.s32 $0x2;
	s29 =	simm.s32 $0x0;
	s3 =	sshll.u32 s1, $0x4  }
0x6: {  	[smem:$0x7FF] =	sst s2;
	s11 =	sadd.s32 $0x5CE00, s0;
	s5 =	sor.u32 s4, s3  }
0x7: {  	s12 =	sadd.s32 $0xAE200, s0;
	s1 =	ssub.s32 $0x2, s1;
	s6 =	smul.u32 $0xA000, s5  }
0x8: {  	_ =	strace $0x8000004A;
	s30 =	sshrl.u32 s1, $0x1;
	s7 =	smul.u32 $0x1400, s5  }
0x9: {  	s3 =	sadd.s32 $0x1E00, s0;
	s4 =	sadd.s32 $0xACE00, s0;
	s1 =	ssub.s32 s1, s30  }
0xa: {  	s16 =	smax.u32 s1, $0x1;
	s13 =	sshrl.u32 s6, $0x3;
	s5 =	sadd.s32 s11, s7  }
0xb: {  	s6 =	sadd.s32 $0x6C20, s0;
	s7 =	sadd.s32 s12, s7;
	s15 =	sadd.s32 s12, s13  }
0xc: {  	s31 =	sadd.s32 $0x28000, s13;
	s8 =	sadd.s32 $0x500, s15;
	s9 =	sadd.s32 $0xA00, s15  }
0xd: {  	s10 =	sadd.s32 $0xF00, s15;
	s11 =	sadd.s32 s11, s31;
	s12 =	sadd.s32 s12, s31  }
0xe: {  	s13 =	sadd.s32 $0x28500, s15;
	s14 =	sadd.s32 $0x28A00, s15;
	s15 =	sadd.s32 $0x28F00, s15  }
.LBB2_1:
0xf: {  	[tilespmem:s17], [sflag:$0x3] =	stream.linear.gather [hbm4b:s5+s2], $0xA000, $0x38;
	[tilespmem:$0x1BE00] =	vst v63  }
0x10: {  	_ =	swait.ge [sflag:s18], $0xA000  }
0x11: {  	[sflag:s18] =	ssyncset.done $0x0  }
0x12: {  	[sflag:s18] =	ssyncadd.s32 $0xFFFF6000  }
0x13: {  	[tilespmem:s19], [sflag:$0x3] =	stream.linear.gather [hbm4b:s4+s2], $0xA000, $0x38;
	[tilespmem:$0x1BE00] =	vst v63  }
0x14: {  	_ =	swait.ge [sflag:s18], $0xA000  }
0x15: {  	[sflag:s18] =	ssyncset.done $0x0  }
0x16: {  	[sflag:s18] =	ssyncadd.s32 $0xFFFF6000  }
0x17: {  	[tilespmem:s2], [sflag:$0x1] =	stream.linear.gather [hbm4b:s3+s2], $0x1F40, $0x38;
	[tilespmem:$0x1BE00] =	vst v63  }
0x18: {  	s30 =	simm.s32 $0x0  }
0x19: {  	[tilespmem:s28], [sflag:$0x1] =	stream.linear.gather [hbm4b:s6+s2], $0x1F40, $0x38;
	[tilespmem:$0x1BE00] =	vst v63  }
.LBB2_2:
0x1a: {  	_ =	swait.ge [sflag:s21], $0x1F40  }
0x1b: {  	s31 =	smul.u32 $0x3E80, s30;
	[sflag:s21] =	ssyncset.done $0x0  }
0x1c: {  	[sflag:s21] =	ssyncadd.s32 $0xFFFFE0C0  }
0x1d: {  	s0 =	sshrl.u32 s31, $0x3;
	_ =	swait.ge [sflag:s21], $0x1F40  }
0x1e: {  	s1 =	sadd.s32 s3, s0;
	[sflag:s21] =	ssyncset.done $0x0  }
0x1f: {  	s0 =	simm.s32 $0x0;
	s20 =	sadd.s32 $0x3E8, s1;
	[sflag:s21] =	ssyncadd.s32 $0xFFFFE0C0  }
0x20: {  	[tilespmem:s22], [sflag:$0x2] =	stream.linear.gather [hbm4b:s20+s0], $0x1F40, $0x38;
	[tilespmem:$0x1BE00] =	vst v63  }
0x21: {  	s26 =	simm.s32 $0x50;
	s1 =	sadd.s32 $0x5208, s1  }
0x22: {  	[tilespmem:s23], [sflag:$0x2] =	stream.linear.gather [hbm4b:s1+s0], $0x1F40, $0x38;
	[tilespmem:$0x1BE00] =	vst v63  }
0x23: {  	v0 =	vld [tilespmem:s26+$0x40]  }
0x24: {  	v1 =	vld [tilespmem:s26+$0xFFFFFFC0]  }
0x25: {  	s25 =	sand.u32 $0x1FE0, s0;
	v2 =	vld [tilespmem:s26+$0xFFFFFFD0]  }
0x26: {  	v3 =	vld [tilespmem:s25+$0x80]  }
0x27: {  	v4 =	vld [tilespmem:s26+$0xFFFFFFE0]  }
0x28: {  	v5 =	vld [tilespmem:s26+$0xFFFFFFF0]  }
0x29: {  	s1 =	simm.s32 $0x3F50;
	v6 =	vld [tilespmem:s26+$0x0]  }
0x2a: {  	v7 =	vld [tilespmem:s1+$0x40]  }
0x2b: {  	v9 =	vld [tilespmem:s25+$0x3F80]  }
0x2c: {  	v10 =	vld [tilespmem:s26+$0x10]  }
0x2d: {  	v13 =	vld [tilespmem:s26+$0x20]  }
0x2e: {  	v14 =	vld [tilespmem:s26+$0xFFFFFFB0]  }
0x2f: {  	v61 =	vld [tilespmem:s1+$0xFFFFFFD0]  }
0x30: {  	v62 =	vld [tilespmem:s1+$0xFFFFFFE0]  }
0x31: {  	v63 =	vld [tilespmem:s1+$0xFFFFFFF0]  }
0x32: {  	v32 =	vld [tilespmem:s1+$0x0]  }
0x33: {  	v33 =	vld [tilespmem:s1+$0x10]  }
0x34: {  	v23 =	vld [tilespmem:s1+$0x20]  }
0x35: {  	v8 =	vld.idx.msk [tilespmem:v0+s17+$0x0], $0xffff  }
0x36: {  	v11 =	vld.idx.msk [tilespmem:v3+s17+$0x0], $0xffff  }
0x37: {  	v16 =	vld.idx.msk [tilespmem:v1+s17+$0x0], $0xffff  }
0x38: {  	v17 =	vld.idx.msk [tilespmem:v2+s17+$0x0], $0xffff  }
0x39: {  	v19 =	vld.idx.msk [tilespmem:v4+s17+$0x0], $0xffff  }
0x3a: {  	v21 =	vld.idx.msk [tilespmem:v14+s17+$0x0], $0xffff  }
0x3b: {  	v57 =	vld.idx.msk [tilespmem:v5+s17+$0x0], $0xffff  }
0x3c: {  	v59 =	vld.idx.msk [tilespmem:v6+s17+$0x0], $0xffff  }
0x3d: {  	v22 =	vld.idx.msk [tilespmem:v10+s17+$0x0], $0xffff  }
0x3e: {  	v60 =	vld.idx.msk [tilespmem:v13+s17+$0x0], $0xffff  }
0x3f: {  	[tilespmem:v7+s19+$0x0] =	vst.idx.add.f32.msk $0xffff, v8  }
0x40: {  	[tilespmem:v9+s19+$0x0] =	vst.idx.add.f32.msk $0xffff, v11  }
0x41: {  	v11 =	vld [tilespmem:s1+$0xFFFFFFB0]  }
0x42: {  	[tilespmem:v61+s19+$0x0] =	vst.idx.add.f32.msk $0xffff, v17  }
0x43: {  	v12 =	vadd.s32 $0x2800, v0;
	[tilespmem:v62+s19+$0x0] =	vst.idx.add.f32.msk $0xffff, v19  }
0x44: {  	v15 =	vadd.s32 $0x2800, v3;
	[tilespmem:v63+s19+$0x0] =	vst.idx.add.f32.msk $0xffff, v57  }
0x45: {  	v36 =	vadd.s32 $0x2800, v2;
	[tilespmem:v32+s19+$0x0] =	vst.idx.add.f32.msk $0xffff, v59  }
0x46: {  	v37 =	vadd.s32 $0x2800, v4;
	[tilespmem:v33+s19+$0x0] =	vst.idx.add.f32.msk $0xffff, v22  }
0x47: {  	v41 =	vadd.s32 $0x2800, v13;
	[tilespmem:v23+s19+$0x0] =	vst.idx.add.f32.msk $0xffff, v60  }
0x48: {  	v53 =	vadd.s32 $0x2800, v7;
	v8 =	vld.idx.msk [tilespmem:v12+s17+$0x0], $0xffff  }
0x49: {  	v18 =	vadd.s32 $0x2800, v9;
	v54 =	vld.idx.msk [tilespmem:v15+s17+$0x0], $0xffff  }
0x4a: {  	v26 =	vadd.s32 $0x2800, v61;
	v15 =	vld.idx.msk [tilespmem:v36+s17+$0x0], $0xffff  }
0x4b: {  	v27 =	vadd.s32 $0x2800, v62;
	v19 =	vld.idx.msk [tilespmem:v37+s17+$0x0], $0xffff  }
0x4c: {  	v43 =	vadd.s32 $0x2800, v23;
	v22 =	vld.idx.msk [tilespmem:v41+s17+$0x0], $0xffff  }
0x4d: {  	v55 =	vadd.s32 $0x5000, v0;
	[tilespmem:v53+s19+$0x0] =	vst.idx.add.f32.msk $0xffff, v8  }
0x4e: {  	v20 =	vadd.s32 $0x5000, v3;
	[tilespmem:v18+s19+$0x0] =	vst.idx.add.f32.msk $0xffff, v54  }
0x4f: {  	v38 =	vadd.s32 $0x2800, v5;
	[tilespmem:v26+s19+$0x0] =	vst.idx.add.f32.msk $0xffff, v15  }
0x50: {  	v51 =	vadd.s32 $0x5000, v13;
	[tilespmem:v27+s19+$0x0] =	vst.idx.add.f32.msk $0xffff, v19  }
0x51: {  	[tilespmem:v43+s19+$0x0] =	vst.idx.add.f32.msk $0xffff, v22  }
0x52: {  	v40 =	vadd.s32 $0x2800, v10;
	v8 =	vld.idx.msk [tilespmem:v55+s17+$0x0], $0xffff  }
0x53: {  	v56 =	vadd.s32 $0x5000, v7;
	v12 =	vld.idx.msk [tilespmem:v20+s17+$0x0], $0xffff  }
0x54: {  	v58 =	vadd.s32 $0x5000, v9;
	v20 =	vld.idx.msk [tilespmem:v38+s17+$0x0], $0xffff  }
0x55: {  	v22 =	vld.idx.msk [tilespmem:v51+s17+$0x0], $0xffff  }
0x56: {  	v39 =	vadd.s32 $0x2800, v6;
	[tilespmem:v11+s19+$0x0] =	vst.idx.add.f32.msk $0xffff, v21  }
0x57: {  	v28 =	vadd.s32 $0x2800, v63;
	v21 =	vld.idx.msk [tilespmem:v40+s17+$0x0], $0xffff  }
0x58: {  	v46 =	vadd.s32 $0x5000, v2;
	[tilespmem:v56+s19+$0x0] =	vst.idx.add.f32.msk $0xffff, v8  }
0x59: {  	v59 =	vadd.s32 $0x5000, v23;
	[tilespmem:v58+s19+$0x0] =	vst.idx.add.f32.msk $0xffff, v12  }
0x5a: {  	v0 =	vadd.s32 $0x7800, v0;
	v12 =	vld [tilespmem:s1+$0xFFFFFFC0]  }
0x5b: {  	v3 =	vadd.s32 $0x7800, v3;
	v8 =	vld.idx.msk [tilespmem:v39+s17+$0x0], $0xffff  }
0x5c: {  	v42 =	vadd.s32 $0x2800, v33;
	[tilespmem:v28+s19+$0x0] =	vst.idx.add.f32.msk $0xffff, v20  }
0x5d: {  	v13 =	vadd.s32 $0x7800, v13;
	v20 =	vld.idx.msk [tilespmem:v46+s17+$0x0], $0xffff  }
0x5e: {  	v50 =	vadd.s32 $0x5000, v10;
	[tilespmem:v59+s19+$0x0] =	vst.idx.add.f32.msk $0xffff, v22  }
0x5f: {  	v29 =	vadd.s32 $0x2800, v32;
	v0 =	vld.idx.msk [tilespmem:v0+s17+$0x0], $0xffff  }
0x60: {  	v47 =	vadd.s32 $0x5000, v4;
	v3 =	vld.idx.msk [tilespmem:v3+s17+$0x0], $0xffff  }
0x61: {  	v54 =	vadd.s32 $0x5000, v61;
	[tilespmem:v42+s19+$0x0] =	vst.idx.add.f32.msk $0xffff, v21  }
0x62: {  	v7 =	vadd.s32 $0x7800, v7;
	v13 =	vld.idx.msk [tilespmem:v13+s17+$0x0], $0xffff  }
0x63: {  	v9 =	vadd.s32 $0x7800, v9;
	v21 =	vld.idx.msk [tilespmem:v50+s17+$0x0], $0xffff  }
0x64: {  	v2 =	vadd.s32 $0x7800, v2;
	[tilespmem:v29+s19+$0x0] =	vst.idx.add.f32.msk $0xffff, v8  }
0x65: {  	v58 =	vadd.s32 $0x5000, v33;
	v8 =	vld.idx.msk [tilespmem:v47+s17+$0x0], $0xffff  }
0x66: {  	[tilespmem:v54+s19+$0x0] =	vst.idx.add.f32.msk $0xffff, v20  }
0x67: {  	v34 =	vadd.s32 $0x2800, v14;
	[tilespmem:v7+s19+$0x0] =	vst.idx.add.f32.msk $0xffff, v0  }
0x68: {  	v10 =	vadd.s32 $0x7800, v10;
	[tilespmem:v9+s19+$0x0] =	vst.idx.add.f32.msk $0xffff, v3  }
0x69: {  	v35 =	vadd.s32 $0x2800, v1;
	v2 =	vld.idx.msk [tilespmem:v2+s17+$0x0], $0xffff  }
0x6a: {  	v55 =	vadd.s32 $0x5000, v62;
	[tilespmem:v58+s19+$0x0] =	vst.idx.add.f32.msk $0xffff, v21  }
0x6b: {  	v4 =	vadd.s32 $0x7800, v4;
	[tilespmem:v12+s19+$0x0] =	vst.idx.add.f32.msk $0xffff, v16  }
0x6c: {  	v61 =	vadd.s32 $0x7800, v61;
	v16 =	vld.idx.msk [tilespmem:v34+s17+$0x0], $0xffff  }
0x6d: {  	v56 =	vadd.s32 $0x5000, v63;
	v3 =	vadd.s32 $0x7800, v63;
	v63 =	vadd.s32 $0x7800, v23;
	v10 =	vld.idx.msk [tilespmem:v10+s17+$0x0], $0xffff  }
0x6e: {  	v24 =	vadd.s32 $0x2800, v11;
	v17 =	vld.idx.msk [tilespmem:v35+s17+$0x0], $0xffff  }
0x6f: {  	v48 =	vadd.s32 $0x5000, v5;
	[tilespmem:v55+s19+$0x0] =	vst.idx.add.f32.msk $0xffff, v8  }
0x70: {  	v25 =	vadd.s32 $0x2800, v12;
	v4 =	vld.idx.msk [tilespmem:v4+s17+$0x0], $0xffff  }
0x71: {  	v44 =	vadd.s32 $0x5000, v14;
	[tilespmem:v61+s19+$0x0] =	vst.idx.add.f32.msk $0xffff, v2  }
0x72: {  	v49 =	vadd.s32 $0x5000, v6;
	[tilespmem:v63+s19+$0x0] =	vst.idx.add.f32.msk $0xffff, v13  }
0x73: {  	v0 =	vadd.s32 $0x7800, v62;
	v62 =	vadd.s32 $0x7800, v33;
	[tilespmem:v24+s19+$0x0] =	vst.idx.add.f32.msk $0xffff, v16  }
0x74: {  	v45 =	vadd.s32 $0x5000, v1;
	v16 =	vld.idx.msk [tilespmem:v48+s17+$0x0], $0xffff  }
0x75: {  	[tilespmem:v25+s19+$0x0] =	vst.idx.add.f32.msk $0xffff, v17  }
0x76: {  	v52 =	vadd.s32 $0x5000, v11;
	v15 =	vld.idx.msk [tilespmem:v44+s17+$0x0], $0xffff  }
0x77: {  	v57 =	vadd.s32 $0x5000, v32;
	v17 =	vld.idx.msk [tilespmem:v49+s17+$0x0], $0xffff  }
0x78: {  	v5 =	vadd.s32 $0x7800, v5;
	[tilespmem:v62+s19+$0x0] =	vst.idx.add.f32.msk $0xffff, v10  }
0x79: {  	v53 =	vadd.s32 $0x5000, v12;
	v19 =	vld.idx.msk [tilespmem:v45+s17+$0x0], $0xffff  }
0x7a: {  	v14 =	vadd.s32 $0x7800, v14;
	[tilespmem:v56+s19+$0x0] =	vst.idx.add.f32.msk $0xffff, v16  }
0x7b: {  	v6 =	vadd.s32 $0x7800, v6;
	[tilespmem:v52+s19+$0x0] =	vst.idx.add.f32.msk $0xffff, v15  }
0x7c: {  	v1 =	vadd.s32 $0x7800, v1;
	[tilespmem:v57+s19+$0x0] =	vst.idx.add.f32.msk $0xffff, v17  }
0x7d: {  	v5 =	vld.idx.msk [tilespmem:v5+s17+$0x0], $0xffff  }
0x7e: {  	[tilespmem:v53+s19+$0x0] =	vst.idx.add.f32.msk $0xffff, v19  }
0x7f: {  	v11 =	vadd.s32 $0x7800, v11;
	v60 =	vld.idx.msk [tilespmem:v14+s17+$0x0], $0xffff  }
0x80: {  	v7 =	vadd.s32 $0x7800, v32;
	v6 =	vld.idx.msk [tilespmem:v6+s17+$0x0], $0xffff  }
0x81: {  	v12 =	vadd.s32 $0x7800, v12;
	v1 =	vld.idx.msk [tilespmem:v1+s17+$0x0], $0xffff  }
0x82: {  	[tilespmem:v0+s19+$0x0] =	vst.idx.add.f32.msk $0xffff, v4  }
0x83: {  	[tilespmem:v3+s19+$0x0] =	vst.idx.add.f32.msk $0xffff, v5  }
0x84: {  	[tilespmem:v11+s19+$0x0] =	vst.idx.add.f32.msk $0xffff, v60  }
0x85: {  	[tilespmem:v7+s19+$0x0] =	vst.idx.add.f32.msk $0xffff, v6  }
0x86: {  	s20 =	simm.s32 $0x0;
	s25 =	simm.s32 $0xF0;
	[tilespmem:v12+s19+$0x0] =	vst.idx.add.f32.msk $0xffff, v1  }
.LBB2_3:
0x87: {  	v22 =	vld [tilespmem:s25+$0x40]  }
0x88: {  	s0 =	sadd.s32 $0xA0, s0;
	v5 =	vld [tilespmem:s25+$0xFFFFFFC0]  }
0x89: {  	s20 =	sadd.s32 $0xA, s20;
	s26 =	sand.u32 $0x1FE0, s0;
	v9 =	vld [tilespmem:s25+$0xFFFFFFD0]  }
0x8a: {  	p0 =	slt.u32 s20, $0x1EA;
	v23 =	vld [tilespmem:s26+$0x80]  }
0x8b: {  	v24 =	vld [tilespmem:s25+$0xFFFFFFE0]  }
0x8c: {  	v25 =	vld [tilespmem:s25+$0xFFFFFFF0]  }
0x8d: {  	s1 =	sadd.s32 $0xA0, s1;
	v14 =	vadd.s32 $0x2800, v5;
	v6 =	vadd.s32 $0x5000, v5;
	v0 =	vadd.s32 $0x7800, v5;
	v26 =	vld [tilespmem:s25+$0x0]  }
0x8e: {  	v16 =	vadd.s32 $0x2800, v9;
	v7 =	vadd.s32 $0x5000, v9;
	v1 =	vadd.s32 $0x7800, v9;
	v27 =	vld [tilespmem:s1+$0x40]  }
0x8f: {  	v12 =	vld.idx.msk [tilespmem:v22+s17+$0x0], $0xffff  }
0x90: {  	v17 =	vadd.s32 $0x2800, v24;
	v8 =	vadd.s32 $0x5000, v24;
	v2 =	vadd.s32 $0x7800, v24;
	v28 =	vld [tilespmem:s26+$0x3F80]  }
0x91: {  	v18 =	vadd.s32 $0x2800, v25;
	v10 =	vadd.s32 $0x5000, v25;
	v3 =	vadd.s32 $0x7800, v25;
	v29 =	vld [tilespmem:s25+$0x10]  }
0x92: {  	v15 =	vadd.s32 $0x2800, v22;
	v19 =	vadd.s32 $0x2800, v26;
	v11 =	vadd.s32 $0x5000, v26;
	v20 =	vld.idx.msk [tilespmem:v23+s17+$0x0], $0xffff  }
0x93: {  	v4 =	vadd.s32 $0x7800, v26;
	v30 =	vld [tilespmem:s25+$0x20]  }
0x94: {  	v32 =	vadd.s32 $0x2800, v23;
	v31 =	vld [tilespmem:s25+$0xFFFFFFB0]  }
0x95: {  	v33 =	vld.idx.msk [tilespmem:v5+s17+$0x0], $0xffff  }
0x96: {  	v21 =	vadd.s32 $0x2800, v29;
	v13 =	vadd.s32 $0x5000, v29;
	v5 =	vadd.s32 $0x7800, v29;
	[tilespmem:v27+s19+$0x0] =	vst.idx.add.f32.msk $0xffff, v12  }
0x97: {  	v34 =	vld.idx.msk [tilespmem:v15+s17+$0x0], $0xffff  }
0x98: {  	v36 =	vadd.s32 $0x2800, v27;
	v35 =	vadd.s32 $0x2800, v30;
	v15 =	vadd.s32 $0x5000, v30;
	[tilespmem:v28+s19+$0x0] =	vst.idx.add.f32.msk $0xffff, v20  }
0x99: {  	v38 =	vadd.s32 $0x5000, v22;
	v37 =	vadd.s32 $0x2800, v31;
	v20 =	vadd.s32 $0x5000, v31;
	v32 =	vld.idx.msk [tilespmem:v32+s17+$0x0], $0xffff  }
0x9a: {  	v40 =	vadd.s32 $0x2800, v28;
	v12 =	vadd.s32 $0x7800, v31;
	v39 =	vld.idx.msk [tilespmem:v9+s17+$0x0], $0xffff;
	v9 =	vadd.s32 $0x7800, v30  }
0x9b: {  	v41 =	vadd.s32 $0x5000, v23;
	v24 =	vld.idx.msk [tilespmem:v24+s17+$0x0], $0xffff  }
0x9c: {  	v31 =	vld.idx.msk [tilespmem:v31+s17+$0x0], $0xffff  }
0x9d: {  	[tilespmem:v36+s19+$0x0] =	vst.idx.add.f32.msk $0xffff, v34  }
0x9e: {  	v34 =	vld.idx.msk [tilespmem:v38+s17+$0x0], $0xffff  }
0x9f: {  	[tilespmem:v40+s19+$0x0] =	vst.idx.add.f32.msk $0xffff, v32;
	v32 =	vadd.s32 $0x5000, v27  }
0xa0: {  	v22 =	vadd.s32 $0x7800, v22;
	v36 =	vld.idx.msk [tilespmem:v41+s17+$0x0], $0xffff  }
0xa1: {  	v38 =	vadd.s32 $0x5000, v28;
	v25 =	vld.idx.msk [tilespmem:v25+s17+$0x0], $0xffff  }
0xa2: {  	v23 =	vadd.s32 $0x7800, v23;
	v26 =	vld.idx.msk [tilespmem:v26+s17+$0x0], $0xffff  }
0xa3: {  	v29 =	vld.idx.msk [tilespmem:v29+s17+$0x0], $0xffff  }
0xa4: {  	[tilespmem:v32+s19+$0x0] =	vst.idx.add.f32.msk $0xffff, v34  }
0xa5: {  	v22 =	vld.idx.msk [tilespmem:v22+s17+$0x0], $0xffff  }
0xa6: {  	[tilespmem:v38+s19+$0x0] =	vst.idx.add.f32.msk $0xffff, v36  }
0xa7: {  	v27 =	vadd.s32 $0x7800, v27;
	v23 =	vld.idx.msk [tilespmem:v23+s17+$0x0], $0xffff  }
0xa8: {  	v28 =	vadd.s32 $0x7800, v28;
	v30 =	vld.idx.msk [tilespmem:v30+s17+$0x0], $0xffff  }
0xa9: {  	v32 =	vld [tilespmem:s1+$0xFFFFFFB0]  }
0xaa: {  	v34 =	vld [tilespmem:s1+$0xFFFFFFC0]  }
0xab: {  	v36 =	vld [tilespmem:s1+$0xFFFFFFD0]  }
0xac: {  	[tilespmem:v27+s19+$0x0] =	vst.idx.add.f32.msk $0xffff, v22  }
0xad: {  	[tilespmem:v28+s19+$0x0] =	vst.idx.add.f32.msk $0xffff, v23  }
0xae: {  	v22 =	vadd.s32 $0x2800, v32;
	v23 =	vadd.s32 $0x5000, v32;
	v27 =	vadd.s32 $0x7800, v32;
	v28 =	vld [tilespmem:s1+$0xFFFFFFE0]  }
0xaf: {  	v38 =	vadd.s32 $0x2800, v34;
	v40 =	vadd.s32 $0x5000, v34;
	v41 =	vadd.s32 $0x7800, v34;
	v42 =	vld [tilespmem:s1+$0xFFFFFFF0]  }
0xb0: {  	v43 =	vadd.s32 $0x2800, v36;
	v44 =	vadd.s32 $0x5000, v36;
	v45 =	vadd.s32 $0x7800, v36;
	v46 =	vld [tilespmem:s1+$0x0]  }
0xb1: {  	v47 =	vld [tilespmem:s1+$0x10]  }
0xb2: {  	v48 =	vld [tilespmem:s1+$0x20]  }
0xb3: {  	[tilespmem:v32+s19+$0x0] =	vst.idx.add.f32.msk $0xffff, v31;
	v31 =	vadd.s32 $0x2800, v28;
	v32 =	vadd.s32 $0x5000, v28;
	v49 =	vadd.s32 $0x7800, v28  }
0xb4: {  	[tilespmem:v34+s19+$0x0] =	vst.idx.add.f32.msk $0xffff, v33;
	v33 =	vadd.s32 $0x2800, v42;
	v34 =	vadd.s32 $0x5000, v42;
	v50 =	vadd.s32 $0x7800, v42  }
0xb5: {  	[tilespmem:v36+s19+$0x0] =	vst.idx.add.f32.msk $0xffff, v39;
	v36 =	vadd.s32 $0x2800, v46;
	v39 =	vadd.s32 $0x5000, v46;
	v51 =	vadd.s32 $0x7800, v46  }
0xb6: {  	[tilespmem:v28+s19+$0x0] =	vst.idx.add.f32.msk $0xffff, v24;
	v24 =	vadd.s32 $0x2800, v47;
	v28 =	vadd.s32 $0x5000, v47;
	v52 =	vadd.s32 $0x7800, v47  }
0xb7: {  	[tilespmem:v42+s19+$0x0] =	vst.idx.add.f32.msk $0xffff, v25;
	v25 =	vadd.s32 $0x2800, v48;
	v42 =	vadd.s32 $0x5000, v48;
	v53 =	vadd.s32 $0x7800, v48  }
0xb8: {  	[tilespmem:v46+s19+$0x0] =	vst.idx.add.f32.msk $0xffff, v26  }
0xb9: {  	[tilespmem:v47+s19+$0x0] =	vst.idx.add.f32.msk $0xffff, v29  }
0xba: {  	[tilespmem:v48+s19+$0x0] =	vst.idx.add.f32.msk $0xffff, v30  }
0xbb: {  	v26 =	vld.idx.msk [tilespmem:v37+s17+$0x0], $0xffff  }
0xbc: {  	v14 =	vld.idx.msk [tilespmem:v14+s17+$0x0], $0xffff  }
0xbd: {  	v16 =	vld.idx.msk [tilespmem:v16+s17+$0x0], $0xffff  }
0xbe: {  	v17 =	vld.idx.msk [tilespmem:v17+s17+$0x0], $0xffff  }
0xbf: {  	v18 =	vld.idx.msk [tilespmem:v18+s17+$0x0], $0xffff  }
0xc0: {  	v19 =	vld.idx.msk [tilespmem:v19+s17+$0x0], $0xffff  }
0xc1: {  	v21 =	vld.idx.msk [tilespmem:v21+s17+$0x0], $0xffff  }
0xc2: {  	v29 =	vld.idx.msk [tilespmem:v35+s17+$0x0], $0xffff  }
0xc3: {  	[tilespmem:v22+s19+$0x0] =	vst.idx.add.f32.msk $0xffff, v26  }
0xc4: {  	[tilespmem:v38+s19+$0x0] =	vst.idx.add.f32.msk $0xffff, v14  }
0xc5: {  	[tilespmem:v43+s19+$0x0] =	vst.idx.add.f32.msk $0xffff, v16  }
0xc6: {  	[tilespmem:v31+s19+$0x0] =	vst.idx.add.f32.msk $0xffff, v17  }
0xc7: {  	[tilespmem:v33+s19+$0x0] =	vst.idx.add.f32.msk $0xffff, v18  }
0xc8: {  	[tilespmem:v36+s19+$0x0] =	vst.idx.add.f32.msk $0xffff, v19  }
0xc9: {  	[tilespmem:v24+s19+$0x0] =	vst.idx.add.f32.msk $0xffff, v21  }
0xca: {  	[tilespmem:v25+s19+$0x0] =	vst.idx.add.f32.msk $0xffff, v29  }
0xcb: {  	v14 =	vld.idx.msk [tilespmem:v20+s17+$0x0], $0xffff  }
0xcc: {  	v6 =	vld.idx.msk [tilespmem:v6+s17+$0x0], $0xffff  }
0xcd: {  	v7 =	vld.idx.msk [tilespmem:v7+s17+$0x0], $0xffff  }
0xce: {  	v8 =	vld.idx.msk [tilespmem:v8+s17+$0x0], $0xffff  }
0xcf: {  	v10 =	vld.idx.msk [tilespmem:v10+s17+$0x0], $0xffff  }
0xd0: {  	v11 =	vld.idx.msk [tilespmem:v11+s17+$0x0], $0xffff  }
0xd1: {  	v13 =	vld.idx.msk [tilespmem:v13+s17+$0x0], $0xffff  }
0xd2: {  	v15 =	vld.idx.msk [tilespmem:v15+s17+$0x0], $0xffff  }
0xd3: {  	[tilespmem:v23+s19+$0x0] =	vst.idx.add.f32.msk $0xffff, v14  }
0xd4: {  	[tilespmem:v40+s19+$0x0] =	vst.idx.add.f32.msk $0xffff, v6  }
0xd5: {  	[tilespmem:v44+s19+$0x0] =	vst.idx.add.f32.msk $0xffff, v7  }
0xd6: {  	[tilespmem:v32+s19+$0x0] =	vst.idx.add.f32.msk $0xffff, v8  }
0xd7: {  	[tilespmem:v34+s19+$0x0] =	vst.idx.add.f32.msk $0xffff, v10  }
0xd8: {  	[tilespmem:v39+s19+$0x0] =	vst.idx.add.f32.msk $0xffff, v11  }
0xd9: {  	[tilespmem:v28+s19+$0x0] =	vst.idx.add.f32.msk $0xffff, v13  }
0xda: {  	[tilespmem:v42+s19+$0x0] =	vst.idx.add.f32.msk $0xffff, v15  }
0xdb: {  	v6 =	vld.idx.msk [tilespmem:v12+s17+$0x0], $0xffff  }
0xdc: {  	v0 =	vld.idx.msk [tilespmem:v0+s17+$0x0], $0xffff  }
0xdd: {  	v1 =	vld.idx.msk [tilespmem:v1+s17+$0x0], $0xffff  }
0xde: {  	v2 =	vld.idx.msk [tilespmem:v2+s17+$0x0], $0xffff  }
0xdf: {  	v3 =	vld.idx.msk [tilespmem:v3+s17+$0x0], $0xffff  }
0xe0: {  	v4 =	vld.idx.msk [tilespmem:v4+s17+$0x0], $0xffff  }
0xe1: {  	v5 =	vld.idx.msk [tilespmem:v5+s17+$0x0], $0xffff  }
0xe2: {  	v7 =	vld.idx.msk [tilespmem:v9+s17+$0x0], $0xffff  }
0xe3: {  	[tilespmem:v27+s19+$0x0] =	vst.idx.add.f32.msk $0xffff, v6  }
0xe4: {  	[tilespmem:v41+s19+$0x0] =	vst.idx.add.f32.msk $0xffff, v0  }
0xe5: {  	[tilespmem:v45+s19+$0x0] =	vst.idx.add.f32.msk $0xffff, v1  }
.Ltmp0:
0xe6: {  	[tilespmem:v49+s19+$0x0] =	vst.idx.add.f32.msk $0xffff, v2;
	(pc) =	sbr.rel @p0 .LBB2_3-.Ltmp0, $4  }
0xe7: {  	[tilespmem:v50+s19+$0x0] =	vst.idx.add.f32.msk $0xffff, v3  }
0xe8: {  	[tilespmem:v51+s19+$0x0] =	vst.idx.add.f32.msk $0xffff, v4  }
0xe9: {  	[tilespmem:v52+s19+$0x0] =	vst.idx.add.f32.msk $0xffff, v5  }
0xea: {  	s25 =	sadd.s32 $0xA0, s25;
	[tilespmem:v53+s19+$0x0] =	vst.idx.add.f32.msk $0xffff, v7  }
0xeb: {  	_ =	swait.ge [sflag:s24], $0x1F40  }
0xec: {  	[sflag:s24] =	ssyncset.done $0x0  }
0xed: {  	p0 =	seq.s32 s30, $0x9;
	[sflag:s24] =	ssyncadd.s32 $0xFFFFE0C0  }
0xee: {  	s0 =	sshrl.u32 @!p0 s31, $0x3;
	_ =	swait.ge [sflag:s24], $0x1F40  }
0xef: {  	s0 =	sadd.s32 @!p0 s3, s0;
	[sflag:s24] =	ssyncset.done $0x0  }
0xf0: {  	s20 =	simm.s32 @!p0 $0x0;
	s1 =	sadd.s32 @!p0 $0x7D0, s0;
	[sflag:s24] =	ssyncadd.s32 $0xFFFFE0C0  }
0xf1: {  	[tilespmem:s20], [sflag:$0x1] =	stream.linear.gather @!p0 [hbm4b:s1+s20], $0x1F40, $0x38;
	[tilespmem:$0x1BE00] =	vst v63  }
0xf2: {  	s31 =	simm.s32 $0x1FD0;
	s0 =	sadd.s32 @!p0 $0x55F0, s0;
	s1 =	simm.s32 @!p0 $0x3F00  }
0xf3: {  	[tilespmem:s1], [sflag:$0x1] =	stream.linear.gather @!p0 [hbm4b:s0+s20], $0x1F40, $0x38;
	[tilespmem:$0x1BE00] =	vst v63  }
0xf4: {  	v0 =	vld [tilespmem:s31+$0x40]  }
0xf5: {  	v1 =	vld [tilespmem:s31+$0xFFFFFFC0]  }
0xf6: {  	v2 =	vld [tilespmem:s31+$0xFFFFFFD0]  }
0xf7: {  	v4 =	vld [tilespmem:s31+$0xFFFFFFE0]  }
0xf8: {  	v5 =	vld [tilespmem:s31+$0xFFFFFFF0]  }
0xf9: {  	s1 =	simm.s32 $0x5ED0;
	v6 =	vld [tilespmem:s31+$0x0]  }
0xfa: {  	v7 =	vld [tilespmem:s1+$0x40]  }
0xfb: {  	v10 =	vld [tilespmem:s31+$0x10]  }
0xfc: {  	v13 =	vld [tilespmem:s31+$0x20]  }
0xfd: {  	v14 =	vld [tilespmem:s31+$0xFFFFFFB0]  }
0xfe: {  	v61 =	vld [tilespmem:s1+$0xFFFFFFD0]  }
0xff: {  	v62 =	vld [tilespmem:s1+$0xFFFFFFE0]  }
0x100: {  	v63 =	vld [tilespmem:s1+$0xFFFFFFF0]  }
0x101: {  	v32 =	vld [tilespmem:s1+$0x0]  }
0x102: {  	s0 =	simm.s32 $0x0;
	v33 =	vld [tilespmem:s1+$0x10]  }
0x103: {  	s25 =	sand.u32 $0x1FE0, s0;
	v23 =	vld [tilespmem:s1+$0x20]  }
0x104: {  	v3 =	vld [tilespmem:s25+$0x2000]  }
0x105: {  	v9 =	vld [tilespmem:s25+$0x5F00]  }
0x106: {  	v8 =	vld.idx.msk [tilespmem:v0+s17+$0x0], $0xffff  }
0x107: {  	v16 =	vld.idx.msk [tilespmem:v1+s17+$0x0], $0xffff  }
0x108: {  	v17 =	vld.idx.msk [tilespmem:v2+s17+$0x0], $0xffff  }
0x109: {  	v19 =	vld.idx.msk [tilespmem:v4+s17+$0x0], $0xffff  }
0x10a: {  	v21 =	vld.idx.msk [tilespmem:v14+s17+$0x0], $0xffff  }
0x10b: {  	v57 =	vld.idx.msk [tilespmem:v5+s17+$0x0], $0xffff  }
0x10c: {  	v59 =	vld.idx.msk [tilespmem:v6+s17+$0x0], $0xffff  }
0x10d: {  	v22 =	vld.idx.msk [tilespmem:v10+s17+$0x0], $0xffff  }
0x10e: {  	v60 =	vld.idx.msk [tilespmem:v13+s17+$0x0], $0xffff  }
0x10f: {  	v11 =	vld.idx.msk [tilespmem:v3+s17+$0x0], $0xffff  }
0x110: {  	[tilespmem:v7+s19+$0x0] =	vst.idx.add.f32.msk $0xffff, v8  }
0x111: {  	[tilespmem:v61+s19+$0x0] =	vst.idx.add.f32.msk $0xffff, v17  }
0x112: {  	v12 =	vadd.s32 $0x2800, v0;
	[tilespmem:v62+s19+$0x0] =	vst.idx.add.f32.msk $0xffff, v19  }
0x113: {  	[tilespmem:v63+s19+$0x0] =	vst.idx.add.f32.msk $0xffff, v57  }
0x114: {  	[tilespmem:v32+s19+$0x0] =	vst.idx.add.f32.msk $0xffff, v59  }
0x115: {  	v37 =	vadd.s32 $0x2800, v4;
	[tilespmem:v33+s19+$0x0] =	vst.idx.add.f32.msk $0xffff, v22  }
0x116: {  	v41 =	vadd.s32 $0x2800, v13;
	[tilespmem:v23+s19+$0x0] =	vst.idx.add.f32.msk $0xffff, v60  }
0x117: {  	v15 =	vadd.s32 $0x2800, v3;
	v8 =	vld.idx.msk [tilespmem:v12+s17+$0x0], $0xffff  }
0x118: {  	v36 =	vadd.s32 $0x2800, v2;
	[tilespmem:v9+s19+$0x0] =	vst.idx.add.f32.msk $0xffff, v11  }
0x119: {  	v53 =	vadd.s32 $0x2800, v7;
	v11 =	vld [tilespmem:s1+$0xFFFFFFB0]  }
0x11a: {  	v27 =	vadd.s32 $0x2800, v62;
	v19 =	vld.idx.msk [tilespmem:v37+s17+$0x0], $0xffff  }
0x11b: {  	v43 =	vadd.s32 $0x2800, v23;
	v22 =	vld.idx.msk [tilespmem:v41+s17+$0x0], $0xffff  }
0x11c: {  	v55 =	vadd.s32 $0x5000, v0;
	v54 =	vld.idx.msk [tilespmem:v15+s17+$0x0], $0xffff  }
0x11d: {  	v18 =	vadd.s32 $0x2800, v9;
	v15 =	vld.idx.msk [tilespmem:v36+s17+$0x0], $0xffff  }
0x11e: {  	v26 =	vadd.s32 $0x2800, v61;
	[tilespmem:v53+s19+$0x0] =	vst.idx.add.f32.msk $0xffff, v8  }
0x11f: {  	v51 =	vadd.s32 $0x5000, v13;
	[tilespmem:v27+s19+$0x0] =	vst.idx.add.f32.msk $0xffff, v19  }
0x120: {  	v20 =	vadd.s32 $0x5000, v3;
	[tilespmem:v43+s19+$0x0] =	vst.idx.add.f32.msk $0xffff, v22  }
0x121: {  	v38 =	vadd.s32 $0x2800, v5;
	v8 =	vld.idx.msk [tilespmem:v55+s17+$0x0], $0xffff  }
0x122: {  	[tilespmem:v18+s19+$0x0] =	vst.idx.add.f32.msk $0xffff, v54  }
0x123: {  	v40 =	vadd.s32 $0x2800, v10;
	[tilespmem:v26+s19+$0x0] =	vst.idx.add.f32.msk $0xffff, v15  }
0x124: {  	v56 =	vadd.s32 $0x5000, v7;
	v22 =	vld.idx.msk [tilespmem:v51+s17+$0x0], $0xffff  }
0x125: {  	v39 =	vadd.s32 $0x2800, v6;
	v12 =	vld.idx.msk [tilespmem:v20+s17+$0x0], $0xffff  }
0x126: {  	v59 =	vadd.s32 $0x5000, v23;
	v20 =	vld.idx.msk [tilespmem:v38+s17+$0x0], $0xffff  }
0x127: {  	v0 =	vadd.s32 $0x7800, v0;
	[tilespmem:v11+s19+$0x0] =	vst.idx.add.f32.msk $0xffff, v21  }
0x128: {  	v58 =	vadd.s32 $0x5000, v9;
	v21 =	vld.idx.msk [tilespmem:v40+s17+$0x0], $0xffff  }
0x129: {  	[tilespmem:v56+s19+$0x0] =	vst.idx.add.f32.msk $0xffff, v8  }
0x12a: {  	v28 =	vadd.s32 $0x2800, v63;
	v8 =	vld.idx.msk [tilespmem:v39+s17+$0x0], $0xffff  }
0x12b: {  	v46 =	vadd.s32 $0x5000, v2;
	[tilespmem:v59+s19+$0x0] =	vst.idx.add.f32.msk $0xffff, v22  }
0x12c: {  	v13 =	vadd.s32 $0x7800, v13;
	v0 =	vld.idx.msk [tilespmem:v0+s17+$0x0], $0xffff  }
0x12d: {  	v3 =	vadd.s32 $0x7800, v3;
	[tilespmem:v58+s19+$0x0] =	vst.idx.add.f32.msk $0xffff, v12  }
0x12e: {  	v42 =	vadd.s32 $0x2800, v33;
	v12 =	vld [tilespmem:s1+$0xFFFFFFC0]  }
0x12f: {  	v50 =	vadd.s32 $0x5000, v10;
	[tilespmem:v28+s19+$0x0] =	vst.idx.add.f32.msk $0xffff, v20  }
0x130: {  	v29 =	vadd.s32 $0x2800, v32;
	v20 =	vld.idx.msk [tilespmem:v46+s17+$0x0], $0xffff  }
0x131: {  	v47 =	vadd.s32 $0x5000, v4;
	v13 =	vld.idx.msk [tilespmem:v13+s17+$0x0], $0xffff  }
0x132: {  	v7 =	vadd.s32 $0x7800, v7;
	v3 =	vld.idx.msk [tilespmem:v3+s17+$0x0], $0xffff  }
0x133: {  	v54 =	vadd.s32 $0x5000, v61;
	[tilespmem:v42+s19+$0x0] =	vst.idx.add.f32.msk $0xffff, v21  }
0x134: {  	v9 =	vadd.s32 $0x7800, v9;
	v21 =	vld.idx.msk [tilespmem:v50+s17+$0x0], $0xffff  }
0x135: {  	v2 =	vadd.s32 $0x7800, v2;
	[tilespmem:v29+s19+$0x0] =	vst.idx.add.f32.msk $0xffff, v8  }
0x136: {  	v58 =	vadd.s32 $0x5000, v33;
	v8 =	vld.idx.msk [tilespmem:v47+s17+$0x0], $0xffff  }
0x137: {  	[tilespmem:v7+s19+$0x0] =	vst.idx.add.f32.msk $0xffff, v0  }
0x138: {  	v34 =	vadd.s32 $0x2800, v14;
	[tilespmem:v54+s19+$0x0] =	vst.idx.add.f32.msk $0xffff, v20  }
0x139: {  	v10 =	vadd.s32 $0x7800, v10;
	[tilespmem:v9+s19+$0x0] =	vst.idx.add.f32.msk $0xffff, v3  }
0x13a: {  	v35 =	vadd.s32 $0x2800, v1;
	v2 =	vld.idx.msk [tilespmem:v2+s17+$0x0], $0xffff  }
0x13b: {  	v55 =	vadd.s32 $0x5000, v62;
	[tilespmem:v58+s19+$0x0] =	vst.idx.add.f32.msk $0xffff, v21  }
0x13c: {  	v4 =	vadd.s32 $0x7800, v4;
	[tilespmem:v12+s19+$0x0] =	vst.idx.add.f32.msk $0xffff, v16  }
0x13d: {  	v61 =	vadd.s32 $0x7800, v61;
	v16 =	vld.idx.msk [tilespmem:v34+s17+$0x0], $0xffff  }
0x13e: {  	v56 =	vadd.s32 $0x5000, v63;
	v3 =	vadd.s32 $0x7800, v63;
	v63 =	vadd.s32 $0x7800, v23;
	v10 =	vld.idx.msk [tilespmem:v10+s17+$0x0], $0xffff  }
0x13f: {  	v24 =	vadd.s32 $0x2800, v11;
	v17 =	vld.idx.msk [tilespmem:v35+s17+$0x0], $0xffff  }
0x140: {  	v48 =	vadd.s32 $0x5000, v5;
	[tilespmem:v55+s19+$0x0] =	vst.idx.add.f32.msk $0xffff, v8  }
0x141: {  	v25 =	vadd.s32 $0x2800, v12;
	v4 =	vld.idx.msk [tilespmem:v4+s17+$0x0], $0xffff  }
0x142: {  	v44 =	vadd.s32 $0x5000, v14;
	[tilespmem:v61+s19+$0x0] =	vst.idx.add.f32.msk $0xffff, v2  }
0x143: {  	v49 =	vadd.s32 $0x5000, v6;
	[tilespmem:v63+s19+$0x0] =	vst.idx.add.f32.msk $0xffff, v13  }
0x144: {  	v0 =	vadd.s32 $0x7800, v62;
	v62 =	vadd.s32 $0x7800, v33;
	[tilespmem:v24+s19+$0x0] =	vst.idx.add.f32.msk $0xffff, v16  }
0x145: {  	v45 =	vadd.s32 $0x5000, v1;
	v16 =	vld.idx.msk [tilespmem:v48+s17+$0x0], $0xffff  }
0x146: {  	[tilespmem:v25+s19+$0x0] =	vst.idx.add.f32.msk $0xffff, v17  }
0x147: {  	v52 =	vadd.s32 $0x5000, v11;
	v15 =	vld.idx.msk [tilespmem:v44+s17+$0x0], $0xffff  }
0x148: {  	v57 =	vadd.s32 $0x5000, v32;
	v17 =	vld.idx.msk [tilespmem:v49+s17+$0x0], $0xffff  }
0x149: {  	v5 =	vadd.s32 $0x7800, v5;
	[tilespmem:v62+s19+$0x0] =	vst.idx.add.f32.msk $0xffff, v10  }
0x14a: {  	v53 =	vadd.s32 $0x5000, v12;
	v19 =	vld.idx.msk [tilespmem:v45+s17+$0x0], $0xffff  }
0x14b: {  	v14 =	vadd.s32 $0x7800, v14;
	[tilespmem:v56+s19+$0x0] =	vst.idx.add.f32.msk $0xffff, v16  }
0x14c: {  	v6 =	vadd.s32 $0x7800, v6;
	[tilespmem:v52+s19+$0x0] =	vst.idx.add.f32.msk $0xffff, v15  }
0x14d: {  	v1 =	vadd.s32 $0x7800, v1;
	[tilespmem:v57+s19+$0x0] =	vst.idx.add.f32.msk $0xffff, v17  }
0x14e: {  	v5 =	vld.idx.msk [tilespmem:v5+s17+$0x0], $0xffff  }
0x14f: {  	[tilespmem:v53+s19+$0x0] =	vst.idx.add.f32.msk $0xffff, v19  }
0x150: {  	v11 =	vadd.s32 $0x7800, v11;
	v60 =	vld.idx.msk [tilespmem:v14+s17+$0x0], $0xffff  }
0x151: {  	v7 =	vadd.s32 $0x7800, v32;
	v6 =	vld.idx.msk [tilespmem:v6+s17+$0x0], $0xffff  }
0x152: {  	v12 =	vadd.s32 $0x7800, v12;
	v1 =	vld.idx.msk [tilespmem:v1+s17+$0x0], $0xffff  }
0x153: {  	[tilespmem:v0+s19+$0x0] =	vst.idx.add.f32.msk $0xffff, v4  }
0x154: {  	[tilespmem:v3+s19+$0x0] =	vst.idx.add.f32.msk $0xffff, v5  }
0x155: {  	[tilespmem:v11+s19+$0x0] =	vst.idx.add.f32.msk $0xffff, v60  }
0x156: {  	[tilespmem:v7+s19+$0x0] =	vst.idx.add.f32.msk $0xffff, v6  }
0x157: {  	s20 =	simm.s32 $0x0;
	s25 =	simm.s32 $0x2070;
	[tilespmem:v12+s19+$0x0] =	vst.idx.add.f32.msk $0xffff, v1  }
.LBB2_5:
0x158: {  	v22 =	vld [tilespmem:s25+$0x40]  }
0x159: {  	s0 =	sadd.s32 $0xA0, s0;
	v5 =	vld [tilespmem:s25+$0xFFFFFFC0]  }
0x15a: {  	s20 =	sadd.s32 $0xA, s20;
	s26 =	sand.u32 $0x1FE0, s0;
	v9 =	vld [tilespmem:s25+$0xFFFFFFD0]  }
0x15b: {  	p0 =	slt.u32 s20, $0x1EA;
	v23 =	vld [tilespmem:s26+$0x2000]  }
0x15c: {  	v24 =	vld [tilespmem:s25+$0xFFFFFFE0]  }
0x15d: {  	v25 =	vld [tilespmem:s25+$0xFFFFFFF0]  }
0x15e: {  	s1 =	sadd.s32 $0xA0, s1;
	v14 =	vadd.s32 $0x2800, v5;
	v6 =	vadd.s32 $0x5000, v5;
	v0 =	vadd.s32 $0x7800, v5;
	v26 =	vld [tilespmem:s25+$0x0]  }
0x15f: {  	v16 =	vadd.s32 $0x2800, v9;
	v7 =	vadd.s32 $0x5000, v9;
	v1 =	vadd.s32 $0x7800, v9;
	v27 =	vld [tilespmem:s1+$0x40]  }
0x160: {  	v12 =	vld.idx.msk [tilespmem:v22+s17+$0x0], $0xffff  }
0x161: {  	v17 =	vadd.s32 $0x2800, v24;
	v8 =	vadd.s32 $0x5000, v24;
	v2 =	vadd.s32 $0x7800, v24;
	v28 =	vld [tilespmem:s26+$0x5F00]  }
0x162: {  	v18 =	vadd.s32 $0x2800, v25;
	v10 =	vadd.s32 $0x5000, v25;
	v3 =	vadd.s32 $0x7800, v25;
	v29 =	vld [tilespmem:s25+$0x10]  }
0x163: {  	v15 =	vadd.s32 $0x2800, v22;
	v19 =	vadd.s32 $0x2800, v26;
	v11 =	vadd.s32 $0x5000, v26;
	v20 =	vld.idx.msk [tilespmem:v23+s17+$0x0], $0xffff  }
0x164: {  	v4 =	vadd.s32 $0x7800, v26;
	v30 =	vld [tilespmem:s25+$0x20]  }
0x165: {  	v32 =	vadd.s32 $0x2800, v23;
	v31 =	vld [tilespmem:s25+$0xFFFFFFB0]  }
0x166: {  	v33 =	vld.idx.msk [tilespmem:v5+s17+$0x0], $0xffff  }
0x167: {  	v21 =	vadd.s32 $0x2800, v29;
	v13 =	vadd.s32 $0x5000, v29;
	v5 =	vadd.s32 $0x7800, v29;
	[tilespmem:v27+s19+$0x0] =	vst.idx.add.f32.msk $0xffff, v12  }
0x168: {  	v34 =	vld.idx.msk [tilespmem:v15+s17+$0x0], $0xffff  }
0x169: {  	v36 =	vadd.s32 $0x2800, v27;
	v35 =	vadd.s32 $0x2800, v30;
	v15 =	vadd.s32 $0x5000, v30;
	[tilespmem:v28+s19+$0x0] =	vst.idx.add.f32.msk $0xffff, v20  }
0x16a: {  	v38 =	vadd.s32 $0x5000, v22;
	v37 =	vadd.s32 $0x2800, v31;
	v20 =	vadd.s32 $0x5000, v31;
	v32 =	vld.idx.msk [tilespmem:v32+s17+$0x0], $0xffff  }
0x16b: {  	v40 =	vadd.s32 $0x2800, v28;
	v12 =	vadd.s32 $0x7800, v31;
	v39 =	vld.idx.msk [tilespmem:v9+s17+$0x0], $0xffff;
	v9 =	vadd.s32 $0x7800, v30  }
0x16c: {  	v41 =	vadd.s32 $0x5000, v23;
	v24 =	vld.idx.msk [tilespmem:v24+s17+$0x0], $0xffff  }
0x16d: {  	v31 =	vld.idx.msk [tilespmem:v31+s17+$0x0], $0xffff  }
0x16e: {  	[tilespmem:v36+s19+$0x0] =	vst.idx.add.f32.msk $0xffff, v34  }
0x16f: {  	v34 =	vld.idx.msk [tilespmem:v38+s17+$0x0], $0xffff  }
0x170: {  	[tilespmem:v40+s19+$0x0] =	vst.idx.add.f32.msk $0xffff, v32;
	v32 =	vadd.s32 $0x5000, v27  }
0x171: {  	v22 =	vadd.s32 $0x7800, v22;
	v36 =	vld.idx.msk [tilespmem:v41+s17+$0x0], $0xffff  }
0x172: {  	v38 =	vadd.s32 $0x5000, v28;
	v25 =	vld.idx.msk [tilespmem:v25+s17+$0x0], $0xffff  }
0x173: {  	v23 =	vadd.s32 $0x7800, v23;
	v26 =	vld.idx.msk [tilespmem:v26+s17+$0x0], $0xffff  }
0x174: {  	v29 =	vld.idx.msk [tilespmem:v29+s17+$0x0], $0xffff  }
0x175: {  	[tilespmem:v32+s19+$0x0] =	vst.idx.add.f32.msk $0xffff, v34  }
0x176: {  	v22 =	vld.idx.msk [tilespmem:v22+s17+$0x0], $0xffff  }
0x177: {  	[tilespmem:v38+s19+$0x0] =	vst.idx.add.f32.msk $0xffff, v36  }
0x178: {  	v27 =	vadd.s32 $0x7800, v27;
	v23 =	vld.idx.msk [tilespmem:v23+s17+$0x0], $0xffff  }
0x179: {  	v28 =	vadd.s32 $0x7800, v28;
	v30 =	vld.idx.msk [tilespmem:v30+s17+$0x0], $0xffff  }
0x17a: {  	v32 =	vld [tilespmem:s1+$0xFFFFFFB0]  }
0x17b: {  	v34 =	vld [tilespmem:s1+$0xFFFFFFC0]  }
0x17c: {  	v36 =	vld [tilespmem:s1+$0xFFFFFFD0]  }
0x17d: {  	[tilespmem:v27+s19+$0x0] =	vst.idx.add.f32.msk $0xffff, v22  }
0x17e: {  	[tilespmem:v28+s19+$0x0] =	vst.idx.add.f32.msk $0xffff, v23  }
0x17f: {  	v22 =	vadd.s32 $0x2800, v32;
	v23 =	vadd.s32 $0x5000, v32;
	v27 =	vadd.s32 $0x7800, v32;
	v28 =	vld [tilespmem:s1+$0xFFFFFFE0]  }
0x180: {  	v38 =	vadd.s32 $0x2800, v34;
	v40 =	vadd.s32 $0x5000, v34;
	v41 =	vadd.s32 $0x7800, v34;
	v42 =	vld [tilespmem:s1+$0xFFFFFFF0]  }
0x181: {  	v43 =	vadd.s32 $0x2800, v36;
	v44 =	vadd.s32 $0x5000, v36;
	v45 =	vadd.s32 $0x7800, v36;
	v46 =	vld [tilespmem:s1+$0x0]  }
0x182: {  	v47 =	vld [tilespmem:s1+$0x10]  }
0x183: {  	v48 =	vld [tilespmem:s1+$0x20]  }
0x184: {  	[tilespmem:v32+s19+$0x0] =	vst.idx.add.f32.msk $0xffff, v31;
	v31 =	vadd.s32 $0x2800, v28;
	v32 =	vadd.s32 $0x5000, v28;
	v49 =	vadd.s32 $0x7800, v28  }
0x185: {  	[tilespmem:v34+s19+$0x0] =	vst.idx.add.f32.msk $0xffff, v33;
	v33 =	vadd.s32 $0x2800, v42;
	v34 =	vadd.s32 $0x5000, v42;
	v50 =	vadd.s32 $0x7800, v42  }
0x186: {  	[tilespmem:v36+s19+$0x0] =	vst.idx.add.f32.msk $0xffff, v39;
	v36 =	vadd.s32 $0x2800, v46;
	v39 =	vadd.s32 $0x5000, v46;
	v51 =	vadd.s32 $0x7800, v46  }
0x187: {  	[tilespmem:v28+s19+$0x0] =	vst.idx.add.f32.msk $0xffff, v24;
	v24 =	vadd.s32 $0x2800, v47;
	v28 =	vadd.s32 $0x5000, v47;
	v52 =	vadd.s32 $0x7800, v47  }
0x188: {  	[tilespmem:v42+s19+$0x0] =	vst.idx.add.f32.msk $0xffff, v25;
	v25 =	vadd.s32 $0x2800, v48;
	v42 =	vadd.s32 $0x5000, v48;
	v53 =	vadd.s32 $0x7800, v48  }
0x189: {  	[tilespmem:v46+s19+$0x0] =	vst.idx.add.f32.msk $0xffff, v26  }
0x18a: {  	[tilespmem:v47+s19+$0x0] =	vst.idx.add.f32.msk $0xffff, v29  }
0x18b: {  	[tilespmem:v48+s19+$0x0] =	vst.idx.add.f32.msk $0xffff, v30  }
0x18c: {  	v26 =	vld.idx.msk [tilespmem:v37+s17+$0x0], $0xffff  }
0x18d: {  	v14 =	vld.idx.msk [tilespmem:v14+s17+$0x0], $0xffff  }
0x18e: {  	v16 =	vld.idx.msk [tilespmem:v16+s17+$0x0], $0xffff  }
0x18f: {  	v17 =	vld.idx.msk [tilespmem:v17+s17+$0x0], $0xffff  }
0x190: {  	v18 =	vld.idx.msk [tilespmem:v18+s17+$0x0], $0xffff  }
0x191: {  	v19 =	vld.idx.msk [tilespmem:v19+s17+$0x0], $0xffff  }
0x192: {  	v21 =	vld.idx.msk [tilespmem:v21+s17+$0x0], $0xffff  }
0x193: {  	v29 =	vld.idx.msk [tilespmem:v35+s17+$0x0], $0xffff  }
0x194: {  	[tilespmem:v22+s19+$0x0] =	vst.idx.add.f32.msk $0xffff, v26  }
0x195: {  	[tilespmem:v38+s19+$0x0] =	vst.idx.add.f32.msk $0xffff, v14  }
0x196: {  	[tilespmem:v43+s19+$0x0] =	vst.idx.add.f32.msk $0xffff, v16  }
0x197: {  	[tilespmem:v31+s19+$0x0] =	vst.idx.add.f32.msk $0xffff, v17  }
0x198: {  	[tilespmem:v33+s19+$0x0] =	vst.idx.add.f32.msk $0xffff, v18  }
0x199: {  	[tilespmem:v36+s19+$0x0] =	vst.idx.add.f32.msk $0xffff, v19  }
0x19a: {  	[tilespmem:v24+s19+$0x0] =	vst.idx.add.f32.msk $0xffff, v21  }
0x19b: {  	[tilespmem:v25+s19+$0x0] =	vst.idx.add.f32.msk $0xffff, v29  }
0x19c: {  	v14 =	vld.idx.msk [tilespmem:v20+s17+$0x0], $0xffff  }
0x19d: {  	v6 =	vld.idx.msk [tilespmem:v6+s17+$0x0], $0xffff  }
0x19e: {  	v7 =	vld.idx.msk [tilespmem:v7+s17+$0x0], $0xffff  }
0x19f: {  	v8 =	vld.idx.msk [tilespmem:v8+s17+$0x0], $0xffff  }
0x1a0: {  	v10 =	vld.idx.msk [tilespmem:v10+s17+$0x0], $0xffff  }
0x1a1: {  	v11 =	vld.idx.msk [tilespmem:v11+s17+$0x0], $0xffff  }
0x1a2: {  	v13 =	vld.idx.msk [tilespmem:v13+s17+$0x0], $0xffff  }
0x1a3: {  	v15 =	vld.idx.msk [tilespmem:v15+s17+$0x0], $0xffff  }
0x1a4: {  	[tilespmem:v23+s19+$0x0] =	vst.idx.add.f32.msk $0xffff, v14  }
0x1a5: {  	[tilespmem:v40+s19+$0x0] =	vst.idx.add.f32.msk $0xffff, v6  }
0x1a6: {  	[tilespmem:v44+s19+$0x0] =	vst.idx.add.f32.msk $0xffff, v7  }
0x1a7: {  	[tilespmem:v32+s19+$0x0] =	vst.idx.add.f32.msk $0xffff, v8  }
0x1a8: {  	[tilespmem:v34+s19+$0x0] =	vst.idx.add.f32.msk $0xffff, v10  }
0x1a9: {  	[tilespmem:v39+s19+$0x0] =	vst.idx.add.f32.msk $0xffff, v11  }
0x1aa: {  	[tilespmem:v28+s19+$0x0] =	vst.idx.add.f32.msk $0xffff, v13  }
0x1ab: {  	[tilespmem:v42+s19+$0x0] =	vst.idx.add.f32.msk $0xffff, v15  }
0x1ac: {  	v6 =	vld.idx.msk [tilespmem:v12+s17+$0x0], $0xffff  }
0x1ad: {  	v0 =	vld.idx.msk [tilespmem:v0+s17+$0x0], $0xffff  }
0x1ae: {  	v1 =	vld.idx.msk [tilespmem:v1+s17+$0x0], $0xffff  }
0x1af: {  	v2 =	vld.idx.msk [tilespmem:v2+s17+$0x0], $0xffff  }
0x1b0: {  	v3 =	vld.idx.msk [tilespmem:v3+s17+$0x0], $0xffff  }
0x1b1: {  	v4 =	vld.idx.msk [tilespmem:v4+s17+$0x0], $0xffff  }
0x1b2: {  	v5 =	vld.idx.msk [tilespmem:v5+s17+$0x0], $0xffff  }
0x1b3: {  	v7 =	vld.idx.msk [tilespmem:v9+s17+$0x0], $0xffff  }
0x1b4: {  	[tilespmem:v27+s19+$0x0] =	vst.idx.add.f32.msk $0xffff, v6  }
0x1b5: {  	[tilespmem:v41+s19+$0x0] =	vst.idx.add.f32.msk $0xffff, v0  }
0x1b6: {  	[tilespmem:v45+s19+$0x0] =	vst.idx.add.f32.msk $0xffff, v1  }
.Ltmp1:
0x1b7: {  	[tilespmem:v49+s19+$0x0] =	vst.idx.add.f32.msk $0xffff, v2;
	(pc) =	sbr.rel @p0 .LBB2_5-.Ltmp1, $4  }
0x1b8: {  	[tilespmem:v50+s19+$0x0] =	vst.idx.add.f32.msk $0xffff, v3  }
0x1b9: {  	[tilespmem:v51+s19+$0x0] =	vst.idx.add.f32.msk $0xffff, v4  }
0x1ba: {  	[tilespmem:v52+s19+$0x0] =	vst.idx.add.f32.msk $0xffff, v5  }
0x1bb: {  	s25 =	sadd.s32 $0xA0, s25;
	[tilespmem:v53+s19+$0x0] =	vst.idx.add.f32.msk $0xffff, v7  }
0x1bc: {  	s30 =	sadd.s32 $0x1, s30  }
0x1bd: {  	p0 =	sne.s32 s30, $0xA  }
.Ltmp2:
0x1be: {  	_ = 	snop;
	(pc) =	sbr.rel @p0 .LBB2_2-.Ltmp2, $1  }
0x1bf: {  	_ =	sdelay $0x3  }
0x1c0: {  	s30 =	simm.s32 $0x0  }
0x1c1: {  	[hbm4b:s7+s30] =	stream.linear.scatter [tilespmem:s19], [sflag:$0x3], $0x2800, $0x38;
	[tilespmem:$0x1BE00] =	vst v63  }
0x1c2: {  	_ =	swait.ge [sflag:s18], $0x2800  }
0x1c3: {  	[sflag:s18] =	ssyncset.done $0x0  }
0x1c4: {  	s0 =	simm.s32 $0x14600;
	[sflag:s18] =	ssyncadd.s32 $0xFFFFD800  }
0x1c5: {  	[hbm4b:s8+s30] =	stream.linear.scatter [tilespmem:s0], [sflag:$0x3], $0x2800, $0x38;
	[tilespmem:$0x1BE00] =	vst v63  }
0x1c6: {  	_ =	swait.ge [sflag:s18], $0x2800  }
0x1c7: {  	[sflag:s18] =	ssyncset.done $0x0  }
0x1c8: {  	s25 =	simm.s32 $0x16E00;
	[sflag:s18] =	ssyncadd.s32 $0xFFFFD800  }
0x1c9: {  	[hbm4b:s9+s30] =	stream.linear.scatter [tilespmem:s25], [sflag:$0x3], $0x2800, $0x38;
	[tilespmem:$0x1BE00] =	vst v63  }
0x1ca: {  	_ =	swait.ge [sflag:s18], $0x2800  }
0x1cb: {  	[sflag:s18] =	ssyncset.done $0x0  }
0x1cc: {  	s26 =	simm.s32 $0x19600;
	[sflag:s18] =	ssyncadd.s32 $0xFFFFD800  }
0x1cd: {  	[hbm4b:s10+s30] =	stream.linear.scatter [tilespmem:s26], [sflag:$0x3], $0x2800, $0x38;
	[tilespmem:$0x1BE00] =	vst v63  }
0x1ce: {  	_ =	swait.ge [sflag:s18], $0x2800  }
0x1cf: {  	[sflag:s18] =	ssyncset.done $0x0  }
0x1d0: {  	[sflag:s18] =	ssyncadd.s32 $0xFFFFD800  }
0x1d1: {  	[tilespmem:s17], [sflag:$0x3] =	stream.linear.gather [hbm4b:s11+s30], $0xA000, $0x38;
	[tilespmem:$0x1BE00] =	vst v63  }
0x1d2: {  	_ =	swait.ge [sflag:s18], $0xA000  }
0x1d3: {  	[sflag:s18] =	ssyncset.done $0x0  }
0x1d4: {  	[sflag:s18] =	ssyncadd.s32 $0xFFFF6000  }
0x1d5: {  	[tilespmem:s19], [sflag:$0x3] =	stream.linear.gather [hbm4b:s4+s30], $0xA000, $0x38;
	[tilespmem:$0x1BE00] =	vst v63  }
0x1d6: {  	_ =	swait.ge [sflag:s18], $0xA000  }
0x1d7: {  	[sflag:s18] =	ssyncset.done $0x0  }
0x1d8: {  	[sflag:s18] =	ssyncadd.s32 $0xFFFF6000  }
0x1d9: {  	[tilespmem:s30], [sflag:$0x1] =	stream.linear.gather [hbm4b:s3+s30], $0x1F40, $0x38;
	[tilespmem:$0x1BE00] =	vst v63  }
0x1da: {  	s31 =	simm.s32 $0x0  }
0x1db: {  	[tilespmem:s28], [sflag:$0x1] =	stream.linear.gather [hbm4b:s6+s30], $0x1F40, $0x38;
	[tilespmem:$0x1BE00] =	vst v63  }
.LBB2_8:
0x1dc: {  	_ =	swait.ge [sflag:s21], $0x1F40  }
0x1dd: {  	s0 =	smul.u32 $0x3E80, s31;
	[sflag:s21] =	ssyncset.done $0x0  }
0x1de: {  	[sflag:s21] =	ssyncadd.s32 $0xFFFFE0C0  }
0x1df: {  	s1 =	sshrl.u32 s0, $0x3;
	_ =	swait.ge [sflag:s21], $0x1F40  }
0x1e0: {  	s1 =	sadd.s32 s3, s1;
	[sflag:s21] =	ssyncset.done $0x0  }
0x1e1: {  	s20 =	sadd.s32 $0x3E8, s1;
	[sflag:s21] =	ssyncadd.s32 $0xFFFFE0C0  }
0x1e2: {  	[tilespmem:s22], [sflag:$0x2] =	stream.linear.gather [hbm4b:s20+s30], $0x1F40, $0x38;
	[tilespmem:$0x1BE00] =	vst v63  }
0x1e3: {  	s28 =	simm.s32 $0x50;
	s1 =	sadd.s32 $0x5208, s1  }
0x1e4: {  	[tilespmem:s23], [sflag:$0x2] =	stream.linear.gather [hbm4b:s1+s30], $0x1F40, $0x38;
	[tilespmem:$0x1BE00] =	vst v63  }
0x1e5: {  	v0 =	vld [tilespmem:s28+$0x40]  }
0x1e6: {  	v1 =	vld [tilespmem:s28+$0xFFFFFFC0]  }
0x1e7: {  	s25 =	sand.u32 $0x1FE0, s30;
	v2 =	vld [tilespmem:s28+$0xFFFFFFD0]  }
0x1e8: {  	v3 =	vld [tilespmem:s25+$0x80]  }
0x1e9: {  	v4 =	vld [tilespmem:s28+$0xFFFFFFE0]  }
0x1ea: {  	v5 =	vld [tilespmem:s28+$0xFFFFFFF0]  }
0x1eb: {  	s1 =	simm.s32 $0x3F50;
	v6 =	vld [tilespmem:s28+$0x0]  }
0x1ec: {  	v7 =	vld [tilespmem:s1+$0x40]  }
0x1ed: {  	v9 =	vld [tilespmem:s25+$0x3F80]  }
0x1ee: {  	v10 =	vld [tilespmem:s28+$0x10]  }
0x1ef: {  	v13 =	vld [tilespmem:s28+$0x20]  }
0x1f0: {  	v14 =	vld [tilespmem:s28+$0xFFFFFFB0]  }
0x1f1: {  	v61 =	vld [tilespmem:s1+$0xFFFFFFD0]  }
0x1f2: {  	v62 =	vld [tilespmem:s1+$0xFFFFFFE0]  }
0x1f3: {  	v63 =	vld [tilespmem:s1+$0xFFFFFFF0]  }
0x1f4: {  	v32 =	vld [tilespmem:s1+$0x0]  }
0x1f5: {  	v33 =	vld [tilespmem:s1+$0x10]  }
0x1f6: {  	v23 =	vld [tilespmem:s1+$0x20]  }
0x1f7: {  	v8 =	vld.idx.msk [tilespmem:v0+s17+$0x0], $0xffff  }
0x1f8: {  	v11 =	vld.idx.msk [tilespmem:v3+s17+$0x0], $0xffff  }
0x1f9: {  	v16 =	vld.idx.msk [tilespmem:v1+s17+$0x0], $0xffff  }
0x1fa: {  	v17 =	vld.idx.msk [tilespmem:v2+s17+$0x0], $0xffff  }
0x1fb: {  	v19 =	vld.idx.msk [tilespmem:v4+s17+$0x0], $0xffff  }
0x1fc: {  	v21 =	vld.idx.msk [tilespmem:v14+s17+$0x0], $0xffff  }
0x1fd: {  	v57 =	vld.idx.msk [tilespmem:v5+s17+$0x0], $0xffff  }
0x1fe: {  	v59 =	vld.idx.msk [tilespmem:v6+s17+$0x0], $0xffff  }
0x1ff: {  	v22 =	vld.idx.msk [tilespmem:v10+s17+$0x0], $0xffff  }
0x200: {  	v60 =	vld.idx.msk [tilespmem:v13+s17+$0x0], $0xffff  }
0x201: {  	[tilespmem:v7+s19+$0x0] =	vst.idx.add.f32.msk $0xffff, v8  }
0x202: {  	[tilespmem:v9+s19+$0x0] =	vst.idx.add.f32.msk $0xffff, v11  }
0x203: {  	v11 =	vld [tilespmem:s1+$0xFFFFFFB0]  }
0x204: {  	[tilespmem:v61+s19+$0x0] =	vst.idx.add.f32.msk $0xffff, v17  }
0x205: {  	v12 =	vadd.s32 $0x2800, v0;
	[tilespmem:v62+s19+$0x0] =	vst.idx.add.f32.msk $0xffff, v19  }
0x206: {  	v15 =	vadd.s32 $0x2800, v3;
	[tilespmem:v63+s19+$0x0] =	vst.idx.add.f32.msk $0xffff, v57  }
0x207: {  	v36 =	vadd.s32 $0x2800, v2;
	[tilespmem:v32+s19+$0x0] =	vst.idx.add.f32.msk $0xffff, v59  }
0x208: {  	v37 =	vadd.s32 $0x2800, v4;
	[tilespmem:v33+s19+$0x0] =	vst.idx.add.f32.msk $0xffff, v22  }
0x209: {  	v41 =	vadd.s32 $0x2800, v13;
	[tilespmem:v23+s19+$0x0] =	vst.idx.add.f32.msk $0xffff, v60  }
0x20a: {  	v53 =	vadd.s32 $0x2800, v7;
	v8 =	vld.idx.msk [tilespmem:v12+s17+$0x0], $0xffff  }
0x20b: {  	v18 =	vadd.s32 $0x2800, v9;
	v54 =	vld.idx.msk [tilespmem:v15+s17+$0x0], $0xffff  }
0x20c: {  	v26 =	vadd.s32 $0x2800, v61;
	v15 =	vld.idx.msk [tilespmem:v36+s17+$0x0], $0xffff  }
0x20d: {  	v27 =	vadd.s32 $0x2800, v62;
	v19 =	vld.idx.msk [tilespmem:v37+s17+$0x0], $0xffff  }
0x20e: {  	v43 =	vadd.s32 $0x2800, v23;
	v22 =	vld.idx.msk [tilespmem:v41+s17+$0x0], $0xffff  }
0x20f: {  	v55 =	vadd.s32 $0x5000, v0;
	[tilespmem:v53+s19+$0x0] =	vst.idx.add.f32.msk $0xffff, v8  }
0x210: {  	v20 =	vadd.s32 $0x5000, v3;
	[tilespmem:v18+s19+$0x0] =	vst.idx.add.f32.msk $0xffff, v54  }
0x211: {  	v38 =	vadd.s32 $0x2800, v5;
	[tilespmem:v26+s19+$0x0] =	vst.idx.add.f32.msk $0xffff, v15  }
0x212: {  	v51 =	vadd.s32 $0x5000, v13;
	[tilespmem:v27+s19+$0x0] =	vst.idx.add.f32.msk $0xffff, v19  }
0x213: {  	[tilespmem:v43+s19+$0x0] =	vst.idx.add.f32.msk $0xffff, v22  }
0x214: {  	v40 =	vadd.s32 $0x2800, v10;
	v8 =	vld.idx.msk [tilespmem:v55+s17+$0x0], $0xffff  }
0x215: {  	v56 =	vadd.s32 $0x5000, v7;
	v12 =	vld.idx.msk [tilespmem:v20+s17+$0x0], $0xffff  }
0x216: {  	v58 =	vadd.s32 $0x5000, v9;
	v20 =	vld.idx.msk [tilespmem:v38+s17+$0x0], $0xffff  }
0x217: {  	v22 =	vld.idx.msk [tilespmem:v51+s17+$0x0], $0xffff  }
0x218: {  	v39 =	vadd.s32 $0x2800, v6;
	[tilespmem:v11+s19+$0x0] =	vst.idx.add.f32.msk $0xffff, v21  }
0x219: {  	v28 =	vadd.s32 $0x2800, v63;
	v21 =	vld.idx.msk [tilespmem:v40+s17+$0x0], $0xffff  }
0x21a: {  	v46 =	vadd.s32 $0x5000, v2;
	[tilespmem:v56+s19+$0x0] =	vst.idx.add.f32.msk $0xffff, v8  }
0x21b: {  	v59 =	vadd.s32 $0x5000, v23;
	[tilespmem:v58+s19+$0x0] =	vst.idx.add.f32.msk $0xffff, v12  }
0x21c: {  	v0 =	vadd.s32 $0x7800, v0;
	v12 =	vld [tilespmem:s1+$0xFFFFFFC0]  }
0x21d: {  	v3 =	vadd.s32 $0x7800, v3;
	v8 =	vld.idx.msk [tilespmem:v39+s17+$0x0], $0xffff  }
0x21e: {  	v42 =	vadd.s32 $0x2800, v33;
	[tilespmem:v28+s19+$0x0] =	vst.idx.add.f32.msk $0xffff, v20  }
0x21f: {  	v13 =	vadd.s32 $0x7800, v13;
	v20 =	vld.idx.msk [tilespmem:v46+s17+$0x0], $0xffff  }
0x220: {  	v50 =	vadd.s32 $0x5000, v10;
	[tilespmem:v59+s19+$0x0] =	vst.idx.add.f32.msk $0xffff, v22  }
0x221: {  	v29 =	vadd.s32 $0x2800, v32;
	v0 =	vld.idx.msk [tilespmem:v0+s17+$0x0], $0xffff  }
0x222: {  	v47 =	vadd.s32 $0x5000, v4;
	v3 =	vld.idx.msk [tilespmem:v3+s17+$0x0], $0xffff  }
0x223: {  	v54 =	vadd.s32 $0x5000, v61;
	[tilespmem:v42+s19+$0x0] =	vst.idx.add.f32.msk $0xffff, v21  }
0x224: {  	v7 =	vadd.s32 $0x7800, v7;
	v13 =	vld.idx.msk [tilespmem:v13+s17+$0x0], $0xffff  }
0x225: {  	v9 =	vadd.s32 $0x7800, v9;
	v21 =	vld.idx.msk [tilespmem:v50+s17+$0x0], $0xffff  }
0x226: {  	v2 =	vadd.s32 $0x7800, v2;
	[tilespmem:v29+s19+$0x0] =	vst.idx.add.f32.msk $0xffff, v8  }
0x227: {  	v58 =	vadd.s32 $0x5000, v33;
	v8 =	vld.idx.msk [tilespmem:v47+s17+$0x0], $0xffff  }
0x228: {  	[tilespmem:v54+s19+$0x0] =	vst.idx.add.f32.msk $0xffff, v20  }
0x229: {  	v34 =	vadd.s32 $0x2800, v14;
	[tilespmem:v7+s19+$0x0] =	vst.idx.add.f32.msk $0xffff, v0  }
0x22a: {  	v10 =	vadd.s32 $0x7800, v10;
	[tilespmem:v9+s19+$0x0] =	vst.idx.add.f32.msk $0xffff, v3  }
0x22b: {  	v35 =	vadd.s32 $0x2800, v1;
	v2 =	vld.idx.msk [tilespmem:v2+s17+$0x0], $0xffff  }
0x22c: {  	v55 =	vadd.s32 $0x5000, v62;
	[tilespmem:v58+s19+$0x0] =	vst.idx.add.f32.msk $0xffff, v21  }
0x22d: {  	v4 =	vadd.s32 $0x7800, v4;
	[tilespmem:v12+s19+$0x0] =	vst.idx.add.f32.msk $0xffff, v16  }
0x22e: {  	v61 =	vadd.s32 $0x7800, v61;
	v16 =	vld.idx.msk [tilespmem:v34+s17+$0x0], $0xffff  }
0x22f: {  	v56 =	vadd.s32 $0x5000, v63;
	v3 =	vadd.s32 $0x7800, v63;
	v63 =	vadd.s32 $0x7800, v23;
	v10 =	vld.idx.msk [tilespmem:v10+s17+$0x0], $0xffff  }
0x230: {  	v24 =	vadd.s32 $0x2800, v11;
	v17 =	vld.idx.msk [tilespmem:v35+s17+$0x0], $0xffff  }
0x231: {  	v48 =	vadd.s32 $0x5000, v5;
	[tilespmem:v55+s19+$0x0] =	vst.idx.add.f32.msk $0xffff, v8  }
0x232: {  	v25 =	vadd.s32 $0x2800, v12;
	v4 =	vld.idx.msk [tilespmem:v4+s17+$0x0], $0xffff  }
0x233: {  	v44 =	vadd.s32 $0x5000, v14;
	[tilespmem:v61+s19+$0x0] =	vst.idx.add.f32.msk $0xffff, v2  }
0x234: {  	v49 =	vadd.s32 $0x5000, v6;
	[tilespmem:v63+s19+$0x0] =	vst.idx.add.f32.msk $0xffff, v13  }
0x235: {  	v0 =	vadd.s32 $0x7800, v62;
	v62 =	vadd.s32 $0x7800, v33;
	[tilespmem:v24+s19+$0x0] =	vst.idx.add.f32.msk $0xffff, v16  }
0x236: {  	v45 =	vadd.s32 $0x5000, v1;
	v16 =	vld.idx.msk [tilespmem:v48+s17+$0x0], $0xffff  }
0x237: {  	[tilespmem:v25+s19+$0x0] =	vst.idx.add.f32.msk $0xffff, v17  }
0x238: {  	v52 =	vadd.s32 $0x5000, v11;
	v15 =	vld.idx.msk [tilespmem:v44+s17+$0x0], $0xffff  }
0x239: {  	v57 =	vadd.s32 $0x5000, v32;
	v17 =	vld.idx.msk [tilespmem:v49+s17+$0x0], $0xffff  }
0x23a: {  	v5 =	vadd.s32 $0x7800, v5;
	[tilespmem:v62+s19+$0x0] =	vst.idx.add.f32.msk $0xffff, v10  }
0x23b: {  	v53 =	vadd.s32 $0x5000, v12;
	v19 =	vld.idx.msk [tilespmem:v45+s17+$0x0], $0xffff  }
0x23c: {  	v14 =	vadd.s32 $0x7800, v14;
	[tilespmem:v56+s19+$0x0] =	vst.idx.add.f32.msk $0xffff, v16  }
0x23d: {  	v6 =	vadd.s32 $0x7800, v6;
	[tilespmem:v52+s19+$0x0] =	vst.idx.add.f32.msk $0xffff, v15  }
0x23e: {  	v1 =	vadd.s32 $0x7800, v1;
	[tilespmem:v57+s19+$0x0] =	vst.idx.add.f32.msk $0xffff, v17  }
0x23f: {  	v5 =	vld.idx.msk [tilespmem:v5+s17+$0x0], $0xffff  }
0x240: {  	[tilespmem:v53+s19+$0x0] =	vst.idx.add.f32.msk $0xffff, v19  }
0x241: {  	v11 =	vadd.s32 $0x7800, v11;
	v60 =	vld.idx.msk [tilespmem:v14+s17+$0x0], $0xffff  }
0x242: {  	v7 =	vadd.s32 $0x7800, v32;
	v6 =	vld.idx.msk [tilespmem:v6+s17+$0x0], $0xffff  }
0x243: {  	v12 =	vadd.s32 $0x7800, v12;
	v1 =	vld.idx.msk [tilespmem:v1+s17+$0x0], $0xffff  }
0x244: {  	[tilespmem:v0+s19+$0x0] =	vst.idx.add.f32.msk $0xffff, v4  }
0x245: {  	[tilespmem:v3+s19+$0x0] =	vst.idx.add.f32.msk $0xffff, v5  }
0x246: {  	[tilespmem:v11+s19+$0x0] =	vst.idx.add.f32.msk $0xffff, v60  }
0x247: {  	[tilespmem:v7+s19+$0x0] =	vst.idx.add.f32.msk $0xffff, v6  }
0x248: {  	s26 =	simm.s32 $0x0;
	s20 =	simm.s32 $0x0;
	s25 =	simm.s32 $0xF0;
	[tilespmem:v12+s19+$0x0] =	vst.idx.add.f32.msk $0xffff, v1  }
.LBB2_9:
0x249: {  	v22 =	vld [tilespmem:s25+$0x40]  }
0x24a: {  	s26 =	sadd.s32 $0xA0, s26;
	v5 =	vld [tilespmem:s25+$0xFFFFFFC0]  }
0x24b: {  	s20 =	sadd.s32 $0xA, s20;
	s28 =	sand.u32 $0x1FE0, s26;
	v9 =	vld [tilespmem:s25+$0xFFFFFFD0]  }
0x24c: {  	p0 =	slt.u32 s20, $0x1EA;
	v23 =	vld [tilespmem:s28+$0x80]  }
0x24d: {  	v24 =	vld [tilespmem:s25+$0xFFFFFFE0]  }
0x24e: {  	v25 =	vld [tilespmem:s25+$0xFFFFFFF0]  }
0x24f: {  	s1 =	sadd.s32 $0xA0, s1;
	v14 =	vadd.s32 $0x2800, v5;
	v6 =	vadd.s32 $0x5000, v5;
	v0 =	vadd.s32 $0x7800, v5;
	v26 =	vld [tilespmem:s25+$0x0]  }
0x250: {  	v16 =	vadd.s32 $0x2800, v9;
	v7 =	vadd.s32 $0x5000, v9;
	v1 =	vadd.s32 $0x7800, v9;
	v27 =	vld [tilespmem:s1+$0x40]  }
0x251: {  	v12 =	vld.idx.msk [tilespmem:v22+s17+$0x0], $0xffff  }
0x252: {  	v17 =	vadd.s32 $0x2800, v24;
	v8 =	vadd.s32 $0x5000, v24;
	v2 =	vadd.s32 $0x7800, v24;
	v28 =	vld [tilespmem:s28+$0x3F80]  }
0x253: {  	v18 =	vadd.s32 $0x2800, v25;
	v10 =	vadd.s32 $0x5000, v25;
	v3 =	vadd.s32 $0x7800, v25;
	v29 =	vld [tilespmem:s25+$0x10]  }
0x254: {  	v15 =	vadd.s32 $0x2800, v22;
	v19 =	vadd.s32 $0x2800, v26;
	v11 =	vadd.s32 $0x5000, v26;
	v20 =	vld.idx.msk [tilespmem:v23+s17+$0x0], $0xffff  }
0x255: {  	v4 =	vadd.s32 $0x7800, v26;
	v30 =	vld [tilespmem:s25+$0x20]  }
0x256: {  	v32 =	vadd.s32 $0x2800, v23;
	v31 =	vld [tilespmem:s25+$0xFFFFFFB0]  }
0x257: {  	v33 =	vld.idx.msk [tilespmem:v5+s17+$0x0], $0xffff  }
0x258: {  	v21 =	vadd.s32 $0x2800, v29;
	v13 =	vadd.s32 $0x5000, v29;
	v5 =	vadd.s32 $0x7800, v29;
	[tilespmem:v27+s19+$0x0] =	vst.idx.add.f32.msk $0xffff, v12  }
0x259: {  	v34 =	vld.idx.msk [tilespmem:v15+s17+$0x0], $0xffff  }
0x25a: {  	v36 =	vadd.s32 $0x2800, v27;
	v35 =	vadd.s32 $0x2800, v30;
	v15 =	vadd.s32 $0x5000, v30;
	[tilespmem:v28+s19+$0x0] =	vst.idx.add.f32.msk $0xffff, v20  }
0x25b: {  	v38 =	vadd.s32 $0x5000, v22;
	v37 =	vadd.s32 $0x2800, v31;
	v20 =	vadd.s32 $0x5000, v31;
	v32 =	vld.idx.msk [tilespmem:v32+s17+$0x0], $0xffff  }
0x25c: {  	v40 =	vadd.s32 $0x2800, v28;
	v12 =	vadd.s32 $0x7800, v31;
	v39 =	vld.idx.msk [tilespmem:v9+s17+$0x0], $0xffff;
	v9 =	vadd.s32 $0x7800, v30  }
0x25d: {  	v41 =	vadd.s32 $0x5000, v23;
	v24 =	vld.idx.msk [tilespmem:v24+s17+$0x0], $0xffff  }
0x25e: {  	v31 =	vld.idx.msk [tilespmem:v31+s17+$0x0], $0xffff  }
0x25f: {  	[tilespmem:v36+s19+$0x0] =	vst.idx.add.f32.msk $0xffff, v34  }
0x260: {  	v34 =	vld.idx.msk [tilespmem:v38+s17+$0x0], $0xffff  }
0x261: {  	[tilespmem:v40+s19+$0x0] =	vst.idx.add.f32.msk $0xffff, v32;
	v32 =	vadd.s32 $0x5000, v27  }
0x262: {  	v22 =	vadd.s32 $0x7800, v22;
	v36 =	vld.idx.msk [tilespmem:v41+s17+$0x0], $0xffff  }
0x263: {  	v38 =	vadd.s32 $0x5000, v28;
	v25 =	vld.idx.msk [tilespmem:v25+s17+$0x0], $0xffff  }
0x264: {  	v23 =	vadd.s32 $0x7800, v23;
	v26 =	vld.idx.msk [tilespmem:v26+s17+$0x0], $0xffff  }
0x265: {  	v29 =	vld.idx.msk [tilespmem:v29+s17+$0x0], $0xffff  }
0x266: {  	[tilespmem:v32+s19+$0x0] =	vst.idx.add.f32.msk $0xffff, v34  }
0x267: {  	v22 =	vld.idx.msk [tilespmem:v22+s17+$0x0], $0xffff  }
0x268: {  	[tilespmem:v38+s19+$0x0] =	vst.idx.add.f32.msk $0xffff, v36  }
0x269: {  	v27 =	vadd.s32 $0x7800, v27;
	v23 =	vld.idx.msk [tilespmem:v23+s17+$0x0], $0xffff  }
0x26a: {  	v28 =	vadd.s32 $0x7800, v28;
	v30 =	vld.idx.msk [tilespmem:v30+s17+$0x0], $0xffff  }
0x26b: {  	v32 =	vld [tilespmem:s1+$0xFFFFFFB0]  }
0x26c: {  	v34 =	vld [tilespmem:s1+$0xFFFFFFC0]  }
0x26d: {  	v36 =	vld [tilespmem:s1+$0xFFFFFFD0]  }
0x26e: {  	[tilespmem:v27+s19+$0x0] =	vst.idx.add.f32.msk $0xffff, v22  }
0x26f: {  	[tilespmem:v28+s19+$0x0] =	vst.idx.add.f32.msk $0xffff, v23  }
0x270: {  	v22 =	vadd.s32 $0x2800, v32;
	v23 =	vadd.s32 $0x5000, v32;
	v27 =	vadd.s32 $0x7800, v32;
	v28 =	vld [tilespmem:s1+$0xFFFFFFE0]  }
0x271: {  	v38 =	vadd.s32 $0x2800, v34;
	v40 =	vadd.s32 $0x5000, v34;
	v41 =	vadd.s32 $0x7800, v34;
	v42 =	vld [tilespmem:s1+$0xFFFFFFF0]  }
0x272: {  	v43 =	vadd.s32 $0x2800, v36;
	v44 =	vadd.s32 $0x5000, v36;
	v45 =	vadd.s32 $0x7800, v36;
	v46 =	vld [tilespmem:s1+$0x0]  }
0x273: {  	v47 =	vld [tilespmem:s1+$0x10]  }
0x274: {  	v48 =	vld [tilespmem:s1+$0x20]  }
0x275: {  	[tilespmem:v32+s19+$0x0] =	vst.idx.add.f32.msk $0xffff, v31;
	v31 =	vadd.s32 $0x2800, v28;
	v32 =	vadd.s32 $0x5000, v28;
	v49 =	vadd.s32 $0x7800, v28  }
0x276: {  	[tilespmem:v34+s19+$0x0] =	vst.idx.add.f32.msk $0xffff, v33;
	v33 =	vadd.s32 $0x2800, v42;
	v34 =	vadd.s32 $0x5000, v42;
	v50 =	vadd.s32 $0x7800, v42  }
0x277: {  	[tilespmem:v36+s19+$0x0] =	vst.idx.add.f32.msk $0xffff, v39;
	v36 =	vadd.s32 $0x2800, v46;
	v39 =	vadd.s32 $0x5000, v46;
	v51 =	vadd.s32 $0x7800, v46  }
0x278: {  	[tilespmem:v28+s19+$0x0] =	vst.idx.add.f32.msk $0xffff, v24;
	v24 =	vadd.s32 $0x2800, v47;
	v28 =	vadd.s32 $0x5000, v47;
	v52 =	vadd.s32 $0x7800, v47  }
0x279: {  	[tilespmem:v42+s19+$0x0] =	vst.idx.add.f32.msk $0xffff, v25;
	v25 =	vadd.s32 $0x2800, v48;
	v42 =	vadd.s32 $0x5000, v48;
	v53 =	vadd.s32 $0x7800, v48  }
0x27a: {  	[tilespmem:v46+s19+$0x0] =	vst.idx.add.f32.msk $0xffff, v26  }
0x27b: {  	[tilespmem:v47+s19+$0x0] =	vst.idx.add.f32.msk $0xffff, v29  }
0x27c: {  	[tilespmem:v48+s19+$0x0] =	vst.idx.add.f32.msk $0xffff, v30  }
0x27d: {  	v26 =	vld.idx.msk [tilespmem:v37+s17+$0x0], $0xffff  }
0x27e: {  	v14 =	vld.idx.msk [tilespmem:v14+s17+$0x0], $0xffff  }
0x27f: {  	v16 =	vld.idx.msk [tilespmem:v16+s17+$0x0], $0xffff  }
0x280: {  	v17 =	vld.idx.msk [tilespmem:v17+s17+$0x0], $0xffff  }
0x281: {  	v18 =	vld.idx.msk [tilespmem:v18+s17+$0x0], $0xffff  }
0x282: {  	v19 =	vld.idx.msk [tilespmem:v19+s17+$0x0], $0xffff  }
0x283: {  	v21 =	vld.idx.msk [tilespmem:v21+s17+$0x0], $0xffff  }
0x284: {  	v29 =	vld.idx.msk [tilespmem:v35+s17+$0x0], $0xffff  }
0x285: {  	[tilespmem:v22+s19+$0x0] =	vst.idx.add.f32.msk $0xffff, v26  }
0x286: {  	[tilespmem:v38+s19+$0x0] =	vst.idx.add.f32.msk $0xffff, v14  }
0x287: {  	[tilespmem:v43+s19+$0x0] =	vst.idx.add.f32.msk $0xffff, v16  }
0x288: {  	[tilespmem:v31+s19+$0x0] =	vst.idx.add.f32.msk $0xffff, v17  }
0x289: {  	[tilespmem:v33+s19+$0x0] =	vst.idx.add.f32.msk $0xffff, v18  }
0x28a: {  	[tilespmem:v36+s19+$0x0] =	vst.idx.add.f32.msk $0xffff, v19  }
0x28b: {  	[tilespmem:v24+s19+$0x0] =	vst.idx.add.f32.msk $0xffff, v21  }
0x28c: {  	[tilespmem:v25+s19+$0x0] =	vst.idx.add.f32.msk $0xffff, v29  }
0x28d: {  	v14 =	vld.idx.msk [tilespmem:v20+s17+$0x0], $0xffff  }
0x28e: {  	v6 =	vld.idx.msk [tilespmem:v6+s17+$0x0], $0xffff  }
0x28f: {  	v7 =	vld.idx.msk [tilespmem:v7+s17+$0x0], $0xffff  }
0x290: {  	v8 =	vld.idx.msk [tilespmem:v8+s17+$0x0], $0xffff  }
0x291: {  	v10 =	vld.idx.msk [tilespmem:v10+s17+$0x0], $0xffff  }
0x292: {  	v11 =	vld.idx.msk [tilespmem:v11+s17+$0x0], $0xffff  }
0x293: {  	v13 =	vld.idx.msk [tilespmem:v13+s17+$0x0], $0xffff  }
0x294: {  	v15 =	vld.idx.msk [tilespmem:v15+s17+$0x0], $0xffff  }
0x295: {  	[tilespmem:v23+s19+$0x0] =	vst.idx.add.f32.msk $0xffff, v14  }
0x296: {  	[tilespmem:v40+s19+$0x0] =	vst.idx.add.f32.msk $0xffff, v6  }
0x297: {  	[tilespmem:v44+s19+$0x0] =	vst.idx.add.f32.msk $0xffff, v7  }
0x298: {  	[tilespmem:v32+s19+$0x0] =	vst.idx.add.f32.msk $0xffff, v8  }
0x299: {  	[tilespmem:v34+s19+$0x0] =	vst.idx.add.f32.msk $0xffff, v10  }
0x29a: {  	[tilespmem:v39+s19+$0x0] =	vst.idx.add.f32.msk $0xffff, v11  }
0x29b: {  	[tilespmem:v28+s19+$0x0] =	vst.idx.add.f32.msk $0xffff, v13  }
0x29c: {  	[tilespmem:v42+s19+$0x0] =	vst.idx.add.f32.msk $0xffff, v15  }
0x29d: {  	v6 =	vld.idx.msk [tilespmem:v12+s17+$0x0], $0xffff  }
0x29e: {  	v0 =	vld.idx.msk [tilespmem:v0+s17+$0x0], $0xffff  }
0x29f: {  	v1 =	vld.idx.msk [tilespmem:v1+s17+$0x0], $0xffff  }
0x2a0: {  	v2 =	vld.idx.msk [tilespmem:v2+s17+$0x0], $0xffff  }
0x2a1: {  	v3 =	vld.idx.msk [tilespmem:v3+s17+$0x0], $0xffff  }
0x2a2: {  	v4 =	vld.idx.msk [tilespmem:v4+s17+$0x0], $0xffff  }
0x2a3: {  	v5 =	vld.idx.msk [tilespmem:v5+s17+$0x0], $0xffff  }
0x2a4: {  	v7 =	vld.idx.msk [tilespmem:v9+s17+$0x0], $0xffff  }
0x2a5: {  	[tilespmem:v27+s19+$0x0] =	vst.idx.add.f32.msk $0xffff, v6  }
0x2a6: {  	[tilespmem:v41+s19+$0x0] =	vst.idx.add.f32.msk $0xffff, v0  }
0x2a7: {  	[tilespmem:v45+s19+$0x0] =	vst.idx.add.f32.msk $0xffff, v1  }
.Ltmp3:
0x2a8: {  	[tilespmem:v49+s19+$0x0] =	vst.idx.add.f32.msk $0xffff, v2;
	(pc) =	sbr.rel @p0 .LBB2_9-.Ltmp3, $4  }
0x2a9: {  	[tilespmem:v50+s19+$0x0] =	vst.idx.add.f32.msk $0xffff, v3  }
0x2aa: {  	[tilespmem:v51+s19+$0x0] =	vst.idx.add.f32.msk $0xffff, v4  }
0x2ab: {  	[tilespmem:v52+s19+$0x0] =	vst.idx.add.f32.msk $0xffff, v5  }
0x2ac: {  	s25 =	sadd.s32 $0xA0, s25;
	[tilespmem:v53+s19+$0x0] =	vst.idx.add.f32.msk $0xffff, v7  }
0x2ad: {  	_ =	swait.ge [sflag:s24], $0x1F40  }
0x2ae: {  	[sflag:s24] =	ssyncset.done $0x0  }
0x2af: {  	p0 =	seq.s32 s31, $0x9;
	[sflag:s24] =	ssyncadd.s32 $0xFFFFE0C0  }
0x2b0: {  	s0 =	sshrl.u32 @!p0 s0, $0x3;
	_ =	swait.ge [sflag:s24], $0x1F40  }
0x2b1: {  	s0 =	sadd.s32 @!p0 s3, s0;
	[sflag:s24] =	ssyncset.done $0x0  }
0x2b2: {  	s20 =	simm.s32 @!p0 $0x0;
	s1 =	sadd.s32 @!p0 $0x7D0, s0;
	[sflag:s24] =	ssyncadd.s32 $0xFFFFE0C0  }
0x2b3: {  	[tilespmem:s20], [sflag:$0x1] =	stream.linear.gather @!p0 [hbm4b:s1+s20], $0x1F40, $0x38;
	[tilespmem:$0x1BE00] =	vst v63  }
0x2b4: {  	s28 =	simm.s32 $0x1FD0;
	s0 =	sadd.s32 @!p0 $0x55F0, s0;
	s1 =	simm.s32 @!p0 $0x3F00  }
0x2b5: {  	[tilespmem:s1], [sflag:$0x1] =	stream.linear.gather @!p0 [hbm4b:s0+s20], $0x1F40, $0x38;
	[tilespmem:$0x1BE00] =	vst v63  }
0x2b6: {  	v0 =	vld [tilespmem:s28+$0x40]  }
0x2b7: {  	v1 =	vld [tilespmem:s28+$0xFFFFFFC0]  }
0x2b8: {  	v2 =	vld [tilespmem:s28+$0xFFFFFFD0]  }
0x2b9: {  	v4 =	vld [tilespmem:s28+$0xFFFFFFE0]  }
0x2ba: {  	v5 =	vld [tilespmem:s28+$0xFFFFFFF0]  }
0x2bb: {  	s1 =	simm.s32 $0x5ED0;
	v6 =	vld [tilespmem:s28+$0x0]  }
0x2bc: {  	v7 =	vld [tilespmem:s1+$0x40]  }
0x2bd: {  	v10 =	vld [tilespmem:s28+$0x10]  }
0x2be: {  	v13 =	vld [tilespmem:s28+$0x20]  }
0x2bf: {  	v14 =	vld [tilespmem:s28+$0xFFFFFFB0]  }
0x2c0: {  	v61 =	vld [tilespmem:s1+$0xFFFFFFD0]  }
0x2c1: {  	v62 =	vld [tilespmem:s1+$0xFFFFFFE0]  }
0x2c2: {  	v63 =	vld [tilespmem:s1+$0xFFFFFFF0]  }
0x2c3: {  	v32 =	vld [tilespmem:s1+$0x0]  }
0x2c4: {  	s0 =	simm.s32 $0x0;
	v33 =	vld [tilespmem:s1+$0x10]  }
0x2c5: {  	s25 =	sand.u32 $0x1FE0, s0;
	v23 =	vld [tilespmem:s1+$0x20]  }
0x2c6: {  	v3 =	vld [tilespmem:s25+$0x2000]  }
0x2c7: {  	v9 =	vld [tilespmem:s25+$0x5F00]  }
0x2c8: {  	v8 =	vld.idx.msk [tilespmem:v0+s17+$0x0], $0xffff  }
0x2c9: {  	v16 =	vld.idx.msk [tilespmem:v1+s17+$0x0], $0xffff  }
0x2ca: {  	v17 =	vld.idx.msk [tilespmem:v2+s17+$0x0], $0xffff  }
0x2cb: {  	v19 =	vld.idx.msk [tilespmem:v4+s17+$0x0], $0xffff  }
0x2cc: {  	v21 =	vld.idx.msk [tilespmem:v14+s17+$0x0], $0xffff  }
0x2cd: {  	v57 =	vld.idx.msk [tilespmem:v5+s17+$0x0], $0xffff  }
0x2ce: {  	v59 =	vld.idx.msk [tilespmem:v6+s17+$0x0], $0xffff  }
0x2cf: {  	v22 =	vld.idx.msk [tilespmem:v10+s17+$0x0], $0xffff  }
0x2d0: {  	v60 =	vld.idx.msk [tilespmem:v13+s17+$0x0], $0xffff  }
0x2d1: {  	v11 =	vld.idx.msk [tilespmem:v3+s17+$0x0], $0xffff  }
0x2d2: {  	[tilespmem:v7+s19+$0x0] =	vst.idx.add.f32.msk $0xffff, v8  }
0x2d3: {  	[tilespmem:v61+s19+$0x0] =	vst.idx.add.f32.msk $0xffff, v17  }
0x2d4: {  	v12 =	vadd.s32 $0x2800, v0;
	[tilespmem:v62+s19+$0x0] =	vst.idx.add.f32.msk $0xffff, v19  }
0x2d5: {  	[tilespmem:v63+s19+$0x0] =	vst.idx.add.f32.msk $0xffff, v57  }
0x2d6: {  	[tilespmem:v32+s19+$0x0] =	vst.idx.add.f32.msk $0xffff, v59  }
0x2d7: {  	v37 =	vadd.s32 $0x2800, v4;
	[tilespmem:v33+s19+$0x0] =	vst.idx.add.f32.msk $0xffff, v22  }
0x2d8: {  	v41 =	vadd.s32 $0x2800, v13;
	[tilespmem:v23+s19+$0x0] =	vst.idx.add.f32.msk $0xffff, v60  }
0x2d9: {  	v15 =	vadd.s32 $0x2800, v3;
	v8 =	vld.idx.msk [tilespmem:v12+s17+$0x0], $0xffff  }
0x2da: {  	v36 =	vadd.s32 $0x2800, v2;
	[tilespmem:v9+s19+$0x0] =	vst.idx.add.f32.msk $0xffff, v11  }
0x2db: {  	v53 =	vadd.s32 $0x2800, v7;
	v11 =	vld [tilespmem:s1+$0xFFFFFFB0]  }
0x2dc: {  	v27 =	vadd.s32 $0x2800, v62;
	v19 =	vld.idx.msk [tilespmem:v37+s17+$0x0], $0xffff  }
0x2dd: {  	v43 =	vadd.s32 $0x2800, v23;
	v22 =	vld.idx.msk [tilespmem:v41+s17+$0x0], $0xffff  }
0x2de: {  	v55 =	vadd.s32 $0x5000, v0;
	v54 =	vld.idx.msk [tilespmem:v15+s17+$0x0], $0xffff  }
0x2df: {  	v18 =	vadd.s32 $0x2800, v9;
	v15 =	vld.idx.msk [tilespmem:v36+s17+$0x0], $0xffff  }
0x2e0: {  	v26 =	vadd.s32 $0x2800, v61;
	[tilespmem:v53+s19+$0x0] =	vst.idx.add.f32.msk $0xffff, v8  }
0x2e1: {  	v51 =	vadd.s32 $0x5000, v13;
	[tilespmem:v27+s19+$0x0] =	vst.idx.add.f32.msk $0xffff, v19  }
0x2e2: {  	v20 =	vadd.s32 $0x5000, v3;
	[tilespmem:v43+s19+$0x0] =	vst.idx.add.f32.msk $0xffff, v22  }
0x2e3: {  	v38 =	vadd.s32 $0x2800, v5;
	v8 =	vld.idx.msk [tilespmem:v55+s17+$0x0], $0xffff  }
0x2e4: {  	[tilespmem:v18+s19+$0x0] =	vst.idx.add.f32.msk $0xffff, v54  }
0x2e5: {  	v40 =	vadd.s32 $0x2800, v10;
	[tilespmem:v26+s19+$0x0] =	vst.idx.add.f32.msk $0xffff, v15  }
0x2e6: {  	v56 =	vadd.s32 $0x5000, v7;
	v22 =	vld.idx.msk [tilespmem:v51+s17+$0x0], $0xffff  }
0x2e7: {  	v39 =	vadd.s32 $0x2800, v6;
	v12 =	vld.idx.msk [tilespmem:v20+s17+$0x0], $0xffff  }
0x2e8: {  	v59 =	vadd.s32 $0x5000, v23;
	v20 =	vld.idx.msk [tilespmem:v38+s17+$0x0], $0xffff  }
0x2e9: {  	v0 =	vadd.s32 $0x7800, v0;
	[tilespmem:v11+s19+$0x0] =	vst.idx.add.f32.msk $0xffff, v21  }
0x2ea: {  	v58 =	vadd.s32 $0x5000, v9;
	v21 =	vld.idx.msk [tilespmem:v40+s17+$0x0], $0xffff  }
0x2eb: {  	[tilespmem:v56+s19+$0x0] =	vst.idx.add.f32.msk $0xffff, v8  }
0x2ec: {  	v28 =	vadd.s32 $0x2800, v63;
	v8 =	vld.idx.msk [tilespmem:v39+s17+$0x0], $0xffff  }
0x2ed: {  	v46 =	vadd.s32 $0x5000, v2;
	[tilespmem:v59+s19+$0x0] =	vst.idx.add.f32.msk $0xffff, v22  }
0x2ee: {  	v13 =	vadd.s32 $0x7800, v13;
	v0 =	vld.idx.msk [tilespmem:v0+s17+$0x0], $0xffff  }
0x2ef: {  	v3 =	vadd.s32 $0x7800, v3;
	[tilespmem:v58+s19+$0x0] =	vst.idx.add.f32.msk $0xffff, v12  }
0x2f0: {  	v42 =	vadd.s32 $0x2800, v33;
	v12 =	vld [tilespmem:s1+$0xFFFFFFC0]  }
0x2f1: {  	v50 =	vadd.s32 $0x5000, v10;
	[tilespmem:v28+s19+$0x0] =	vst.idx.add.f32.msk $0xffff, v20  }
0x2f2: {  	v29 =	vadd.s32 $0x2800, v32;
	v20 =	vld.idx.msk [tilespmem:v46+s17+$0x0], $0xffff  }
0x2f3: {  	v47 =	vadd.s32 $0x5000, v4;
	v13 =	vld.idx.msk [tilespmem:v13+s17+$0x0], $0xffff  }
0x2f4: {  	v7 =	vadd.s32 $0x7800, v7;
	v3 =	vld.idx.msk [tilespmem:v3+s17+$0x0], $0xffff  }
0x2f5: {  	v54 =	vadd.s32 $0x5000, v61;
	[tilespmem:v42+s19+$0x0] =	vst.idx.add.f32.msk $0xffff, v21  }
0x2f6: {  	v9 =	vadd.s32 $0x7800, v9;
	v21 =	vld.idx.msk [tilespmem:v50+s17+$0x0], $0xffff  }
0x2f7: {  	v2 =	vadd.s32 $0x7800, v2;
	[tilespmem:v29+s19+$0x0] =	vst.idx.add.f32.msk $0xffff, v8  }
0x2f8: {  	v58 =	vadd.s32 $0x5000, v33;
	v8 =	vld.idx.msk [tilespmem:v47+s17+$0x0], $0xffff  }
0x2f9: {  	[tilespmem:v7+s19+$0x0] =	vst.idx.add.f32.msk $0xffff, v0  }
0x2fa: {  	v34 =	vadd.s32 $0x2800, v14;
	[tilespmem:v54+s19+$0x0] =	vst.idx.add.f32.msk $0xffff, v20  }
0x2fb: {  	v10 =	vadd.s32 $0x7800, v10;
	[tilespmem:v9+s19+$0x0] =	vst.idx.add.f32.msk $0xffff, v3  }
0x2fc: {  	v35 =	vadd.s32 $0x2800, v1;
	v2 =	vld.idx.msk [tilespmem:v2+s17+$0x0], $0xffff  }
0x2fd: {  	v55 =	vadd.s32 $0x5000, v62;
	[tilespmem:v58+s19+$0x0] =	vst.idx.add.f32.msk $0xffff, v21  }
0x2fe: {  	v4 =	vadd.s32 $0x7800, v4;
	[tilespmem:v12+s19+$0x0] =	vst.idx.add.f32.msk $0xffff, v16  }
0x2ff: {  	v61 =	vadd.s32 $0x7800, v61;
	v16 =	vld.idx.msk [tilespmem:v34+s17+$0x0], $0xffff  }
0x300: {  	v56 =	vadd.s32 $0x5000, v63;
	v3 =	vadd.s32 $0x7800, v63;
	v63 =	vadd.s32 $0x7800, v23;
	v10 =	vld.idx.msk [tilespmem:v10+s17+$0x0], $0xffff  }
0x301: {  	v24 =	vadd.s32 $0x2800, v11;
	v17 =	vld.idx.msk [tilespmem:v35+s17+$0x0], $0xffff  }
0x302: {  	v48 =	vadd.s32 $0x5000, v5;
	[tilespmem:v55+s19+$0x0] =	vst.idx.add.f32.msk $0xffff, v8  }
0x303: {  	v25 =	vadd.s32 $0x2800, v12;
	v4 =	vld.idx.msk [tilespmem:v4+s17+$0x0], $0xffff  }
0x304: {  	v44 =	vadd.s32 $0x5000, v14;
	[tilespmem:v61+s19+$0x0] =	vst.idx.add.f32.msk $0xffff, v2  }
0x305: {  	v49 =	vadd.s32 $0x5000, v6;
	[tilespmem:v63+s19+$0x0] =	vst.idx.add.f32.msk $0xffff, v13  }
0x306: {  	v0 =	vadd.s32 $0x7800, v62;
	v62 =	vadd.s32 $0x7800, v33;
	[tilespmem:v24+s19+$0x0] =	vst.idx.add.f32.msk $0xffff, v16  }
0x307: {  	v45 =	vadd.s32 $0x5000, v1;
	v16 =	vld.idx.msk [tilespmem:v48+s17+$0x0], $0xffff  }
0x308: {  	[tilespmem:v25+s19+$0x0] =	vst.idx.add.f32.msk $0xffff, v17  }
0x309: {  	v52 =	vadd.s32 $0x5000, v11;
	v15 =	vld.idx.msk [tilespmem:v44+s17+$0x0], $0xffff  }
0x30a: {  	v57 =	vadd.s32 $0x5000, v32;
	v17 =	vld.idx.msk [tilespmem:v49+s17+$0x0], $0xffff  }
0x30b: {  	v5 =	vadd.s32 $0x7800, v5;
	[tilespmem:v62+s19+$0x0] =	vst.idx.add.f32.msk $0xffff, v10  }
0x30c: {  	v53 =	vadd.s32 $0x5000, v12;
	v19 =	vld.idx.msk [tilespmem:v45+s17+$0x0], $0xffff  }
0x30d: {  	v14 =	vadd.s32 $0x7800, v14;
	[tilespmem:v56+s19+$0x0] =	vst.idx.add.f32.msk $0xffff, v16  }
0x30e: {  	v6 =	vadd.s32 $0x7800, v6;
	[tilespmem:v52+s19+$0x0] =	vst.idx.add.f32.msk $0xffff, v15  }
0x30f: {  	v1 =	vadd.s32 $0x7800, v1;
	[tilespmem:v57+s19+$0x0] =	vst.idx.add.f32.msk $0xffff, v17  }
0x310: {  	v5 =	vld.idx.msk [tilespmem:v5+s17+$0x0], $0xffff  }
0x311: {  	[tilespmem:v53+s19+$0x0] =	vst.idx.add.f32.msk $0xffff, v19  }
0x312: {  	v11 =	vadd.s32 $0x7800, v11;
	v60 =	vld.idx.msk [tilespmem:v14+s17+$0x0], $0xffff  }
0x313: {  	v7 =	vadd.s32 $0x7800, v32;
	v6 =	vld.idx.msk [tilespmem:v6+s17+$0x0], $0xffff  }
0x314: {  	v12 =	vadd.s32 $0x7800, v12;
	v1 =	vld.idx.msk [tilespmem:v1+s17+$0x0], $0xffff  }
0x315: {  	[tilespmem:v0+s19+$0x0] =	vst.idx.add.f32.msk $0xffff, v4  }
0x316: {  	[tilespmem:v3+s19+$0x0] =	vst.idx.add.f32.msk $0xffff, v5  }
0x317: {  	[tilespmem:v11+s19+$0x0] =	vst.idx.add.f32.msk $0xffff, v60  }
0x318: {  	[tilespmem:v7+s19+$0x0] =	vst.idx.add.f32.msk $0xffff, v6  }
0x319: {  	s20 =	simm.s32 $0x0;
	s25 =	simm.s32 $0x2070;
	[tilespmem:v12+s19+$0x0] =	vst.idx.add.f32.msk $0xffff, v1  }
.LBB2_11:
0x31a: {  	v22 =	vld [tilespmem:s25+$0x40]  }
0x31b: {  	s0 =	sadd.s32 $0xA0, s0;
	v5 =	vld [tilespmem:s25+$0xFFFFFFC0]  }
0x31c: {  	s20 =	sadd.s32 $0xA, s20;
	s26 =	sand.u32 $0x1FE0, s0;
	v9 =	vld [tilespmem:s25+$0xFFFFFFD0]  }
0x31d: {  	p0 =	slt.u32 s20, $0x1EA;
	v23 =	vld [tilespmem:s26+$0x2000]  }
0x31e: {  	v24 =	vld [tilespmem:s25+$0xFFFFFFE0]  }
0x31f: {  	v25 =	vld [tilespmem:s25+$0xFFFFFFF0]  }
0x320: {  	s1 =	sadd.s32 $0xA0, s1;
	v14 =	vadd.s32 $0x2800, v5;
	v6 =	vadd.s32 $0x5000, v5;
	v0 =	vadd.s32 $0x7800, v5;
	v26 =	vld [tilespmem:s25+$0x0]  }
0x321: {  	v16 =	vadd.s32 $0x2800, v9;
	v7 =	vadd.s32 $0x5000, v9;
	v1 =	vadd.s32 $0x7800, v9;
	v27 =	vld [tilespmem:s1+$0x40]  }
0x322: {  	v12 =	vld.idx.msk [tilespmem:v22+s17+$0x0], $0xffff  }
0x323: {  	v17 =	vadd.s32 $0x2800, v24;
	v8 =	vadd.s32 $0x5000, v24;
	v2 =	vadd.s32 $0x7800, v24;
	v28 =	vld [tilespmem:s26+$0x5F00]  }
0x324: {  	v18 =	vadd.s32 $0x2800, v25;
	v10 =	vadd.s32 $0x5000, v25;
	v3 =	vadd.s32 $0x7800, v25;
	v29 =	vld [tilespmem:s25+$0x10]  }
0x325: {  	v15 =	vadd.s32 $0x2800, v22;
	v19 =	vadd.s32 $0x2800, v26;
	v11 =	vadd.s32 $0x5000, v26;
	v20 =	vld.idx.msk [tilespmem:v23+s17+$0x0], $0xffff  }
0x326: {  	v4 =	vadd.s32 $0x7800, v26;
	v30 =	vld [tilespmem:s25+$0x20]  }
0x327: {  	v32 =	vadd.s32 $0x2800, v23;
	v31 =	vld [tilespmem:s25+$0xFFFFFFB0]  }
0x328: {  	v33 =	vld.idx.msk [tilespmem:v5+s17+$0x0], $0xffff  }
0x329: {  	v21 =	vadd.s32 $0x2800, v29;
	v13 =	vadd.s32 $0x5000, v29;
	v5 =	vadd.s32 $0x7800, v29;
	[tilespmem:v27+s19+$0x0] =	vst.idx.add.f32.msk $0xffff, v12  }
0x32a: {  	v34 =	vld.idx.msk [tilespmem:v15+s17+$0x0], $0xffff  }
0x32b: {  	v36 =	vadd.s32 $0x2800, v27;
	v35 =	vadd.s32 $0x2800, v30;
	v15 =	vadd.s32 $0x5000, v30;
	[tilespmem:v28+s19+$0x0] =	vst.idx.add.f32.msk $0xffff, v20  }
0x32c: {  	v38 =	vadd.s32 $0x5000, v22;
	v37 =	vadd.s32 $0x2800, v31;
	v20 =	vadd.s32 $0x5000, v31;
	v32 =	vld.idx.msk [tilespmem:v32+s17+$0x0], $0xffff  }
0x32d: {  	v40 =	vadd.s32 $0x2800, v28;
	v12 =	vadd.s32 $0x7800, v31;
	v39 =	vld.idx.msk [tilespmem:v9+s17+$0x0], $0xffff;
	v9 =	vadd.s32 $0x7800, v30  }
0x32e: {  	v41 =	vadd.s32 $0x5000, v23;
	v24 =	vld.idx.msk [tilespmem:v24+s17+$0x0], $0xffff  }
0x32f: {  	v31 =	vld.idx.msk [tilespmem:v31+s17+$0x0], $0xffff  }
0x330: {  	[tilespmem:v36+s19+$0x0] =	vst.idx.add.f32.msk $0xffff, v34  }
0x331: {  	v34 =	vld.idx.msk [tilespmem:v38+s17+$0x0], $0xffff  }
0x332: {  	[tilespmem:v40+s19+$0x0] =	vst.idx.add.f32.msk $0xffff, v32;
	v32 =	vadd.s32 $0x5000, v27  }
0x333: {  	v22 =	vadd.s32 $0x7800, v22;
	v36 =	vld.idx.msk [tilespmem:v41+s17+$0x0], $0xffff  }
0x334: {  	v38 =	vadd.s32 $0x5000, v28;
	v25 =	vld.idx.msk [tilespmem:v25+s17+$0x0], $0xffff  }
0x335: {  	v23 =	vadd.s32 $0x7800, v23;
	v26 =	vld.idx.msk [tilespmem:v26+s17+$0x0], $0xffff  }
0x336: {  	v29 =	vld.idx.msk [tilespmem:v29+s17+$0x0], $0xffff  }
0x337: {  	[tilespmem:v32+s19+$0x0] =	vst.idx.add.f32.msk $0xffff, v34  }
0x338: {  	v22 =	vld.idx.msk [tilespmem:v22+s17+$0x0], $0xffff  }
0x339: {  	[tilespmem:v38+s19+$0x0] =	vst.idx.add.f32.msk $0xffff, v36  }
0x33a: {  	v27 =	vadd.s32 $0x7800, v27;
	v23 =	vld.idx.msk [tilespmem:v23+s17+$0x0], $0xffff  }
0x33b: {  	v28 =	vadd.s32 $0x7800, v28;
	v30 =	vld.idx.msk [tilespmem:v30+s17+$0x0], $0xffff  }
0x33c: {  	v32 =	vld [tilespmem:s1+$0xFFFFFFB0]  }
0x33d: {  	v34 =	vld [tilespmem:s1+$0xFFFFFFC0]  }
0x33e: {  	v36 =	vld [tilespmem:s1+$0xFFFFFFD0]  }
0x33f: {  	[tilespmem:v27+s19+$0x0] =	vst.idx.add.f32.msk $0xffff, v22  }
0x340: {  	[tilespmem:v28+s19+$0x0] =	vst.idx.add.f32.msk $0xffff, v23  }
0x341: {  	v22 =	vadd.s32 $0x2800, v32;
	v23 =	vadd.s32 $0x5000, v32;
	v27 =	vadd.s32 $0x7800, v32;
	v28 =	vld [tilespmem:s1+$0xFFFFFFE0]  }
0x342: {  	v38 =	vadd.s32 $0x2800, v34;
	v40 =	vadd.s32 $0x5000, v34;
	v41 =	vadd.s32 $0x7800, v34;
	v42 =	vld [tilespmem:s1+$0xFFFFFFF0]  }
0x343: {  	v43 =	vadd.s32 $0x2800, v36;
	v44 =	vadd.s32 $0x5000, v36;
	v45 =	vadd.s32 $0x7800, v36;
	v46 =	vld [tilespmem:s1+$0x0]  }
0x344: {  	v47 =	vld [tilespmem:s1+$0x10]  }
0x345: {  	v48 =	vld [tilespmem:s1+$0x20]  }
0x346: {  	[tilespmem:v32+s19+$0x0] =	vst.idx.add.f32.msk $0xffff, v31;
	v31 =	vadd.s32 $0x2800, v28;
	v32 =	vadd.s32 $0x5000, v28;
	v49 =	vadd.s32 $0x7800, v28  }
0x347: {  	[tilespmem:v34+s19+$0x0] =	vst.idx.add.f32.msk $0xffff, v33;
	v33 =	vadd.s32 $0x2800, v42;
	v34 =	vadd.s32 $0x5000, v42;
	v50 =	vadd.s32 $0x7800, v42  }
0x348: {  	[tilespmem:v36+s19+$0x0] =	vst.idx.add.f32.msk $0xffff, v39;
	v36 =	vadd.s32 $0x2800, v46;
	v39 =	vadd.s32 $0x5000, v46;
	v51 =	vadd.s32 $0x7800, v46  }
0x349: {  	[tilespmem:v28+s19+$0x0] =	vst.idx.add.f32.msk $0xffff, v24;
	v24 =	vadd.s32 $0x2800, v47;
	v28 =	vadd.s32 $0x5000, v47;
	v52 =	vadd.s32 $0x7800, v47  }
0x34a: {  	[tilespmem:v42+s19+$0x0] =	vst.idx.add.f32.msk $0xffff, v25;
	v25 =	vadd.s32 $0x2800, v48;
	v42 =	vadd.s32 $0x5000, v48;
	v53 =	vadd.s32 $0x7800, v48  }
0x34b: {  	[tilespmem:v46+s19+$0x0] =	vst.idx.add.f32.msk $0xffff, v26  }
0x34c: {  	[tilespmem:v47+s19+$0x0] =	vst.idx.add.f32.msk $0xffff, v29  }
0x34d: {  	[tilespmem:v48+s19+$0x0] =	vst.idx.add.f32.msk $0xffff, v30  }
0x34e: {  	v26 =	vld.idx.msk [tilespmem:v37+s17+$0x0], $0xffff  }
0x34f: {  	v14 =	vld.idx.msk [tilespmem:v14+s17+$0x0], $0xffff  }
0x350: {  	v16 =	vld.idx.msk [tilespmem:v16+s17+$0x0], $0xffff  }
0x351: {  	v17 =	vld.idx.msk [tilespmem:v17+s17+$0x0], $0xffff  }
0x352: {  	v18 =	vld.idx.msk [tilespmem:v18+s17+$0x0], $0xffff  }
0x353: {  	v19 =	vld.idx.msk [tilespmem:v19+s17+$0x0], $0xffff  }
0x354: {  	v21 =	vld.idx.msk [tilespmem:v21+s17+$0x0], $0xffff  }
0x355: {  	v29 =	vld.idx.msk [tilespmem:v35+s17+$0x0], $0xffff  }
0x356: {  	[tilespmem:v22+s19+$0x0] =	vst.idx.add.f32.msk $0xffff, v26  }
0x357: {  	[tilespmem:v38+s19+$0x0] =	vst.idx.add.f32.msk $0xffff, v14  }
0x358: {  	[tilespmem:v43+s19+$0x0] =	vst.idx.add.f32.msk $0xffff, v16  }
0x359: {  	[tilespmem:v31+s19+$0x0] =	vst.idx.add.f32.msk $0xffff, v17  }
0x35a: {  	[tilespmem:v33+s19+$0x0] =	vst.idx.add.f32.msk $0xffff, v18  }
0x35b: {  	[tilespmem:v36+s19+$0x0] =	vst.idx.add.f32.msk $0xffff, v19  }
0x35c: {  	[tilespmem:v24+s19+$0x0] =	vst.idx.add.f32.msk $0xffff, v21  }
0x35d: {  	[tilespmem:v25+s19+$0x0] =	vst.idx.add.f32.msk $0xffff, v29  }
0x35e: {  	v14 =	vld.idx.msk [tilespmem:v20+s17+$0x0], $0xffff  }
0x35f: {  	v6 =	vld.idx.msk [tilespmem:v6+s17+$0x0], $0xffff  }
0x360: {  	v7 =	vld.idx.msk [tilespmem:v7+s17+$0x0], $0xffff  }
0x361: {  	v8 =	vld.idx.msk [tilespmem:v8+s17+$0x0], $0xffff  }
0x362: {  	v10 =	vld.idx.msk [tilespmem:v10+s17+$0x0], $0xffff  }
0x363: {  	v11 =	vld.idx.msk [tilespmem:v11+s17+$0x0], $0xffff  }
0x364: {  	v13 =	vld.idx.msk [tilespmem:v13+s17+$0x0], $0xffff  }
0x365: {  	v15 =	vld.idx.msk [tilespmem:v15+s17+$0x0], $0xffff  }
0x366: {  	[tilespmem:v23+s19+$0x0] =	vst.idx.add.f32.msk $0xffff, v14  }
0x367: {  	[tilespmem:v40+s19+$0x0] =	vst.idx.add.f32.msk $0xffff, v6  }
0x368: {  	[tilespmem:v44+s19+$0x0] =	vst.idx.add.f32.msk $0xffff, v7  }
0x369: {  	[tilespmem:v32+s19+$0x0] =	vst.idx.add.f32.msk $0xffff, v8  }
0x36a: {  	[tilespmem:v34+s19+$0x0] =	vst.idx.add.f32.msk $0xffff, v10  }
0x36b: {  	[tilespmem:v39+s19+$0x0] =	vst.idx.add.f32.msk $0xffff, v11  }
0x36c: {  	[tilespmem:v28+s19+$0x0] =	vst.idx.add.f32.msk $0xffff, v13  }
0x36d: {  	[tilespmem:v42+s19+$0x0] =	vst.idx.add.f32.msk $0xffff, v15  }
0x36e: {  	v6 =	vld.idx.msk [tilespmem:v12+s17+$0x0], $0xffff  }
0x36f: {  	v0 =	vld.idx.msk [tilespmem:v0+s17+$0x0], $0xffff  }
0x370: {  	v1 =	vld.idx.msk [tilespmem:v1+s17+$0x0], $0xffff  }
0x371: {  	v2 =	vld.idx.msk [tilespmem:v2+s17+$0x0], $0xffff  }
0x372: {  	v3 =	vld.idx.msk [tilespmem:v3+s17+$0x0], $0xffff  }
0x373: {  	v4 =	vld.idx.msk [tilespmem:v4+s17+$0x0], $0xffff  }
0x374: {  	v5 =	vld.idx.msk [tilespmem:v5+s17+$0x0], $0xffff  }
0x375: {  	v7 =	vld.idx.msk [tilespmem:v9+s17+$0x0], $0xffff  }
0x376: {  	[tilespmem:v27+s19+$0x0] =	vst.idx.add.f32.msk $0xffff, v6  }
0x377: {  	[tilespmem:v41+s19+$0x0] =	vst.idx.add.f32.msk $0xffff, v0  }
0x378: {  	[tilespmem:v45+s19+$0x0] =	vst.idx.add.f32.msk $0xffff, v1  }
.Ltmp4:
0x379: {  	[tilespmem:v49+s19+$0x0] =	vst.idx.add.f32.msk $0xffff, v2;
	(pc) =	sbr.rel @p0 .LBB2_11-.Ltmp4, $4  }
0x37a: {  	[tilespmem:v50+s19+$0x0] =	vst.idx.add.f32.msk $0xffff, v3  }
0x37b: {  	[tilespmem:v51+s19+$0x0] =	vst.idx.add.f32.msk $0xffff, v4  }
0x37c: {  	[tilespmem:v52+s19+$0x0] =	vst.idx.add.f32.msk $0xffff, v5  }
0x37d: {  	s25 =	sadd.s32 $0xA0, s25;
	[tilespmem:v53+s19+$0x0] =	vst.idx.add.f32.msk $0xffff, v7  }
0x37e: {  	s31 =	sadd.s32 $0x1, s31  }
0x37f: {  	p0 =	sne.s32 s31, $0xA  }
.Ltmp5:
0x380: {  	_ = 	snop;
	(pc) =	sbr.rel @p0 .LBB2_8-.Ltmp5, $1  }
0x381: {  	_ =	sdelay $0x3  }
0x382: {  	[hbm4b:s12+s2] =	stream.linear.scatter [tilespmem:s19], [sflag:$0x3], $0x2800, $0x38;
	[tilespmem:$0x1BE00] =	vst v63  }
0x383: {  	_ =	swait.ge [sflag:s18], $0x2800  }
0x384: {  	[sflag:s18] =	ssyncset.done $0x0  }
0x385: {  	s0 =	simm.s32 $0x14600;
	[sflag:s18] =	ssyncadd.s32 $0xFFFFD800  }
0x386: {  	[hbm4b:s13+s2] =	stream.linear.scatter [tilespmem:s0], [sflag:$0x3], $0x2800, $0x38;
	[tilespmem:$0x1BE00] =	vst v63  }
0x387: {  	_ =	swait.ge [sflag:s18], $0x2800  }
0x388: {  	[sflag:s18] =	ssyncset.done $0x0  }
0x389: {  	s30 =	simm.s32 $0x16E00;
	[sflag:s18] =	ssyncadd.s32 $0xFFFFD800  }
0x38a: {  	[hbm4b:s14+s2] =	stream.linear.scatter [tilespmem:s30], [sflag:$0x3], $0x2800, $0x38;
	[tilespmem:$0x1BE00] =	vst v63  }
0x38b: {  	s29 =	sadd.s32 $0x1, s29;
	_ =	swait.ge [sflag:s18], $0x2800  }
0x38c: {  	p0 =	sne.s32 s29, s16;
	[sflag:s18] =	ssyncset.done $0x0  }
.Ltmp6:
0x38d: {  	s31 =	simm.s32 $0x19600;
	[sflag:s18] =	ssyncadd.s32 $0xFFFFD800;
	(pc) =	sbr.rel @p0 .LBB2_1-.Ltmp6, $4  }
0x38e: {  	[hbm4b:s15+s2] =	stream.linear.scatter [tilespmem:s31], [sflag:$0x3], $0x2800, $0x38;
	[tilespmem:$0x1BE00] =	vst v63  }
0x38f: {  	_ =	swait.ge [sflag:s18], $0x2800  }
0x390: {  	[sflag:s18] =	ssyncset.done $0x0  }
0x391: {  	s28 =	simm.s32 $0x3F00;
	[sflag:s18] =	ssyncadd.s32 $0xFFFFD800  }
0x392: {  	_ =	sfence.sel $0x180000  }
0x393: {  	[bflag:$0x0] =	sbarrier.arrive $0xFFFF  }
0x394: {  	_ =	strace $0x9000004A  }
0x395: {  	s0 =	stileid.u32;
	[bflag:$0x2] =	sbarrier.arrive $0xFFFF  }
0x396: {  	p0 =	sne.s32 s0, $0x0;
	s0 =	rddreg [dreg:$0x1]  }
0x397: {  	s0 =	sadd.s32 @!p0 $0x100000, s0  }
0x398: {  	[sflag:s0] =	ssyncadd.tile.s32 @!p0 $0x1;
	_ =	shalt  }
.Lfunc_end2:
_tile_overlayer_lowered:
.L_overlay_start_2:
0x399: {  	(tag) =	ssettag $0x2  }
0x39a: {  	s0 =	rddreg [dreg:$0x0];
	s2 =	stileid.u32  }
0x39b: {  	s1 =	rddreg [dreg:$0x1];
	p0 =	sne.s32 s2, $0x0  }
0x39c: {  	s3 =	rddreg [dreg:$0x2];
	[bflag:$0x3] =	sbarrier.arrive $0xFFFF;
	s2 =	simm.s32 @!p0 $0x1C03  }
0x39d: {  	[timem:s3], [sflag:s2] =	dma.local @!p0 [hbm:s0], s1  }
0x39e: {  	s0 =	simm.s32 @!p0 $0x3  }
0x39f: {  	_ =	swait.ge @!p0 [sflag:s0], s1  }
0x3a0: {  	s1 =	ssub.s32 @!p0 $0x0, s1;
	[sflag:s0] =	ssyncset.done @!p0 $0x0  }
0x3a1: {  	[sflag:s0] =	ssyncadd.s32 @!p0 s1  }
0x3a2: {  	[bflag:$0x3] =	sbarrier.arrive $0xFFFF  }
0x3a3: {  	_ =	shalt  }

// kernel: kernel.14.cloned.1.call-start
scs
__scs_entry_jumppad:
0x0: {  	(pc) =	sbr.rel $0x88, $3  }
0x1: {  	(tag) =	ssettag $0x0;
	lr =	simm.s32 $0x1  }
0x2: {  	[smem:$0x3F9B] =	sst lr;
	_ =	strace $0xD0000000  }
0x3: {  	_ = 	snop  }
0x4: {  	_ = 	snop  }
0x5: {  	_ = 	snop  }
0x6: {  	_ = 	snop  }
0x7: {  	_ = 	snop  }
__scs_overlays_trampoline_lowered:
0x8: {  	[smem:$0x3FAA] =	sst s0  }
0x9: {  	[smem:$0x3FAB] =	sst s1  }
0xa: {  	[smem:$0x3FAC] =	sst s2  }
0xb: {  	[smem:$0x3FAD] =	sst s3  }
0xc: {  	[smem:$0x3FAE] =	sst s4  }
0xd: {  	[smem:$0x3FAF] =	sst s5  }
0xe: {  	[smem:$0x3FB0] =	sst s6  }
0xf: {  	[smem:$0x3FB1] =	sst s7  }
0x10: {  	[smem:$0x3FB2] =	sst s8  }
0x11: {  	[smem:$0x3FB3] =	sst s9;
	s0 =	simm.s32 @!p0 $0x0  }
0x12: {  	s1 =	sld [smem:$0x3F99];
	s0 =	simm.s32 @p0 $0x1  }
0x13: {  	[smem:$0x3FB4] =	sst s0;
	s0 =	simm.s32 @!p1 $0x0  }
0x14: {  	s2 =	sld [smem:$0x3F98];
	s0 =	simm.s32 @p1 $0x1  }
0x15: {  	[smem:$0x3FB5] =	sst s0;
	s0 =	simm.s32 @!p2 $0x0  }
0x16: {  	s3 =	sld [smem:$0x3FDB];
	s0 =	simm.s32 @p2 $0x1  }
0x17: {  	s4 =	simm.s32 $0x1BF5;
	[smem:$0x3FB7] =	sst s0  }
0x18: {  	s0 =	sld [smem:$0x3F9A];
	_ =	swait.ge [sflag:s4], $0x0  }
0x19: {  	s7 =	sld [smem:$0x3F9B]  }
0x1a: {  	s8 =	sadd.s32 $0xFFFFE003, lr  }
0x1b: {  	s9 =	sadd.s32 $0xFFFFFEF7, lr;
	s5 =	simm.s32 $0xFFFFFFFF;
	p2 =	slt.u32 s8, $0xFFFFF086  }
0x1c: {  	p1 =	slt.u32 s9, $0xF7A;
	s5 =	simm.s32 @!p2 $0x0  }
0x1d: {  	s5 =	simm.s32 @p1 $0x1;
	p0 =	seq.s32 s7, s2  }
0x1e: {  	s7 =	smul.u32 @!p0 $0xF7A, s2;
	p2 =	seq.s32 @!p0 s5, $0x0  }
0x1f: {  	s9 =	smul.u32 $0xF7A, s1;
	s8 =	simm.s32 @!p0 $0x1BF5;
	p2 =	por !p2, p0  }
0x20: {  	[sflag:s8] =	ssyncset.s32 @!p0 $0xFFFFF086;
	s6 =	sadd.s32 @!p0 s3, s7;
	s7 =	simm.s32 @!p0 $0x108  }
0x21: {  	s3 =	sadd.s32 s3, s9;
	s6 =	sadd.s32 @!p0 $0x88, s6;
	s7 =	simm.s32 @p2 $0x1082  }
0x22: {  	[simem:s7], [sflag:s8] =	dma.local @!p0 [hbm:s6], $0xF7A  }
0x23: {  	s9 =	sor.u32 $0xD0000000, s2;
	s6 =	simm.s32 $0x108;
	_ =	swait.ge @!p0 [sflag:s8], $0x0  }
0x24: {  	s3 =	sadd.s32 $0x88, s3;
	s6 =	simm.s32 @!p1 $0x1082;
	[sflag:s4] =	ssyncset.s32 $0xFFFFF086  }
0x25: {  	[simem:s6], [sflag:s4] =	dma.local [hbm:s3], $0xF7A  }
0x26: {  	[smem:$0x3F9B] =	sst s1;
	(tag) =	ssettag s2;
	_ =	strace s9  }
0x27: {  	s1 =	sld [smem:$0x3FAB]  }
0x28: {  	s2 =	sld [smem:$0x3FAC]  }
0x29: {  	s4 =	sld [smem:$0x3FAE]  }
0x2a: {  	p0 =	seq.s32 s5, $0x0;
	s5 =	sld [smem:$0x3FAF]  }
0x2b: {  	s6 =	sld [smem:$0x3FB0]  }
0x2c: {  	s7 =	sld [smem:$0x3FB1]  }
0x2d: {  	s3 =	simm.s32 $0x108;
	s8 =	sld [smem:$0x3FB2]  }
0x2e: {  	s3 =	simm.s32 @!p0 $0x1082;
	s9 =	sld [smem:$0x3FB3]  }
0x2f: {  	lr =	sadd.s32 s0, s3;
	s0 =	sld [smem:$0x3FAA]  }
0x30: {  	s3 =	sld [smem:$0x3FAD]  }
0x31: {  	[smem:$0x3FB6] =	sst s10  }
0x32: {  	s10 =	sld [smem:$0x3FB4];
	_ =	sdelay $0x3  }
0x33: {  	p0 =	seq.s32 s10, $0x1;
	s10 =	sld [smem:$0x3FB6];
	_ =	sdelay $0x3  }
0x34: {  	[smem:$0x3FB6] =	sst s10  }
0x35: {  	s10 =	sld [smem:$0x3FB5];
	_ =	sdelay $0x3  }
0x36: {  	p1 =	seq.s32 s10, $0x1;
	s10 =	sld [smem:$0x3FB6];
	_ =	sdelay $0x3  }
0x37: {  	[smem:$0x3FB6] =	sst s10  }
0x38: {  	s10 =	sld [smem:$0x3FB7]  }
0x39: {  	_ = 	snop;
	(pc) =	sbr.ind lr, $3  }
0x3a: {  	_ = 	snop  }
0x3b: {  	_ = 	snop  }
0x3c: {  	p2 =	seq.s32 s10, $0x1;
	s10 =	sld [smem:$0x3FB6]  }
0x3d: {  	_ =	shalt  }
0x3e: {  	_ =	shalt  }
0x3f: {  	_ =	shalt  }
0x40: {  	_ =	shalt  }
0x41: {  	_ =	shalt  }
0x42: {  	_ =	shalt  }
0x43: {  	_ =	shalt  }
0x44: {  	_ =	shalt  }
0x45: {  	_ =	shalt  }
0x46: {  	_ =	shalt  }
0x47: {  	_ =	shalt  }
0x48: {  	_ =	shalt  }
0x49: {  	_ =	shalt  }
0x4a: {  	_ =	shalt  }
0x4b: {  	_ =	shalt  }
0x4c: {  	_ =	shalt  }
0x4d: {  	_ =	shalt  }
0x4e: {  	_ =	shalt  }
0x4f: {  	_ =	shalt  }
0x50: {  	_ =	shalt  }
0x51: {  	_ =	shalt  }
0x52: {  	_ =	shalt  }
0x53: {  	_ =	shalt  }
0x54: {  	_ =	shalt  }
0x55: {  	_ =	shalt  }
0x56: {  	_ =	shalt  }
0x57: {  	_ =	shalt  }
0x58: {  	_ =	shalt  }
0x59: {  	_ =	shalt  }
0x5a: {  	_ =	shalt  }
0x5b: {  	_ =	shalt  }
0x5c: {  	_ =	shalt  }
0x5d: {  	_ =	shalt  }
0x5e: {  	_ =	shalt  }
0x5f: {  	_ =	shalt  }
0x60: {  	_ =	shalt  }
0x61: {  	_ =	shalt  }
0x62: {  	_ =	shalt  }
0x63: {  	_ =	shalt  }
0x64: {  	_ =	shalt  }
0x65: {  	_ =	shalt  }
0x66: {  	_ =	shalt  }
0x67: {  	_ =	shalt  }
0x68: {  	_ =	shalt  }
0x69: {  	_ =	shalt  }
0x6a: {  	_ =	shalt  }
0x6b: {  	_ =	shalt  }
0x6c: {  	_ =	shalt  }
0x6d: {  	_ =	shalt  }
0x6e: {  	_ =	shalt  }
0x6f: {  	_ =	shalt  }
0x70: {  	_ =	shalt  }
0x71: {  	_ =	shalt  }
0x72: {  	_ =	shalt  }
0x73: {  	_ =	shalt  }
0x74: {  	_ =	shalt  }
0x75: {  	_ =	shalt  }
0x76: {  	_ =	shalt  }
0x77: {  	_ =	shalt  }
0x78: {  	_ =	shalt  }
0x79: {  	_ =	shalt  }
0x7a: {  	_ =	shalt  }
0x7b: {  	_ =	shalt  }
0x7c: {  	_ =	shalt  }
0x7d: {  	_ =	shalt  }
0x7e: {  	_ =	shalt  }
0x7f: {  	_ =	shalt  }
0x80: {  	_ =	shalt  }
0x81: {  	_ =	shalt  }
0x82: {  	_ =	shalt  }
0x83: {  	_ =	shalt  }
0x84: {  	_ =	shalt  }
0x85: {  	_ =	shalt  }
0x86: {  	_ =	shalt  }
0x87: {  	_ =	shalt  }
.Lfunc_end0:
.L_simem_size_0:
called_computation.2_lowered:
.L_overlay_start_0:
0x88: {  	s2 =	sld [smem:$0x3FD9]  }
0x89: {  	s3 =	sld [smem:$0x3FFE];
	_ =	sdelay $0x1  }
0x8a: {  	s1 =	srdreg.scid  }
0x8b: {  	s0 =	sand.u32 $0x1, s1  }
0x8c: {  	s16 =	sshll.u32 s0, $0xA;
	s2 =	sadd.s32 s3, s2  }
0x8d: {  	s2 =	sadd.s32 s2, s16  }
0x8e: {  	[smem:$0x3FC2] =	sst s2  }
0x8f: {  	_ = 	snop  }
0x90: {  	(tm) =	ssettm $0x1  }
0x91: {  	s17 =	sld [smem:$0x3FFB];
	_ =	sdelay $0x3  }
0x92: {  	_ =	strace s17  }
0x93: {  	s2 =	sld [smem:$0x3FFC];
	_ =	sdelay $0x3  }
0x94: {  	_ =	strace s2  }
0x95: {  	s2 =	sld [smem:$0x3FFD];
	_ =	sdelay $0x3  }
0x96: {  	_ =	strace s2  }
0x97: {  	_ =	strace $0x8FFFFFFF  }
0x98: {  	s18 =	sld [smem:$0x3FDB];
	_ =	sdelay $0x1  }
0x99: {  	s19 =	simm.s32 $_scs_section_size  }
0x9a: {  	s4 =	simm.s32 $_size__tile_overlayer_lowered;
	s5 =	simm.s32 $_tile_overlayer_lowered  }
0x9b: {  	s22 =	simm.s32 $0x1BFF;
	s21 =	sshll.u32 s5, $0x1;
	s2 =	sadd.s32 s19, s18  }
0x9c: {  	s6 =	simm.s32 $0x0;
	s20 =	sshll.u32 s4, $0x1;
	s4 =	sadd.s32 s21, s2  }
0x9d: {  	[timem:s6], [sflag:s22] =	dma.local [hbm:s4], s20  }
0x9e: {  	_ =	swait.ge [sflag:s22], s20  }
0x9f: {  	s3 =	ssub.s32 $0x0, s20;
	[sflag:s22] =	ssyncset.done $0x0  }
0xa0: {  	[sflag:s22] =	ssyncadd.s32 s3;
	_ =	sdelay $0x1  }
0xa1: {  	s23 =	simm.s32 $0x1B8B  }
0xa2: {  	_ =	swait.ge [sflag:s23], $0x1  }
0xa3: {  	[sflag:s23] =	ssyncset.done $0x0  }
0xa4: {  	s25 =	simm.s32 $0x1B8E;
	s24 =	sld [smem:$0x3FFE];
	[sflag:s23] =	ssyncadd.s32 $0xFFFFFFFF  }
0xa5: {  	s26 =	simm.s32 $execute0_lowered;
	[smem:$0x3FD2] =	sst s25  }
0xa6: {  	s4 =	sshll.u32 s26, $0x1;
	_ =	strace $0x8000004C;
	[dreg:$0x1] =	wrdreg $0xFFFFFFFF  }
0xa7: {  	s28 =	simm.s32 $_size_execute0_lowered;
	s2 =	sadd.s32 s2, s4;
	[dreg:$0x0] =	wrdreg $0x0  }
0xa8: {  	s4 =	sshll.u32 s28, $0x1;
	[dreg:$0x2] =	wrdreg s2  }
0xa9: {  	[dreg:$0x3] =	wrdreg s4  }
0xaa: {  	[dreg:$0x4] =	wrdreg $0xC0  }
0xab: {  	_ =	task [dreg:s6], $0x5FFFF  }
0xac: {  	[dreg:$0x1] =	wrdreg $0xFFFFFFFF  }
0xad: {  	[dreg:$0x0] =	wrdreg $0x60  }
0xae: {  	[dreg:$0x2] =	wrdreg s24  }
0xaf: {  	[dreg:$0x3] =	wrdreg $0x9  }
0xb0: {  	_ =	task.clear_ibuf [dreg:s6], $0x4FFFF;
	_ =	strace $0x9000004C  }
0xb1: {  	s29 =	simm.s32 $0x9;
	_ =	strace $0x8000004E  }
0xb2: {  	_ =	swait.ge [sflag:s29], $0x1  }
0xb3: {  	[sflag:s29] =	ssyncadd.s32 $0xFFFFFFFF  }
0xb4: {  	_ =	strace $0x9000004E  }
0xb5: {  	_ =	sfence  }
0xb6: {  	s30 =	sld [smem:$0x0];
	_ =	sdelay $0x2  }
0xb7: {  	s31 =	sshll.u32 s1, $0xD;
	s1 =	sshrl.u32 s1, $0x2  }
0xb8: {  	s3 =	sand.u32 $0x4000, s31;
	s1 =	sadd.s32 s1, s30  }
0xb9: {  	s0 =	sor.u32 s3, s0;
	s1 =	sshll.u32 s1, $0x11  }
0xba: {  	s0 =	sor.u32 s1, s0  }
0xbb: {  	s0 =	sadd.s32 $0x8F2B, s0  }
0xbc: {  	[sflag:s0] =	ssyncadd.remote.s32 $0x1  }
0xbd: {  	_ =	sfence.sel $0xFFFF  }
0xbe: {  	[dreg:$0x0] =	wrdreg $0xFFFFFFFF;
	(pc) =	sbr.abs _section_cstart, $3  }
0xbf: {  	[dreg:$0x1] =	wrdreg $0xFFFFFFFF  }
0xc0: {  	_ =	task.clear_ibuf [dreg:s6], $0x2FFFF;
	_ =	strace $0x9FFFFFFF  }
0xc1: {  	(tm) =	ssettm $0x7FFFFFFF  }
tec
execute0_lowered:
.L_overlay_start_1:
0x0: {  	(tag) =	ssettag $0x1  }
0x1: {  	s0 =	rddreg [dreg:$0x0];
	s1 =	srdreg.scid;
	s2 =	simm.s32 $0x0  }
0x2: {  	s4 =	stileid.u32;
	s17 =	simm.s32 $0x7E00;
	s18 =	simm.s32 $0x3  }
0x3: {  	s19 =	simm.s32 $0x11E00;
	s28 =	simm.s32 $0x3F00;
	s21 =	simm.s32 $0x1  }
0x4: {  	s22 =	simm.s32 $0x1F80;
	s23 =	simm.s32 $0x5E80;
	s1 =	sand.u32 $0x1, s1  }
0x5: {  	s24 =	simm.s32 $0x2;
	s29 =	simm.s32 $0x0;
	s3 =	sshll.u32 s1, $0x4  }
0x6: {  	[smem:$0x7FF] =	sst s2;
	s11 =	sadd.s32 $0xCE00, s0;
	s5 =	sor.u32 s4, s3  }
0x7: {  	s12 =	sadd.s32 $0x5CE00, s0;
	s1 =	ssub.s32 $0x2, s1;
	s6 =	smul.u32 $0xA000, s5  }
0x8: {  	_ =	strace $0x8000004D;
	s30 =	sshrl.u32 s1, $0x1;
	s7 =	smul.u32 $0x1400, s5  }
0x9: {  	s3 =	sadd.s32 $0x1E00, s0;
	s4 =	sadd.s32 $0xACE00, s0;
	s1 =	ssub.s32 s1, s30  }
0xa: {  	s16 =	smax.u32 s1, $0x1;
	s13 =	sshrl.u32 s6, $0x3;
	s5 =	sadd.s32 s11, s7  }
0xb: {  	s6 =	sadd.s32 $0x6C20, s0;
	s7 =	sadd.s32 s12, s7;
	s15 =	sadd.s32 s12, s13  }
0xc: {  	s31 =	sadd.s32 $0x28000, s13;
	s8 =	sadd.s32 $0x500, s15;
	s9 =	sadd.s32 $0xA00, s15  }
0xd: {  	s10 =	sadd.s32 $0xF00, s15;
	s11 =	sadd.s32 s11, s31;
	s12 =	sadd.s32 s12, s31  }
0xe: {  	s13 =	sadd.s32 $0x28500, s15;
	s14 =	sadd.s32 $0x28A00, s15;
	s15 =	sadd.s32 $0x28F00, s15  }
.LBB2_1:
0xf: {  	[tilespmem:s17], [sflag:$0x3] =	stream.linear.gather [hbm4b:s5+s2], $0xA000, $0x38;
	[tilespmem:$0x1BE00] =	vst v63  }
0x10: {  	_ =	swait.ge [sflag:s18], $0xA000  }
0x11: {  	[sflag:s18] =	ssyncset.done $0x0  }
0x12: {  	[sflag:s18] =	ssyncadd.s32 $0xFFFF6000  }
0x13: {  	[tilespmem:s19], [sflag:$0x3] =	stream.linear.gather [hbm4b:s4+s2], $0xA000, $0x38;
	[tilespmem:$0x1BE00] =	vst v63  }
0x14: {  	_ =	swait.ge [sflag:s18], $0xA000  }
0x15: {  	[sflag:s18] =	ssyncset.done $0x0  }
0x16: {  	[sflag:s18] =	ssyncadd.s32 $0xFFFF6000  }
0x17: {  	[tilespmem:s2], [sflag:$0x1] =	stream.linear.gather [hbm4b:s3+s2], $0x1F40, $0x38;
	[tilespmem:$0x1BE00] =	vst v63  }
0x18: {  	s30 =	simm.s32 $0x0  }
0x19: {  	[tilespmem:s28], [sflag:$0x1] =	stream.linear.gather [hbm4b:s6+s2], $0x1F40, $0x38;
	[tilespmem:$0x1BE00] =	vst v63  }
.LBB2_2:
0x1a: {  	_ =	swait.ge [sflag:s21], $0x1F40  }
0x1b: {  	s31 =	smul.u32 $0x3E80, s30;
	[sflag:s21] =	ssyncset.done $0x0  }
0x1c: {  	[sflag:s21] =	ssyncadd.s32 $0xFFFFE0C0  }
0x1d: {  	s0 =	sshrl.u32 s31, $0x3;
	_ =	swait.ge [sflag:s21], $0x1F40  }
0x1e: {  	s1 =	sadd.s32 s3, s0;
	[sflag:s21] =	ssyncset.done $0x0  }
0x1f: {  	s0 =	simm.s32 $0x0;
	s20 =	sadd.s32 $0x3E8, s1;
	[sflag:s21] =	ssyncadd.s32 $0xFFFFE0C0  }
0x20: {  	[tilespmem:s22], [sflag:$0x2] =	stream.linear.gather [hbm4b:s20+s0], $0x1F40, $0x38;
	[tilespmem:$0x1BE00] =	vst v63  }
0x21: {  	s26 =	simm.s32 $0x50;
	s1 =	sadd.s32 $0x5208, s1  }
0x22: {  	[tilespmem:s23], [sflag:$0x2] =	stream.linear.gather [hbm4b:s1+s0], $0x1F40, $0x38;
	[tilespmem:$0x1BE00] =	vst v63  }
0x23: {  	v0 =	vld [tilespmem:s26+$0x40]  }
0x24: {  	v1 =	vld [tilespmem:s26+$0xFFFFFFC0]  }
0x25: {  	s25 =	sand.u32 $0x1FE0, s0;
	v2 =	vld [tilespmem:s26+$0xFFFFFFD0]  }
0x26: {  	v3 =	vld [tilespmem:s25+$0x80]  }
0x27: {  	v4 =	vld [tilespmem:s26+$0xFFFFFFE0]  }
0x28: {  	v5 =	vld [tilespmem:s26+$0xFFFFFFF0]  }
0x29: {  	s1 =	simm.s32 $0x3F50;
	v6 =	vld [tilespmem:s26+$0x0]  }
0x2a: {  	v7 =	vld [tilespmem:s1+$0x40]  }
0x2b: {  	v9 =	vld [tilespmem:s25+$0x3F80]  }
0x2c: {  	v10 =	vld [tilespmem:s26+$0x10]  }
0x2d: {  	v13 =	vld [tilespmem:s26+$0x20]  }
0x2e: {  	v14 =	vld [tilespmem:s26+$0xFFFFFFB0]  }
0x2f: {  	v61 =	vld [tilespmem:s1+$0xFFFFFFD0]  }
0x30: {  	v62 =	vld [tilespmem:s1+$0xFFFFFFE0]  }
0x31: {  	v63 =	vld [tilespmem:s1+$0xFFFFFFF0]  }
0x32: {  	v32 =	vld [tilespmem:s1+$0x0]  }
0x33: {  	v33 =	vld [tilespmem:s1+$0x10]  }
0x34: {  	v23 =	vld [tilespmem:s1+$0x20]  }
0x35: {  	v8 =	vld.idx.msk [tilespmem:v0+s17+$0x0], $0xffff  }
0x36: {  	v11 =	vld.idx.msk [tilespmem:v3+s17+$0x0], $0xffff  }
0x37: {  	v16 =	vld.idx.msk [tilespmem:v1+s17+$0x0], $0xffff  }
0x38: {  	v17 =	vld.idx.msk [tilespmem:v2+s17+$0x0], $0xffff  }
0x39: {  	v19 =	vld.idx.msk [tilespmem:v4+s17+$0x0], $0xffff  }
0x3a: {  	v21 =	vld.idx.msk [tilespmem:v14+s17+$0x0], $0xffff  }
0x3b: {  	v57 =	vld.idx.msk [tilespmem:v5+s17+$0x0], $0xffff  }
0x3c: {  	v59 =	vld.idx.msk [tilespmem:v6+s17+$0x0], $0xffff  }
0x3d: {  	v22 =	vld.idx.msk [tilespmem:v10+s17+$0x0], $0xffff  }
0x3e: {  	v60 =	vld.idx.msk [tilespmem:v13+s17+$0x0], $0xffff  }
0x3f: {  	[tilespmem:v7+s19+$0x0] =	vst.idx.add.f32.msk $0xffff, v8  }
0x40: {  	[tilespmem:v9+s19+$0x0] =	vst.idx.add.f32.msk $0xffff, v11  }
0x41: {  	v11 =	vld [tilespmem:s1+$0xFFFFFFB0]  }
0x42: {  	[tilespmem:v61+s19+$0x0] =	vst.idx.add.f32.msk $0xffff, v17  }
0x43: {  	v12 =	vadd.s32 $0x2800, v0;
	[tilespmem:v62+s19+$0x0] =	vst.idx.add.f32.msk $0xffff, v19  }
0x44: {  	v15 =	vadd.s32 $0x2800, v3;
	[tilespmem:v63+s19+$0x0] =	vst.idx.add.f32.msk $0xffff, v57  }
0x45: {  	v36 =	vadd.s32 $0x2800, v2;
	[tilespmem:v32+s19+$0x0] =	vst.idx.add.f32.msk $0xffff, v59  }
0x46: {  	v37 =	vadd.s32 $0x2800, v4;
	[tilespmem:v33+s19+$0x0] =	vst.idx.add.f32.msk $0xffff, v22  }
0x47: {  	v41 =	vadd.s32 $0x2800, v13;
	[tilespmem:v23+s19+$0x0] =	vst.idx.add.f32.msk $0xffff, v60  }
0x48: {  	v53 =	vadd.s32 $0x2800, v7;
	v8 =	vld.idx.msk [tilespmem:v12+s17+$0x0], $0xffff  }
0x49: {  	v18 =	vadd.s32 $0x2800, v9;
	v54 =	vld.idx.msk [tilespmem:v15+s17+$0x0], $0xffff  }
0x4a: {  	v26 =	vadd.s32 $0x2800, v61;
	v15 =	vld.idx.msk [tilespmem:v36+s17+$0x0], $0xffff  }
0x4b: {  	v27 =	vadd.s32 $0x2800, v62;
	v19 =	vld.idx.msk [tilespmem:v37+s17+$0x0], $0xffff  }
0x4c: {  	v43 =	vadd.s32 $0x2800, v23;
	v22 =	vld.idx.msk [tilespmem:v41+s17+$0x0], $0xffff  }
0x4d: {  	v55 =	vadd.s32 $0x5000, v0;
	[tilespmem:v53+s19+$0x0] =	vst.idx.add.f32.msk $0xffff, v8  }
0x4e: {  	v20 =	vadd.s32 $0x5000, v3;
	[tilespmem:v18+s19+$0x0] =	vst.idx.add.f32.msk $0xffff, v54  }
0x4f: {  	v38 =	vadd.s32 $0x2800, v5;
	[tilespmem:v26+s19+$0x0] =	vst.idx.add.f32.msk $0xffff, v15  }
0x50: {  	v51 =	vadd.s32 $0x5000, v13;
	[tilespmem:v27+s19+$0x0] =	vst.idx.add.f32.msk $0xffff, v19  }
0x51: {  	[tilespmem:v43+s19+$0x0] =	vst.idx.add.f32.msk $0xffff, v22  }
0x52: {  	v40 =	vadd.s32 $0x2800, v10;
	v8 =	vld.idx.msk [tilespmem:v55+s17+$0x0], $0xffff  }
0x53: {  	v56 =	vadd.s32 $0x5000, v7;
	v12 =	vld.idx.msk [tilespmem:v20+s17+$0x0], $0xffff  }
0x54: {  	v58 =	vadd.s32 $0x5000, v9;
	v20 =	vld.idx.msk [tilespmem:v38+s17+$0x0], $0xffff  }
0x55: {  	v22 =	vld.idx.msk [tilespmem:v51+s17+$0x0], $0xffff  }
0x56: {  	v39 =	vadd.s32 $0x2800, v6;
	[tilespmem:v11+s19+$0x0] =	vst.idx.add.f32.msk $0xffff, v21  }
0x57: {  	v28 =	vadd.s32 $0x2800, v63;
	v21 =	vld.idx.msk [tilespmem:v40+s17+$0x0], $0xffff  }
0x58: {  	v46 =	vadd.s32 $0x5000, v2;
	[tilespmem:v56+s19+$0x0] =	vst.idx.add.f32.msk $0xffff, v8  }
0x59: {  	v59 =	vadd.s32 $0x5000, v23;
	[tilespmem:v58+s19+$0x0] =	vst.idx.add.f32.msk $0xffff, v12  }
0x5a: {  	v0 =	vadd.s32 $0x7800, v0;
	v12 =	vld [tilespmem:s1+$0xFFFFFFC0]  }
0x5b: {  	v3 =	vadd.s32 $0x7800, v3;
	v8 =	vld.idx.msk [tilespmem:v39+s17+$0x0], $0xffff  }
0x5c: {  	v42 =	vadd.s32 $0x2800, v33;
	[tilespmem:v28+s19+$0x0] =	vst.idx.add.f32.msk $0xffff, v20  }
0x5d: {  	v13 =	vadd.s32 $0x7800, v13;
	v20 =	vld.idx.msk [tilespmem:v46+s17+$0x0], $0xffff  }
0x5e: {  	v50 =	vadd.s32 $0x5000, v10;
	[tilespmem:v59+s19+$0x0] =	vst.idx.add.f32.msk $0xffff, v22  }
0x5f: {  	v29 =	vadd.s32 $0x2800, v32;
	v0 =	vld.idx.msk [tilespmem:v0+s17+$0x0], $0xffff  }
0x60: {  	v47 =	vadd.s32 $0x5000, v4;
	v3 =	vld.idx.msk [tilespmem:v3+s17+$0x0], $0xffff  }
0x61: {  	v54 =	vadd.s32 $0x5000, v61;
	[tilespmem:v42+s19+$0x0] =	vst.idx.add.f32.msk $0xffff, v21  }
0x62: {  	v7 =	vadd.s32 $0x7800, v7;
	v13 =	vld.idx.msk [tilespmem:v13+s17+$0x0], $0xffff  }
0x63: {  	v9 =	vadd.s32 $0x7800, v9;
	v21 =	vld.idx.msk [tilespmem:v50+s17+$0x0], $0xffff  }
0x64: {  	v2 =	vadd.s32 $0x7800, v2;
	[tilespmem:v29+s19+$0x0] =	vst.idx.add.f32.msk $0xffff, v8  }
0x65: {  	v58 =	vadd.s32 $0x5000, v33;
	v8 =	vld.idx.msk [tilespmem:v47+s17+$0x0], $0xffff  }
0x66: {  	[tilespmem:v54+s19+$0x0] =	vst.idx.add.f32.msk $0xffff, v20  }
0x67: {  	v34 =	vadd.s32 $0x2800, v14;
	[tilespmem:v7+s19+$0x0] =	vst.idx.add.f32.msk $0xffff, v0  }
0x68: {  	v10 =	vadd.s32 $0x7800, v10;
	[tilespmem:v9+s19+$0x0] =	vst.idx.add.f32.msk $0xffff, v3  }
0x69: {  	v35 =	vadd.s32 $0x2800, v1;
	v2 =	vld.idx.msk [tilespmem:v2+s17+$0x0], $0xffff  }
0x6a: {  	v55 =	vadd.s32 $0x5000, v62;
	[tilespmem:v58+s19+$0x0] =	vst.idx.add.f32.msk $0xffff, v21  }
0x6b: {  	v4 =	vadd.s32 $0x7800, v4;
	[tilespmem:v12+s19+$0x0] =	vst.idx.add.f32.msk $0xffff, v16  }
0x6c: {  	v61 =	vadd.s32 $0x7800, v61;
	v16 =	vld.idx.msk [tilespmem:v34+s17+$0x0], $0xffff  }
0x6d: {  	v56 =	vadd.s32 $0x5000, v63;
	v3 =	vadd.s32 $0x7800, v63;
	v63 =	vadd.s32 $0x7800, v23;
	v10 =	vld.idx.msk [tilespmem:v10+s17+$0x0], $0xffff  }
0x6e: {  	v24 =	vadd.s32 $0x2800, v11;
	v17 =	vld.idx.msk [tilespmem:v35+s17+$0x0], $0xffff  }
0x6f: {  	v48 =	vadd.s32 $0x5000, v5;
	[tilespmem:v55+s19+$0x0] =	vst.idx.add.f32.msk $0xffff, v8  }
0x70: {  	v25 =	vadd.s32 $0x2800, v12;
	v4 =	vld.idx.msk [tilespmem:v4+s17+$0x0], $0xffff  }
0x71: {  	v44 =	vadd.s32 $0x5000, v14;
	[tilespmem:v61+s19+$0x0] =	vst.idx.add.f32.msk $0xffff, v2  }
0x72: {  	v49 =	vadd.s32 $0x5000, v6;
	[tilespmem:v63+s19+$0x0] =	vst.idx.add.f32.msk $0xffff, v13  }
0x73: {  	v0 =	vadd.s32 $0x7800, v62;
	v62 =	vadd.s32 $0x7800, v33;
	[tilespmem:v24+s19+$0x0] =	vst.idx.add.f32.msk $0xffff, v16  }
0x74: {  	v45 =	vadd.s32 $0x5000, v1;
	v16 =	vld.idx.msk [tilespmem:v48+s17+$0x0], $0xffff  }
0x75: {  	[tilespmem:v25+s19+$0x0] =	vst.idx.add.f32.msk $0xffff, v17  }
0x76: {  	v52 =	vadd.s32 $0x5000, v11;
	v15 =	vld.idx.msk [tilespmem:v44+s17+$0x0], $0xffff  }
0x77: {  	v57 =	vadd.s32 $0x5000, v32;
	v17 =	vld.idx.msk [tilespmem:v49+s17+$0x0], $0xffff  }
0x78: {  	v5 =	vadd.s32 $0x7800, v5;
	[tilespmem:v62+s19+$0x0] =	vst.idx.add.f32.msk $0xffff, v10  }
0x79: {  	v53 =	vadd.s32 $0x5000, v12;
	v19 =	vld.idx.msk [tilespmem:v45+s17+$0x0], $0xffff  }
0x7a: {  	v14 =	vadd.s32 $0x7800, v14;
	[tilespmem:v56+s19+$0x0] =	vst.idx.add.f32.msk $0xffff, v16  }
0x7b: {  	v6 =	vadd.s32 $0x7800, v6;
	[tilespmem:v52+s19+$0x0] =	vst.idx.add.f32.msk $0xffff, v15  }
0x7c: {  	v1 =	vadd.s32 $0x7800, v1;
	[tilespmem:v57+s19+$0x0] =	vst.idx.add.f32.msk $0xffff, v17  }
0x7d: {  	v5 =	vld.idx.msk [tilespmem:v5+s17+$0x0], $0xffff  }
0x7e: {  	[tilespmem:v53+s19+$0x0] =	vst.idx.add.f32.msk $0xffff, v19  }
0x7f: {  	v11 =	vadd.s32 $0x7800, v11;
	v60 =	vld.idx.msk [tilespmem:v14+s17+$0x0], $0xffff  }
0x80: {  	v7 =	vadd.s32 $0x7800, v32;
	v6 =	vld.idx.msk [tilespmem:v6+s17+$0x0], $0xffff  }
0x81: {  	v12 =	vadd.s32 $0x7800, v12;
	v1 =	vld.idx.msk [tilespmem:v1+s17+$0x0], $0xffff  }
0x82: {  	[tilespmem:v0+s19+$0x0] =	vst.idx.add.f32.msk $0xffff, v4  }
0x83: {  	[tilespmem:v3+s19+$0x0] =	vst.idx.add.f32.msk $0xffff, v5  }
0x84: {  	[tilespmem:v11+s19+$0x0] =	vst.idx.add.f32.msk $0xffff, v60  }
0x85: {  	[tilespmem:v7+s19+$0x0] =	vst.idx.add.f32.msk $0xffff, v6  }
0x86: {  	s20 =	simm.s32 $0x0;
	s25 =	simm.s32 $0xF0;
	[tilespmem:v12+s19+$0x0] =	vst.idx.add.f32.msk $0xffff, v1  }
.LBB2_3:
0x87: {  	v22 =	vld [tilespmem:s25+$0x40]  }
0x88: {  	s0 =	sadd.s32 $0xA0, s0;
	v5 =	vld [tilespmem:s25+$0xFFFFFFC0]  }
0x89: {  	s20 =	sadd.s32 $0xA, s20;
	s26 =	sand.u32 $0x1FE0, s0;
	v9 =	vld [tilespmem:s25+$0xFFFFFFD0]  }
0x8a: {  	p0 =	slt.u32 s20, $0x1EA;
	v23 =	vld [tilespmem:s26+$0x80]  }
0x8b: {  	v24 =	vld [tilespmem:s25+$0xFFFFFFE0]  }
0x8c: {  	v25 =	vld [tilespmem:s25+$0xFFFFFFF0]  }
0x8d: {  	s1 =	sadd.s32 $0xA0, s1;
	v14 =	vadd.s32 $0x2800, v5;
	v6 =	vadd.s32 $0x5000, v5;
	v0 =	vadd.s32 $0x7800, v5;
	v26 =	vld [tilespmem:s25+$0x0]  }
0x8e: {  	v16 =	vadd.s32 $0x2800, v9;
	v7 =	vadd.s32 $0x5000, v9;
	v1 =	vadd.s32 $0x7800, v9;
	v27 =	vld [tilespmem:s1+$0x40]  }
0x8f: {  	v12 =	vld.idx.msk [tilespmem:v22+s17+$0x0], $0xffff  }
0x90: {  	v17 =	vadd.s32 $0x2800, v24;
	v8 =	vadd.s32 $0x5000, v24;
	v2 =	vadd.s32 $0x7800, v24;
	v28 =	vld [tilespmem:s26+$0x3F80]  }
0x91: {  	v18 =	vadd.s32 $0x2800, v25;
	v10 =	vadd.s32 $0x5000, v25;
	v3 =	vadd.s32 $0x7800, v25;
	v29 =	vld [tilespmem:s25+$0x10]  }
0x92: {  	v15 =	vadd.s32 $0x2800, v22;
	v19 =	vadd.s32 $0x2800, v26;
	v11 =	vadd.s32 $0x5000, v26;
	v20 =	vld.idx.msk [tilespmem:v23+s17+$0x0], $0xffff  }
0x93: {  	v4 =	vadd.s32 $0x7800, v26;
	v30 =	vld [tilespmem:s25+$0x20]  }
0x94: {  	v32 =	vadd.s32 $0x2800, v23;
	v31 =	vld [tilespmem:s25+$0xFFFFFFB0]  }
0x95: {  	v33 =	vld.idx.msk [tilespmem:v5+s17+$0x0], $0xffff  }
0x96: {  	v21 =	vadd.s32 $0x2800, v29;
	v13 =	vadd.s32 $0x5000, v29;
	v5 =	vadd.s32 $0x7800, v29;
	[tilespmem:v27+s19+$0x0] =	vst.idx.add.f32.msk $0xffff, v12  }
0x97: {  	v34 =	vld.idx.msk [tilespmem:v15+s17+$0x0], $0xffff  }
0x98: {  	v36 =	vadd.s32 $0x2800, v27;
	v35 =	vadd.s32 $0x2800, v30;
	v15 =	vadd.s32 $0x5000, v30;
	[tilespmem:v28+s19+$0x0] =	vst.idx.add.f32.msk $0xffff, v20  }
0x99: {  	v38 =	vadd.s32 $0x5000, v22;
	v37 =	vadd.s32 $0x2800, v31;
	v20 =	vadd.s32 $0x5000, v31;
	v32 =	vld.idx.msk [tilespmem:v32+s17+$0x0], $0xffff  }
0x9a: {  	v40 =	vadd.s32 $0x2800, v28;
	v12 =	vadd.s32 $0x7800, v31;
	v39 =	vld.idx.msk [tilespmem:v9+s17+$0x0], $0xffff;
	v9 =	vadd.s32 $0x7800, v30  }
0x9b: {  	v41 =	vadd.s32 $0x5000, v23;
	v24 =	vld.idx.msk [tilespmem:v24+s17+$0x0], $0xffff  }
0x9c: {  	v31 =	vld.idx.msk [tilespmem:v31+s17+$0x0], $0xffff  }
0x9d: {  	[tilespmem:v36+s19+$0x0] =	vst.idx.add.f32.msk $0xffff, v34  }
0x9e: {  	v34 =	vld.idx.msk [tilespmem:v38+s17+$0x0], $0xffff  }
0x9f: {  	[tilespmem:v40+s19+$0x0] =	vst.idx.add.f32.msk $0xffff, v32;
	v32 =	vadd.s32 $0x5000, v27  }
0xa0: {  	v22 =	vadd.s32 $0x7800, v22;
	v36 =	vld.idx.msk [tilespmem:v41+s17+$0x0], $0xffff  }
0xa1: {  	v38 =	vadd.s32 $0x5000, v28;
	v25 =	vld.idx.msk [tilespmem:v25+s17+$0x0], $0xffff  }
0xa2: {  	v23 =	vadd.s32 $0x7800, v23;
	v26 =	vld.idx.msk [tilespmem:v26+s17+$0x0], $0xffff  }
0xa3: {  	v29 =	vld.idx.msk [tilespmem:v29+s17+$0x0], $0xffff  }
0xa4: {  	[tilespmem:v32+s19+$0x0] =	vst.idx.add.f32.msk $0xffff, v34  }
0xa5: {  	v22 =	vld.idx.msk [tilespmem:v22+s17+$0x0], $0xffff  }
0xa6: {  	[tilespmem:v38+s19+$0x0] =	vst.idx.add.f32.msk $0xffff, v36  }
0xa7: {  	v27 =	vadd.s32 $0x7800, v27;
	v23 =	vld.idx.msk [tilespmem:v23+s17+$0x0], $0xffff  }
0xa8: {  	v28 =	vadd.s32 $0x7800, v28;
	v30 =	vld.idx.msk [tilespmem:v30+s17+$0x0], $0xffff  }
0xa9: {  	v32 =	vld [tilespmem:s1+$0xFFFFFFB0]  }
0xaa: {  	v34 =	vld [tilespmem:s1+$0xFFFFFFC0]  }
0xab: {  	v36 =	vld [tilespmem:s1+$0xFFFFFFD0]  }
0xac: {  	[tilespmem:v27+s19+$0x0] =	vst.idx.add.f32.msk $0xffff, v22  }
0xad: {  	[tilespmem:v28+s19+$0x0] =	vst.idx.add.f32.msk $0xffff, v23  }
0xae: {  	v22 =	vadd.s32 $0x2800, v32;
	v23 =	vadd.s32 $0x5000, v32;
	v27 =	vadd.s32 $0x7800, v32;
	v28 =	vld [tilespmem:s1+$0xFFFFFFE0]  }
0xaf: {  	v38 =	vadd.s32 $0x2800, v34;
	v40 =	vadd.s32 $0x5000, v34;
	v41 =	vadd.s32 $0x7800, v34;
	v42 =	vld [tilespmem:s1+$0xFFFFFFF0]  }
0xb0: {  	v43 =	vadd.s32 $0x2800, v36;
	v44 =	vadd.s32 $0x5000, v36;
	v45 =	vadd.s32 $0x7800, v36;
	v46 =	vld [tilespmem:s1+$0x0]  }
0xb1: {  	v47 =	vld [tilespmem:s1+$0x10]  }
0xb2: {  	v48 =	vld [tilespmem:s1+$0x20]  }
0xb3: {  	[tilespmem:v32+s19+$0x0] =	vst.idx.add.f32.msk $0xffff, v31;
	v31 =	vadd.s32 $0x2800, v28;
	v32 =	vadd.s32 $0x5000, v28;
	v49 =	vadd.s32 $0x7800, v28  }
0xb4: {  	[tilespmem:v34+s19+$0x0] =	vst.idx.add.f32.msk $0xffff, v33;
	v33 =	vadd.s32 $0x2800, v42;
	v34 =	vadd.s32 $0x5000, v42;
	v50 =	vadd.s32 $0x7800, v42  }
0xb5: {  	[tilespmem:v36+s19+$0x0] =	vst.idx.add.f32.msk $0xffff, v39;
	v36 =	vadd.s32 $0x2800, v46;
	v39 =	vadd.s32 $0x5000, v46;
	v51 =	vadd.s32 $0x7800, v46  }
0xb6: {  	[tilespmem:v28+s19+$0x0] =	vst.idx.add.f32.msk $0xffff, v24;
	v24 =	vadd.s32 $0x2800, v47;
	v28 =	vadd.s32 $0x5000, v47;
	v52 =	vadd.s32 $0x7800, v47  }
0xb7: {  	[tilespmem:v42+s19+$0x0] =	vst.idx.add.f32.msk $0xffff, v25;
	v25 =	vadd.s32 $0x2800, v48;
	v42 =	vadd.s32 $0x5000, v48;
	v53 =	vadd.s32 $0x7800, v48  }
0xb8: {  	[tilespmem:v46+s19+$0x0] =	vst.idx.add.f32.msk $0xffff, v26  }
0xb9: {  	[tilespmem:v47+s19+$0x0] =	vst.idx.add.f32.msk $0xffff, v29  }
0xba: {  	[tilespmem:v48+s19+$0x0] =	vst.idx.add.f32.msk $0xffff, v30  }
0xbb: {  	v26 =	vld.idx.msk [tilespmem:v37+s17+$0x0], $0xffff  }
0xbc: {  	v14 =	vld.idx.msk [tilespmem:v14+s17+$0x0], $0xffff  }
0xbd: {  	v16 =	vld.idx.msk [tilespmem:v16+s17+$0x0], $0xffff  }
0xbe: {  	v17 =	vld.idx.msk [tilespmem:v17+s17+$0x0], $0xffff  }
0xbf: {  	v18 =	vld.idx.msk [tilespmem:v18+s17+$0x0], $0xffff  }
0xc0: {  	v19 =	vld.idx.msk [tilespmem:v19+s17+$0x0], $0xffff  }
0xc1: {  	v21 =	vld.idx.msk [tilespmem:v21+s17+$0x0], $0xffff  }
0xc2: {  	v29 =	vld.idx.msk [tilespmem:v35+s17+$0x0], $0xffff  }
0xc3: {  	[tilespmem:v22+s19+$0x0] =	vst.idx.add.f32.msk $0xffff, v26  }
0xc4: {  	[tilespmem:v38+s19+$0x0] =	vst.idx.add.f32.msk $0xffff, v14  }
0xc5: {  	[tilespmem:v43+s19+$0x0] =	vst.idx.add.f32.msk $0xffff, v16  }
0xc6: {  	[tilespmem:v31+s19+$0x0] =	vst.idx.add.f32.msk $0xffff, v17  }
0xc7: {  	[tilespmem:v33+s19+$0x0] =	vst.idx.add.f32.msk $0xffff, v18  }
0xc8: {  	[tilespmem:v36+s19+$0x0] =	vst.idx.add.f32.msk $0xffff, v19  }
0xc9: {  	[tilespmem:v24+s19+$0x0] =	vst.idx.add.f32.msk $0xffff, v21  }
0xca: {  	[tilespmem:v25+s19+$0x0] =	vst.idx.add.f32.msk $0xffff, v29  }
0xcb: {  	v14 =	vld.idx.msk [tilespmem:v20+s17+$0x0], $0xffff  }
0xcc: {  	v6 =	vld.idx.msk [tilespmem:v6+s17+$0x0], $0xffff  }
0xcd: {  	v7 =	vld.idx.msk [tilespmem:v7+s17+$0x0], $0xffff  }
0xce: {  	v8 =	vld.idx.msk [tilespmem:v8+s17+$0x0], $0xffff  }
0xcf: {  	v10 =	vld.idx.msk [tilespmem:v10+s17+$0x0], $0xffff  }
0xd0: {  	v11 =	vld.idx.msk [tilespmem:v11+s17+$0x0], $0xffff  }
0xd1: {  	v13 =	vld.idx.msk [tilespmem:v13+s17+$0x0], $0xffff  }
0xd2: {  	v15 =	vld.idx.msk [tilespmem:v15+s17+$0x0], $0xffff  }
0xd3: {  	[tilespmem:v23+s19+$0x0] =	vst.idx.add.f32.msk $0xffff, v14  }
0xd4: {  	[tilespmem:v40+s19+$0x0] =	vst.idx.add.f32.msk $0xffff, v6  }
0xd5: {  	[tilespmem:v44+s19+$0x0] =	vst.idx.add.f32.msk $0xffff, v7  }
0xd6: {  	[tilespmem:v32+s19+$0x0] =	vst.idx.add.f32.msk $0xffff, v8  }
0xd7: {  	[tilespmem:v34+s19+$0x0] =	vst.idx.add.f32.msk $0xffff, v10  }
0xd8: {  	[tilespmem:v39+s19+$0x0] =	vst.idx.add.f32.msk $0xffff, v11  }
0xd9: {  	[tilespmem:v28+s19+$0x0] =	vst.idx.add.f32.msk $0xffff, v13  }
0xda: {  	[tilespmem:v42+s19+$0x0] =	vst.idx.add.f32.msk $0xffff, v15  }
0xdb: {  	v6 =	vld.idx.msk [tilespmem:v12+s17+$0x0], $0xffff  }
0xdc: {  	v0 =	vld.idx.msk [tilespmem:v0+s17+$0x0], $0xffff  }
0xdd: {  	v1 =	vld.idx.msk [tilespmem:v1+s17+$0x0], $0xffff  }
0xde: {  	v2 =	vld.idx.msk [tilespmem:v2+s17+$0x0], $0xffff  }
0xdf: {  	v3 =	vld.idx.msk [tilespmem:v3+s17+$0x0], $0xffff  }
0xe0: {  	v4 =	vld.idx.msk [tilespmem:v4+s17+$0x0], $0xffff  }
0xe1: {  	v5 =	vld.idx.msk [tilespmem:v5+s17+$0x0], $0xffff  }
0xe2: {  	v7 =	vld.idx.msk [tilespmem:v9+s17+$0x0], $0xffff  }
0xe3: {  	[tilespmem:v27+s19+$0x0] =	vst.idx.add.f32.msk $0xffff, v6  }
0xe4: {  	[tilespmem:v41+s19+$0x0] =	vst.idx.add.f32.msk $0xffff, v0  }
0xe5: {  	[tilespmem:v45+s19+$0x0] =	vst.idx.add.f32.msk $0xffff, v1  }
.Ltmp0:
0xe6: {  	[tilespmem:v49+s19+$0x0] =	vst.idx.add.f32.msk $0xffff, v2;
	(pc) =	sbr.rel @p0 .LBB2_3-.Ltmp0, $4  }
0xe7: {  	[tilespmem:v50+s19+$0x0] =	vst.idx.add.f32.msk $0xffff, v3  }
0xe8: {  	[tilespmem:v51+s19+$0x0] =	vst.idx.add.f32.msk $0xffff, v4  }
0xe9: {  	[tilespmem:v52+s19+$0x0] =	vst.idx.add.f32.msk $0xffff, v5  }
0xea: {  	s25 =	sadd.s32 $0xA0, s25;
	[tilespmem:v53+s19+$0x0] =	vst.idx.add.f32.msk $0xffff, v7  }
0xeb: {  	_ =	swait.ge [sflag:s24], $0x1F40  }
0xec: {  	[sflag:s24] =	ssyncset.done $0x0  }
0xed: {  	p0 =	seq.s32 s30, $0x9;
	[sflag:s24] =	ssyncadd.s32 $0xFFFFE0C0  }
0xee: {  	s0 =	sshrl.u32 @!p0 s31, $0x3;
	_ =	swait.ge [sflag:s24], $0x1F40  }
0xef: {  	s0 =	sadd.s32 @!p0 s3, s0;
	[sflag:s24] =	ssyncset.done $0x0  }
0xf0: {  	s20 =	simm.s32 @!p0 $0x0;
	s1 =	sadd.s32 @!p0 $0x7D0, s0;
	[sflag:s24] =	ssyncadd.s32 $0xFFFFE0C0  }
0xf1: {  	[tilespmem:s20], [sflag:$0x1] =	stream.linear.gather @!p0 [hbm4b:s1+s20], $0x1F40, $0x38;
	[tilespmem:$0x1BE00] =	vst v63  }
0xf2: {  	s31 =	simm.s32 $0x1FD0;
	s0 =	sadd.s32 @!p0 $0x55F0, s0;
	s1 =	simm.s32 @!p0 $0x3F00  }
0xf3: {  	[tilespmem:s1], [sflag:$0x1] =	stream.linear.gather @!p0 [hbm4b:s0+s20], $0x1F40, $0x38;
	[tilespmem:$0x1BE00] =	vst v63  }
0xf4: {  	v0 =	vld [tilespmem:s31+$0x40]  }
0xf5: {  	v1 =	vld [tilespmem:s31+$0xFFFFFFC0]  }
0xf6: {  	v2 =	vld [tilespmem:s31+$0xFFFFFFD0]  }
0xf7: {  	v4 =	vld [tilespmem:s31+$0xFFFFFFE0]  }
0xf8: {  	v5 =	vld [tilespmem:s31+$0xFFFFFFF0]  }
0xf9: {  	s1 =	simm.s32 $0x5ED0;
	v6 =	vld [tilespmem:s31+$0x0]  }
0xfa: {  	v7 =	vld [tilespmem:s1+$0x40]  }
0xfb: {  	v10 =	vld [tilespmem:s31+$0x10]  }
0xfc: {  	v13 =	vld [tilespmem:s31+$0x20]  }
0xfd: {  	v14 =	vld [tilespmem:s31+$0xFFFFFFB0]  }
0xfe: {  	v61 =	vld [tilespmem:s1+$0xFFFFFFD0]  }
0xff: {  	v62 =	vld [tilespmem:s1+$0xFFFFFFE0]  }
0x100: {  	v63 =	vld [tilespmem:s1+$0xFFFFFFF0]  }
0x101: {  	v32 =	vld [tilespmem:s1+$0x0]  }
0x102: {  	s0 =	simm.s32 $0x0;
	v33 =	vld [tilespmem:s1+$0x10]  }
0x103: {  	s25 =	sand.u32 $0x1FE0, s0;
	v23 =	vld [tilespmem:s1+$0x20]  }
0x104: {  	v3 =	vld [tilespmem:s25+$0x2000]  }
0x105: {  	v9 =	vld [tilespmem:s25+$0x5F00]  }
0x106: {  	v8 =	vld.idx.msk [tilespmem:v0+s17+$0x0], $0xffff  }
0x107: {  	v16 =	vld.idx.msk [tilespmem:v1+s17+$0x0], $0xffff  }
0x108: {  	v17 =	vld.idx.msk [tilespmem:v2+s17+$0x0], $0xffff  }
0x109: {  	v19 =	vld.idx.msk [tilespmem:v4+s17+$0x0], $0xffff  }
0x10a: {  	v21 =	vld.idx.msk [tilespmem:v14+s17+$0x0], $0xffff  }
0x10b: {  	v57 =	vld.idx.msk [tilespmem:v5+s17+$0x0], $0xffff  }
0x10c: {  	v59 =	vld.idx.msk [tilespmem:v6+s17+$0x0], $0xffff  }
0x10d: {  	v22 =	vld.idx.msk [tilespmem:v10+s17+$0x0], $0xffff  }
0x10e: {  	v60 =	vld.idx.msk [tilespmem:v13+s17+$0x0], $0xffff  }
0x10f: {  	v11 =	vld.idx.msk [tilespmem:v3+s17+$0x0], $0xffff  }
0x110: {  	[tilespmem:v7+s19+$0x0] =	vst.idx.add.f32.msk $0xffff, v8  }
0x111: {  	[tilespmem:v61+s19+$0x0] =	vst.idx.add.f32.msk $0xffff, v17  }
0x112: {  	v12 =	vadd.s32 $0x2800, v0;
	[tilespmem:v62+s19+$0x0] =	vst.idx.add.f32.msk $0xffff, v19  }
0x113: {  	[tilespmem:v63+s19+$0x0] =	vst.idx.add.f32.msk $0xffff, v57  }
0x114: {  	[tilespmem:v32+s19+$0x0] =	vst.idx.add.f32.msk $0xffff, v59  }
0x115: {  	v37 =	vadd.s32 $0x2800, v4;
	[tilespmem:v33+s19+$0x0] =	vst.idx.add.f32.msk $0xffff, v22  }
0x116: {  	v41 =	vadd.s32 $0x2800, v13;
	[tilespmem:v23+s19+$0x0] =	vst.idx.add.f32.msk $0xffff, v60  }
0x117: {  	v15 =	vadd.s32 $0x2800, v3;
	v8 =	vld.idx.msk [tilespmem:v12+s17+$0x0], $0xffff  }
0x118: {  	v36 =	vadd.s32 $0x2800, v2;
	[tilespmem:v9+s19+$0x0] =	vst.idx.add.f32.msk $0xffff, v11  }
0x119: {  	v53 =	vadd.s32 $0x2800, v7;
	v11 =	vld [tilespmem:s1+$0xFFFFFFB0]  }
0x11a: {  	v27 =	vadd.s32 $0x2800, v62;
	v19 =	vld.idx.msk [tilespmem:v37+s17+$0x0], $0xffff  }
0x11b: {  	v43 =	vadd.s32 $0x2800, v23;
	v22 =	vld.idx.msk [tilespmem:v41+s17+$0x0], $0xffff  }
0x11c: {  	v55 =	vadd.s32 $0x5000, v0;
	v54 =	vld.idx.msk [tilespmem:v15+s17+$0x0], $0xffff  }
0x11d: {  	v18 =	vadd.s32 $0x2800, v9;
	v15 =	vld.idx.msk [tilespmem:v36+s17+$0x0], $0xffff  }
0x11e: {  	v26 =	vadd.s32 $0x2800, v61;
	[tilespmem:v53+s19+$0x0] =	vst.idx.add.f32.msk $0xffff, v8  }
0x11f: {  	v51 =	vadd.s32 $0x5000, v13;
	[tilespmem:v27+s19+$0x0] =	vst.idx.add.f32.msk $0xffff, v19  }
0x120: {  	v20 =	vadd.s32 $0x5000, v3;
	[tilespmem:v43+s19+$0x0] =	vst.idx.add.f32.msk $0xffff, v22  }
0x121: {  	v38 =	vadd.s32 $0x2800, v5;
	v8 =	vld.idx.msk [tilespmem:v55+s17+$0x0], $0xffff  }
0x122: {  	[tilespmem:v18+s19+$0x0] =	vst.idx.add.f32.msk $0xffff, v54  }
0x123: {  	v40 =	vadd.s32 $0x2800, v10;
	[tilespmem:v26+s19+$0x0] =	vst.idx.add.f32.msk $0xffff, v15  }
0x124: {  	v56 =	vadd.s32 $0x5000, v7;
	v22 =	vld.idx.msk [tilespmem:v51+s17+$0x0], $0xffff  }
0x125: {  	v39 =	vadd.s32 $0x2800, v6;
	v12 =	vld.idx.msk [tilespmem:v20+s17+$0x0], $0xffff  }
0x126: {  	v59 =	vadd.s32 $0x5000, v23;
	v20 =	vld.idx.msk [tilespmem:v38+s17+$0x0], $0xffff  }
0x127: {  	v0 =	vadd.s32 $0x7800, v0;
	[tilespmem:v11+s19+$0x0] =	vst.idx.add.f32.msk $0xffff, v21  }
0x128: {  	v58 =	vadd.s32 $0x5000, v9;
	v21 =	vld.idx.msk [tilespmem:v40+s17+$0x0], $0xffff  }
0x129: {  	[tilespmem:v56+s19+$0x0] =	vst.idx.add.f32.msk $0xffff, v8  }
0x12a: {  	v28 =	vadd.s32 $0x2800, v63;
	v8 =	vld.idx.msk [tilespmem:v39+s17+$0x0], $0xffff  }
0x12b: {  	v46 =	vadd.s32 $0x5000, v2;
	[tilespmem:v59+s19+$0x0] =	vst.idx.add.f32.msk $0xffff, v22  }
0x12c: {  	v13 =	vadd.s32 $0x7800, v13;
	v0 =	vld.idx.msk [tilespmem:v0+s17+$0x0], $0xffff  }
0x12d: {  	v3 =	vadd.s32 $0x7800, v3;
	[tilespmem:v58+s19+$0x0] =	vst.idx.add.f32.msk $0xffff, v12  }
0x12e: {  	v42 =	vadd.s32 $0x2800, v33;
	v12 =	vld [tilespmem:s1+$0xFFFFFFC0]  }
0x12f: {  	v50 =	vadd.s32 $0x5000, v10;
	[tilespmem:v28+s19+$0x0] =	vst.idx.add.f32.msk $0xffff, v20  }
0x130: {  	v29 =	vadd.s32 $0x2800, v32;
	v20 =	vld.idx.msk [tilespmem:v46+s17+$0x0], $0xffff  }
0x131: {  	v47 =	vadd.s32 $0x5000, v4;
	v13 =	vld.idx.msk [tilespmem:v13+s17+$0x0], $0xffff  }
0x132: {  	v7 =	vadd.s32 $0x7800, v7;
	v3 =	vld.idx.msk [tilespmem:v3+s17+$0x0], $0xffff  }
0x133: {  	v54 =	vadd.s32 $0x5000, v61;
	[tilespmem:v42+s19+$0x0] =	vst.idx.add.f32.msk $0xffff, v21  }
0x134: {  	v9 =	vadd.s32 $0x7800, v9;
	v21 =	vld.idx.msk [tilespmem:v50+s17+$0x0], $0xffff  }
0x135: {  	v2 =	vadd.s32 $0x7800, v2;
	[tilespmem:v29+s19+$0x0] =	vst.idx.add.f32.msk $0xffff, v8  }
0x136: {  	v58 =	vadd.s32 $0x5000, v33;
	v8 =	vld.idx.msk [tilespmem:v47+s17+$0x0], $0xffff  }
0x137: {  	[tilespmem:v7+s19+$0x0] =	vst.idx.add.f32.msk $0xffff, v0  }
0x138: {  	v34 =	vadd.s32 $0x2800, v14;
	[tilespmem:v54+s19+$0x0] =	vst.idx.add.f32.msk $0xffff, v20  }
0x139: {  	v10 =	vadd.s32 $0x7800, v10;
	[tilespmem:v9+s19+$0x0] =	vst.idx.add.f32.msk $0xffff, v3  }
0x13a: {  	v35 =	vadd.s32 $0x2800, v1;
	v2 =	vld.idx.msk [tilespmem:v2+s17+$0x0], $0xffff  }
0x13b: {  	v55 =	vadd.s32 $0x5000, v62;
	[tilespmem:v58+s19+$0x0] =	vst.idx.add.f32.msk $0xffff, v21  }
0x13c: {  	v4 =	vadd.s32 $0x7800, v4;
	[tilespmem:v12+s19+$0x0] =	vst.idx.add.f32.msk $0xffff, v16  }
0x13d: {  	v61 =	vadd.s32 $0x7800, v61;
	v16 =	vld.idx.msk [tilespmem:v34+s17+$0x0], $0xffff  }
0x13e: {  	v56 =	vadd.s32 $0x5000, v63;
	v3 =	vadd.s32 $0x7800, v63;
	v63 =	vadd.s32 $0x7800, v23;
	v10 =	vld.idx.msk [tilespmem:v10+s17+$0x0], $0xffff  }
0x13f: {  	v24 =	vadd.s32 $0x2800, v11;
	v17 =	vld.idx.msk [tilespmem:v35+s17+$0x0], $0xffff  }
0x140: {  	v48 =	vadd.s32 $0x5000, v5;
	[tilespmem:v55+s19+$0x0] =	vst.idx.add.f32.msk $0xffff, v8  }
0x141: {  	v25 =	vadd.s32 $0x2800, v12;
	v4 =	vld.idx.msk [tilespmem:v4+s17+$0x0], $0xffff  }
0x142: {  	v44 =	vadd.s32 $0x5000, v14;
	[tilespmem:v61+s19+$0x0] =	vst.idx.add.f32.msk $0xffff, v2  }
0x143: {  	v49 =	vadd.s32 $0x5000, v6;
	[tilespmem:v63+s19+$0x0] =	vst.idx.add.f32.msk $0xffff, v13  }
0x144: {  	v0 =	vadd.s32 $0x7800, v62;
	v62 =	vadd.s32 $0x7800, v33;
	[tilespmem:v24+s19+$0x0] =	vst.idx.add.f32.msk $0xffff, v16  }
0x145: {  	v45 =	vadd.s32 $0x5000, v1;
	v16 =	vld.idx.msk [tilespmem:v48+s17+$0x0], $0xffff  }
0x146: {  	[tilespmem:v25+s19+$0x0] =	vst.idx.add.f32.msk $0xffff, v17  }
0x147: {  	v52 =	vadd.s32 $0x5000, v11;
	v15 =	vld.idx.msk [tilespmem:v44+s17+$0x0], $0xffff  }
0x148: {  	v57 =	vadd.s32 $0x5000, v32;
	v17 =	vld.idx.msk [tilespmem:v49+s17+$0x0], $0xffff  }
0x149: {  	v5 =	vadd.s32 $0x7800, v5;
	[tilespmem:v62+s19+$0x0] =	vst.idx.add.f32.msk $0xffff, v10  }
0x14a: {  	v53 =	vadd.s32 $0x5000, v12;
	v19 =	vld.idx.msk [tilespmem:v45+s17+$0x0], $0xffff  }
0x14b: {  	v14 =	vadd.s32 $0x7800, v14;
	[tilespmem:v56+s19+$0x0] =	vst.idx.add.f32.msk $0xffff, v16  }
0x14c: {  	v6 =	vadd.s32 $0x7800, v6;
	[tilespmem:v52+s19+$0x0] =	vst.idx.add.f32.msk $0xffff, v15  }
0x14d: {  	v1 =	vadd.s32 $0x7800, v1;
	[tilespmem:v57+s19+$0x0] =	vst.idx.add.f32.msk $0xffff, v17  }
0x14e: {  	v5 =	vld.idx.msk [tilespmem:v5+s17+$0x0], $0xffff  }
0x14f: {  	[tilespmem:v53+s19+$0x0] =	vst.idx.add.f32.msk $0xffff, v19  }
0x150: {  	v11 =	vadd.s32 $0x7800, v11;
	v60 =	vld.idx.msk [tilespmem:v14+s17+$0x0], $0xffff  }
0x151: {  	v7 =	vadd.s32 $0x7800, v32;
	v6 =	vld.idx.msk [tilespmem:v6+s17+$0x0], $0xffff  }
0x152: {  	v12 =	vadd.s32 $0x7800, v12;
	v1 =	vld.idx.msk [tilespmem:v1+s17+$0x0], $0xffff  }
0x153: {  	[tilespmem:v0+s19+$0x0] =	vst.idx.add.f32.msk $0xffff, v4  }
0x154: {  	[tilespmem:v3+s19+$0x0] =	vst.idx.add.f32.msk $0xffff, v5  }
0x155: {  	[tilespmem:v11+s19+$0x0] =	vst.idx.add.f32.msk $0xffff, v60  }
0x156: {  	[tilespmem:v7+s19+$0x0] =	vst.idx.add.f32.msk $0xffff, v6  }
0x157: {  	s20 =	simm.s32 $0x0;
	s25 =	simm.s32 $0x2070;
	[tilespmem:v12+s19+$0x0] =	vst.idx.add.f32.msk $0xffff, v1  }
.LBB2_5:
0x158: {  	v22 =	vld [tilespmem:s25+$0x40]  }
0x159: {  	s0 =	sadd.s32 $0xA0, s0;
	v5 =	vld [tilespmem:s25+$0xFFFFFFC0]  }
0x15a: {  	s20 =	sadd.s32 $0xA, s20;
	s26 =	sand.u32 $0x1FE0, s0;
	v9 =	vld [tilespmem:s25+$0xFFFFFFD0]  }
0x15b: {  	p0 =	slt.u32 s20, $0x1EA;
	v23 =	vld [tilespmem:s26+$0x2000]  }
0x15c: {  	v24 =	vld [tilespmem:s25+$0xFFFFFFE0]  }
0x15d: {  	v25 =	vld [tilespmem:s25+$0xFFFFFFF0]  }
0x15e: {  	s1 =	sadd.s32 $0xA0, s1;
	v14 =	vadd.s32 $0x2800, v5;
	v6 =	vadd.s32 $0x5000, v5;
	v0 =	vadd.s32 $0x7800, v5;
	v26 =	vld [tilespmem:s25+$0x0]  }
0x15f: {  	v16 =	vadd.s32 $0x2800, v9;
	v7 =	vadd.s32 $0x5000, v9;
	v1 =	vadd.s32 $0x7800, v9;
	v27 =	vld [tilespmem:s1+$0x40]  }
0x160: {  	v12 =	vld.idx.msk [tilespmem:v22+s17+$0x0], $0xffff  }
0x161: {  	v17 =	vadd.s32 $0x2800, v24;
	v8 =	vadd.s32 $0x5000, v24;
	v2 =	vadd.s32 $0x7800, v24;
	v28 =	vld [tilespmem:s26+$0x5F00]  }
0x162: {  	v18 =	vadd.s32 $0x2800, v25;
	v10 =	vadd.s32 $0x5000, v25;
	v3 =	vadd.s32 $0x7800, v25;
	v29 =	vld [tilespmem:s25+$0x10]  }
0x163: {  	v15 =	vadd.s32 $0x2800, v22;
	v19 =	vadd.s32 $0x2800, v26;
	v11 =	vadd.s32 $0x5000, v26;
	v20 =	vld.idx.msk [tilespmem:v23+s17+$0x0], $0xffff  }
0x164: {  	v4 =	vadd.s32 $0x7800, v26;
	v30 =	vld [tilespmem:s25+$0x20]  }
0x165: {  	v32 =	vadd.s32 $0x2800, v23;
	v31 =	vld [tilespmem:s25+$0xFFFFFFB0]  }
0x166: {  	v33 =	vld.idx.msk [tilespmem:v5+s17+$0x0], $0xffff  }
0x167: {  	v21 =	vadd.s32 $0x2800, v29;
	v13 =	vadd.s32 $0x5000, v29;
	v5 =	vadd.s32 $0x7800, v29;
	[tilespmem:v27+s19+$0x0] =	vst.idx.add.f32.msk $0xffff, v12  }
0x168: {  	v34 =	vld.idx.msk [tilespmem:v15+s17+$0x0], $0xffff  }
0x169: {  	v36 =	vadd.s32 $0x2800, v27;
	v35 =	vadd.s32 $0x2800, v30;
	v15 =	vadd.s32 $0x5000, v30;
	[tilespmem:v28+s19+$0x0] =	vst.idx.add.f32.msk $0xffff, v20  }
0x16a: {  	v38 =	vadd.s32 $0x5000, v22;
	v37 =	vadd.s32 $0x2800, v31;
	v20 =	vadd.s32 $0x5000, v31;
	v32 =	vld.idx.msk [tilespmem:v32+s17+$0x0], $0xffff  }
0x16b: {  	v40 =	vadd.s32 $0x2800, v28;
	v12 =	vadd.s32 $0x7800, v31;
	v39 =	vld.idx.msk [tilespmem:v9+s17+$0x0], $0xffff;
	v9 =	vadd.s32 $0x7800, v30  }
0x16c: {  	v41 =	vadd.s32 $0x5000, v23;
	v24 =	vld.idx.msk [tilespmem:v24+s17+$0x0], $0xffff  }
0x16d: {  	v31 =	vld.idx.msk [tilespmem:v31+s17+$0x0], $0xffff  }
0x16e: {  	[tilespmem:v36+s19+$0x0] =	vst.idx.add.f32.msk $0xffff, v34  }
0x16f: {  	v34 =	vld.idx.msk [tilespmem:v38+s17+$0x0], $0xffff  }
0x170: {  	[tilespmem:v40+s19+$0x0] =	vst.idx.add.f32.msk $0xffff, v32;
	v32 =	vadd.s32 $0x5000, v27  }
0x171: {  	v22 =	vadd.s32 $0x7800, v22;
	v36 =	vld.idx.msk [tilespmem:v41+s17+$0x0], $0xffff  }
0x172: {  	v38 =	vadd.s32 $0x5000, v28;
	v25 =	vld.idx.msk [tilespmem:v25+s17+$0x0], $0xffff  }
0x173: {  	v23 =	vadd.s32 $0x7800, v23;
	v26 =	vld.idx.msk [tilespmem:v26+s17+$0x0], $0xffff  }
0x174: {  	v29 =	vld.idx.msk [tilespmem:v29+s17+$0x0], $0xffff  }
0x175: {  	[tilespmem:v32+s19+$0x0] =	vst.idx.add.f32.msk $0xffff, v34  }
0x176: {  	v22 =	vld.idx.msk [tilespmem:v22+s17+$0x0], $0xffff  }
0x177: {  	[tilespmem:v38+s19+$0x0] =	vst.idx.add.f32.msk $0xffff, v36  }
0x178: {  	v27 =	vadd.s32 $0x7800, v27;
	v23 =	vld.idx.msk [tilespmem:v23+s17+$0x0], $0xffff  }
0x179: {  	v28 =	vadd.s32 $0x7800, v28;
	v30 =	vld.idx.msk [tilespmem:v30+s17+$0x0], $0xffff  }
0x17a: {  	v32 =	vld [tilespmem:s1+$0xFFFFFFB0]  }
0x17b: {  	v34 =	vld [tilespmem:s1+$0xFFFFFFC0]  }
0x17c: {  	v36 =	vld [tilespmem:s1+$0xFFFFFFD0]  }
0x17d: {  	[tilespmem:v27+s19+$0x0] =	vst.idx.add.f32.msk $0xffff, v22  }
0x17e: {  	[tilespmem:v28+s19+$0x0] =	vst.idx.add.f32.msk $0xffff, v23  }
0x17f: {  	v22 =	vadd.s32 $0x2800, v32;
	v23 =	vadd.s32 $0x5000, v32;
	v27 =	vadd.s32 $0x7800, v32;
	v28 =	vld [tilespmem:s1+$0xFFFFFFE0]  }
0x180: {  	v38 =	vadd.s32 $0x2800, v34;
	v40 =	vadd.s32 $0x5000, v34;
	v41 =	vadd.s32 $0x7800, v34;
	v42 =	vld [tilespmem:s1+$0xFFFFFFF0]  }
0x181: {  	v43 =	vadd.s32 $0x2800, v36;
	v44 =	vadd.s32 $0x5000, v36;
	v45 =	vadd.s32 $0x7800, v36;
	v46 =	vld [tilespmem:s1+$0x0]  }
0x182: {  	v47 =	vld [tilespmem:s1+$0x10]  }
0x183: {  	v48 =	vld [tilespmem:s1+$0x20]  }
0x184: {  	[tilespmem:v32+s19+$0x0] =	vst.idx.add.f32.msk $0xffff, v31;
	v31 =	vadd.s32 $0x2800, v28;
	v32 =	vadd.s32 $0x5000, v28;
	v49 =	vadd.s32 $0x7800, v28  }
0x185: {  	[tilespmem:v34+s19+$0x0] =	vst.idx.add.f32.msk $0xffff, v33;
	v33 =	vadd.s32 $0x2800, v42;
	v34 =	vadd.s32 $0x5000, v42;
	v50 =	vadd.s32 $0x7800, v42  }
0x186: {  	[tilespmem:v36+s19+$0x0] =	vst.idx.add.f32.msk $0xffff, v39;
	v36 =	vadd.s32 $0x2800, v46;
	v39 =	vadd.s32 $0x5000, v46;
	v51 =	vadd.s32 $0x7800, v46  }
0x187: {  	[tilespmem:v28+s19+$0x0] =	vst.idx.add.f32.msk $0xffff, v24;
	v24 =	vadd.s32 $0x2800, v47;
	v28 =	vadd.s32 $0x5000, v47;
	v52 =	vadd.s32 $0x7800, v47  }
0x188: {  	[tilespmem:v42+s19+$0x0] =	vst.idx.add.f32.msk $0xffff, v25;
	v25 =	vadd.s32 $0x2800, v48;
	v42 =	vadd.s32 $0x5000, v48;
	v53 =	vadd.s32 $0x7800, v48  }
0x189: {  	[tilespmem:v46+s19+$0x0] =	vst.idx.add.f32.msk $0xffff, v26  }
0x18a: {  	[tilespmem:v47+s19+$0x0] =	vst.idx.add.f32.msk $0xffff, v29  }
0x18b: {  	[tilespmem:v48+s19+$0x0] =	vst.idx.add.f32.msk $0xffff, v30  }
0x18c: {  	v26 =	vld.idx.msk [tilespmem:v37+s17+$0x0], $0xffff  }
0x18d: {  	v14 =	vld.idx.msk [tilespmem:v14+s17+$0x0], $0xffff  }
0x18e: {  	v16 =	vld.idx.msk [tilespmem:v16+s17+$0x0], $0xffff  }
0x18f: {  	v17 =	vld.idx.msk [tilespmem:v17+s17+$0x0], $0xffff  }
0x190: {  	v18 =	vld.idx.msk [tilespmem:v18+s17+$0x0], $0xffff  }
0x191: {  	v19 =	vld.idx.msk [tilespmem:v19+s17+$0x0], $0xffff  }
0x192: {  	v21 =	vld.idx.msk [tilespmem:v21+s17+$0x0], $0xffff  }
0x193: {  	v29 =	vld.idx.msk [tilespmem:v35+s17+$0x0], $0xffff  }
0x194: {  	[tilespmem:v22+s19+$0x0] =	vst.idx.add.f32.msk $0xffff, v26  }
0x195: {  	[tilespmem:v38+s19+$0x0] =	vst.idx.add.f32.msk $0xffff, v14  }
0x196: {  	[tilespmem:v43+s19+$0x0] =	vst.idx.add.f32.msk $0xffff, v16  }
0x197: {  	[tilespmem:v31+s19+$0x0] =	vst.idx.add.f32.msk $0xffff, v17  }
0x198: {  	[tilespmem:v33+s19+$0x0] =	vst.idx.add.f32.msk $0xffff, v18  }
0x199: {  	[tilespmem:v36+s19+$0x0] =	vst.idx.add.f32.msk $0xffff, v19  }
0x19a: {  	[tilespmem:v24+s19+$0x0] =	vst.idx.add.f32.msk $0xffff, v21  }
0x19b: {  	[tilespmem:v25+s19+$0x0] =	vst.idx.add.f32.msk $0xffff, v29  }
0x19c: {  	v14 =	vld.idx.msk [tilespmem:v20+s17+$0x0], $0xffff  }
0x19d: {  	v6 =	vld.idx.msk [tilespmem:v6+s17+$0x0], $0xffff  }
0x19e: {  	v7 =	vld.idx.msk [tilespmem:v7+s17+$0x0], $0xffff  }
0x19f: {  	v8 =	vld.idx.msk [tilespmem:v8+s17+$0x0], $0xffff  }
0x1a0: {  	v10 =	vld.idx.msk [tilespmem:v10+s17+$0x0], $0xffff  }
0x1a1: {  	v11 =	vld.idx.msk [tilespmem:v11+s17+$0x0], $0xffff  }
0x1a2: {  	v13 =	vld.idx.msk [tilespmem:v13+s17+$0x0], $0xffff  }
0x1a3: {  	v15 =	vld.idx.msk [tilespmem:v15+s17+$0x0], $0xffff  }
0x1a4: {  	[tilespmem:v23+s19+$0x0] =	vst.idx.add.f32.msk $0xffff, v14  }
0x1a5: {  	[tilespmem:v40+s19+$0x0] =	vst.idx.add.f32.msk $0xffff, v6  }
0x1a6: {  	[tilespmem:v44+s19+$0x0] =	vst.idx.add.f32.msk $0xffff, v7  }
0x1a7: {  	[tilespmem:v32+s19+$0x0] =	vst.idx.add.f32.msk $0xffff, v8  }
0x1a8: {  	[tilespmem:v34+s19+$0x0] =	vst.idx.add.f32.msk $0xffff, v10  }
0x1a9: {  	[tilespmem:v39+s19+$0x0] =	vst.idx.add.f32.msk $0xffff, v11  }
0x1aa: {  	[tilespmem:v28+s19+$0x0] =	vst.idx.add.f32.msk $0xffff, v13  }
0x1ab: {  	[tilespmem:v42+s19+$0x0] =	vst.idx.add.f32.msk $0xffff, v15  }
0x1ac: {  	v6 =	vld.idx.msk [tilespmem:v12+s17+$0x0], $0xffff  }
0x1ad: {  	v0 =	vld.idx.msk [tilespmem:v0+s17+$0x0], $0xffff  }
0x1ae: {  	v1 =	vld.idx.msk [tilespmem:v1+s17+$0x0], $0xffff  }
0x1af: {  	v2 =	vld.idx.msk [tilespmem:v2+s17+$0x0], $0xffff  }
0x1b0: {  	v3 =	vld.idx.msk [tilespmem:v3+s17+$0x0], $0xffff  }
0x1b1: {  	v4 =	vld.idx.msk [tilespmem:v4+s17+$0x0], $0xffff  }
0x1b2: {  	v5 =	vld.idx.msk [tilespmem:v5+s17+$0x0], $0xffff  }
0x1b3: {  	v7 =	vld.idx.msk [tilespmem:v9+s17+$0x0], $0xffff  }
0x1b4: {  	[tilespmem:v27+s19+$0x0] =	vst.idx.add.f32.msk $0xffff, v6  }
0x1b5: {  	[tilespmem:v41+s19+$0x0] =	vst.idx.add.f32.msk $0xffff, v0  }
0x1b6: {  	[tilespmem:v45+s19+$0x0] =	vst.idx.add.f32.msk $0xffff, v1  }
.Ltmp1:
0x1b7: {  	[tilespmem:v49+s19+$0x0] =	vst.idx.add.f32.msk $0xffff, v2;
	(pc) =	sbr.rel @p0 .LBB2_5-.Ltmp1, $4  }
0x1b8: {  	[tilespmem:v50+s19+$0x0] =	vst.idx.add.f32.msk $0xffff, v3  }
0x1b9: {  	[tilespmem:v51+s19+$0x0] =	vst.idx.add.f32.msk $0xffff, v4  }
0x1ba: {  	[tilespmem:v52+s19+$0x0] =	vst.idx.add.f32.msk $0xffff, v5  }
0x1bb: {  	s25 =	sadd.s32 $0xA0, s25;
	[tilespmem:v53+s19+$0x0] =	vst.idx.add.f32.msk $0xffff, v7  }
0x1bc: {  	s30 =	sadd.s32 $0x1, s30  }
0x1bd: {  	p0 =	sne.s32 s30, $0xA  }
.Ltmp2:
0x1be: {  	_ = 	snop;
	(pc) =	sbr.rel @p0 .LBB2_2-.Ltmp2, $1  }
0x1bf: {  	_ =	sdelay $0x3  }
0x1c0: {  	s30 =	simm.s32 $0x0  }
0x1c1: {  	[hbm4b:s7+s30] =	stream.linear.scatter [tilespmem:s19], [sflag:$0x3], $0x2800, $0x38;
	[tilespmem:$0x1BE00] =	vst v63  }
0x1c2: {  	_ =	swait.ge [sflag:s18], $0x2800  }
0x1c3: {  	[sflag:s18] =	ssyncset.done $0x0  }
0x1c4: {  	s0 =	simm.s32 $0x14600;
	[sflag:s18] =	ssyncadd.s32 $0xFFFFD800  }
0x1c5: {  	[hbm4b:s8+s30] =	stream.linear.scatter [tilespmem:s0], [sflag:$0x3], $0x2800, $0x38;
	[tilespmem:$0x1BE00] =	vst v63  }
0x1c6: {  	_ =	swait.ge [sflag:s18], $0x2800  }
0x1c7: {  	[sflag:s18] =	ssyncset.done $0x0  }
0x1c8: {  	s25 =	simm.s32 $0x16E00;
	[sflag:s18] =	ssyncadd.s32 $0xFFFFD800  }
0x1c9: {  	[hbm4b:s9+s30] =	stream.linear.scatter [tilespmem:s25], [sflag:$0x3], $0x2800, $0x38;
	[tilespmem:$0x1BE00] =	vst v63  }
0x1ca: {  	_ =	swait.ge [sflag:s18], $0x2800  }
0x1cb: {  	[sflag:s18] =	ssyncset.done $0x0  }
0x1cc: {  	s26 =	simm.s32 $0x19600;
	[sflag:s18] =	ssyncadd.s32 $0xFFFFD800  }
0x1cd: {  	[hbm4b:s10+s30] =	stream.linear.scatter [tilespmem:s26], [sflag:$0x3], $0x2800, $0x38;
	[tilespmem:$0x1BE00] =	vst v63  }
0x1ce: {  	_ =	swait.ge [sflag:s18], $0x2800  }
0x1cf: {  	[sflag:s18] =	ssyncset.done $0x0  }
0x1d0: {  	[sflag:s18] =	ssyncadd.s32 $0xFFFFD800  }
0x1d1: {  	[tilespmem:s17], [sflag:$0x3] =	stream.linear.gather [hbm4b:s11+s30], $0xA000, $0x38;
	[tilespmem:$0x1BE00] =	vst v63  }
0x1d2: {  	_ =	swait.ge [sflag:s18], $0xA000  }
0x1d3: {  	[sflag:s18] =	ssyncset.done $0x0  }
0x1d4: {  	[sflag:s18] =	ssyncadd.s32 $0xFFFF6000  }
0x1d5: {  	[tilespmem:s19], [sflag:$0x3] =	stream.linear.gather [hbm4b:s4+s30], $0xA000, $0x38;
	[tilespmem:$0x1BE00] =	vst v63  }
0x1d6: {  	_ =	swait.ge [sflag:s18], $0xA000  }
0x1d7: {  	[sflag:s18] =	ssyncset.done $0x0  }
0x1d8: {  	[sflag:s18] =	ssyncadd.s32 $0xFFFF6000  }
0x1d9: {  	[tilespmem:s30], [sflag:$0x1] =	stream.linear.gather [hbm4b:s3+s30], $0x1F40, $0x38;
	[tilespmem:$0x1BE00] =	vst v63  }
0x1da: {  	s31 =	simm.s32 $0x0  }
0x1db: {  	[tilespmem:s28], [sflag:$0x1] =	stream.linear.gather [hbm4b:s6+s30], $0x1F40, $0x38;
	[tilespmem:$0x1BE00] =	vst v63  }
.LBB2_8:
0x1dc: {  	_ =	swait.ge [sflag:s21], $0x1F40  }
0x1dd: {  	s0 =	smul.u32 $0x3E80, s31;
	[sflag:s21] =	ssyncset.done $0x0  }
0x1de: {  	[sflag:s21] =	ssyncadd.s32 $0xFFFFE0C0  }
0x1df: {  	s1 =	sshrl.u32 s0, $0x3;
	_ =	swait.ge [sflag:s21], $0x1F40  }
0x1e0: {  	s1 =	sadd.s32 s3, s1;
	[sflag:s21] =	ssyncset.done $0x0  }
0x1e1: {  	s20 =	sadd.s32 $0x3E8, s1;
	[sflag:s21] =	ssyncadd.s32 $0xFFFFE0C0  }
0x1e2: {  	[tilespmem:s22], [sflag:$0x2] =	stream.linear.gather [hbm4b:s20+s30], $0x1F40, $0x38;
	[tilespmem:$0x1BE00] =	vst v63  }
0x1e3: {  	s28 =	simm.s32 $0x50;
	s1 =	sadd.s32 $0x5208, s1  }
0x1e4: {  	[tilespmem:s23], [sflag:$0x2] =	stream.linear.gather [hbm4b:s1+s30], $0x1F40, $0x38;
	[tilespmem:$0x1BE00] =	vst v63  }
0x1e5: {  	v0 =	vld [tilespmem:s28+$0x40]  }
0x1e6: {  	v1 =	vld [tilespmem:s28+$0xFFFFFFC0]  }
0x1e7: {  	s25 =	sand.u32 $0x1FE0, s30;
	v2 =	vld [tilespmem:s28+$0xFFFFFFD0]  }
0x1e8: {  	v3 =	vld [tilespmem:s25+$0x80]  }
0x1e9: {  	v4 =	vld [tilespmem:s28+$0xFFFFFFE0]  }
0x1ea: {  	v5 =	vld [tilespmem:s28+$0xFFFFFFF0]  }
0x1eb: {  	s1 =	simm.s32 $0x3F50;
	v6 =	vld [tilespmem:s28+$0x0]  }
0x1ec: {  	v7 =	vld [tilespmem:s1+$0x40]  }
0x1ed: {  	v9 =	vld [tilespmem:s25+$0x3F80]  }
0x1ee: {  	v10 =	vld [tilespmem:s28+$0x10]  }
0x1ef: {  	v13 =	vld [tilespmem:s28+$0x20]  }
0x1f0: {  	v14 =	vld [tilespmem:s28+$0xFFFFFFB0]  }
0x1f1: {  	v61 =	vld [tilespmem:s1+$0xFFFFFFD0]  }
0x1f2: {  	v62 =	vld [tilespmem:s1+$0xFFFFFFE0]  }
0x1f3: {  	v63 =	vld [tilespmem:s1+$0xFFFFFFF0]  }
0x1f4: {  	v32 =	vld [tilespmem:s1+$0x0]  }
0x1f5: {  	v33 =	vld [tilespmem:s1+$0x10]  }
0x1f6: {  	v23 =	vld [tilespmem:s1+$0x20]  }
0x1f7: {  	v8 =	vld.idx.msk [tilespmem:v0+s17+$0x0], $0xffff  }
0x1f8: {  	v11 =	vld.idx.msk [tilespmem:v3+s17+$0x0], $0xffff  }
0x1f9: {  	v16 =	vld.idx.msk [tilespmem:v1+s17+$0x0], $0xffff  }
0x1fa: {  	v17 =	vld.idx.msk [tilespmem:v2+s17+$0x0], $0xffff  }
0x1fb: {  	v19 =	vld.idx.msk [tilespmem:v4+s17+$0x0], $0xffff  }
0x1fc: {  	v21 =	vld.idx.msk [tilespmem:v14+s17+$0x0], $0xffff  }
0x1fd: {  	v57 =	vld.idx.msk [tilespmem:v5+s17+$0x0], $0xffff  }
0x1fe: {  	v59 =	vld.idx.msk [tilespmem:v6+s17+$0x0], $0xffff  }
0x1ff: {  	v22 =	vld.idx.msk [tilespmem:v10+s17+$0x0], $0xffff  }
0x200: {  	v60 =	vld.idx.msk [tilespmem:v13+s17+$0x0], $0xffff  }
0x201: {  	[tilespmem:v7+s19+$0x0] =	vst.idx.add.f32.msk $0xffff, v8  }
0x202: {  	[tilespmem:v9+s19+$0x0] =	vst.idx.add.f32.msk $0xffff, v11  }
0x203: {  	v11 =	vld [tilespmem:s1+$0xFFFFFFB0]  }
0x204: {  	[tilespmem:v61+s19+$0x0] =	vst.idx.add.f32.msk $0xffff, v17  }
0x205: {  	v12 =	vadd.s32 $0x2800, v0;
	[tilespmem:v62+s19+$0x0] =	vst.idx.add.f32.msk $0xffff, v19  }
0x206: {  	v15 =	vadd.s32 $0x2800, v3;
	[tilespmem:v63+s19+$0x0] =	vst.idx.add.f32.msk $0xffff, v57  }
0x207: {  	v36 =	vadd.s32 $0x2800, v2;
	[tilespmem:v32+s19+$0x0] =	vst.idx.add.f32.msk $0xffff, v59  }
0x208: {  	v37 =	vadd.s32 $0x2800, v4;
	[tilespmem:v33+s19+$0x0] =	vst.idx.add.f32.msk $0xffff, v22  }
0x209: {  	v41 =	vadd.s32 $0x2800, v13;
	[tilespmem:v23+s19+$0x0] =	vst.idx.add.f32.msk $0xffff, v60  }
0x20a: {  	v53 =	vadd.s32 $0x2800, v7;
	v8 =	vld.idx.msk [tilespmem:v12+s17+$0x0], $0xffff  }
0x20b: {  	v18 =	vadd.s32 $0x2800, v9;
	v54 =	vld.idx.msk [tilespmem:v15+s17+$0x0], $0xffff  }
0x20c: {  	v26 =	vadd.s32 $0x2800, v61;
	v15 =	vld.idx.msk [tilespmem:v36+s17+$0x0], $0xffff  }
0x20d: {  	v27 =	vadd.s32 $0x2800, v62;
	v19 =	vld.idx.msk [tilespmem:v37+s17+$0x0], $0xffff  }
0x20e: {  	v43 =	vadd.s32 $0x2800, v23;
	v22 =	vld.idx.msk [tilespmem:v41+s17+$0x0], $0xffff  }
0x20f: {  	v55 =	vadd.s32 $0x5000, v0;
	[tilespmem:v53+s19+$0x0] =	vst.idx.add.f32.msk $0xffff, v8  }
0x210: {  	v20 =	vadd.s32 $0x5000, v3;
	[tilespmem:v18+s19+$0x0] =	vst.idx.add.f32.msk $0xffff, v54  }
0x211: {  	v38 =	vadd.s32 $0x2800, v5;
	[tilespmem:v26+s19+$0x0] =	vst.idx.add.f32.msk $0xffff, v15  }
0x212: {  	v51 =	vadd.s32 $0x5000, v13;
	[tilespmem:v27+s19+$0x0] =	vst.idx.add.f32.msk $0xffff, v19  }
0x213: {  	[tilespmem:v43+s19+$0x0] =	vst.idx.add.f32.msk $0xffff, v22  }
0x214: {  	v40 =	vadd.s32 $0x2800, v10;
	v8 =	vld.idx.msk [tilespmem:v55+s17+$0x0], $0xffff  }
0x215: {  	v56 =	vadd.s32 $0x5000, v7;
	v12 =	vld.idx.msk [tilespmem:v20+s17+$0x0], $0xffff  }
0x216: {  	v58 =	vadd.s32 $0x5000, v9;
	v20 =	vld.idx.msk [tilespmem:v38+s17+$0x0], $0xffff  }
0x217: {  	v22 =	vld.idx.msk [tilespmem:v51+s17+$0x0], $0xffff  }
0x218: {  	v39 =	vadd.s32 $0x2800, v6;
	[tilespmem:v11+s19+$0x0] =	vst.idx.add.f32.msk $0xffff, v21  }
0x219: {  	v28 =	vadd.s32 $0x2800, v63;
	v21 =	vld.idx.msk [tilespmem:v40+s17+$0x0], $0xffff  }
0x21a: {  	v46 =	vadd.s32 $0x5000, v2;
	[tilespmem:v56+s19+$0x0] =	vst.idx.add.f32.msk $0xffff, v8  }
0x21b: {  	v59 =	vadd.s32 $0x5000, v23;
	[tilespmem:v58+s19+$0x0] =	vst.idx.add.f32.msk $0xffff, v12  }
0x21c: {  	v0 =	vadd.s32 $0x7800, v0;
	v12 =	vld [tilespmem:s1+$0xFFFFFFC0]  }
0x21d: {  	v3 =	vadd.s32 $0x7800, v3;
	v8 =	vld.idx.msk [tilespmem:v39+s17+$0x0], $0xffff  }
0x21e: {  	v42 =	vadd.s32 $0x2800, v33;
	[tilespmem:v28+s19+$0x0] =	vst.idx.add.f32.msk $0xffff, v20  }
0x21f: {  	v13 =	vadd.s32 $0x7800, v13;
	v20 =	vld.idx.msk [tilespmem:v46+s17+$0x0], $0xffff  }
0x220: {  	v50 =	vadd.s32 $0x5000, v10;
	[tilespmem:v59+s19+$0x0] =	vst.idx.add.f32.msk $0xffff, v22  }
0x221: {  	v29 =	vadd.s32 $0x2800, v32;
	v0 =	vld.idx.msk [tilespmem:v0+s17+$0x0], $0xffff  }
0x222: {  	v47 =	vadd.s32 $0x5000, v4;
	v3 =	vld.idx.msk [tilespmem:v3+s17+$0x0], $0xffff  }
0x223: {  	v54 =	vadd.s32 $0x5000, v61;
	[tilespmem:v42+s19+$0x0] =	vst.idx.add.f32.msk $0xffff, v21  }
0x224: {  	v7 =	vadd.s32 $0x7800, v7;
	v13 =	vld.idx.msk [tilespmem:v13+s17+$0x0], $0xffff  }
0x225: {  	v9 =	vadd.s32 $0x7800, v9;
	v21 =	vld.idx.msk [tilespmem:v50+s17+$0x0], $0xffff  }
0x226: {  	v2 =	vadd.s32 $0x7800, v2;
	[tilespmem:v29+s19+$0x0] =	vst.idx.add.f32.msk $0xffff, v8  }
0x227: {  	v58 =	vadd.s32 $0x5000, v33;
	v8 =	vld.idx.msk [tilespmem:v47+s17+$0x0], $0xffff  }
0x228: {  	[tilespmem:v54+s19+$0x0] =	vst.idx.add.f32.msk $0xffff, v20  }
0x229: {  	v34 =	vadd.s32 $0x2800, v14;
	[tilespmem:v7+s19+$0x0] =	vst.idx.add.f32.msk $0xffff, v0  }
0x22a: {  	v10 =	vadd.s32 $0x7800, v10;
	[tilespmem:v9+s19+$0x0] =	vst.idx.add.f32.msk $0xffff, v3  }
0x22b: {  	v35 =	vadd.s32 $0x2800, v1;
	v2 =	vld.idx.msk [tilespmem:v2+s17+$0x0], $0xffff  }
0x22c: {  	v55 =	vadd.s32 $0x5000, v62;
	[tilespmem:v58+s19+$0x0] =	vst.idx.add.f32.msk $0xffff, v21  }
0x22d: {  	v4 =	vadd.s32 $0x7800, v4;
	[tilespmem:v12+s19+$0x0] =	vst.idx.add.f32.msk $0xffff, v16  }
0x22e: {  	v61 =	vadd.s32 $0x7800, v61;
	v16 =	vld.idx.msk [tilespmem:v34+s17+$0x0], $0xffff  }
0x22f: {  	v56 =	vadd.s32 $0x5000, v63;
	v3 =	vadd.s32 $0x7800, v63;
	v63 =	vadd.s32 $0x7800, v23;
	v10 =	vld.idx.msk [tilespmem:v10+s17+$0x0], $0xffff  }
0x230: {  	v24 =	vadd.s32 $0x2800, v11;
	v17 =	vld.idx.msk [tilespmem:v35+s17+$0x0], $0xffff  }
0x231: {  	v48 =	vadd.s32 $0x5000, v5;
	[tilespmem:v55+s19+$0x0] =	vst.idx.add.f32.msk $0xffff, v8  }
0x232: {  	v25 =	vadd.s32 $0x2800, v12;
	v4 =	vld.idx.msk [tilespmem:v4+s17+$0x0], $0xffff  }
0x233: {  	v44 =	vadd.s32 $0x5000, v14;
	[tilespmem:v61+s19+$0x0] =	vst.idx.add.f32.msk $0xffff, v2  }
0x234: {  	v49 =	vadd.s32 $0x5000, v6;
	[tilespmem:v63+s19+$0x0] =	vst.idx.add.f32.msk $0xffff, v13  }
0x235: {  	v0 =	vadd.s32 $0x7800, v62;
	v62 =	vadd.s32 $0x7800, v33;
	[tilespmem:v24+s19+$0x0] =	vst.idx.add.f32.msk $0xffff, v16  }
0x236: {  	v45 =	vadd.s32 $0x5000, v1;
	v16 =	vld.idx.msk [tilespmem:v48+s17+$0x0], $0xffff  }
0x237: {  	[tilespmem:v25+s19+$0x0] =	vst.idx.add.f32.msk $0xffff, v17  }
0x238: {  	v52 =	vadd.s32 $0x5000, v11;
	v15 =	vld.idx.msk [tilespmem:v44+s17+$0x0], $0xffff  }
0x239: {  	v57 =	vadd.s32 $0x5000, v32;
	v17 =	vld.idx.msk [tilespmem:v49+s17+$0x0], $0xffff  }
0x23a: {  	v5 =	vadd.s32 $0x7800, v5;
	[tilespmem:v62+s19+$0x0] =	vst.idx.add.f32.msk $0xffff, v10  }
0x23b: {  	v53 =	vadd.s32 $0x5000, v12;
	v19 =	vld.idx.msk [tilespmem:v45+s17+$0x0], $0xffff  }
0x23c: {  	v14 =	vadd.s32 $0x7800, v14;
	[tilespmem:v56+s19+$0x0] =	vst.idx.add.f32.msk $0xffff, v16  }
0x23d: {  	v6 =	vadd.s32 $0x7800, v6;
	[tilespmem:v52+s19+$0x0] =	vst.idx.add.f32.msk $0xffff, v15  }
0x23e: {  	v1 =	vadd.s32 $0x7800, v1;
	[tilespmem:v57+s19+$0x0] =	vst.idx.add.f32.msk $0xffff, v17  }
0x23f: {  	v5 =	vld.idx.msk [tilespmem:v5+s17+$0x0], $0xffff  }
0x240: {  	[tilespmem:v53+s19+$0x0] =	vst.idx.add.f32.msk $0xffff, v19  }
0x241: {  	v11 =	vadd.s32 $0x7800, v11;
	v60 =	vld.idx.msk [tilespmem:v14+s17+$0x0], $0xffff  }
0x242: {  	v7 =	vadd.s32 $0x7800, v32;
	v6 =	vld.idx.msk [tilespmem:v6+s17+$0x0], $0xffff  }
0x243: {  	v12 =	vadd.s32 $0x7800, v12;
	v1 =	vld.idx.msk [tilespmem:v1+s17+$0x0], $0xffff  }
0x244: {  	[tilespmem:v0+s19+$0x0] =	vst.idx.add.f32.msk $0xffff, v4  }
0x245: {  	[tilespmem:v3+s19+$0x0] =	vst.idx.add.f32.msk $0xffff, v5  }
0x246: {  	[tilespmem:v11+s19+$0x0] =	vst.idx.add.f32.msk $0xffff, v60  }
0x247: {  	[tilespmem:v7+s19+$0x0] =	vst.idx.add.f32.msk $0xffff, v6  }
0x248: {  	s26 =	simm.s32 $0x0;
	s20 =	simm.s32 $0x0;
	s25 =	simm.s32 $0xF0;
	[tilespmem:v12+s19+$0x0] =	vst.idx.add.f32.msk $0xffff, v1  }
.LBB2_9:
0x249: {  	v22 =	vld [tilespmem:s25+$0x40]  }
0x24a: {  	s26 =	sadd.s32 $0xA0, s26;
	v5 =	vld [tilespmem:s25+$0xFFFFFFC0]  }
0x24b: {  	s20 =	sadd.s32 $0xA, s20;
	s28 =	sand.u32 $0x1FE0, s26;
	v9 =	vld [tilespmem:s25+$0xFFFFFFD0]  }
0x24c: {  	p0 =	slt.u32 s20, $0x1EA;
	v23 =	vld [tilespmem:s28+$0x80]  }
0x24d: {  	v24 =	vld [tilespmem:s25+$0xFFFFFFE0]  }
0x24e: {  	v25 =	vld [tilespmem:s25+$0xFFFFFFF0]  }
0x24f: {  	s1 =	sadd.s32 $0xA0, s1;
	v14 =	vadd.s32 $0x2800, v5;
	v6 =	vadd.s32 $0x5000, v5;
	v0 =	vadd.s32 $0x7800, v5;
	v26 =	vld [tilespmem:s25+$0x0]  }
0x250: {  	v16 =	vadd.s32 $0x2800, v9;
	v7 =	vadd.s32 $0x5000, v9;
	v1 =	vadd.s32 $0x7800, v9;
	v27 =	vld [tilespmem:s1+$0x40]  }
0x251: {  	v12 =	vld.idx.msk [tilespmem:v22+s17+$0x0], $0xffff  }
0x252: {  	v17 =	vadd.s32 $0x2800, v24;
	v8 =	vadd.s32 $0x5000, v24;
	v2 =	vadd.s32 $0x7800, v24;
	v28 =	vld [tilespmem:s28+$0x3F80]  }
0x253: {  	v18 =	vadd.s32 $0x2800, v25;
	v10 =	vadd.s32 $0x5000, v25;
	v3 =	vadd.s32 $0x7800, v25;
	v29 =	vld [tilespmem:s25+$0x10]  }
0x254: {  	v15 =	vadd.s32 $0x2800, v22;
	v19 =	vadd.s32 $0x2800, v26;
	v11 =	vadd.s32 $0x5000, v26;
	v20 =	vld.idx.msk [tilespmem:v23+s17+$0x0], $0xffff  }
0x255: {  	v4 =	vadd.s32 $0x7800, v26;
	v30 =	vld [tilespmem:s25+$0x20]  }
0x256: {  	v32 =	vadd.s32 $0x2800, v23;
	v31 =	vld [tilespmem:s25+$0xFFFFFFB0]  }
0x257: {  	v33 =	vld.idx.msk [tilespmem:v5+s17+$0x0], $0xffff  }
0x258: {  	v21 =	vadd.s32 $0x2800, v29;
	v13 =	vadd.s32 $0x5000, v29;
	v5 =	vadd.s32 $0x7800, v29;
	[tilespmem:v27+s19+$0x0] =	vst.idx.add.f32.msk $0xffff, v12  }
0x259: {  	v34 =	vld.idx.msk [tilespmem:v15+s17+$0x0], $0xffff  }
0x25a: {  	v36 =	vadd.s32 $0x2800, v27;
	v35 =	vadd.s32 $0x2800, v30;
	v15 =	vadd.s32 $0x5000, v30;
	[tilespmem:v28+s19+$0x0] =	vst.idx.add.f32.msk $0xffff, v20  }
0x25b: {  	v38 =	vadd.s32 $0x5000, v22;
	v37 =	vadd.s32 $0x2800, v31;
	v20 =	vadd.s32 $0x5000, v31;
	v32 =	vld.idx.msk [tilespmem:v32+s17+$0x0], $0xffff  }
0x25c: {  	v40 =	vadd.s32 $0x2800, v28;
	v12 =	vadd.s32 $0x7800, v31;
	v39 =	vld.idx.msk [tilespmem:v9+s17+$0x0], $0xffff;
	v9 =	vadd.s32 $0x7800, v30  }
0x25d: {  	v41 =	vadd.s32 $0x5000, v23;
	v24 =	vld.idx.msk [tilespmem:v24+s17+$0x0], $0xffff  }
0x25e: {  	v31 =	vld.idx.msk [tilespmem:v31+s17+$0x0], $0xffff  }
0x25f: {  	[tilespmem:v36+s19+$0x0] =	vst.idx.add.f32.msk $0xffff, v34  }
0x260: {  	v34 =	vld.idx.msk [tilespmem:v38+s17+$0x0], $0xffff  }
0x261: {  	[tilespmem:v40+s19+$0x0] =	vst.idx.add.f32.msk $0xffff, v32;
	v32 =	vadd.s32 $0x5000, v27  }
0x262: {  	v22 =	vadd.s32 $0x7800, v22;
	v36 =	vld.idx.msk [tilespmem:v41+s17+$0x0], $0xffff  }
0x263: {  	v38 =	vadd.s32 $0x5000, v28;
	v25 =	vld.idx.msk [tilespmem:v25+s17+$0x0], $0xffff  }
0x264: {  	v23 =	vadd.s32 $0x7800, v23;
	v26 =	vld.idx.msk [tilespmem:v26+s17+$0x0], $0xffff  }
0x265: {  	v29 =	vld.idx.msk [tilespmem:v29+s17+$0x0], $0xffff  }
0x266: {  	[tilespmem:v32+s19+$0x0] =	vst.idx.add.f32.msk $0xffff, v34  }
0x267: {  	v22 =	vld.idx.msk [tilespmem:v22+s17+$0x0], $0xffff  }
0x268: {  	[tilespmem:v38+s19+$0x0] =	vst.idx.add.f32.msk $0xffff, v36  }
0x269: {  	v27 =	vadd.s32 $0x7800, v27;
	v23 =	vld.idx.msk [tilespmem:v23+s17+$0x0], $0xffff  }
0x26a: {  	v28 =	vadd.s32 $0x7800, v28;
	v30 =	vld.idx.msk [tilespmem:v30+s17+$0x0], $0xffff  }
0x26b: {  	v32 =	vld [tilespmem:s1+$0xFFFFFFB0]  }
0x26c: {  	v34 =	vld [tilespmem:s1+$0xFFFFFFC0]  }
0x26d: {  	v36 =	vld [tilespmem:s1+$0xFFFFFFD0]  }
0x26e: {  	[tilespmem:v27+s19+$0x0] =	vst.idx.add.f32.msk $0xffff, v22  }
0x26f: {  	[tilespmem:v28+s19+$0x0] =	vst.idx.add.f32.msk $0xffff, v23  }
0x270: {  	v22 =	vadd.s32 $0x2800, v32;
	v23 =	vadd.s32 $0x5000, v32;
	v27 =	vadd.s32 $0x7800, v32;
	v28 =	vld [tilespmem:s1+$0xFFFFFFE0]  }
0x271: {  	v38 =	vadd.s32 $0x2800, v34;
	v40 =	vadd.s32 $0x5000, v34;
	v41 =	vadd.s32 $0x7800, v34;
	v42 =	vld [tilespmem:s1+$0xFFFFFFF0]  }
0x272: {  	v43 =	vadd.s32 $0x2800, v36;
	v44 =	vadd.s32 $0x5000, v36;
	v45 =	vadd.s32 $0x7800, v36;
	v46 =	vld [tilespmem:s1+$0x0]  }
0x273: {  	v47 =	vld [tilespmem:s1+$0x10]  }
0x274: {  	v48 =	vld [tilespmem:s1+$0x20]  }
0x275: {  	[tilespmem:v32+s19+$0x0] =	vst.idx.add.f32.msk $0xffff, v31;
	v31 =	vadd.s32 $0x2800, v28;
	v32 =	vadd.s32 $0x5000, v28;
	v49 =	vadd.s32 $0x7800, v28  }
0x276: {  	[tilespmem:v34+s19+$0x0] =	vst.idx.add.f32.msk $0xffff, v33;
	v33 =	vadd.s32 $0x2800, v42;
	v34 =	vadd.s32 $0x5000, v42;
	v50 =	vadd.s32 $0x7800, v42  }
0x277: {  	[tilespmem:v36+s19+$0x0] =	vst.idx.add.f32.msk $0xffff, v39;
	v36 =	vadd.s32 $0x2800, v46;
	v39 =	vadd.s32 $0x5000, v46;
	v51 =	vadd.s32 $0x7800, v46  }
0x278: {  	[tilespmem:v28+s19+$0x0] =	vst.idx.add.f32.msk $0xffff, v24;
	v24 =	vadd.s32 $0x2800, v47;
	v28 =	vadd.s32 $0x5000, v47;
	v52 =	vadd.s32 $0x7800, v47  }
0x279: {  	[tilespmem:v42+s19+$0x0] =	vst.idx.add.f32.msk $0xffff, v25;
	v25 =	vadd.s32 $0x2800, v48;
	v42 =	vadd.s32 $0x5000, v48;
	v53 =	vadd.s32 $0x7800, v48  }
0x27a: {  	[tilespmem:v46+s19+$0x0] =	vst.idx.add.f32.msk $0xffff, v26  }
0x27b: {  	[tilespmem:v47+s19+$0x0] =	vst.idx.add.f32.msk $0xffff, v29  }
0x27c: {  	[tilespmem:v48+s19+$0x0] =	vst.idx.add.f32.msk $0xffff, v30  }
0x27d: {  	v26 =	vld.idx.msk [tilespmem:v37+s17+$0x0], $0xffff  }
0x27e: {  	v14 =	vld.idx.msk [tilespmem:v14+s17+$0x0], $0xffff  }
0x27f: {  	v16 =	vld.idx.msk [tilespmem:v16+s17+$0x0], $0xffff  }
0x280: {  	v17 =	vld.idx.msk [tilespmem:v17+s17+$0x0], $0xffff  }
0x281: {  	v18 =	vld.idx.msk [tilespmem:v18+s17+$0x0], $0xffff  }
0x282: {  	v19 =	vld.idx.msk [tilespmem:v19+s17+$0x0], $0xffff  }
0x283: {  	v21 =	vld.idx.msk [tilespmem:v21+s17+$0x0], $0xffff  }
0x284: {  	v29 =	vld.idx.msk [tilespmem:v35+s17+$0x0], $0xffff  }
0x285: {  	[tilespmem:v22+s19+$0x0] =	vst.idx.add.f32.msk $0xffff, v26  }
0x286: {  	[tilespmem:v38+s19+$0x0] =	vst.idx.add.f32.msk $0xffff, v14  }
0x287: {  	[tilespmem:v43+s19+$0x0] =	vst.idx.add.f32.msk $0xffff, v16  }
0x288: {  	[tilespmem:v31+s19+$0x0] =	vst.idx.add.f32.msk $0xffff, v17  }
0x289: {  	[tilespmem:v33+s19+$0x0] =	vst.idx.add.f32.msk $0xffff, v18  }
0x28a: {  	[tilespmem:v36+s19+$0x0] =	vst.idx.add.f32.msk $0xffff, v19  }
0x28b: {  	[tilespmem:v24+s19+$0x0] =	vst.idx.add.f32.msk $0xffff, v21  }
0x28c: {  	[tilespmem:v25+s19+$0x0] =	vst.idx.add.f32.msk $0xffff, v29  }
0x28d: {  	v14 =	vld.idx.msk [tilespmem:v20+s17+$0x0], $0xffff  }
0x28e: {  	v6 =	vld.idx.msk [tilespmem:v6+s17+$0x0], $0xffff  }
0x28f: {  	v7 =	vld.idx.msk [tilespmem:v7+s17+$0x0], $0xffff  }
0x290: {  	v8 =	vld.idx.msk [tilespmem:v8+s17+$0x0], $0xffff  }
0x291: {  	v10 =	vld.idx.msk [tilespmem:v10+s17+$0x0], $0xffff  }
0x292: {  	v11 =	vld.idx.msk [tilespmem:v11+s17+$0x0], $0xffff  }
0x293: {  	v13 =	vld.idx.msk [tilespmem:v13+s17+$0x0], $0xffff  }
0x294: {  	v15 =	vld.idx.msk [tilespmem:v15+s17+$0x0], $0xffff  }
0x295: {  	[tilespmem:v23+s19+$0x0] =	vst.idx.add.f32.msk $0xffff, v14  }
0x296: {  	[tilespmem:v40+s19+$0x0] =	vst.idx.add.f32.msk $0xffff, v6  }
0x297: {  	[tilespmem:v44+s19+$0x0] =	vst.idx.add.f32.msk $0xffff, v7  }
0x298: {  	[tilespmem:v32+s19+$0x0] =	vst.idx.add.f32.msk $0xffff, v8  }
0x299: {  	[tilespmem:v34+s19+$0x0] =	vst.idx.add.f32.msk $0xffff, v10  }
0x29a: {  	[tilespmem:v39+s19+$0x0] =	vst.idx.add.f32.msk $0xffff, v11  }
0x29b: {  	[tilespmem:v28+s19+$0x0] =	vst.idx.add.f32.msk $0xffff, v13  }
0x29c: {  	[tilespmem:v42+s19+$0x0] =	vst.idx.add.f32.msk $0xffff, v15  }
0x29d: {  	v6 =	vld.idx.msk [tilespmem:v12+s17+$0x0], $0xffff  }
0x29e: {  	v0 =	vld.idx.msk [tilespmem:v0+s17+$0x0], $0xffff  }
0x29f: {  	v1 =	vld.idx.msk [tilespmem:v1+s17+$0x0], $0xffff  }
0x2a0: {  	v2 =	vld.idx.msk [tilespmem:v2+s17+$0x0], $0xffff  }
0x2a1: {  	v3 =	vld.idx.msk [tilespmem:v3+s17+$0x0], $0xffff  }
0x2a2: {  	v4 =	vld.idx.msk [tilespmem:v4+s17+$0x0], $0xffff  }
0x2a3: {  	v5 =	vld.idx.msk [tilespmem:v5+s17+$0x0], $0xffff  }
0x2a4: {  	v7 =	vld.idx.msk [tilespmem:v9+s17+$0x0], $0xffff  }
0x2a5: {  	[tilespmem:v27+s19+$0x0] =	vst.idx.add.f32.msk $0xffff, v6  }
0x2a6: {  	[tilespmem:v41+s19+$0x0] =	vst.idx.add.f32.msk $0xffff, v0  }
0x2a7: {  	[tilespmem:v45+s19+$0x0] =	vst.idx.add.f32.msk $0xffff, v1  }
.Ltmp3:
0x2a8: {  	[tilespmem:v49+s19+$0x0] =	vst.idx.add.f32.msk $0xffff, v2;
	(pc) =	sbr.rel @p0 .LBB2_9-.Ltmp3, $4  }
0x2a9: {  	[tilespmem:v50+s19+$0x0] =	vst.idx.add.f32.msk $0xffff, v3  }
0x2aa: {  	[tilespmem:v51+s19+$0x0] =	vst.idx.add.f32.msk $0xffff, v4  }
0x2ab: {  	[tilespmem:v52+s19+$0x0] =	vst.idx.add.f32.msk $0xffff, v5  }
0x2ac: {  	s25 =	sadd.s32 $0xA0, s25;
	[tilespmem:v53+s19+$0x0] =	vst.idx.add.f32.msk $0xffff, v7  }
0x2ad: {  	_ =	swait.ge [sflag:s24], $0x1F40  }
0x2ae: {  	[sflag:s24] =	ssyncset.done $0x0  }
0x2af: {  	p0 =	seq.s32 s31, $0x9;
	[sflag:s24] =	ssyncadd.s32 $0xFFFFE0C0  }
0x2b0: {  	s0 =	sshrl.u32 @!p0 s0, $0x3;
	_ =	swait.ge [sflag:s24], $0x1F40  }
0x2b1: {  	s0 =	sadd.s32 @!p0 s3, s0;
	[sflag:s24] =	ssyncset.done $0x0  }
0x2b2: {  	s20 =	simm.s32 @!p0 $0x0;
	s1 =	sadd.s32 @!p0 $0x7D0, s0;
	[sflag:s24] =	ssyncadd.s32 $0xFFFFE0C0  }
0x2b3: {  	[tilespmem:s20], [sflag:$0x1] =	stream.linear.gather @!p0 [hbm4b:s1+s20], $0x1F40, $0x38;
	[tilespmem:$0x1BE00] =	vst v63  }
0x2b4: {  	s28 =	simm.s32 $0x1FD0;
	s0 =	sadd.s32 @!p0 $0x55F0, s0;
	s1 =	simm.s32 @!p0 $0x3F00  }
0x2b5: {  	[tilespmem:s1], [sflag:$0x1] =	stream.linear.gather @!p0 [hbm4b:s0+s20], $0x1F40, $0x38;
	[tilespmem:$0x1BE00] =	vst v63  }
0x2b6: {  	v0 =	vld [tilespmem:s28+$0x40]  }
0x2b7: {  	v1 =	vld [tilespmem:s28+$0xFFFFFFC0]  }
0x2b8: {  	v2 =	vld [tilespmem:s28+$0xFFFFFFD0]  }
0x2b9: {  	v4 =	vld [tilespmem:s28+$0xFFFFFFE0]  }
0x2ba: {  	v5 =	vld [tilespmem:s28+$0xFFFFFFF0]  }
0x2bb: {  	s1 =	simm.s32 $0x5ED0;
	v6 =	vld [tilespmem:s28+$0x0]  }
0x2bc: {  	v7 =	vld [tilespmem:s1+$0x40]  }
0x2bd: {  	v10 =	vld [tilespmem:s28+$0x10]  }
0x2be: {  	v13 =	vld [tilespmem:s28+$0x20]  }
0x2bf: {  	v14 =	vld [tilespmem:s28+$0xFFFFFFB0]  }
0x2c0: {  	v61 =	vld [tilespmem:s1+$0xFFFFFFD0]  }
0x2c1: {  	v62 =	vld [tilespmem:s1+$0xFFFFFFE0]  }
0x2c2: {  	v63 =	vld [tilespmem:s1+$0xFFFFFFF0]  }
0x2c3: {  	v32 =	vld [tilespmem:s1+$0x0]  }
0x2c4: {  	s0 =	simm.s32 $0x0;
	v33 =	vld [tilespmem:s1+$0x10]  }
0x2c5: {  	s25 =	sand.u32 $0x1FE0, s0;
	v23 =	vld [tilespmem:s1+$0x20]  }
0x2c6: {  	v3 =	vld [tilespmem:s25+$0x2000]  }
0x2c7: {  	v9 =	vld [tilespmem:s25+$0x5F00]  }
0x2c8: {  	v8 =	vld.idx.msk [tilespmem:v0+s17+$0x0], $0xffff  }
0x2c9: {  	v16 =	vld.idx.msk [tilespmem:v1+s17+$0x0], $0xffff  }
0x2ca: {  	v17 =	vld.idx.msk [tilespmem:v2+s17+$0x0], $0xffff  }
0x2cb: {  	v19 =	vld.idx.msk [tilespmem:v4+s17+$0x0], $0xffff  }
0x2cc: {  	v21 =	vld.idx.msk [tilespmem:v14+s17+$0x0], $0xffff  }
0x2cd: {  	v57 =	vld.idx.msk [tilespmem:v5+s17+$0x0], $0xffff  }
0x2ce: {  	v59 =	vld.idx.msk [tilespmem:v6+s17+$0x0], $0xffff  }
0x2cf: {  	v22 =	vld.idx.msk [tilespmem:v10+s17+$0x0], $0xffff  }
0x2d0: {  	v60 =	vld.idx.msk [tilespmem:v13+s17+$0x0], $0xffff  }
0x2d1: {  	v11 =	vld.idx.msk [tilespmem:v3+s17+$0x0], $0xffff  }
0x2d2: {  	[tilespmem:v7+s19+$0x0] =	vst.idx.add.f32.msk $0xffff, v8  }
0x2d3: {  	[tilespmem:v61+s19+$0x0] =	vst.idx.add.f32.msk $0xffff, v17  }
0x2d4: {  	v12 =	vadd.s32 $0x2800, v0;
	[tilespmem:v62+s19+$0x0] =	vst.idx.add.f32.msk $0xffff, v19  }
0x2d5: {  	[tilespmem:v63+s19+$0x0] =	vst.idx.add.f32.msk $0xffff, v57  }
0x2d6: {  	[tilespmem:v32+s19+$0x0] =	vst.idx.add.f32.msk $0xffff, v59  }
0x2d7: {  	v37 =	vadd.s32 $0x2800, v4;
	[tilespmem:v33+s19+$0x0] =	vst.idx.add.f32.msk $0xffff, v22  }
0x2d8: {  	v41 =	vadd.s32 $0x2800, v13;
	[tilespmem:v23+s19+$0x0] =	vst.idx.add.f32.msk $0xffff, v60  }
0x2d9: {  	v15 =	vadd.s32 $0x2800, v3;
	v8 =	vld.idx.msk [tilespmem:v12+s17+$0x0], $0xffff  }
0x2da: {  	v36 =	vadd.s32 $0x2800, v2;
	[tilespmem:v9+s19+$0x0] =	vst.idx.add.f32.msk $0xffff, v11  }
0x2db: {  	v53 =	vadd.s32 $0x2800, v7;
	v11 =	vld [tilespmem:s1+$0xFFFFFFB0]  }
0x2dc: {  	v27 =	vadd.s32 $0x2800, v62;
	v19 =	vld.idx.msk [tilespmem:v37+s17+$0x0], $0xffff  }
0x2dd: {  	v43 =	vadd.s32 $0x2800, v23;
	v22 =	vld.idx.msk [tilespmem:v41+s17+$0x0], $0xffff  }
0x2de: {  	v55 =	vadd.s32 $0x5000, v0;
	v54 =	vld.idx.msk [tilespmem:v15+s17+$0x0], $0xffff  }
0x2df: {  	v18 =	vadd.s32 $0x2800, v9;
	v15 =	vld.idx.msk [tilespmem:v36+s17+$0x0], $0xffff  }
0x2e0: {  	v26 =	vadd.s32 $0x2800, v61;
	[tilespmem:v53+s19+$0x0] =	vst.idx.add.f32.msk $0xffff, v8  }
0x2e1: {  	v51 =	vadd.s32 $0x5000, v13;
	[tilespmem:v27+s19+$0x0] =	vst.idx.add.f32.msk $0xffff, v19  }
0x2e2: {  	v20 =	vadd.s32 $0x5000, v3;
	[tilespmem:v43+s19+$0x0] =	vst.idx.add.f32.msk $0xffff, v22  }
0x2e3: {  	v38 =	vadd.s32 $0x2800, v5;
	v8 =	vld.idx.msk [tilespmem:v55+s17+$0x0], $0xffff  }
0x2e4: {  	[tilespmem:v18+s19+$0x0] =	vst.idx.add.f32.msk $0xffff, v54  }
0x2e5: {  	v40 =	vadd.s32 $0x2800, v10;
	[tilespmem:v26+s19+$0x0] =	vst.idx.add.f32.msk $0xffff, v15  }
0x2e6: {  	v56 =	vadd.s32 $0x5000, v7;
	v22 =	vld.idx.msk [tilespmem:v51+s17+$0x0], $0xffff  }
0x2e7: {  	v39 =	vadd.s32 $0x2800, v6;
	v12 =	vld.idx.msk [tilespmem:v20+s17+$0x0], $0xffff  }
0x2e8: {  	v59 =	vadd.s32 $0x5000, v23;
	v20 =	vld.idx.msk [tilespmem:v38+s17+$0x0], $0xffff  }
0x2e9: {  	v0 =	vadd.s32 $0x7800, v0;
	[tilespmem:v11+s19+$0x0] =	vst.idx.add.f32.msk $0xffff, v21  }
0x2ea: {  	v58 =	vadd.s32 $0x5000, v9;
	v21 =	vld.idx.msk [tilespmem:v40+s17+$0x0], $0xffff  }
0x2eb: {  	[tilespmem:v56+s19+$0x0] =	vst.idx.add.f32.msk $0xffff, v8  }
0x2ec: {  	v28 =	vadd.s32 $0x2800, v63;
	v8 =	vld.idx.msk [tilespmem:v39+s17+$0x0], $0xffff  }
0x2ed: {  	v46 =	vadd.s32 $0x5000, v2;
	[tilespmem:v59+s19+$0x0] =	vst.idx.add.f32.msk $0xffff, v22  }
0x2ee: {  	v13 =	vadd.s32 $0x7800, v13;
	v0 =	vld.idx.msk [tilespmem:v0+s17+$0x0], $0xffff  }
0x2ef: {  	v3 =	vadd.s32 $0x7800, v3;
	[tilespmem:v58+s19+$0x0] =	vst.idx.add.f32.msk $0xffff, v12  }
0x2f0: {  	v42 =	vadd.s32 $0x2800, v33;
	v12 =	vld [tilespmem:s1+$0xFFFFFFC0]  }
0x2f1: {  	v50 =	vadd.s32 $0x5000, v10;
	[tilespmem:v28+s19+$0x0] =	vst.idx.add.f32.msk $0xffff, v20  }
0x2f2: {  	v29 =	vadd.s32 $0x2800, v32;
	v20 =	vld.idx.msk [tilespmem:v46+s17+$0x0], $0xffff  }
0x2f3: {  	v47 =	vadd.s32 $0x5000, v4;
	v13 =	vld.idx.msk [tilespmem:v13+s17+$0x0], $0xffff  }
0x2f4: {  	v7 =	vadd.s32 $0x7800, v7;
	v3 =	vld.idx.msk [tilespmem:v3+s17+$0x0], $0xffff  }
0x2f5: {  	v54 =	vadd.s32 $0x5000, v61;
	[tilespmem:v42+s19+$0x0] =	vst.idx.add.f32.msk $0xffff, v21  }
0x2f6: {  	v9 =	vadd.s32 $0x7800, v9;
	v21 =	vld.idx.msk [tilespmem:v50+s17+$0x0], $0xffff  }
0x2f7: {  	v2 =	vadd.s32 $0x7800, v2;
	[tilespmem:v29+s19+$0x0] =	vst.idx.add.f32.msk $0xffff, v8  }
0x2f8: {  	v58 =	vadd.s32 $0x5000, v33;
	v8 =	vld.idx.msk [tilespmem:v47+s17+$0x0], $0xffff  }
0x2f9: {  	[tilespmem:v7+s19+$0x0] =	vst.idx.add.f32.msk $0xffff, v0  }
0x2fa: {  	v34 =	vadd.s32 $0x2800, v14;
	[tilespmem:v54+s19+$0x0] =	vst.idx.add.f32.msk $0xffff, v20  }
0x2fb: {  	v10 =	vadd.s32 $0x7800, v10;
	[tilespmem:v9+s19+$0x0] =	vst.idx.add.f32.msk $0xffff, v3  }
0x2fc: {  	v35 =	vadd.s32 $0x2800, v1;
	v2 =	vld.idx.msk [tilespmem:v2+s17+$0x0], $0xffff  }
0x2fd: {  	v55 =	vadd.s32 $0x5000, v62;
	[tilespmem:v58+s19+$0x0] =	vst.idx.add.f32.msk $0xffff, v21  }
0x2fe: {  	v4 =	vadd.s32 $0x7800, v4;
	[tilespmem:v12+s19+$0x0] =	vst.idx.add.f32.msk $0xffff, v16  }
0x2ff: {  	v61 =	vadd.s32 $0x7800, v61;
	v16 =	vld.idx.msk [tilespmem:v34+s17+$0x0], $0xffff  }
0x300: {  	v56 =	vadd.s32 $0x5000, v63;
	v3 =	vadd.s32 $0x7800, v63;
	v63 =	vadd.s32 $0x7800, v23;
	v10 =	vld.idx.msk [tilespmem:v10+s17+$0x0], $0xffff  }
0x301: {  	v24 =	vadd.s32 $0x2800, v11;
	v17 =	vld.idx.msk [tilespmem:v35+s17+$0x0], $0xffff  }
0x302: {  	v48 =	vadd.s32 $0x5000, v5;
	[tilespmem:v55+s19+$0x0] =	vst.idx.add.f32.msk $0xffff, v8  }
0x303: {  	v25 =	vadd.s32 $0x2800, v12;
	v4 =	vld.idx.msk [tilespmem:v4+s17+$0x0], $0xffff  }
0x304: {  	v44 =	vadd.s32 $0x5000, v14;
	[tilespmem:v61+s19+$0x0] =	vst.idx.add.f32.msk $0xffff, v2  }
0x305: {  	v49 =	vadd.s32 $0x5000, v6;
	[tilespmem:v63+s19+$0x0] =	vst.idx.add.f32.msk $0xffff, v13  }
0x306: {  	v0 =	vadd.s32 $0x7800, v62;
	v62 =	vadd.s32 $0x7800, v33;
	[tilespmem:v24+s19+$0x0] =	vst.idx.add.f32.msk $0xffff, v16  }
0x307: {  	v45 =	vadd.s32 $0x5000, v1;
	v16 =	vld.idx.msk [tilespmem:v48+s17+$0x0], $0xffff  }
0x308: {  	[tilespmem:v25+s19+$0x0] =	vst.idx.add.f32.msk $0xffff, v17  }
0x309: {  	v52 =	vadd.s32 $0x5000, v11;
	v15 =	vld.idx.msk [tilespmem:v44+s17+$0x0], $0xffff  }
0x30a: {  	v57 =	vadd.s32 $0x5000, v32;
	v17 =	vld.idx.msk [tilespmem:v49+s17+$0x0], $0xffff  }
0x30b: {  	v5 =	vadd.s32 $0x7800, v5;
	[tilespmem:v62+s19+$0x0] =	vst.idx.add.f32.msk $0xffff, v10  }
0x30c: {  	v53 =	vadd.s32 $0x5000, v12;
	v19 =	vld.idx.msk [tilespmem:v45+s17+$0x0], $0xffff  }
0x30d: {  	v14 =	vadd.s32 $0x7800, v14;
	[tilespmem:v56+s19+$0x0] =	vst.idx.add.f32.msk $0xffff, v16  }
0x30e: {  	v6 =	vadd.s32 $0x7800, v6;
	[tilespmem:v52+s19+$0x0] =	vst.idx.add.f32.msk $0xffff, v15  }
0x30f: {  	v1 =	vadd.s32 $0x7800, v1;
	[tilespmem:v57+s19+$0x0] =	vst.idx.add.f32.msk $0xffff, v17  }
0x310: {  	v5 =	vld.idx.msk [tilespmem:v5+s17+$0x0], $0xffff  }
0x311: {  	[tilespmem:v53+s19+$0x0] =	vst.idx.add.f32.msk $0xffff, v19  }
0x312: {  	v11 =	vadd.s32 $0x7800, v11;
	v60 =	vld.idx.msk [tilespmem:v14+s17+$0x0], $0xffff  }
0x313: {  	v7 =	vadd.s32 $0x7800, v32;
	v6 =	vld.idx.msk [tilespmem:v6+s17+$0x0], $0xffff  }
0x314: {  	v12 =	vadd.s32 $0x7800, v12;
	v1 =	vld.idx.msk [tilespmem:v1+s17+$0x0], $0xffff  }
0x315: {  	[tilespmem:v0+s19+$0x0] =	vst.idx.add.f32.msk $0xffff, v4  }
0x316: {  	[tilespmem:v3+s19+$0x0] =	vst.idx.add.f32.msk $0xffff, v5  }
0x317: {  	[tilespmem:v11+s19+$0x0] =	vst.idx.add.f32.msk $0xffff, v60  }
0x318: {  	[tilespmem:v7+s19+$0x0] =	vst.idx.add.f32.msk $0xffff, v6  }
0x319: {  	s20 =	simm.s32 $0x0;
	s25 =	simm.s32 $0x2070;
	[tilespmem:v12+s19+$0x0] =	vst.idx.add.f32.msk $0xffff, v1  }
.LBB2_11:
0x31a: {  	v22 =	vld [tilespmem:s25+$0x40]  }
0x31b: {  	s0 =	sadd.s32 $0xA0, s0;
	v5 =	vld [tilespmem:s25+$0xFFFFFFC0]  }
0x31c: {  	s20 =	sadd.s32 $0xA, s20;
	s26 =	sand.u32 $0x1FE0, s0;
	v9 =	vld [tilespmem:s25+$0xFFFFFFD0]  }
0x31d: {  	p0 =	slt.u32 s20, $0x1EA;
	v23 =	vld [tilespmem:s26+$0x2000]  }
0x31e: {  	v24 =	vld [tilespmem:s25+$0xFFFFFFE0]  }
0x31f: {  	v25 =	vld [tilespmem:s25+$0xFFFFFFF0]  }
0x320: {  	s1 =	sadd.s32 $0xA0, s1;
	v14 =	vadd.s32 $0x2800, v5;
	v6 =	vadd.s32 $0x5000, v5;
	v0 =	vadd.s32 $0x7800, v5;
	v26 =	vld [tilespmem:s25+$0x0]  }
0x321: {  	v16 =	vadd.s32 $0x2800, v9;
	v7 =	vadd.s32 $0x5000, v9;
	v1 =	vadd.s32 $0x7800, v9;
	v27 =	vld [tilespmem:s1+$0x40]  }
0x322: {  	v12 =	vld.idx.msk [tilespmem:v22+s17+$0x0], $0xffff  }
0x323: {  	v17 =	vadd.s32 $0x2800, v24;
	v8 =	vadd.s32 $0x5000, v24;
	v2 =	vadd.s32 $0x7800, v24;
	v28 =	vld [tilespmem:s26+$0x5F00]  }
0x324: {  	v18 =	vadd.s32 $0x2800, v25;
	v10 =	vadd.s32 $0x5000, v25;
	v3 =	vadd.s32 $0x7800, v25;
	v29 =	vld [tilespmem:s25+$0x10]  }
0x325: {  	v15 =	vadd.s32 $0x2800, v22;
	v19 =	vadd.s32 $0x2800, v26;
	v11 =	vadd.s32 $0x5000, v26;
	v20 =	vld.idx.msk [tilespmem:v23+s17+$0x0], $0xffff  }
0x326: {  	v4 =	vadd.s32 $0x7800, v26;
	v30 =	vld [tilespmem:s25+$0x20]  }
0x327: {  	v32 =	vadd.s32 $0x2800, v23;
	v31 =	vld [tilespmem:s25+$0xFFFFFFB0]  }
0x328: {  	v33 =	vld.idx.msk [tilespmem:v5+s17+$0x0], $0xffff  }
0x329: {  	v21 =	vadd.s32 $0x2800, v29;
	v13 =	vadd.s32 $0x5000, v29;
	v5 =	vadd.s32 $0x7800, v29;
	[tilespmem:v27+s19+$0x0] =	vst.idx.add.f32.msk $0xffff, v12  }
0x32a: {  	v34 =	vld.idx.msk [tilespmem:v15+s17+$0x0], $0xffff  }
0x32b: {  	v36 =	vadd.s32 $0x2800, v27;
	v35 =	vadd.s32 $0x2800, v30;
	v15 =	vadd.s32 $0x5000, v30;
	[tilespmem:v28+s19+$0x0] =	vst.idx.add.f32.msk $0xffff, v20  }
0x32c: {  	v38 =	vadd.s32 $0x5000, v22;
	v37 =	vadd.s32 $0x2800, v31;
	v20 =	vadd.s32 $0x5000, v31;
	v32 =	vld.idx.msk [tilespmem:v32+s17+$0x0], $0xffff  }
0x32d: {  	v40 =	vadd.s32 $0x2800, v28;
	v12 =	vadd.s32 $0x7800, v31;
	v39 =	vld.idx.msk [tilespmem:v9+s17+$0x0], $0xffff;
	v9 =	vadd.s32 $0x7800, v30  }
0x32e: {  	v41 =	vadd.s32 $0x5000, v23;
	v24 =	vld.idx.msk [tilespmem:v24+s17+$0x0], $0xffff  }
0x32f: {  	v31 =	vld.idx.msk [tilespmem:v31+s17+$0x0], $0xffff  }
0x330: {  	[tilespmem:v36+s19+$0x0] =	vst.idx.add.f32.msk $0xffff, v34  }
0x331: {  	v34 =	vld.idx.msk [tilespmem:v38+s17+$0x0], $0xffff  }
0x332: {  	[tilespmem:v40+s19+$0x0] =	vst.idx.add.f32.msk $0xffff, v32;
	v32 =	vadd.s32 $0x5000, v27  }
0x333: {  	v22 =	vadd.s32 $0x7800, v22;
	v36 =	vld.idx.msk [tilespmem:v41+s17+$0x0], $0xffff  }
0x334: {  	v38 =	vadd.s32 $0x5000, v28;
	v25 =	vld.idx.msk [tilespmem:v25+s17+$0x0], $0xffff  }
0x335: {  	v23 =	vadd.s32 $0x7800, v23;
	v26 =	vld.idx.msk [tilespmem:v26+s17+$0x0], $0xffff  }
0x336: {  	v29 =	vld.idx.msk [tilespmem:v29+s17+$0x0], $0xffff  }
0x337: {  	[tilespmem:v32+s19+$0x0] =	vst.idx.add.f32.msk $0xffff, v34  }
0x338: {  	v22 =	vld.idx.msk [tilespmem:v22+s17+$0x0], $0xffff  }
0x339: {  	[tilespmem:v38+s19+$0x0] =	vst.idx.add.f32.msk $0xffff, v36  }
0x33a: {  	v27 =	vadd.s32 $0x7800, v27;
	v23 =	vld.idx.msk [tilespmem:v23+s17+$0x0], $0xffff  }
0x33b: {  	v28 =	vadd.s32 $0x7800, v28;
	v30 =	vld.idx.msk [tilespmem:v30+s17+$0x0], $0xffff  }
0x33c: {  	v32 =	vld [tilespmem:s1+$0xFFFFFFB0]  }
0x33d: {  	v34 =	vld [tilespmem:s1+$0xFFFFFFC0]  }
0x33e: {  	v36 =	vld [tilespmem:s1+$0xFFFFFFD0]  }
0x33f: {  	[tilespmem:v27+s19+$0x0] =	vst.idx.add.f32.msk $0xffff, v22  }
0x340: {  	[tilespmem:v28+s19+$0x0] =	vst.idx.add.f32.msk $0xffff, v23  }
0x341: {  	v22 =	vadd.s32 $0x2800, v32;
	v23 =	vadd.s32 $0x5000, v32;
	v27 =	vadd.s32 $0x7800, v32;
	v28 =	vld [tilespmem:s1+$0xFFFFFFE0]  }
0x342: {  	v38 =	vadd.s32 $0x2800, v34;
	v40 =	vadd.s32 $0x5000, v34;
	v41 =	vadd.s32 $0x7800, v34;
	v42 =	vld [tilespmem:s1+$0xFFFFFFF0]  }
0x343: {  	v43 =	vadd.s32 $0x2800, v36;
	v44 =	vadd.s32 $0x5000, v36;
	v45 =	vadd.s32 $0x7800, v36;
	v46 =	vld [tilespmem:s1+$0x0]  }
0x344: {  	v47 =	vld [tilespmem:s1+$0x10]  }
0x345: {  	v48 =	vld [tilespmem:s1+$0x20]  }
0x346: {  	[tilespmem:v32+s19+$0x0] =	vst.idx.add.f32.msk $0xffff, v31;
	v31 =	vadd.s32 $0x2800, v28;
	v32 =	vadd.s32 $0x5000, v28;
	v49 =	vadd.s32 $0x7800, v28  }
0x347: {  	[tilespmem:v34+s19+$0x0] =	vst.idx.add.f32.msk $0xffff, v33;
	v33 =	vadd.s32 $0x2800, v42;
	v34 =	vadd.s32 $0x5000, v42;
	v50 =	vadd.s32 $0x7800, v42  }
0x348: {  	[tilespmem:v36+s19+$0x0] =	vst.idx.add.f32.msk $0xffff, v39;
	v36 =	vadd.s32 $0x2800, v46;
	v39 =	vadd.s32 $0x5000, v46;
	v51 =	vadd.s32 $0x7800, v46  }
0x349: {  	[tilespmem:v28+s19+$0x0] =	vst.idx.add.f32.msk $0xffff, v24;
	v24 =	vadd.s32 $0x2800, v47;
	v28 =	vadd.s32 $0x5000, v47;
	v52 =	vadd.s32 $0x7800, v47  }
0x34a: {  	[tilespmem:v42+s19+$0x0] =	vst.idx.add.f32.msk $0xffff, v25;
	v25 =	vadd.s32 $0x2800, v48;
	v42 =	vadd.s32 $0x5000, v48;
	v53 =	vadd.s32 $0x7800, v48  }
0x34b: {  	[tilespmem:v46+s19+$0x0] =	vst.idx.add.f32.msk $0xffff, v26  }
0x34c: {  	[tilespmem:v47+s19+$0x0] =	vst.idx.add.f32.msk $0xffff, v29  }
0x34d: {  	[tilespmem:v48+s19+$0x0] =	vst.idx.add.f32.msk $0xffff, v30  }
0x34e: {  	v26 =	vld.idx.msk [tilespmem:v37+s17+$0x0], $0xffff  }
0x34f: {  	v14 =	vld.idx.msk [tilespmem:v14+s17+$0x0], $0xffff  }
0x350: {  	v16 =	vld.idx.msk [tilespmem:v16+s17+$0x0], $0xffff  }
0x351: {  	v17 =	vld.idx.msk [tilespmem:v17+s17+$0x0], $0xffff  }
0x352: {  	v18 =	vld.idx.msk [tilespmem:v18+s17+$0x0], $0xffff  }
0x353: {  	v19 =	vld.idx.msk [tilespmem:v19+s17+$0x0], $0xffff  }
0x354: {  	v21 =	vld.idx.msk [tilespmem:v21+s17+$0x0], $0xffff  }
0x355: {  	v29 =	vld.idx.msk [tilespmem:v35+s17+$0x0], $0xffff  }
0x356: {  	[tilespmem:v22+s19+$0x0] =	vst.idx.add.f32.msk $0xffff, v26  }
0x357: {  	[tilespmem:v38+s19+$0x0] =	vst.idx.add.f32.msk $0xffff, v14  }
0x358: {  	[tilespmem:v43+s19+$0x0] =	vst.idx.add.f32.msk $0xffff, v16  }
0x359: {  	[tilespmem:v31+s19+$0x0] =	vst.idx.add.f32.msk $0xffff, v17  }
0x35a: {  	[tilespmem:v33+s19+$0x0] =	vst.idx.add.f32.msk $0xffff, v18  }
0x35b: {  	[tilespmem:v36+s19+$0x0] =	vst.idx.add.f32.msk $0xffff, v19  }
0x35c: {  	[tilespmem:v24+s19+$0x0] =	vst.idx.add.f32.msk $0xffff, v21  }
0x35d: {  	[tilespmem:v25+s19+$0x0] =	vst.idx.add.f32.msk $0xffff, v29  }
0x35e: {  	v14 =	vld.idx.msk [tilespmem:v20+s17+$0x0], $0xffff  }
0x35f: {  	v6 =	vld.idx.msk [tilespmem:v6+s17+$0x0], $0xffff  }
0x360: {  	v7 =	vld.idx.msk [tilespmem:v7+s17+$0x0], $0xffff  }
0x361: {  	v8 =	vld.idx.msk [tilespmem:v8+s17+$0x0], $0xffff  }
0x362: {  	v10 =	vld.idx.msk [tilespmem:v10+s17+$0x0], $0xffff  }
0x363: {  	v11 =	vld.idx.msk [tilespmem:v11+s17+$0x0], $0xffff  }
0x364: {  	v13 =	vld.idx.msk [tilespmem:v13+s17+$0x0], $0xffff  }
0x365: {  	v15 =	vld.idx.msk [tilespmem:v15+s17+$0x0], $0xffff  }
0x366: {  	[tilespmem:v23+s19+$0x0] =	vst.idx.add.f32.msk $0xffff, v14  }
0x367: {  	[tilespmem:v40+s19+$0x0] =	vst.idx.add.f32.msk $0xffff, v6  }
0x368: {  	[tilespmem:v44+s19+$0x0] =	vst.idx.add.f32.msk $0xffff, v7  }
0x369: {  	[tilespmem:v32+s19+$0x0] =	vst.idx.add.f32.msk $0xffff, v8  }
0x36a: {  	[tilespmem:v34+s19+$0x0] =	vst.idx.add.f32.msk $0xffff, v10  }
0x36b: {  	[tilespmem:v39+s19+$0x0] =	vst.idx.add.f32.msk $0xffff, v11  }
0x36c: {  	[tilespmem:v28+s19+$0x0] =	vst.idx.add.f32.msk $0xffff, v13  }
0x36d: {  	[tilespmem:v42+s19+$0x0] =	vst.idx.add.f32.msk $0xffff, v15  }
0x36e: {  	v6 =	vld.idx.msk [tilespmem:v12+s17+$0x0], $0xffff  }
0x36f: {  	v0 =	vld.idx.msk [tilespmem:v0+s17+$0x0], $0xffff  }
0x370: {  	v1 =	vld.idx.msk [tilespmem:v1+s17+$0x0], $0xffff  }
0x371: {  	v2 =	vld.idx.msk [tilespmem:v2+s17+$0x0], $0xffff  }
0x372: {  	v3 =	vld.idx.msk [tilespmem:v3+s17+$0x0], $0xffff  }
0x373: {  	v4 =	vld.idx.msk [tilespmem:v4+s17+$0x0], $0xffff  }
0x374: {  	v5 =	vld.idx.msk [tilespmem:v5+s17+$0x0], $0xffff  }
0x375: {  	v7 =	vld.idx.msk [tilespmem:v9+s17+$0x0], $0xffff  }
0x376: {  	[tilespmem:v27+s19+$0x0] =	vst.idx.add.f32.msk $0xffff, v6  }
0x377: {  	[tilespmem:v41+s19+$0x0] =	vst.idx.add.f32.msk $0xffff, v0  }
0x378: {  	[tilespmem:v45+s19+$0x0] =	vst.idx.add.f32.msk $0xffff, v1  }
.Ltmp4:
0x379: {  	[tilespmem:v49+s19+$0x0] =	vst.idx.add.f32.msk $0xffff, v2;
	(pc) =	sbr.rel @p0 .LBB2_11-.Ltmp4, $4  }
0x37a: {  	[tilespmem:v50+s19+$0x0] =	vst.idx.add.f32.msk $0xffff, v3  }
0x37b: {  	[tilespmem:v51+s19+$0x0] =	vst.idx.add.f32.msk $0xffff, v4  }
0x37c: {  	[tilespmem:v52+s19+$0x0] =	vst.idx.add.f32.msk $0xffff, v5  }
0x37d: {  	s25 =	sadd.s32 $0xA0, s25;
	[tilespmem:v53+s19+$0x0] =	vst.idx.add.f32.msk $0xffff, v7  }
0x37e: {  	s31 =	sadd.s32 $0x1, s31  }
0x37f: {  	p0 =	sne.s32 s31, $0xA  }
.Ltmp5:
0x380: {  	_ = 	snop;
	(pc) =	sbr.rel @p0 .LBB2_8-.Ltmp5, $1  }
0x381: {  	_ =	sdelay $0x3  }
0x382: {  	[hbm4b:s12+s2] =	stream.linear.scatter [tilespmem:s19], [sflag:$0x3], $0x2800, $0x38;
	[tilespmem:$0x1BE00] =	vst v63  }
0x383: {  	_ =	swait.ge [sflag:s18], $0x2800  }
0x384: {  	[sflag:s18] =	ssyncset.done $0x0  }
0x385: {  	s0 =	simm.s32 $0x14600;
	[sflag:s18] =	ssyncadd.s32 $0xFFFFD800  }
0x386: {  	[hbm4b:s13+s2] =	stream.linear.scatter [tilespmem:s0], [sflag:$0x3], $0x2800, $0x38;
	[tilespmem:$0x1BE00] =	vst v63  }
0x387: {  	_ =	swait.ge [sflag:s18], $0x2800  }
0x388: {  	[sflag:s18] =	ssyncset.done $0x0  }
0x389: {  	s30 =	simm.s32 $0x16E00;
	[sflag:s18] =	ssyncadd.s32 $0xFFFFD800  }
0x38a: {  	[hbm4b:s14+s2] =	stream.linear.scatter [tilespmem:s30], [sflag:$0x3], $0x2800, $0x38;
	[tilespmem:$0x1BE00] =	vst v63  }
0x38b: {  	s29 =	sadd.s32 $0x1, s29;
	_ =	swait.ge [sflag:s18], $0x2800  }
0x38c: {  	p0 =	sne.s32 s29, s16;
	[sflag:s18] =	ssyncset.done $0x0  }
.Ltmp6:
0x38d: {  	s31 =	simm.s32 $0x19600;
	[sflag:s18] =	ssyncadd.s32 $0xFFFFD800;
	(pc) =	sbr.rel @p0 .LBB2_1-.Ltmp6, $4  }
0x38e: {  	[hbm4b:s15+s2] =	stream.linear.scatter [tilespmem:s31], [sflag:$0x3], $0x2800, $0x38;
	[tilespmem:$0x1BE00] =	vst v63  }
0x38f: {  	_ =	swait.ge [sflag:s18], $0x2800  }
0x390: {  	[sflag:s18] =	ssyncset.done $0x0  }
0x391: {  	s28 =	simm.s32 $0x3F00;
	[sflag:s18] =	ssyncadd.s32 $0xFFFFD800  }
0x392: {  	_ =	sfence.sel $0x180000  }
0x393: {  	[bflag:$0x0] =	sbarrier.arrive $0xFFFF  }
0x394: {  	_ =	strace $0x9000004D  }
0x395: {  	s0 =	stileid.u32;
	[bflag:$0x2] =	sbarrier.arrive $0xFFFF  }
0x396: {  	p0 =	sne.s32 s0, $0x0;
	s0 =	rddreg [dreg:$0x1]  }
0x397: {  	s0 =	sadd.s32 @!p0 $0x100000, s0  }
0x398: {  	[sflag:s0] =	ssyncadd.tile.s32 @!p0 $0x1;
	_ =	shalt  }
.Lfunc_end2:
_tile_overlayer_lowered:
.L_overlay_start_2:
0x399: {  	(tag) =	ssettag $0x2  }
0x39a: {  	s0 =	rddreg [dreg:$0x0];
	s2 =	stileid.u32  }
0x39b: {  	s1 =	rddreg [dreg:$0x1];
	p0 =	sne.s32 s2, $0x0  }
0x39c: {  	s3 =	rddreg [dreg:$0x2];
	[bflag:$0x3] =	sbarrier.arrive $0xFFFF;
	s2 =	simm.s32 @!p0 $0x1C03  }
0x39d: {  	[timem:s3], [sflag:s2] =	dma.local @!p0 [hbm:s0], s1  }
0x39e: {  	s0 =	simm.s32 @!p0 $0x3  }
0x39f: {  	_ =	swait.ge @!p0 [sflag:s0], s1  }
0x3a0: {  	s1 =	ssub.s32 @!p0 $0x0, s1;
	[sflag:s0] =	ssyncset.done @!p0 $0x0  }
0x3a1: {  	[sflag:s0] =	ssyncadd.s32 @!p0 s1  }
0x3a2: {  	[bflag:$0x3] =	sbarrier.arrive $0xFFFF  }
0x3a3: {  	_ =	shalt  }

// kernel: kernel.8.cloned.1.call-start
scs
__scs_entry_jumppad:
0x0: {  	(pc) =	sbr.rel $0x88, $3  }
0x1: {  	(tag) =	ssettag $0x0;
	lr =	simm.s32 $0x1  }
0x2: {  	[smem:$0x3F9B] =	sst lr;
	_ =	strace $0xD0000000  }
0x3: {  	_ = 	snop  }
0x4: {  	_ = 	snop  }
0x5: {  	_ = 	snop  }
0x6: {  	_ = 	snop  }
0x7: {  	_ = 	snop  }
__scs_overlays_trampoline_lowered:
0x8: {  	[smem:$0x3FAA] =	sst s0  }
0x9: {  	[smem:$0x3FAB] =	sst s1  }
0xa: {  	[smem:$0x3FAC] =	sst s2  }
0xb: {  	[smem:$0x3FAD] =	sst s3  }
0xc: {  	[smem:$0x3FAE] =	sst s4  }
0xd: {  	[smem:$0x3FAF] =	sst s5  }
0xe: {  	[smem:$0x3FB0] =	sst s6  }
0xf: {  	[smem:$0x3FB1] =	sst s7  }
0x10: {  	[smem:$0x3FB2] =	sst s8  }
0x11: {  	[smem:$0x3FB3] =	sst s9;
	s0 =	simm.s32 @!p0 $0x0  }
0x12: {  	s1 =	sld [smem:$0x3F99];
	s0 =	simm.s32 @p0 $0x1  }
0x13: {  	[smem:$0x3FB4] =	sst s0;
	s0 =	simm.s32 @!p1 $0x0  }
0x14: {  	s2 =	sld [smem:$0x3F98];
	s0 =	simm.s32 @p1 $0x1  }
0x15: {  	[smem:$0x3FB5] =	sst s0;
	s0 =	simm.s32 @!p2 $0x0  }
0x16: {  	s3 =	sld [smem:$0x3FDB];
	s0 =	simm.s32 @p2 $0x1  }
0x17: {  	s4 =	simm.s32 $0x1BF5;
	[smem:$0x3FB7] =	sst s0  }
0x18: {  	s0 =	sld [smem:$0x3F9A];
	_ =	swait.ge [sflag:s4], $0x0  }
0x19: {  	s7 =	sld [smem:$0x3F9B]  }
0x1a: {  	s8 =	sadd.s32 $0xFFFFE003, lr  }
0x1b: {  	s9 =	sadd.s32 $0xFFFFFEF7, lr;
	s5 =	simm.s32 $0xFFFFFFFF;
	p2 =	slt.u32 s8, $0xFFFFF086  }
0x1c: {  	p1 =	slt.u32 s9, $0xF7A;
	s5 =	simm.s32 @!p2 $0x0  }
0x1d: {  	s5 =	simm.s32 @p1 $0x1;
	p0 =	seq.s32 s7, s2  }
0x1e: {  	s7 =	smul.u32 @!p0 $0xF7A, s2;
	p2 =	seq.s32 @!p0 s5, $0x0  }
0x1f: {  	s9 =	smul.u32 $0xF7A, s1;
	s8 =	simm.s32 @!p0 $0x1BF5;
	p2 =	por !p2, p0  }
0x20: {  	[sflag:s8] =	ssyncset.s32 @!p0 $0xFFFFF086;
	s6 =	sadd.s32 @!p0 s3, s7;
	s7 =	simm.s32 @!p0 $0x108  }
0x21: {  	s3 =	sadd.s32 s3, s9;
	s6 =	sadd.s32 @!p0 $0x88, s6;
	s7 =	simm.s32 @p2 $0x1082  }
0x22: {  	[simem:s7], [sflag:s8] =	dma.local @!p0 [hbm:s6], $0xF7A  }
0x23: {  	s9 =	sor.u32 $0xD0000000, s2;
	s6 =	simm.s32 $0x108;
	_ =	swait.ge @!p0 [sflag:s8], $0x0  }
0x24: {  	s3 =	sadd.s32 $0x88, s3;
	s6 =	simm.s32 @!p1 $0x1082;
	[sflag:s4] =	ssyncset.s32 $0xFFFFF086  }
0x25: {  	[simem:s6], [sflag:s4] =	dma.local [hbm:s3], $0xF7A  }
0x26: {  	[smem:$0x3F9B] =	sst s1;
	(tag) =	ssettag s2;
	_ =	strace s9  }
0x27: {  	s1 =	sld [smem:$0x3FAB]  }
0x28: {  	s2 =	sld [smem:$0x3FAC]  }
0x29: {  	s4 =	sld [smem:$0x3FAE]  }
0x2a: {  	p0 =	seq.s32 s5, $0x0;
	s5 =	sld [smem:$0x3FAF]  }
0x2b: {  	s6 =	sld [smem:$0x3FB0]  }
0x2c: {  	s7 =	sld [smem:$0x3FB1]  }
0x2d: {  	s3 =	simm.s32 $0x108;
	s8 =	sld [smem:$0x3FB2]  }
0x2e: {  	s3 =	simm.s32 @!p0 $0x1082;
	s9 =	sld [smem:$0x3FB3]  }
0x2f: {  	lr =	sadd.s32 s0, s3;
	s0 =	sld [smem:$0x3FAA]  }
0x30: {  	s3 =	sld [smem:$0x3FAD]  }
0x31: {  	[smem:$0x3FB6] =	sst s10  }
0x32: {  	s10 =	sld [smem:$0x3FB4];
	_ =	sdelay $0x3  }
0x33: {  	p0 =	seq.s32 s10, $0x1;
	s10 =	sld [smem:$0x3FB6];
	_ =	sdelay $0x3  }
0x34: {  	[smem:$0x3FB6] =	sst s10  }
0x35: {  	s10 =	sld [smem:$0x3FB5];
	_ =	sdelay $0x3  }
0x36: {  	p1 =	seq.s32 s10, $0x1;
	s10 =	sld [smem:$0x3FB6];
	_ =	sdelay $0x3  }
0x37: {  	[smem:$0x3FB6] =	sst s10  }
0x38: {  	s10 =	sld [smem:$0x3FB7]  }
0x39: {  	_ = 	snop;
	(pc) =	sbr.ind lr, $3  }
0x3a: {  	_ = 	snop  }
0x3b: {  	_ = 	snop  }
0x3c: {  	p2 =	seq.s32 s10, $0x1;
	s10 =	sld [smem:$0x3FB6]  }
0x3d: {  	_ =	shalt  }
0x3e: {  	_ =	shalt  }
0x3f: {  	_ =	shalt  }
0x40: {  	_ =	shalt  }
0x41: {  	_ =	shalt  }
0x42: {  	_ =	shalt  }
0x43: {  	_ =	shalt  }
0x44: {  	_ =	shalt  }
0x45: {  	_ =	shalt  }
0x46: {  	_ =	shalt  }
0x47: {  	_ =	shalt  }
0x48: {  	_ =	shalt  }
0x49: {  	_ =	shalt  }
0x4a: {  	_ =	shalt  }
0x4b: {  	_ =	shalt  }
0x4c: {  	_ =	shalt  }
0x4d: {  	_ =	shalt  }
0x4e: {  	_ =	shalt  }
0x4f: {  	_ =	shalt  }
0x50: {  	_ =	shalt  }
0x51: {  	_ =	shalt  }
0x52: {  	_ =	shalt  }
0x53: {  	_ =	shalt  }
0x54: {  	_ =	shalt  }
0x55: {  	_ =	shalt  }
0x56: {  	_ =	shalt  }
0x57: {  	_ =	shalt  }
0x58: {  	_ =	shalt  }
0x59: {  	_ =	shalt  }
0x5a: {  	_ =	shalt  }
0x5b: {  	_ =	shalt  }
0x5c: {  	_ =	shalt  }
0x5d: {  	_ =	shalt  }
0x5e: {  	_ =	shalt  }
0x5f: {  	_ =	shalt  }
0x60: {  	_ =	shalt  }
0x61: {  	_ =	shalt  }
0x62: {  	_ =	shalt  }
0x63: {  	_ =	shalt  }
0x64: {  	_ =	shalt  }
0x65: {  	_ =	shalt  }
0x66: {  	_ =	shalt  }
0x67: {  	_ =	shalt  }
0x68: {  	_ =	shalt  }
0x69: {  	_ =	shalt  }
0x6a: {  	_ =	shalt  }
0x6b: {  	_ =	shalt  }
0x6c: {  	_ =	shalt  }
0x6d: {  	_ =	shalt  }
0x6e: {  	_ =	shalt  }
0x6f: {  	_ =	shalt  }
0x70: {  	_ =	shalt  }
0x71: {  	_ =	shalt  }
0x72: {  	_ =	shalt  }
0x73: {  	_ =	shalt  }
0x74: {  	_ =	shalt  }
0x75: {  	_ =	shalt  }
0x76: {  	_ =	shalt  }
0x77: {  	_ =	shalt  }
0x78: {  	_ =	shalt  }
0x79: {  	_ =	shalt  }
0x7a: {  	_ =	shalt  }
0x7b: {  	_ =	shalt  }
0x7c: {  	_ =	shalt  }
0x7d: {  	_ =	shalt  }
0x7e: {  	_ =	shalt  }
0x7f: {  	_ =	shalt  }
0x80: {  	_ =	shalt  }
0x81: {  	_ =	shalt  }
0x82: {  	_ =	shalt  }
0x83: {  	_ =	shalt  }
0x84: {  	_ =	shalt  }
0x85: {  	_ =	shalt  }
0x86: {  	_ =	shalt  }
0x87: {  	_ =	shalt  }
.Lfunc_end0:
.L_simem_size_0:
called_computation_lowered:
.L_overlay_start_0:
0x88: {  	s2 =	sld [smem:$0x3FD9]  }
0x89: {  	s3 =	sld [smem:$0x3FFE];
	_ =	sdelay $0x1  }
0x8a: {  	s1 =	srdreg.scid  }
0x8b: {  	s0 =	sand.u32 $0x1, s1  }
0x8c: {  	s16 =	sshll.u32 s0, $0xA;
	s2 =	sadd.s32 s3, s2  }
0x8d: {  	s2 =	sadd.s32 s2, s16  }
0x8e: {  	[smem:$0x3FC2] =	sst s2  }
0x8f: {  	_ = 	snop  }
0x90: {  	(tm) =	ssettm $0x1  }
0x91: {  	s17 =	sld [smem:$0x3FFB];
	_ =	sdelay $0x3  }
0x92: {  	_ =	strace s17  }
0x93: {  	s2 =	sld [smem:$0x3FFC];
	_ =	sdelay $0x3  }
0x94: {  	_ =	strace s2  }
0x95: {  	s2 =	sld [smem:$0x3FFD];
	_ =	sdelay $0x3  }
0x96: {  	_ =	strace s2  }
0x97: {  	_ =	strace $0x8FFFFFFF  }
0x98: {  	s18 =	sld [smem:$0x3FDB];
	_ =	sdelay $0x1  }
0x99: {  	s19 =	simm.s32 $_scs_section_size  }
0x9a: {  	s4 =	simm.s32 $_size__tile_overlayer_lowered;
	s5 =	simm.s32 $_tile_overlayer_lowered  }
0x9b: {  	s22 =	simm.s32 $0x1BFF;
	s21 =	sshll.u32 s5, $0x1;
	s2 =	sadd.s32 s19, s18  }
0x9c: {  	s6 =	simm.s32 $0x0;
	s20 =	sshll.u32 s4, $0x1;
	s4 =	sadd.s32 s21, s2  }
0x9d: {  	[timem:s6], [sflag:s22] =	dma.local [hbm:s4], s20  }
0x9e: {  	_ =	swait.ge [sflag:s22], s20  }
0x9f: {  	s3 =	ssub.s32 $0x0, s20;
	[sflag:s22] =	ssyncset.done $0x0  }
0xa0: {  	[sflag:s22] =	ssyncadd.s32 s3;
	_ =	sdelay $0x1  }
0xa1: {  	s23 =	simm.s32 $0x1B8B  }
0xa2: {  	_ =	swait.ge [sflag:s23], $0x1  }
0xa3: {  	[sflag:s23] =	ssyncset.done $0x0  }
0xa4: {  	s25 =	simm.s32 $0x1B8E;
	s24 =	sld [smem:$0x3FFE];
	[sflag:s23] =	ssyncadd.s32 $0xFFFFFFFF  }
0xa5: {  	s26 =	simm.s32 $execute0_lowered;
	[smem:$0x3FD2] =	sst s25  }
0xa6: {  	s4 =	sshll.u32 s26, $0x1;
	_ =	strace $0x80000046;
	[dreg:$0x1] =	wrdreg $0xFFFFFFFF  }
0xa7: {  	s28 =	simm.s32 $_size_execute0_lowered;
	s2 =	sadd.s32 s2, s4;
	[dreg:$0x0] =	wrdreg $0x0  }
0xa8: {  	s4 =	sshll.u32 s28, $0x1;
	[dreg:$0x2] =	wrdreg s2  }
0xa9: {  	[dreg:$0x3] =	wrdreg s4  }
0xaa: {  	[dreg:$0x4] =	wrdreg $0xC0  }
0xab: {  	_ =	task [dreg:s6], $0x5FFFF  }
0xac: {  	[dreg:$0x1] =	wrdreg $0xFFFFFFFF  }
0xad: {  	[dreg:$0x0] =	wrdreg $0x60  }
0xae: {  	[dreg:$0x2] =	wrdreg s24  }
0xaf: {  	[dreg:$0x3] =	wrdreg $0x7A000  }
0xb0: {  	[dreg:$0x4] =	wrdreg $0x9  }
0xb1: {  	_ =	task.clear_ibuf [dreg:s6], $0x5FFFF;
	_ =	strace $0x90000046  }
0xb2: {  	s29 =	simm.s32 $0x9;
	_ =	strace $0x80000048  }
0xb3: {  	_ =	swait.ge [sflag:s29], $0x1  }
0xb4: {  	[sflag:s29] =	ssyncadd.s32 $0xFFFFFFFF  }
0xb5: {  	_ =	strace $0x90000048  }
0xb6: {  	_ =	sfence  }
0xb7: {  	s30 =	sld [smem:$0x0];
	_ =	sdelay $0x2  }
0xb8: {  	s31 =	sshll.u32 s1, $0xD;
	s1 =	sshrl.u32 s1, $0x2  }
0xb9: {  	s3 =	sand.u32 $0x4000, s31;
	s1 =	sadd.s32 s1, s30  }
0xba: {  	s0 =	sor.u32 s3, s0;
	s1 =	sshll.u32 s1, $0x11  }
0xbb: {  	s0 =	sor.u32 s1, s0  }
0xbc: {  	s0 =	sadd.s32 $0x8F2B, s0  }
0xbd: {  	[sflag:s0] =	ssyncadd.remote.s32 $0x1  }
0xbe: {  	_ =	sfence.sel $0xFFFF  }
0xbf: {  	[dreg:$0x0] =	wrdreg $0xFFFFFFFF;
	(pc) =	sbr.abs _section_cstart, $3  }
0xc0: {  	[dreg:$0x1] =	wrdreg $0xFFFFFFFF  }
0xc1: {  	_ =	task.clear_ibuf [dreg:s6], $0x2FFFF;
	_ =	strace $0x9FFFFFFF  }
0xc2: {  	(tm) =	ssettm $0x7FFFFFFF  }
0xc3: {  	_ =	shalt  }
tec
execute0_lowered:
.L_overlay_start_1:
0x0: {  	(tag) =	ssettag $0x1  }
0x1: {  	s0 =	rddreg [dreg:$0x0];
	s10 =	stileid.u32  }
0x2: {  	s1 =	rddreg [dreg:$0x1];
	s2 =	simm.s32 $0x0;
	s4 =	srdreg.scid  }
0x3: {  	s4 =	sand.u32 $0x1, s4;
	[smem:$0x7FF] =	sst s2;
	s7 =	smul.u32 $0x5000, s10  }
0x4: {  	s6 =	sadd.s32 $0xBC00, s0;
	p0 =	seq.s32 s4, $0x0;
	s4 =	ssub.s32 $0x2, s4  }
0x5: {  	_ =	strace $0x80000047;
	s25 =	sshrl.u32 s4, $0x1;
	s7 =	sshrl.u32 s7, $0x2  }
0x6: {  	[dreg:$0x3] =	wrdreg s6;
	s6 =	ssub.s32 s4, s25;
	s4 =	sadd.s32 s7, s1  }
0x7: {  	s11 =	sadd.s32 $0x80, s4  }
0x8: {  	s12 =	sadd.s32 $0x100, s4;
	[dreg:$0x5] =	wrdreg s11  }
0x9: {  	s13 =	sadd.s32 $0x180, s4;
	[dreg:$0x6] =	wrdreg s12  }
0xa: {  	s14 =	sadd.s32 $0x200, s4;
	[dreg:$0x7] =	wrdreg s13  }
0xb: {  	s15 =	sadd.s32 $0x280, s4;
	[dreg:$0x8] =	wrdreg s14  }
0xc: {  	s16 =	sadd.s32 $0x300, s4;
	[dreg:$0x9] =	wrdreg s15  }
0xd: {  	s17 =	sadd.s32 $0x380, s4;
	[dreg:$0xa] =	wrdreg s16  }
0xe: {  	s18 =	sadd.s32 $0x14000, s4;
	[dreg:$0xb] =	wrdreg s17  }
0xf: {  	s3 =	smul.u32 $0x2710, s10;
	s19 =	sadd.s32 $0x14080, s4;
	[dreg:$0xc] =	wrdreg s18  }
0x10: {  	s5 =	smul.u32 $0x4E2, s10;
	s20 =	sadd.s32 $0x14100, s4;
	[dreg:$0xd] =	wrdreg s19  }
0x11: {  	s24 =	sshrl.u32 s10, $0x3;
	s21 =	sadd.s32 $0x14180, s4;
	[dreg:$0xe] =	wrdreg s20  }
0x12: {  	s26 =	sshll.u32 s10, $0x7;
	s22 =	sadd.s32 $0x14200, s4;
	[dreg:$0xf] =	wrdreg s21  }
0x13: {  	s9 =	sand.u32 $0x380, s26;
	s23 =	sadd.s32 $0x14280, s4;
	[dreg:$0x10] =	wrdreg s22  }
0x14: {  	s3 =	sshrl.u32 s3, $0x3;
	s25 =	sadd.s32 $0x14300, s4;
	[dreg:$0x11] =	wrdreg s23  }
0x15: {  	s3 =	sadd.s32 $0x4E20, s3;
	s26 =	sadd.s32 $0x14380, s4;
	[dreg:$0x12] =	wrdreg s25  }
0x16: {  	s5 =	smov.u32 @p0 s3;
	s6 =	smax.u32 s6, $0x1;
	[dreg:$0x13] =	wrdreg s26  }
0x17: {  	s3 =	smul.u32 $0x50000, s24;
	s7 =	sadd.s32 $0x400, s4;
	[dreg:$0x14] =	wrdreg s6  }
0x18: {  	s24 =	smul.u32 $0x50, s10;
	s10 =	sadd.s32 $0xC00, s4;
	[dreg:$0x15] =	wrdreg s7  }
0x19: {  	[dreg:$0x19] =	wrdreg s10;
	s11 =	sadd.s32 $0x1000, s4  }
0x1a: {  	s12 =	sadd.s32 $0x480, s4;
	[dreg:$0x1a] =	wrdreg s11  }
0x1b: {  	s13 =	sadd.s32 $0x880, s4;
	[dreg:$0x1b] =	wrdreg s12  }
0x1c: {  	s14 =	sadd.s32 $0xC80, s4;
	[dreg:$0x1c] =	wrdreg s13  }
0x1d: {  	s15 =	sadd.s32 $0x1080, s4;
	[dreg:$0x1d] =	wrdreg s14  }
0x1e: {  	s16 =	sadd.s32 $0x500, s4;
	[dreg:$0x1e] =	wrdreg s15  }
0x1f: {  	s17 =	sadd.s32 $0x900, s4;
	[dreg:$0x1f] =	wrdreg s16  }
0x20: {  	s18 =	sadd.s32 $0xD00, s4;
	[smem:$0x7DC] =	sst s17  }
0x21: {  	s19 =	sadd.s32 $0x1100, s4;
	[smem:$0x7DD] =	sst s18  }
0x22: {  	s20 =	sadd.s32 $0x580, s4;
	[smem:$0x7DE] =	sst s19  }
0x23: {  	s21 =	sadd.s32 $0x980, s4;
	[smem:$0x7DF] =	sst s20  }
0x24: {  	s22 =	sadd.s32 $0xD80, s4;
	[smem:$0x7E0] =	sst s21  }
0x25: {  	s23 =	sadd.s32 $0x1180, s4;
	[smem:$0x7E1] =	sst s22  }
0x26: {  	s25 =	sadd.s32 $0xA00, s4;
	[smem:$0x7E2] =	sst s23  }
0x27: {  	s26 =	sadd.s32 $0xE00, s4;
	[smem:$0x7E4] =	sst s25  }
0x28: {  	s8 =	sadd.s32 $0xC200, s0;
	s6 =	sadd.s32 $0xE80, s4;
	[smem:$0x7E5] =	sst s26  }
0x29: {  	s5 =	sadd.s32 s5, s0;
	s7 =	sadd.s32 $0x1280, s4;
	[smem:$0x7E9] =	sst s6  }
0x2a: {  	s0 =	sadd.s32 $0xC800, s0;
	s10 =	sadd.s32 $0xF00, s4;
	[smem:$0x7EA] =	sst s7  }
0x2b: {  	s0 =	smov.u32 @p0 s8;
	s8 =	sadd.s32 $0x800, s4;
	[smem:$0x7ED] =	sst s10  }
0x2c: {  	s11 =	sadd.s32 $0x1300, s4;
	[dreg:$0x17] =	wrdreg s8  }
0x2d: {  	s12 =	sadd.s32 $0x780, s4;
	[smem:$0x7EE] =	sst s11  }
0x2e: {  	s13 =	sadd.s32 $0xB80, s4;
	[smem:$0x7EF] =	sst s12  }
0x2f: {  	s14 =	sadd.s32 $0xF80, s4;
	[smem:$0x7F0] =	sst s13  }
0x30: {  	s31 =	simm.s32 $0x1;
	s15 =	sadd.s32 $0x1380, s4;
	[smem:$0x7F1] =	sst s14  }
0x31: {  	s28 =	sadd.s32 $0x14B80, s4;
	s16 =	sadd.s32 $0x14400, s4;
	[smem:$0x7F2] =	sst s15  }
0x32: {  	s29 =	sadd.s32 $0x14F80, s4;
	s17 =	sadd.s32 $0x14800, s4;
	[smem:$0x7F3] =	sst s16  }
0x33: {  	s30 =	sadd.s32 $0x15380, s4;
	s18 =	sadd.s32 $0x14C00, s4;
	[smem:$0x7F4] =	sst s17  }
0x34: {  	s3 =	sshrl.u32 s3, $0x2;
	s19 =	sadd.s32 $0x15000, s4;
	[smem:$0x7F5] =	sst s18  }
0x35: {  	s20 =	sadd.s32 $0x14480, s4;
	s21 =	sadd.s32 $0x14880, s4;
	[smem:$0x7F6] =	sst s19  }
0x36: {  	s22 =	sadd.s32 $0x14C80, s4;
	s23 =	sadd.s32 $0x15080, s4;
	[smem:$0x7F7] =	sst s20  }
0x37: {  	s25 =	sadd.s32 $0x14900, s4;
	s26 =	sadd.s32 $0x14D00, s4;
	[smem:$0x7F8] =	sst s21  }
0x38: {  	s10 =	sadd.s32 $0x14580, s4;
	s3 =	sadd.s32 s3, s1;
	[smem:$0x7F9] =	sst s22  }
0x39: {  	s0 =	sadd.s32 s0, s24;
	s24 =	sadd.s32 $0x600, s4;
	[smem:$0x7FA] =	sst s23  }
0x3a: {  	s1 =	sadd.s32 $0x1200, s4;
	s8 =	sadd.s32 $0x700, s4;
	[smem:$0x7FC] =	sst s25  }
0x3b: {  	[smem:$0x7FD] =	sst s26;
	s11 =	sadd.s32 $0x14980, s4;
	s12 =	sadd.s32 $0x14D80, s4  }
0x3c: {  	s13 =	sadd.s32 $0x15180, s4;
	s14 =	sadd.s32 $0x14600, s4;
	s15 =	sadd.s32 $0x14A00, s4  }
0x3d: {  	s16 =	sadd.s32 $0x14E00, s4;
	s17 =	sadd.s32 $0x15200, s4;
	[dreg:$0x16] =	wrdreg s0  }
0x3e: {  	s18 =	sadd.s32 $0x14680, s4;
	s19 =	sadd.s32 $0x14A80, s4;
	[smem:$0x7E3] =	sst s24  }
0x3f: {  	s20 =	sadd.s32 $0x14E80, s4;
	s21 =	sadd.s32 $0x15280, s4;
	[smem:$0x7E6] =	sst s1  }
0x40: {  	s22 =	sadd.s32 $0x14700, s4;
	s9 =	sadd.s32 s9, s3;
	[smem:$0x7EB] =	sst s8  }
0x41: {  	s23 =	sadd.s32 $0x14B00, s4;
	s3 =	sadd.s32 $0x680, s4;
	[dreg:$0x4] =	wrdreg s9  }
0x42: {  	s25 =	sadd.s32 $0x15300, s4;
	s24 =	sadd.s32 $0x14500, s4;
	[smem:$0x7E7] =	sst s3  }
0x43: {  	s26 =	sadd.s32 $0x14780, s4;
	s9 =	sadd.s32 $0x1E00, s5;
	[smem:$0x7FB] =	sst s24  }
0x44: {  	s1 =	simm.s32 $0x2780;
	s5 =	sadd.s32 $0xA80, s4;
	[dreg:$0x18] =	wrdreg s9  }
0x45: {  	s0 =	simm.s32 $0x0;
	[smem:$0x7E8] =	sst s5;
	s9 =	sadd.s32 $0xB00, s4  }
0x46: {  	v0 =	vimm.f32 $1.000000000e+00;
	s24 =	sadd.s32 $0x14F00, s4;
	[smem:$0x7EC] =	sst s9;
	s9 =	sadd.s32 $0x15100, s4  }
.LBB2_1:
0x47: {  	s3 =	rddreg [dreg:$0x18]  }
0x48: {  	[tilespmem:s2], [sflag:$0x1] =	stream.linear.gather [hbm4b:s3+s2], $0x2710, $0x38;
	[tilespmem:$0xA200] =	vst v63  }
0x49: {  	_ =	swait.ge [sflag:s31], $0x2710  }
0x4a: {  	[sflag:s31] =	ssyncset.done $0x0  }
0x4b: {  	s8 =	rddreg [dreg:$0x3];
	[sflag:s31] =	ssyncadd.s32 $0xFFFFD8F0  }
0x4c: {  	[tilespmem:s1], [sflag:$0x1] =	stream.linear.gather [hbm4b:s8+s2], $0x2800, $0x38;
	[tilespmem:$0xA200] =	vst v63  }
0x4d: {  	_ =	swait.ge [sflag:s31], $0x2800  }
0x4e: {  	[sflag:s31] =	ssyncset.done $0x0  }
0x4f: {  	s5 =	simm.s32 $0x0;
	s3 =	simm.s32 $0x40;
	[sflag:s31] =	ssyncadd.s32 $0xFFFFD800  }
.LBB2_2:
0x50: {  	p0 =	sne.s32 s3, $0x9C00;
	v1 =	vld [tilespmem:s5+$0x0];
	_ =	sdelay $0x3  }
.Ltmp0:
0x51: {  	(pc) =	sbr.rel @p0 .LBB2_2-.Ltmp0, $2  }
0x52: {  	_ =	sdelay $0x2  }
0x53: {  	s5 =	sshra.s32 s3, $0x2;
	s3 =	sadd.s32 $0x40, s3;
	[tilespmem:v1+s1+$0x0] =	vst.idx.add.f32.msk $0xffff, v0  }
0x54: {  	v1 =	vld [tilespmem:s5+$0x0];
	_ =	sdelay $0x7  }
0x55: {  	s3 =	rddreg [dreg:$0x4];
	s8 =	simm.s32 $0x80;
	s6 =	simm.s32 $0x400;
	[tilespmem:v1+s1+$0x0] =	vst.idx.add.f32.msk $0xffff, v0  }
0x56: {  	[spmem:s3] =	stream.strided.scatter [tilespmem:s1], [sflag:$0x1], $0x2800, s6, s8, $0x38;
	[tilespmem:$0xA200] =	vst v63  }
0x57: {  	_ =	swait.ge [sflag:s31], $0x2800  }
0x58: {  	[sflag:s31] =	ssyncset.done $0x0  }
0x59: {  	[sflag:s31] =	ssyncadd.s32 $0xFFFFD800  }
0x5a: {  	s6 =	simm.s32 $0x4F80;
	[bflag:$0x0] =	sbarrier.arrive $0xFFFF  }
0x5b: {  	[tilespmem:s6], [sflag:$0x1] =	stream.linear.gather [spmem:s4], $0x80, $0x38;
	[tilespmem:$0xA200] =	vst v63  }
0x5c: {  	s8 =	simm.s32 $0x5380;
	s7 =	rddreg [dreg:$0x15]  }
0x5d: {  	[tilespmem:s8], [sflag:$0x1] =	stream.linear.gather [spmem:s7], $0x80, $0x38;
	[tilespmem:$0xA200] =	vst v63  }
0x5e: {  	s5 =	rddreg [dreg:$0x17];
	s6 =	simm.s32 $0x5780  }
0x5f: {  	[tilespmem:s6], [sflag:$0x1] =	stream.linear.gather [spmem:s5], $0x80, $0x38;
	[tilespmem:$0xA200] =	vst v63  }
0x60: {  	s7 =	rddreg [dreg:$0x19];
	s8 =	simm.s32 $0x5B80  }
0x61: {  	[tilespmem:s8], [sflag:$0x1] =	stream.linear.gather [spmem:s7], $0x80, $0x38;
	[tilespmem:$0xA200] =	vst v63  }
0x62: {  	s5 =	rddreg [dreg:$0x1a];
	s6 =	simm.s32 $0x5F80  }
0x63: {  	[tilespmem:s6], [sflag:$0x1] =	stream.linear.gather [spmem:s5], $0x80, $0x38;
	[tilespmem:$0xA200] =	vst v63  }
0x64: {  	_ =	swait.ge [sflag:s31], $0x280  }
0x65: {  	[sflag:s31] =	ssyncset.done $0x0  }
0x66: {  	s8 =	simm.s32 $0x5000;
	s7 =	rddreg [dreg:$0x5];
	[sflag:s31] =	ssyncadd.s32 $0xFFFFFD80  }
0x67: {  	[tilespmem:s8], [sflag:$0x1] =	stream.linear.gather [spmem:s7], $0x80, $0x38;
	[tilespmem:$0xA200] =	vst v63  }
0x68: {  	s6 =	simm.s32 $0x5400;
	s5 =	rddreg [dreg:$0x1b]  }
0x69: {  	[tilespmem:s6], [sflag:$0x1] =	stream.linear.gather [spmem:s5], $0x80, $0x38;
	[tilespmem:$0xA200] =	vst v63  }
0x6a: {  	s7 =	rddreg [dreg:$0x1c];
	s8 =	simm.s32 $0x5800  }
0x6b: {  	[tilespmem:s8], [sflag:$0x1] =	stream.linear.gather [spmem:s7], $0x80, $0x38;
	[tilespmem:$0xA200] =	vst v63  }
0x6c: {  	s5 =	rddreg [dreg:$0x1d];
	s6 =	simm.s32 $0x5C00  }
0x6d: {  	[tilespmem:s6], [sflag:$0x1] =	stream.linear.gather [spmem:s5], $0x80, $0x38;
	[tilespmem:$0xA200] =	vst v63  }
0x6e: {  	s7 =	rddreg [dreg:$0x1e];
	s8 =	simm.s32 $0x6000  }
0x6f: {  	[tilespmem:s8], [sflag:$0x1] =	stream.linear.gather [spmem:s7], $0x80, $0x38;
	[tilespmem:$0xA200] =	vst v63  }
0x70: {  	_ =	swait.ge [sflag:s31], $0x280  }
0x71: {  	[sflag:s31] =	ssyncset.done $0x0;
	s5 =	rddreg [dreg:$0x6]  }
0x72: {  	s6 =	simm.s32 $0x5080;
	s7 =	rddreg [dreg:$0x1f];
	[sflag:s31] =	ssyncadd.s32 $0xFFFFFD80  }
0x73: {  	[tilespmem:s6], [sflag:$0x1] =	stream.linear.gather [spmem:s5], $0x80, $0x38;
	[tilespmem:$0xA200] =	vst v63  }
0x74: {  	s8 =	simm.s32 $0x5480;
	s5 =	sld [smem:$0x7DC]  }
0x75: {  	[tilespmem:s8], [sflag:$0x1] =	stream.linear.gather [spmem:s7], $0x80, $0x38;
	[tilespmem:$0xA200] =	vst v63  }
0x76: {  	s6 =	simm.s32 $0x5880;
	s7 =	sld [smem:$0x7DD]  }
0x77: {  	[tilespmem:s6], [sflag:$0x1] =	stream.linear.gather [spmem:s5], $0x80, $0x38;
	[tilespmem:$0xA200] =	vst v63  }
0x78: {  	s8 =	simm.s32 $0x5C80;
	s5 =	sld [smem:$0x7DE]  }
0x79: {  	[tilespmem:s8], [sflag:$0x1] =	stream.linear.gather [spmem:s7], $0x80, $0x38;
	[tilespmem:$0xA200] =	vst v63  }
0x7a: {  	s6 =	simm.s32 $0x6080  }
0x7b: {  	[tilespmem:s6], [sflag:$0x1] =	stream.linear.gather [spmem:s5], $0x80, $0x38;
	[tilespmem:$0xA200] =	vst v63  }
0x7c: {  	_ =	swait.ge [sflag:s31], $0x280  }
0x7d: {  	[sflag:s31] =	ssyncset.done $0x0;
	s7 =	rddreg [dreg:$0x7]  }
0x7e: {  	s8 =	simm.s32 $0x5100;
	s5 =	sld [smem:$0x7DF];
	[sflag:s31] =	ssyncadd.s32 $0xFFFFFD80  }
0x7f: {  	[tilespmem:s8], [sflag:$0x1] =	stream.linear.gather [spmem:s7], $0x80, $0x38;
	[tilespmem:$0xA200] =	vst v63  }
0x80: {  	s6 =	simm.s32 $0x5500;
	s7 =	sld [smem:$0x7E0]  }
0x81: {  	[tilespmem:s6], [sflag:$0x1] =	stream.linear.gather [spmem:s5], $0x80, $0x38;
	[tilespmem:$0xA200] =	vst v63  }
0x82: {  	s8 =	simm.s32 $0x5900;
	s5 =	sld [smem:$0x7E1]  }
0x83: {  	[tilespmem:s8], [sflag:$0x1] =	stream.linear.gather [spmem:s7], $0x80, $0x38;
	[tilespmem:$0xA200] =	vst v63  }
0x84: {  	s6 =	simm.s32 $0x5D00;
	s7 =	sld [smem:$0x7E2]  }
0x85: {  	[tilespmem:s6], [sflag:$0x1] =	stream.linear.gather [spmem:s5], $0x80, $0x38;
	[tilespmem:$0xA200] =	vst v63  }
0x86: {  	s8 =	simm.s32 $0x6100  }
0x87: {  	[tilespmem:s8], [sflag:$0x1] =	stream.linear.gather [spmem:s7], $0x80, $0x38;
	[tilespmem:$0xA200] =	vst v63  }
0x88: {  	_ =	swait.ge [sflag:s31], $0x280  }
0x89: {  	[sflag:s31] =	ssyncset.done $0x0;
	s5 =	rddreg [dreg:$0x8]  }
0x8a: {  	s6 =	simm.s32 $0x5180;
	s7 =	sld [smem:$0x7E3];
	[sflag:s31] =	ssyncadd.s32 $0xFFFFFD80  }
0x8b: {  	[tilespmem:s6], [sflag:$0x1] =	stream.linear.gather [spmem:s5], $0x80, $0x38;
	[tilespmem:$0xA200] =	vst v63  }
0x8c: {  	s8 =	simm.s32 $0x5580;
	s5 =	sld [smem:$0x7E4]  }
0x8d: {  	[tilespmem:s8], [sflag:$0x1] =	stream.linear.gather [spmem:s7], $0x80, $0x38;
	[tilespmem:$0xA200] =	vst v63  }
0x8e: {  	s6 =	simm.s32 $0x5980;
	s7 =	sld [smem:$0x7E5]  }
0x8f: {  	[tilespmem:s6], [sflag:$0x1] =	stream.linear.gather [spmem:s5], $0x80, $0x38;
	[tilespmem:$0xA200] =	vst v63  }
0x90: {  	s8 =	simm.s32 $0x5D80;
	s5 =	sld [smem:$0x7E6]  }
0x91: {  	[tilespmem:s8], [sflag:$0x1] =	stream.linear.gather [spmem:s7], $0x80, $0x38;
	[tilespmem:$0xA200] =	vst v63  }
0x92: {  	s6 =	simm.s32 $0x6180  }
0x93: {  	[tilespmem:s6], [sflag:$0x1] =	stream.linear.gather [spmem:s5], $0x80, $0x38;
	[tilespmem:$0xA200] =	vst v63  }
0x94: {  	_ =	swait.ge [sflag:s31], $0x280  }
0x95: {  	[sflag:s31] =	ssyncset.done $0x0;
	s7 =	rddreg [dreg:$0x9]  }
0x96: {  	s8 =	simm.s32 $0x5200;
	s5 =	sld [smem:$0x7E7];
	[sflag:s31] =	ssyncadd.s32 $0xFFFFFD80  }
0x97: {  	[tilespmem:s8], [sflag:$0x1] =	stream.linear.gather [spmem:s7], $0x80, $0x38;
	[tilespmem:$0xA200] =	vst v63  }
0x98: {  	s6 =	simm.s32 $0x5600;
	s7 =	sld [smem:$0x7E8]  }
0x99: {  	[tilespmem:s6], [sflag:$0x1] =	stream.linear.gather [spmem:s5], $0x80, $0x38;
	[tilespmem:$0xA200] =	vst v63  }
0x9a: {  	s8 =	simm.s32 $0x5A00;
	s5 =	sld [smem:$0x7E9]  }
0x9b: {  	[tilespmem:s8], [sflag:$0x1] =	stream.linear.gather [spmem:s7], $0x80, $0x38;
	[tilespmem:$0xA200] =	vst v63  }
0x9c: {  	s6 =	simm.s32 $0x5E00;
	s7 =	sld [smem:$0x7EA]  }
0x9d: {  	[tilespmem:s6], [sflag:$0x1] =	stream.linear.gather [spmem:s5], $0x80, $0x38;
	[tilespmem:$0xA200] =	vst v63  }
0x9e: {  	s8 =	simm.s32 $0x6200  }
0x9f: {  	[tilespmem:s8], [sflag:$0x1] =	stream.linear.gather [spmem:s7], $0x80, $0x38;
	[tilespmem:$0xA200] =	vst v63  }
0xa0: {  	_ =	swait.ge [sflag:s31], $0x280  }
0xa1: {  	[sflag:s31] =	ssyncset.done $0x0;
	s5 =	rddreg [dreg:$0xa]  }
0xa2: {  	s6 =	simm.s32 $0x5280;
	s7 =	sld [smem:$0x7EB];
	[sflag:s31] =	ssyncadd.s32 $0xFFFFFD80  }
0xa3: {  	[tilespmem:s6], [sflag:$0x1] =	stream.linear.gather [spmem:s5], $0x80, $0x38;
	[tilespmem:$0xA200] =	vst v63  }
0xa4: {  	s8 =	simm.s32 $0x5680;
	s5 =	sld [smem:$0x7EC]  }
0xa5: {  	[tilespmem:s8], [sflag:$0x1] =	stream.linear.gather [spmem:s7], $0x80, $0x38;
	[tilespmem:$0xA200] =	vst v63  }
0xa6: {  	s6 =	simm.s32 $0x5A80;
	s7 =	sld [smem:$0x7ED]  }
0xa7: {  	[tilespmem:s6], [sflag:$0x1] =	stream.linear.gather [spmem:s5], $0x80, $0x38;
	[tilespmem:$0xA200] =	vst v63  }
0xa8: {  	s8 =	simm.s32 $0x5E80;
	s5 =	sld [smem:$0x7EE]  }
0xa9: {  	[tilespmem:s8], [sflag:$0x1] =	stream.linear.gather [spmem:s7], $0x80, $0x38;
	[tilespmem:$0xA200] =	vst v63  }
0xaa: {  	s6 =	simm.s32 $0x6280  }
0xab: {  	[tilespmem:s6], [sflag:$0x1] =	stream.linear.gather [spmem:s5], $0x80, $0x38;
	[tilespmem:$0xA200] =	vst v63  }
0xac: {  	_ =	swait.ge [sflag:s31], $0x280  }
0xad: {  	[sflag:s31] =	ssyncset.done $0x0;
	s7 =	rddreg [dreg:$0xb]  }
0xae: {  	s8 =	simm.s32 $0x5300;
	s5 =	sld [smem:$0x7EF];
	[sflag:s31] =	ssyncadd.s32 $0xFFFFFD80  }
0xaf: {  	[tilespmem:s8], [sflag:$0x1] =	stream.linear.gather [spmem:s7], $0x80, $0x38;
	[tilespmem:$0xA200] =	vst v63  }
0xb0: {  	s6 =	simm.s32 $0x5700;
	s7 =	sld [smem:$0x7F0]  }
0xb1: {  	[tilespmem:s6], [sflag:$0x1] =	stream.linear.gather [spmem:s5], $0x80, $0x38;
	[tilespmem:$0xA200] =	vst v63  }
0xb2: {  	s8 =	simm.s32 $0x5B00;
	s5 =	sld [smem:$0x7F1]  }
0xb3: {  	[tilespmem:s8], [sflag:$0x1] =	stream.linear.gather [spmem:s7], $0x80, $0x38;
	[tilespmem:$0xA200] =	vst v63  }
0xb4: {  	s6 =	simm.s32 $0x5F00;
	s7 =	sld [smem:$0x7F2]  }
0xb5: {  	[tilespmem:s6], [sflag:$0x1] =	stream.linear.gather [spmem:s5], $0x80, $0x38;
	[tilespmem:$0xA200] =	vst v63  }
0xb6: {  	s8 =	simm.s32 $0x6300  }
0xb7: {  	[tilespmem:s8], [sflag:$0x1] =	stream.linear.gather [spmem:s7], $0x80, $0x38;
	[tilespmem:$0xA200] =	vst v63  }
0xb8: {  	_ =	swait.ge [sflag:s31], $0x280  }
0xb9: {  	[sflag:s31] =	ssyncset.done $0x0;
	s5 =	rddreg [dreg:$0xc]  }
0xba: {  	s6 =	simm.s32 $0x6380;
	s7 =	sld [smem:$0x7F3];
	[sflag:s31] =	ssyncadd.s32 $0xFFFFFD80  }
0xbb: {  	[tilespmem:s6], [sflag:$0x1] =	stream.linear.gather [spmem:s5], $0x80, $0x38;
	[tilespmem:$0xA200] =	vst v63  }
0xbc: {  	s8 =	simm.s32 $0x6780;
	s5 =	sld [smem:$0x7F4]  }
0xbd: {  	[tilespmem:s8], [sflag:$0x1] =	stream.linear.gather [spmem:s7], $0x80, $0x38;
	[tilespmem:$0xA200] =	vst v63  }
0xbe: {  	s6 =	simm.s32 $0x6B80;
	s7 =	sld [smem:$0x7F5]  }
0xbf: {  	[tilespmem:s6], [sflag:$0x1] =	stream.linear.gather [spmem:s5], $0x80, $0x38;
	[tilespmem:$0xA200] =	vst v63  }
0xc0: {  	s8 =	simm.s32 $0x6F80;
	s5 =	sld [smem:$0x7F6]  }
0xc1: {  	[tilespmem:s8], [sflag:$0x1] =	stream.linear.gather [spmem:s7], $0x80, $0x38;
	[tilespmem:$0xA200] =	vst v63  }
0xc2: {  	s6 =	simm.s32 $0x7380  }
0xc3: {  	[tilespmem:s6], [sflag:$0x1] =	stream.linear.gather [spmem:s5], $0x80, $0x38;
	[tilespmem:$0xA200] =	vst v63  }
0xc4: {  	_ =	swait.ge [sflag:s31], $0x280  }
0xc5: {  	[sflag:s31] =	ssyncset.done $0x0;
	s7 =	rddreg [dreg:$0xd]  }
0xc6: {  	s8 =	simm.s32 $0x6400;
	s5 =	sld [smem:$0x7F7];
	[sflag:s31] =	ssyncadd.s32 $0xFFFFFD80  }
0xc7: {  	[tilespmem:s8], [sflag:$0x1] =	stream.linear.gather [spmem:s7], $0x80, $0x38;
	[tilespmem:$0xA200] =	vst v63  }
0xc8: {  	s6 =	simm.s32 $0x6800;
	s7 =	sld [smem:$0x7F8]  }
0xc9: {  	[tilespmem:s6], [sflag:$0x1] =	stream.linear.gather [spmem:s5], $0x80, $0x38;
	[tilespmem:$0xA200] =	vst v63  }
0xca: {  	s8 =	simm.s32 $0x6C00;
	s5 =	sld [smem:$0x7F9]  }
0xcb: {  	[tilespmem:s8], [sflag:$0x1] =	stream.linear.gather [spmem:s7], $0x80, $0x38;
	[tilespmem:$0xA200] =	vst v63  }
0xcc: {  	s6 =	simm.s32 $0x7000;
	s7 =	sld [smem:$0x7FA]  }
0xcd: {  	[tilespmem:s6], [sflag:$0x1] =	stream.linear.gather [spmem:s5], $0x80, $0x38;
	[tilespmem:$0xA200] =	vst v63  }
0xce: {  	s8 =	simm.s32 $0x7400  }
0xcf: {  	[tilespmem:s8], [sflag:$0x1] =	stream.linear.gather [spmem:s7], $0x80, $0x38;
	[tilespmem:$0xA200] =	vst v63  }
0xd0: {  	_ =	swait.ge [sflag:s31], $0x280  }
0xd1: {  	[sflag:s31] =	ssyncset.done $0x0;
	s5 =	rddreg [dreg:$0xe]  }
0xd2: {  	s6 =	simm.s32 $0x6480;
	s7 =	sld [smem:$0x7FB];
	[sflag:s31] =	ssyncadd.s32 $0xFFFFFD80  }
0xd3: {  	[tilespmem:s6], [sflag:$0x1] =	stream.linear.gather [spmem:s5], $0x80, $0x38;
	[tilespmem:$0xA200] =	vst v63  }
0xd4: {  	s8 =	simm.s32 $0x6880;
	s5 =	sld [smem:$0x7FC]  }
0xd5: {  	[tilespmem:s8], [sflag:$0x1] =	stream.linear.gather [spmem:s7], $0x80, $0x38;
	[tilespmem:$0xA200] =	vst v63  }
0xd6: {  	s6 =	simm.s32 $0x6C80;
	s7 =	sld [smem:$0x7FD]  }
0xd7: {  	[tilespmem:s6], [sflag:$0x1] =	stream.linear.gather [spmem:s5], $0x80, $0x38;
	[tilespmem:$0xA200] =	vst v63  }
0xd8: {  	s8 =	simm.s32 $0x7080  }
0xd9: {  	[tilespmem:s8], [sflag:$0x1] =	stream.linear.gather [spmem:s7], $0x80, $0x38;
	[tilespmem:$0xA200] =	vst v63  }
0xda: {  	s6 =	simm.s32 $0x7480  }
0xdb: {  	[tilespmem:s6], [sflag:$0x1] =	stream.linear.gather [spmem:s9], $0x80, $0x38;
	[tilespmem:$0xA200] =	vst v63  }
0xdc: {  	_ =	swait.ge [sflag:s31], $0x280  }
0xdd: {  	[sflag:s31] =	ssyncset.done $0x0  }
0xde: {  	s8 =	simm.s32 $0x6500;
	s7 =	rddreg [dreg:$0xf];
	[sflag:s31] =	ssyncadd.s32 $0xFFFFFD80  }
0xdf: {  	[tilespmem:s8], [sflag:$0x1] =	stream.linear.gather [spmem:s7], $0x80, $0x38;
	[tilespmem:$0xA200] =	vst v63  }
0xe0: {  	s5 =	simm.s32 $0x6900  }
0xe1: {  	[tilespmem:s5], [sflag:$0x1] =	stream.linear.gather [spmem:s10], $0x80, $0x38;
	[tilespmem:$0xA200] =	vst v63  }
0xe2: {  	s6 =	simm.s32 $0x6D00  }
0xe3: {  	[tilespmem:s6], [sflag:$0x1] =	stream.linear.gather [spmem:s11], $0x80, $0x38;
	[tilespmem:$0xA200] =	vst v63  }
0xe4: {  	s7 =	simm.s32 $0x7100  }
0xe5: {  	[tilespmem:s7], [sflag:$0x1] =	stream.linear.gather [spmem:s12], $0x80, $0x38;
	[tilespmem:$0xA200] =	vst v63  }
0xe6: {  	s8 =	simm.s32 $0x7500  }
0xe7: {  	[tilespmem:s8], [sflag:$0x1] =	stream.linear.gather [spmem:s13], $0x80, $0x38;
	[tilespmem:$0xA200] =	vst v63  }
0xe8: {  	_ =	swait.ge [sflag:s31], $0x280  }
0xe9: {  	[sflag:s31] =	ssyncset.done $0x0  }
0xea: {  	s6 =	simm.s32 $0x6580;
	s5 =	rddreg [dreg:$0x10];
	[sflag:s31] =	ssyncadd.s32 $0xFFFFFD80  }
0xeb: {  	[tilespmem:s6], [sflag:$0x1] =	stream.linear.gather [spmem:s5], $0x80, $0x38;
	[tilespmem:$0xA200] =	vst v63  }
0xec: {  	s7 =	simm.s32 $0x6980  }
0xed: {  	[tilespmem:s7], [sflag:$0x1] =	stream.linear.gather [spmem:s14], $0x80, $0x38;
	[tilespmem:$0xA200] =	vst v63  }
0xee: {  	s8 =	simm.s32 $0x6D80  }
0xef: {  	[tilespmem:s8], [sflag:$0x1] =	stream.linear.gather [spmem:s15], $0x80, $0x38;
	[tilespmem:$0xA200] =	vst v63  }
0xf0: {  	s5 =	simm.s32 $0x7180  }
0xf1: {  	[tilespmem:s5], [sflag:$0x1] =	stream.linear.gather [spmem:s16], $0x80, $0x38;
	[tilespmem:$0xA200] =	vst v63  }
0xf2: {  	s6 =	simm.s32 $0x7580  }
0xf3: {  	[tilespmem:s6], [sflag:$0x1] =	stream.linear.gather [spmem:s17], $0x80, $0x38;
	[tilespmem:$0xA200] =	vst v63  }
0xf4: {  	_ =	swait.ge [sflag:s31], $0x280  }
0xf5: {  	[sflag:s31] =	ssyncset.done $0x0  }
0xf6: {  	s8 =	simm.s32 $0x6600;
	s7 =	rddreg [dreg:$0x11];
	[sflag:s31] =	ssyncadd.s32 $0xFFFFFD80  }
0xf7: {  	[tilespmem:s8], [sflag:$0x1] =	stream.linear.gather [spmem:s7], $0x80, $0x38;
	[tilespmem:$0xA200] =	vst v63  }
0xf8: {  	s5 =	simm.s32 $0x6A00  }
0xf9: {  	[tilespmem:s5], [sflag:$0x1] =	stream.linear.gather [spmem:s18], $0x80, $0x38;
	[tilespmem:$0xA200] =	vst v63  }
0xfa: {  	s6 =	simm.s32 $0x6E00  }
0xfb: {  	[tilespmem:s6], [sflag:$0x1] =	stream.linear.gather [spmem:s19], $0x80, $0x38;
	[tilespmem:$0xA200] =	vst v63  }
0xfc: {  	s7 =	simm.s32 $0x7200  }
0xfd: {  	[tilespmem:s7], [sflag:$0x1] =	stream.linear.gather [spmem:s20], $0x80, $0x38;
	[tilespmem:$0xA200] =	vst v63  }
0xfe: {  	s8 =	simm.s32 $0x7600  }
0xff: {  	[tilespmem:s8], [sflag:$0x1] =	stream.linear.gather [spmem:s21], $0x80, $0x38;
	[tilespmem:$0xA200] =	vst v63  }
0x100: {  	_ =	swait.ge [sflag:s31], $0x280  }
0x101: {  	[sflag:s31] =	ssyncset.done $0x0  }
0x102: {  	s6 =	simm.s32 $0x6680;
	s5 =	rddreg [dreg:$0x12];
	[sflag:s31] =	ssyncadd.s32 $0xFFFFFD80  }
0x103: {  	[tilespmem:s6], [sflag:$0x1] =	stream.linear.gather [spmem:s5], $0x80, $0x38;
	[tilespmem:$0xA200] =	vst v63  }
0x104: {  	s7 =	simm.s32 $0x6A80  }
0x105: {  	[tilespmem:s7], [sflag:$0x1] =	stream.linear.gather [spmem:s22], $0x80, $0x38;
	[tilespmem:$0xA200] =	vst v63  }
0x106: {  	s8 =	simm.s32 $0x6E80  }
0x107: {  	[tilespmem:s8], [sflag:$0x1] =	stream.linear.gather [spmem:s23], $0x80, $0x38;
	[tilespmem:$0xA200] =	vst v63  }
0x108: {  	s5 =	simm.s32 $0x7280  }
0x109: {  	[tilespmem:s5], [sflag:$0x1] =	stream.linear.gather [spmem:s24], $0x80, $0x38;
	[tilespmem:$0xA200] =	vst v63  }
0x10a: {  	s6 =	simm.s32 $0x7680  }
0x10b: {  	[tilespmem:s6], [sflag:$0x1] =	stream.linear.gather [spmem:s25], $0x80, $0x38;
	[tilespmem:$0xA200] =	vst v63  }
0x10c: {  	_ =	swait.ge [sflag:s31], $0x280  }
0x10d: {  	[sflag:s31] =	ssyncset.done $0x0  }
0x10e: {  	s8 =	simm.s32 $0x6700;
	s7 =	rddreg [dreg:$0x13];
	[sflag:s31] =	ssyncadd.s32 $0xFFFFFD80  }
0x10f: {  	[tilespmem:s8], [sflag:$0x1] =	stream.linear.gather [spmem:s7], $0x80, $0x38;
	[tilespmem:$0xA200] =	vst v63  }
0x110: {  	s6 =	simm.s32 $0x6B00  }
0x111: {  	[tilespmem:s6], [sflag:$0x1] =	stream.linear.gather [spmem:s26], $0x80, $0x38;
	[tilespmem:$0xA200] =	vst v63  }
0x112: {  	s7 =	simm.s32 $0x6F00  }
0x113: {  	[tilespmem:s7], [sflag:$0x1] =	stream.linear.gather [spmem:s28], $0x80, $0x38;
	[tilespmem:$0xA200] =	vst v63  }
0x114: {  	s8 =	simm.s32 $0x7300  }
0x115: {  	[tilespmem:s8], [sflag:$0x1] =	stream.linear.gather [spmem:s29], $0x80, $0x38;
	[tilespmem:$0xA200] =	vst v63  }
0x116: {  	s5 =	simm.s32 $0x7700  }
0x117: {  	[tilespmem:s5], [sflag:$0x1] =	stream.linear.gather [spmem:s30], $0x80, $0x38;
	[tilespmem:$0xA200] =	vst v63  }
0x118: {  	s6 =	simm.s32 $0x0;
	_ =	swait.ge [sflag:s31], $0x280  }
0x119: {  	s3 =	sand.u32 $0x1C00, s6;
	s7 =	sand.u32 $0x70, s6;
	[sflag:s31] =	ssyncset.done $0x0  }
0x11a: {  	s3 =	sor.u32 s7, s3;
	[sflag:s31] =	ssyncadd.s32 $0xFFFFFD80  }
0x11b: {  	v1 =	vld [tilespmem:s3+$0x4F80];
	_ =	sdelay $0x1  }
0x11c: {  	v2 =	vld [tilespmem:s3+$0x5000];
	_ =	sdelay $0x1  }
0x11d: {  	v3 =	vld [tilespmem:s3+$0x5080]  }
0x11e: {  	v1 =	vadd.f32 $0.0e+00, v1  }
0x11f: {  	v4 =	vld [tilespmem:s3+$0x5100]  }
0x120: {  	v1 =	vadd.f32 v2, v1  }
0x121: {  	v2 =	vld [tilespmem:s3+$0x5180]  }
0x122: {  	v1 =	vadd.f32 v3, v1  }
0x123: {  	v3 =	vld [tilespmem:s3+$0x5200]  }
0x124: {  	v1 =	vadd.f32 v4, v1  }
0x125: {  	v60 =	vld [tilespmem:s3+$0x5280]  }
0x126: {  	v1 =	vadd.f32 v2, v1  }
0x127: {  	v2 =	vld [tilespmem:s3+$0x5300]  }
0x128: {  	v1 =	vadd.f32 v3, v1  }
0x129: {  	v3 =	vld [tilespmem:s3+$0x6380]  }
0x12a: {  	v1 =	vadd.f32 v60, v1  }
0x12b: {  	v61 =	vld [tilespmem:s3+$0x6400]  }
0x12c: {  	v1 =	vadd.f32 v2, v1  }
0x12d: {  	v2 =	vld [tilespmem:s3+$0x6480]  }
0x12e: {  	v1 =	vadd.f32 v3, v1  }
0x12f: {  	v3 =	vld [tilespmem:s3+$0x6500]  }
0x130: {  	v1 =	vadd.f32 v61, v1  }
0x131: {  	v62 =	vld [tilespmem:s3+$0x6580]  }
0x132: {  	v1 =	vadd.f32 v2, v1  }
0x133: {  	v2 =	vld [tilespmem:s3+$0x6600]  }
0x134: {  	v1 =	vadd.f32 v3, v1  }
0x135: {  	v3 =	vld [tilespmem:s3+$0x6680]  }
0x136: {  	v1 =	vadd.f32 v62, v1  }
0x137: {  	v63 =	vld [tilespmem:s3+$0x6700]  }
0x138: {  	v1 =	vadd.f32 v2, v1;
	_ =	sdelay $0x1  }
0x139: {  	v1 =	vadd.f32 v3, v1;
	_ =	sdelay $0x1  }
0x13a: {  	s6 =	simm.s32 $0x20;
	s8 =	simm.s32 $0x10;
	s5 =	simm.s32 $0x80;
	v1 =	vadd.f32 v63, v1  }
0x13b: {  	s7 =	sand.u32 $0x70, s8;
	s8 =	sand.u32 $0x1C00, s5;
	s3 =	simm.s32 $0x7780  }
.LBB2_4:
0x13c: {  	p0 =	sne.s32 s6, $0x270;
	s7 =	sor.u32 s7, s8;
	[tilespmem:s3+$0x0] =	vst v1  }
0x13d: {  	v1 =	vld [tilespmem:s7+$0x4F80];
	_ =	sdelay $0x1  }
0x13e: {  	v2 =	vld [tilespmem:s7+$0x5000];
	_ =	sdelay $0x1  }
0x13f: {  	v3 =	vld [tilespmem:s7+$0x5080]  }
0x140: {  	v1 =	vadd.f32 $0.0e+00, v1  }
0x141: {  	v4 =	vld [tilespmem:s7+$0x5100]  }
0x142: {  	v1 =	vadd.f32 v2, v1  }
0x143: {  	v2 =	vld [tilespmem:s7+$0x5180]  }
0x144: {  	v1 =	vadd.f32 v3, v1  }
0x145: {  	v3 =	vld [tilespmem:s7+$0x5200]  }
0x146: {  	v1 =	vadd.f32 v4, v1  }
0x147: {  	v4 =	vld [tilespmem:s7+$0x5280]  }
0x148: {  	v1 =	vadd.f32 v2, v1  }
0x149: {  	v2 =	vld [tilespmem:s7+$0x5300]  }
0x14a: {  	v1 =	vadd.f32 v3, v1  }
0x14b: {  	v3 =	vld [tilespmem:s7+$0x6380]  }
0x14c: {  	v1 =	vadd.f32 v4, v1  }
0x14d: {  	v4 =	vld [tilespmem:s7+$0x6400]  }
0x14e: {  	v1 =	vadd.f32 v2, v1  }
0x14f: {  	v2 =	vld [tilespmem:s7+$0x6480]  }
0x150: {  	v1 =	vadd.f32 v3, v1  }
0x151: {  	v3 =	vld [tilespmem:s7+$0x6500]  }
0x152: {  	v1 =	vadd.f32 v4, v1  }
0x153: {  	v4 =	vld [tilespmem:s7+$0x6580]  }
0x154: {  	v1 =	vadd.f32 v2, v1  }
0x155: {  	v2 =	vld [tilespmem:s7+$0x6600]  }
0x156: {  	v1 =	vadd.f32 v3, v1  }
0x157: {  	v3 =	vld [tilespmem:s7+$0x6680]  }
0x158: {  	v1 =	vadd.f32 v4, v1  }
0x159: {  	v4 =	vld [tilespmem:s7+$0x6700]  }
0x15a: {  	v1 =	vadd.f32 v2, v1  }
.Ltmp1:
0x15b: {  	(pc) =	sbr.rel @p0 .LBB2_4-.Ltmp1, $3  }
0x15c: {  	v1 =	vadd.f32 v3, v1;
	_ =	sdelay $0x1  }
0x15d: {  	s5 =	sadd.s32 $0x80, s5;
	s3 =	sadd.s32 $0x10, s3;
	v1 =	vadd.f32 v4, v1  }
0x15e: {  	s8 =	sand.u32 $0x1C00, s5;
	s7 =	sand.u32 $0x70, s6;
	s6 =	sadd.s32 $0x10, s6  }
0x15f: {  	s5 =	sor.u32 s7, s8;
	[tilespmem:s3+$0x0] =	vst v1  }
0x160: {  	v1 =	vld [tilespmem:s5+$0x4F80];
	_ =	sdelay $0x1  }
0x161: {  	v2 =	vld [tilespmem:s5+$0x5000];
	_ =	sdelay $0x1  }
0x162: {  	v3 =	vld [tilespmem:s5+$0x5080]  }
0x163: {  	v1 =	vadd.f32 $0.0e+00, v1  }
0x164: {  	v4 =	vld [tilespmem:s5+$0x5100]  }
0x165: {  	v1 =	vadd.f32 v2, v1  }
0x166: {  	v2 =	vld [tilespmem:s5+$0x5180]  }
0x167: {  	v1 =	vadd.f32 v3, v1  }
0x168: {  	v3 =	vld [tilespmem:s5+$0x5200]  }
0x169: {  	v1 =	vadd.f32 v4, v1  }
0x16a: {  	v60 =	vld [tilespmem:s5+$0x5280]  }
0x16b: {  	v1 =	vadd.f32 v2, v1  }
0x16c: {  	v2 =	vld [tilespmem:s5+$0x5300]  }
0x16d: {  	v1 =	vadd.f32 v3, v1  }
0x16e: {  	v3 =	vld [tilespmem:s5+$0x6380]  }
0x16f: {  	v1 =	vadd.f32 v60, v1  }
0x170: {  	v61 =	vld [tilespmem:s5+$0x6400]  }
0x171: {  	v1 =	vadd.f32 v2, v1  }
0x172: {  	v2 =	vld [tilespmem:s5+$0x6480]  }
0x173: {  	v1 =	vadd.f32 v3, v1  }
0x174: {  	v3 =	vld [tilespmem:s5+$0x6500]  }
0x175: {  	v1 =	vadd.f32 v61, v1  }
0x176: {  	v62 =	vld [tilespmem:s5+$0x6580]  }
0x177: {  	v1 =	vadd.f32 v2, v1  }
0x178: {  	v2 =	vld [tilespmem:s5+$0x6600]  }
0x179: {  	v1 =	vadd.f32 v3, v1  }
0x17a: {  	v3 =	vld [tilespmem:s5+$0x6680]  }
0x17b: {  	v1 =	vadd.f32 v62, v1  }
0x17c: {  	v63 =	vld [tilespmem:s5+$0x6700]  }
0x17d: {  	v1 =	vadd.f32 v2, v1;
	_ =	sdelay $0x1  }
0x17e: {  	v1 =	vadd.f32 v3, v1;
	_ =	sdelay $0x1  }
0x17f: {  	v1 =	vadd.f32 v63, v1  }
0x180: {  	s5 =	sadd.s32 $0x10, s3  }
0x181: {  	s6 =	rddreg [dreg:$0x16];
	s7 =	simm.s32 $0x7780;
	[tilespmem:s5+$0x0] =	vst v1  }
0x182: {  	[hbm4b:s6+s2] =	stream.linear.scatter [tilespmem:s7], [sflag:$0x1], $0x280, $0x38;
	[tilespmem:$0xA200] =	vst v63  }
0x183: {  	_ =	swait.ge [sflag:s31], $0x280  }
0x184: {  	s0 =	sadd.s32 $0x1, s0;
	s8 =	rddreg [dreg:$0x14]  }
0x185: {  	p0 =	sne.s32 s0, s8  }
.Ltmp2:
0x186: {  	_ = 	snop;
	(pc) =	sbr.rel @p0 .LBB2_1-.Ltmp2, $3  }
0x187: {  	_ =	sdelay $0x1  }
0x188: {  	[sflag:s31] =	ssyncset.done $0x0  }
0x189: {  	[sflag:s31] =	ssyncadd.s32 $0xFFFFFD80  }
0x18a: {  	_ =	sfence.sel $0x180000  }
0x18b: {  	[bflag:$0x0] =	sbarrier.arrive $0xFFFF  }
0x18c: {  	_ =	strace $0x90000047  }
0x18d: {  	s0 =	stileid.u32;
	[bflag:$0x2] =	sbarrier.arrive $0xFFFF  }
0x18e: {  	p0 =	sne.s32 s0, $0x0;
	s0 =	rddreg [dreg:$0x2]  }
0x18f: {  	s0 =	sadd.s32 @!p0 $0x100000, s0  }
0x190: {  	[sflag:s0] =	ssyncadd.tile.s32 @!p0 $0x1;
	_ =	shalt  }
.Lfunc_end2:
_tile_overlayer_lowered:
.L_overlay_start_2:
0x191: {  	(tag) =	ssettag $0x2  }
0x192: {  	s0 =	rddreg [dreg:$0x0];
	s2 =	stileid.u32  }
0x193: {  	s1 =	rddreg [dreg:$0x1];
	p0 =	sne.s32 s2, $0x0  }
0x194: {  	s3 =	rddreg [dreg:$0x2];
	[bflag:$0x3] =	sbarrier.arrive $0xFFFF;
	s2 =	simm.s32 @!p0 $0x1C01  }
0x195: {  	[timem:s3], [sflag:s2] =	dma.local @!p0 [hbm:s0], s1  }
0x196: {  	s0 =	simm.s32 @!p0 $0x1  }
0x197: {  	_ =	swait.ge @!p0 [sflag:s0], s1  }
0x198: {  	s1 =	ssub.s32 @!p0 $0x0, s1;
	[sflag:s0] =	ssyncset.done @!p0 $0x0  }
0x199: {  	[sflag:s0] =	ssyncadd.s32 @!p0 s1  }
0x19a: {  	[bflag:$0x3] =	sbarrier.arrive $0xFFFF  }
0x19b: {  	_ =	shalt  }

</sc_bundles>
